<compile_context>
chip_gen: v7x
topology: tpu7x:2x2x1
jax: 0.10.2.dev20260603
libtpu: 0.0.44.dev20260713+nightly
codegen_flags: <defaults>
</compile_context>

<pallas_src>
import functools

import jax
import jax.numpy as jnp
from jax import lax
from jax.experimental import pallas as pl
from jax.experimental.pallas import tpu as pltpu
from jax.experimental.pallas import tpu_sc as plsc

_VOCAB = 1000000
_EMB = 16
_B = 16384

_NC = 2
_NS = 16
_NW = _NC * _NS
_BPW = _B // _NW
_WAVE = 16
_NWAVE = _BPW // _WAVE
_TAIL = (_VOCAB // 128) * 128
_LASTBLK = _TAIL - 128

_mesh = plsc.VectorSubcoreMesh(core_axis_name="c", subcore_axis_name="s")


@functools.partial(
    pl.kernel,
    mesh=_mesh,
    out_type=jax.ShapeDtypeStruct((_EMB, _B), jnp.float32),
    scratch_types=[
        pltpu.VMEM((_BPW // 128, 128), jnp.int32),
        pltpu.VMEM((3 * _WAVE * _EMB, 128), jnp.float32),
        pltpu.VMEM((_EMB, 64), jnp.float32),
        pltpu.VMEM((_EMB, _BPW), jnp.float32),
        pltpu.SemaphoreType.DMA,
    ],
    compiler_params=pltpu.CompilerParams(needs_layout_passes=False),
)
def _sc_gather(idx_hbm, table_t_hbm, out_hbm, idx_v, ring_v, tail_v, out_v, sem):
    wid = lax.axis_index("s") * _NC + lax.axis_index("c")
    pltpu.sync_copy(idx_hbm.at[pl.ds(wid * (_BPW // 128), _BPW // 128)], idx_v)
    pltpu.sync_copy(table_t_hbm.at[:, pl.ds(_TAIL, _VOCAB - _TAIL)], tail_v)
    lane = lax.iota(jnp.int32, 16)
    half_words = _WAVE * _EMB

    def load_vec(w):
        return idx_v[w // 8, pl.ds((w % 8) * 16, 16)]

    def fire(w, vec):
        base = (w % 3) * half_words
        for k in range(_WAVE):
            v = vec[k]
            vblk = lax.min(
                lax.shift_left(lax.shift_right_logical(v, 7), 7),
                jnp.int32(_LASTBLK),
            )
            pltpu.async_copy(
                table_t_hbm.at[:, pl.ds(pl.multiple_of(vblk, 128), 128)],
                ring_v.at[pl.ds(base + k * _EMB, _EMB), :],
                sem,
            )

    def extract(w, vec):
        base = (w % 3) * half_words
        for k in range(_WAVE):
            pltpu.make_async_copy(
                table_t_hbm.at[:, pl.ds(0, 128)],
                ring_v.at[pl.ds(base + k * _EMB, _EMB), :],
                sem,
            ).wait()
        col16 = lax.bitwise_and(vec, 127)
        tcol16 = lax.clamp(jnp.int32(0), vec - _TAIL, jnp.int32(63))
        istail = jnp.where(vec >= _TAIL, jnp.int32(1), jnp.int32(0))
        for k in range(_WAVE):
            cols = lax.broadcast(col16[k], (16,))
            gathered = plsc.load_gather(ring_v, [lane + (base + k * _EMB), cols])
            tgathered = plsc.load_gather(
                tail_v, [lane, lax.broadcast(tcol16[k], (16,))]
            )
            picked = lax.select(
                lax.broadcast(istail[k], (16,)) != 0, tgathered, gathered
            )
            outcols = lax.broadcast(w * _WAVE + k, (16,))
            plsc.store_scatter(out_v, [lane, outcols], picked)

    vec0 = load_vec(0)
    fire(0, vec0)
    vec1 = load_vec(1)
    fire(1, vec1)

    def wave(w, carry):
        vec_pp, vec_p = carry
        vec_w = load_vec(w)
        fire(w, vec_w)
        extract(w - 2, vec_pp)
        return (vec_p, vec_w)

    vec_pp, vec_p = lax.fori_loop(2, _NWAVE, wave, (vec0, vec1))
    extract(_NWAVE - 2, vec_pp)
    extract(_NWAVE - 1, vec_p)
    pltpu.sync_copy(out_v, out_hbm.at[:, pl.ds(wid * _BPW, _BPW)])


def kernel(x_sparse, x_dense, table_item):
    idx = x_sparse[:, 0].reshape(_B // 128, 128)
    out = _sc_gather(idx, table_item.T)
    return out.T

# --- scband reference (transcript-rebuilt; emitter-appended) ---
"""Pipeline reference for scband-base-rec-model-48318382080497 (READ-ONLY COPY).

The authoritative reference and input builder live on the scoring server;
editing this copy changes nothing except your own understanding.
"""

import jax, jax.numpy as jnp
import numpy as np

VOCAB = 1000000
EMB = 16
B = 16384
NSPARSE = 26
NDENSE = 13


def setup_inputs(seed: int = 0) -> dict:
    key = jax.random.key(seed)
    k1, k2, k3 = jax.random.split(key, 3)
    x_sparse = jax.random.randint(k1, (B, NSPARSE), 0, VOCAB, dtype=jnp.int32)
    x_dense = jax.random.normal(k2, (B, NDENSE), dtype=jnp.float32)
    # learned parameter: the 'item_id' embedding table, init normal(0, 1/embedding_size)
    table_item = jax.random.normal(k3, (VOCAB, EMB), dtype=jnp.float32) * (1.0 / EMB)
    return {"x_sparse": x_sparse, "x_dense": x_dense, "table_item": table_item}


def reference(x_sparse, x_dense, table_item):
    # BaseRecModel.forward: item_id_emb = self.embeddings['item_id'](x_sparse[:, 0])
    # forward_with_embs is abstract (NotImplementedError) in the base class, so the
    # concrete computation of the base module is the item_id embedding gather.
    item_id_emb = jnp.take(table_item, x_sparse[:, 0], axis=0)
    return item_id_emb

if __name__ == "__main__":
    import jax
    _d = setup_inputs()
    print(jax.jit(kernel)(*tuple(_d.values())))

</pallas_src>

<mosaic_0001>
#map = affine_map<(d0, d1) -> (0, 0)>
module attributes {stable_mosaic.version = 14 : i64} {
  func.func @_sc_gather(%arg0: i32, %arg1: i32, %arg2: memref<128x128xi32, #tpu.memory_space<hbm>>, %arg3: memref<16x1000000xf32, #tpu.memory_space<hbm>>, %arg4: memref<16x16384xf32, #tpu.memory_space<hbm>>, %arg5: memref<4x128xi32, #tpu.memory_space<vmem>>, %arg6: memref<768x128xf32, #tpu.memory_space<vmem>>, %arg7: memref<16x64xf32, #tpu.memory_space<vmem>>, %arg8: memref<16x512xf32, #tpu.memory_space<vmem>>, %arg9: memref<!tpu.dma_semaphore, #tpu.memory_space<semaphore_mem>>) attributes {dimension_semantics = [#tpu.dimension_semantics<core_parallel>, #tpu.dimension_semantics<subcore_parallel>], iteration_bounds = array<i64: 2, 16>, scalar_prefetch = 0 : i64, scratch_operands = 5 : i64, tpu.core_type = #tpu.core_type<sc_vector_subcore>, window_params = [{transform_indices = #map}, {transform_indices = #map}, {transform_indices = #map}]} {
    %mul3A = arith.constant 2 : i32
    %mul3A_0 = arith.muli %arg1, %mul3A : i32
    %add3A = arith.addi %mul3A_0, %arg0 : i32
    %mul3A_1 = arith.constant 4 : i32
    %mul3A_2 = arith.muli %add3A, %mul3A_1 : i32
    "tpu.region"() ({
      %run_scoped3A = tpu.sem_alloc : memref<!tpu.dma_semaphore, #tpu.memory_space<semaphore_mem>>
      %dma_start3A_1672 = arith.constant 0 : i32
      %dma_start3A_1673 = tpu.memref_slice %arg2[%mul3A_2, %dma_start3A_1672] : memref<128x128xi32, #tpu.memory_space<hbm>> -> memref<4x128xi32, #tpu.memory_space<hbm>>
      %dma_start3A_1674 = arith.constant 0 : i32
      %dma_start3A_1675 = tpu.memref_slice %arg2[%mul3A_2, %dma_start3A_1674] : memref<128x128xi32, #tpu.memory_space<hbm>> -> memref<4x128xi32, #tpu.memory_space<hbm>>
      tpu.enqueue_dma source(%dma_start3A_1675 : memref<4x128xi32, #tpu.memory_space<hbm>>) target(%arg5 : memref<4x128xi32, #tpu.memory_space<vmem>>) target_semaphore(%run_scoped3A : memref<!tpu.dma_semaphore, #tpu.memory_space<semaphore_mem>>)
      %dma_wait3A_1676 = arith.constant 0 : i32
      %dma_wait3A_1677 = tpu.memref_slice %arg2[%mul3A_2, %dma_wait3A_1676] : memref<128x128xi32, #tpu.memory_space<hbm>> -> memref<4x128xi32, #tpu.memory_space<hbm>>
      %dma_wait3A_1678 = arith.constant 0 : i32
      %dma_wait3A_1679 = tpu.memref_slice %arg2[%mul3A_2, %dma_wait3A_1678] : memref<128x128xi32, #tpu.memory_space<hbm>> -> memref<4x128xi32, #tpu.memory_space<hbm>>
      tpu.wait_dma2 semaphore(%run_scoped3A : memref<!tpu.dma_semaphore, #tpu.memory_space<semaphore_mem>>) src(%dma_wait3A_1679 : memref<4x128xi32, #tpu.memory_space<hbm>>) dst(%arg5 : memref<4x128xi32, #tpu.memory_space<vmem>>)
      tpu.yield
    }) : () -> ()
    "tpu.region"() ({
      %run_scoped3A = tpu.sem_alloc : memref<!tpu.dma_semaphore, #tpu.memory_space<semaphore_mem>>
      %dma_start3A_1672 = arith.constant 0 : i32
      %dma_start3A_1673 = arith.constant 999936 : i32
      %dma_start3A_1674 = tpu.memref_slice %arg3[%dma_start3A_1672, %dma_start3A_1673] : memref<16x1000000xf32, #tpu.memory_space<hbm>> -> memref<16x64xf32, #tpu.memory_space<hbm>>
      %dma_start3A_1675 = arith.constant 0 : i32
      %dma_start3A_1676 = arith.constant 999936 : i32
      %dma_start3A_1677 = tpu.memref_slice %arg3[%dma_start3A_1675, %dma_start3A_1676] : memref<16x1000000xf32, #tpu.memory_space<hbm>> -> memref<16x64xf32, #tpu.memory_space<hbm>>
      tpu.enqueue_dma source(%dma_start3A_1677 : memref<16x64xf32, #tpu.memory_space<hbm>>) target(%arg7 : memref<16x64xf32, #tpu.memory_space<vmem>>) target_semaphore(%run_scoped3A : memref<!tpu.dma_semaphore, #tpu.memory_space<semaphore_mem>>)
      %dma_wait3A_1678 = arith.constant 0 : i32
      %dma_wait3A_1679 = arith.constant 999936 : i32
      %dma_wait3A_1680 = tpu.memref_slice %arg3[%dma_wait3A_1678, %dma_wait3A_1679] : memref<16x1000000xf32, #tpu.memory_space<hbm>> -> memref<16x64xf32, #tpu.memory_space<hbm>>
      %dma_wait3A_1681 = arith.constant 0 : i32
      %dma_wait3A_1682 = arith.constant 999936 : i32
      %dma_wait3A_1683 = tpu.memref_slice %arg3[%dma_wait3A_1681, %dma_wait3A_1682] : memref<16x1000000xf32, #tpu.memory_space<hbm>> -> memref<16x64xf32, #tpu.memory_space<hbm>>
      tpu.wait_dma2 semaphore(%run_scoped3A : memref<!tpu.dma_semaphore, #tpu.memory_space<semaphore_mem>>) src(%dma_wait3A_1683 : memref<16x64xf32, #tpu.memory_space<hbm>>) dst(%arg7 : memref<16x64xf32, #tpu.memory_space<vmem>>)
      tpu.yield
    }) : () -> ()
    %iota3A = tpu.iota {dimensions = array<i32: 0>} : vector<16xi32>
    %get3A = arith.constant 0 : i32
    %get3A_3 = arith.index_cast %get3A : i32 to index
    %get3A_4 = arith.constant 0 : index
    %get3A_5 = tpu.vector_load %arg5[%get3A_3, %get3A_4] {strides = array<i32>} : memref<4x128xi32, #tpu.memory_space<vmem>>, vector<16xi32>,
    %slice3A = vector.extract_strided_slice %get3A_5 {offsets = [0], sizes = [1], strides = [1]} : vector<16xi32> to vector<1xi32>
    %squeeze3A = vector.extract %slice3A[0] : i32 from vector<1xi32>
    %shift_right_logical3A = arith.constant 7 : i32
    %shift_right_logical3A_6 = arith.shrui %squeeze3A, %shift_right_logical3A : i32
    %shift_left3A = arith.constant 7 : i32
    %shift_left3A_7 = arith.shli %shift_right_logical3A_6, %shift_left3A : i32
    %min3A = arith.constant 999808 : i32
    %min3A_8 = arith.minsi %shift_left3A_7, %min3A : i32
    %multiple_of3A = tpu.assume_multiple %min3A_8, 128 : i32
    %dma_start3A = arith.constant 0 : i32
    %dma_start3A_9 = arith.constant 0 : i32
    %dma_start3A_10 = tpu.memref_slice %arg6[%dma_start3A, %dma_start3A_9] : memref<768x128xf32, #tpu.memory_space<vmem>> -> memref<16x128xf32, #tpu.memory_space<vmem>>
    %dma_start3A_11 = arith.constant 0 : i32
    %dma_start3A_12 = tpu.memref_slice %arg3[%dma_start3A_11, %multiple_of3A] : memref<16x1000000xf32, #tpu.memory_space<hbm>> -> memref<16x128xf32, #tpu.memory_space<hbm>>
    %dma_start3A_13 = arith.constant 0 : i32
    %dma_start3A_14 = arith.constant 0 : i32
    %dma_start3A_15 = tpu.memref_slice %arg6[%dma_start3A_13, %dma_start3A_14] : memref<768x128xf32, #tpu.memory_space<vmem>> -> memref<16x128xf32, #tpu.memory_space<vmem>>
    %dma_start3A_16 = arith.constant 0 : i32
    %dma_start3A_17 = tpu.memref_slice %arg3[%dma_start3A_16, %multiple_of3A] : memref<16x1000000xf32, #tpu.memory_space<hbm>> -> memref<16x128xf32, #tpu.memory_space<hbm>>
    tpu.enqueue_dma source(%dma_start3A_17 : memref<16x128xf32, #tpu.memory_space<hbm>>) target(%dma_start3A_15 : memref<16x128xf32, #tpu.memory_space<vmem>>) target_semaphore(%arg9 : memref<!tpu.dma_semaphore, #tpu.memory_space<semaphore_mem>>)
    %slice3A_18 = vector.extract_strided_slice %get3A_5 {offsets = [1], sizes = [1], strides = [1]} : vector<16xi32> to vector<1xi32>
    %squeeze3A_19 = vector.extract %slice3A_18[0] : i32 from vector<1xi32>
    %shift_right_logical3A_20 = arith.constant 7 : i32
    %shift_right_logical3A_21 = arith.shrui %squeeze3A_19, %shift_right_logical3A_20 : i32
    %shift_left3A_22 = arith.constant 7 : i32
    %shift_left3A_23 = arith.shli %shift_right_logical3A_21, %shift_left3A_22 : i32
    %min3A_24 = arith.constant 999808 : i32
    %min3A_25 = arith.minsi %shift_left3A_23, %min3A_24 : i32
    %multiple_of3A_26 = tpu.assume_multiple %min3A_25, 128 : i32
    %dma_start3A_27 = arith.constant 16 : i32
    %dma_start3A_28 = arith.constant 0 : i32
    %dma_start3A_29 = tpu.memref_slice %arg6[%dma_start3A_27, %dma_start3A_28] : memref<768x128xf32, #tpu.memory_space<vmem>> -> memref<16x128xf32, #tpu.memory_space<vmem>>
    %dma_start3A_30 = arith.constant 0 : i32
    %dma_start3A_31 = tpu.memref_slice %arg3[%dma_start3A_30, %multiple_of3A_26] : memref<16x1000000xf32, #tpu.memory_space<hbm>> -> memref<16x128xf32, #tpu.memory_space<hbm>>
    %dma_start3A_32 = arith.constant 16 : i32
    %dma_start3A_33 = arith.constant 0 : i32
    %dma_start3A_34 = tpu.memref_slice %arg6[%dma_start3A_32, %dma_start3A_33] : memref<768x128xf32, #tpu.memory_space<vmem>> -> memref<16x128xf32, #tpu.memory_space<vmem>>
    %dma_start3A_35 = arith.constant 0 : i32
    %dma_start3A_36 = tpu.memref_slice %arg3[%dma_start3A_35, %multiple_of3A_26] : memref<16x1000000xf32, #tpu.memory_space<hbm>> -> memref<16x128xf32, #tpu.memory_space<hbm>>
    tpu.enqueue_dma source(%dma_start3A_36 : memref<16x128xf32, #tpu.memory_space<hbm>>) target(%dma_start3A_34 : memref<16x128xf32, #tpu.memory_space<vmem>>) target_semaphore(%arg9 : memref<!tpu.dma_semaphore, #tpu.memory_space<semaphore_mem>>)
    %slice3A_37 = vector.extract_strided_slice %get3A_5 {offsets = [2], sizes = [1], strides = [1]} : vector<16xi32> to vector<1xi32>
    %squeeze3A_38 = vector.extract %slice3A_37[0] : i32 from vector<1xi32>
    %shift_right_logical3A_39 = arith.constant 7 : i32
    %shift_right_logical3A_40 = arith.shrui %squeeze3A_38, %shift_right_logical3A_39 : i32
    %shift_left3A_41 = arith.constant 7 : i32
    %shift_left3A_42 = arith.shli %shift_right_logical3A_40, %shift_left3A_41 : i32
    %min3A_43 = arith.constant 999808 : i32
    %min3A_44 = arith.minsi %shift_left3A_42, %min3A_43 : i32
    %multiple_of3A_45 = tpu.assume_multiple %min3A_44, 128 : i32
    %dma_start3A_46 = arith.constant 32 : i32
    %dma_start3A_47 = arith.constant 0 : i32
    %dma_start3A_48 = tpu.memref_slice %arg6[%dma_start3A_46, %dma_start3A_47] : memref<768x128xf32, #tpu.memory_space<vmem>> -> memref<16x128xf32, #tpu.memory_space<vmem>>
    %dma_start3A_49 = arith.constant 0 : i32
    %dma_start3A_50 = tpu.memref_slice %arg3[%dma_start3A_49, %multiple_of3A_45] : memref<16x1000000xf32, #tpu.memory_space<hbm>> -> memref<16x128xf32, #tpu.memory_space<hbm>>
    %dma_start3A_51 = arith.constant 32 : i32
    %dma_start3A_52 = arith.constant 0 : i32
    %dma_start3A_53 = tpu.memref_slice %arg6[%dma_start3A_51, %dma_start3A_52] : memref<768x128xf32, #tpu.memory_space<vmem>> -> memref<16x128xf32, #tpu.memory_space<vmem>>
    %dma_start3A_54 = arith.constant 0 : i32
    %dma_start3A_55 = tpu.memref_slice %arg3[%dma_start3A_54, %multiple_of3A_45] : memref<16x1000000xf32, #tpu.memory_space<hbm>> -> memref<16x128xf32, #tpu.memory_space<hbm>>
    tpu.enqueue_dma source(%dma_start3A_55 : memref<16x128xf32, #tpu.memory_space<hbm>>) target(%dma_start3A_53 : memref<16x128xf32, #tpu.memory_space<vmem>>) target_semaphore(%arg9 : memref<!tpu.dma_semaphore, #tpu.memory_space<semaphore_mem>>)
    %slice3A_56 = vector.extract_strided_slice %get3A_5 {offsets = [3], sizes = [1], strides = [1]} : vector<16xi32> to vector<1xi32>
    %squeeze3A_57 = vector.extract %slice3A_56[0] : i32 from vector<1xi32>
    %shift_right_logical3A_58 = arith.constant 7 : i32
    %shift_right_logical3A_59 = arith.shrui %squeeze3A_57, %shift_right_logical3A_58 : i32
    %shift_left3A_60 = arith.constant 7 : i32
    %shift_left3A_61 = arith.shli %shift_right_logical3A_59, %shift_left3A_60 : i32
    %min3A_62 = arith.constant 999808 : i32
    %min3A_63 = arith.minsi %shift_left3A_61, %min3A_62 : i32
    %multiple_of3A_64 = tpu.assume_multiple %min3A_63, 128 : i32
    %dma_start3A_65 = arith.constant 48 : i32
    %dma_start3A_66 = arith.constant 0 : i32
    %dma_start3A_67 = tpu.memref_slice %arg6[%dma_start3A_65, %dma_start3A_66] : memref<768x128xf32, #tpu.memory_space<vmem>> -> memref<16x128xf32, #tpu.memory_space<vmem>>
    %dma_start3A_68 = arith.constant 0 : i32
    %dma_start3A_69 = tpu.memref_slice %arg3[%dma_start3A_68, %multiple_of3A_64] : memref<16x1000000xf32, #tpu.memory_space<hbm>> -> memref<16x128xf32, #tpu.memory_space<hbm>>
    %dma_start3A_70 = arith.constant 48 : i32
    %dma_start3A_71 = arith.constant 0 : i32
    %dma_start3A_72 = tpu.memref_slice %arg6[%dma_start3A_70, %dma_start3A_71] : memref<768x128xf32, #tpu.memory_space<vmem>> -> memref<16x128xf32, #tpu.memory_space<vmem>>
    %dma_start3A_73 = arith.constant 0 : i32
    %dma_start3A_74 = tpu.memref_slice %arg3[%dma_start3A_73, %multiple_of3A_64] : memref<16x1000000xf32, #tpu.memory_space<hbm>> -> memref<16x128xf32, #tpu.memory_space<hbm>>
    tpu.enqueue_dma source(%dma_start3A_74 : memref<16x128xf32, #tpu.memory_space<hbm>>) target(%dma_start3A_72 : memref<16x128xf32, #tpu.memory_space<vmem>>) target_semaphore(%arg9 : memref<!tpu.dma_semaphore, #tpu.memory_space<semaphore_mem>>)
    %slice3A_75 = vector.extract_strided_slice %get3A_5 {offsets = [4], sizes = [1], strides = [1]} : vector<16xi32> to vector<1xi32>
    %squeeze3A_76 = vector.extract %slice3A_75[0] : i32 from vector<1xi32>
    %shift_right_logical3A_77 = arith.constant 7 : i32
    %shift_right_logical3A_78 = arith.shrui %squeeze3A_76, %shift_right_logical3A_77 : i32
    %shift_left3A_79 = arith.constant 7 : i32
    %shift_left3A_80 = arith.shli %shift_right_logical3A_78, %shift_left3A_79 : i32
    %min3A_81 = arith.constant 999808 : i32
    %min3A_82 = arith.minsi %shift_left3A_80, %min3A_81 : i32
    %multiple_of3A_83 = tpu.assume_multiple %min3A_82, 128 : i32
    %dma_start3A_84 = arith.constant 64 : i32
    %dma_start3A_85 = arith.constant 0 : i32
    %dma_start3A_86 = tpu.memref_slice %arg6[%dma_start3A_84, %dma_start3A_85] : memref<768x128xf32, #tpu.memory_space<vmem>> -> memref<16x128xf32, #tpu.memory_space<vmem>>
    %dma_start3A_87 = arith.constant 0 : i32
    %dma_start3A_88 = tpu.memref_slice %arg3[%dma_start3A_87, %multiple_of3A_83] : memref<16x1000000xf32, #tpu.memory_space<hbm>> -> memref<16x128xf32, #tpu.memory_space<hbm>>
    %dma_start3A_89 = arith.constant 64 : i32
    %dma_start3A_90 = arith.constant 0 : i32
    %dma_start3A_91 = tpu.memref_slice %arg6[%dma_start3A_89, %dma_start3A_90] : memref<768x128xf32, #tpu.memory_space<vmem>> -> memref<16x128xf32, #tpu.memory_space<vmem>>
    %dma_start3A_92 = arith.constant 0 : i32
    %dma_start3A_93 = tpu.memref_slice %arg3[%dma_start3A_92, %multiple_of3A_83] : memref<16x1000000xf32, #tpu.memory_space<hbm>> -> memref<16x128xf32, #tpu.memory_space<hbm>>
    tpu.enqueue_dma source(%dma_start3A_93 : memref<16x128xf32, #tpu.memory_space<hbm>>) target(%dma_start3A_91 : memref<16x128xf32, #tpu.memory_space<vmem>>) target_semaphore(%arg9 : memref<!tpu.dma_semaphore, #tpu.memory_space<semaphore_mem>>)
    %slice3A_94 = vector.extract_strided_slice %get3A_5 {offsets = [5], sizes = [1], strides = [1]} : vector<16xi32> to vector<1xi32>
    %squeeze3A_95 = vector.extract %slice3A_94[0] : i32 from vector<1xi32>
    %shift_right_logical3A_96 = arith.constant 7 : i32
    %shift_right_logical3A_97 = arith.shrui %squeeze3A_95, %shift_right_logical3A_96 : i32
    %shift_left3A_98 = arith.constant 7 : i32
    %shift_left3A_99 = arith.shli %shift_right_logical3A_97, %shift_left3A_98 : i32
    %min3A_100 = arith.constant 999808 : i32
    %min3A_101 = arith.minsi %shift_left3A_99, %min3A_100 : i32
    %multiple_of3A_102 = tpu.assume_multiple %min3A_101, 128 : i32
    %dma_start3A_103 = arith.constant 80 : i32
    %dma_start3A_104 = arith.constant 0 : i32
    %dma_start3A_105 = tpu.memref_slice %arg6[%dma_start3A_103, %dma_start3A_104] : memref<768x128xf32, #tpu.memory_space<vmem>> -> memref<16x128xf32, #tpu.memory_space<vmem>>
    %dma_start3A_106 = arith.constant 0 : i32
    %dma_start3A_107 = tpu.memref_slice %arg3[%dma_start3A_106, %multiple_of3A_102] : memref<16x1000000xf32, #tpu.memory_space<hbm>> -> memref<16x128xf32, #tpu.memory_space<hbm>>
    %dma_start3A_108 = arith.constant 80 : i32
    %dma_start3A_109 = arith.constant 0 : i32
    %dma_start3A_110 = tpu.memref_slice %arg6[%dma_start3A_108, %dma_start3A_109] : memref<768x128xf32, #tpu.memory_space<vmem>> -> memref<16x128xf32, #tpu.memory_space<vmem>>
    %dma_start3A_111 = arith.constant 0 : i32
    %dma_start3A_112 = tpu.memref_slice %arg3[%dma_start3A_111, %multiple_of3A_102] : memref<16x1000000xf32, #tpu.memory_space<hbm>> -> memref<16x128xf32, #tpu.memory_space<hbm>>
    tpu.enqueue_dma source(%dma_start3A_112 : memref<16x128xf32, #tpu.memory_space<hbm>>) target(%dma_start3A_110 : memref<16x128xf32, #tpu.memory_space<vmem>>) target_semaphore(%arg9 : memref<!tpu.dma_semaphore, #tpu.memory_space<semaphore_mem>>)
    %slice3A_113 = vector.extract_strided_slice %get3A_5 {offsets = [6], sizes = [1], strides = [1]} : vector<16xi32> to vector<1xi32>
    %squeeze3A_114 = vector.extract %slice3A_113[0] : i32 from vector<1xi32>
    %shift_right_logical3A_115 = arith.constant 7 : i32
    %shift_right_logical3A_116 = arith.shrui %squeeze3A_114, %shift_right_logical3A_115 : i32
    %shift_left3A_117 = arith.constant 7 : i32
    %shift_left3A_118 = arith.shli %shift_right_logical3A_116, %shift_left3A_117 : i32
    %min3A_119 = arith.constant 999808 : i32
    %min3A_120 = arith.minsi %shift_left3A_118, %min3A_119 : i32
    %multiple_of3A_121 = tpu.assume_multiple %min3A_120, 128 : i32
    %dma_start3A_122 = arith.constant 96 : i32
    %dma_start3A_123 = arith.constant 0 : i32
    %dma_start3A_124 = tpu.memref_slice %arg6[%dma_start3A_122, %dma_start3A_123] : memref<768x128xf32, #tpu.memory_space<vmem>> -> memref<16x128xf32, #tpu.memory_space<vmem>>
    %dma_start3A_125 = arith.constant 0 : i32
    %dma_start3A_126 = tpu.memref_slice %arg3[%dma_start3A_125, %multiple_of3A_121] : memref<16x1000000xf32, #tpu.memory_space<hbm>> -> memref<16x128xf32, #tpu.memory_space<hbm>>
    %dma_start3A_127 = arith.constant 96 : i32
    %dma_start3A_128 = arith.constant 0 : i32
    %dma_start3A_129 = tpu.memref_slice %arg6[%dma_start3A_127, %dma_start3A_128] : memref<768x128xf32, #tpu.memory_space<vmem>> -> memref<16x128xf32, #tpu.memory_space<vmem>>
    %dma_start3A_130 = arith.constant 0 : i32
    %dma_start3A_131 = tpu.memref_slice %arg3[%dma_start3A_130, %multiple_of3A_121] : memref<16x1000000xf32, #tpu.memory_space<hbm>> -> memref<16x128xf32, #tpu.memory_space<hbm>>
    tpu.enqueue_dma source(%dma_start3A_131 : memref<16x128xf32, #tpu.memory_space<hbm>>) target(%dma_start3A_129 : memref<16x128xf32, #tpu.memory_space<vmem>>) target_semaphore(%arg9 : memref<!tpu.dma_semaphore, #tpu.memory_space<semaphore_mem>>)
    %slice3A_132 = vector.extract_strided_slice %get3A_5 {offsets = [7], sizes = [1], strides = [1]} : vector<16xi32> to vector<1xi32>
    %squeeze3A_133 = vector.extract %slice3A_132[0] : i32 from vector<1xi32>
    %shift_right_logical3A_134 = arith.constant 7 : i32
    %shift_right_logical3A_135 = arith.shrui %squeeze3A_133, %shift_right_logical3A_134 : i32
    %shift_left3A_136 = arith.constant 7 : i32
    %shift_left3A_137 = arith.shli %shift_right_logical3A_135, %shift_left3A_136 : i32
    %min3A_138 = arith.constant 999808 : i32
    %min3A_139 = arith.minsi %shift_left3A_137, %min3A_138 : i32
    %multiple_of3A_140 = tpu.assume_multiple %min3A_139, 128 : i32
    %dma_start3A_141 = arith.constant 112 : i32
    %dma_start3A_142 = arith.constant 0 : i32
    %dma_start3A_143 = tpu.memref_slice %arg6[%dma_start3A_141, %dma_start3A_142] : memref<768x128xf32, #tpu.memory_space<vmem>> -> memref<16x128xf32, #tpu.memory_space<vmem>>
    %dma_start3A_144 = arith.constant 0 : i32
    %dma_start3A_145 = tpu.memref_slice %arg3[%dma_start3A_144, %multiple_of3A_140] : memref<16x1000000xf32, #tpu.memory_space<hbm>> -> memref<16x128xf32, #tpu.memory_space<hbm>>
    %dma_start3A_146 = arith.constant 112 : i32
    %dma_start3A_147 = arith.constant 0 : i32
    %dma_start3A_148 = tpu.memref_slice %arg6[%dma_start3A_146, %dma_start3A_147] : memref<768x128xf32, #tpu.memory_space<vmem>> -> memref<16x128xf32, #tpu.memory_space<vmem>>
    %dma_start3A_149 = arith.constant 0 : i32
    %dma_start3A_150 = tpu.memref_slice %arg3[%dma_start3A_149, %multiple_of3A_140] : memref<16x1000000xf32, #tpu.memory_space<hbm>> -> memref<16x128xf32, #tpu.memory_space<hbm>>
    tpu.enqueue_dma source(%dma_start3A_150 : memref<16x128xf32, #tpu.memory_space<hbm>>) target(%dma_start3A_148 : memref<16x128xf32, #tpu.memory_space<vmem>>) target_semaphore(%arg9 : memref<!tpu.dma_semaphore, #tpu.memory_space<semaphore_mem>>)
    %slice3A_151 = vector.extract_strided_slice %get3A_5 {offsets = [8], sizes = [1], strides = [1]} : vector<16xi32> to vector<1xi32>
    %squeeze3A_152 = vector.extract %slice3A_151[0] : i32 from vector<1xi32>
    %shift_right_logical3A_153 = arith.constant 7 : i32
    %shift_right_logical3A_154 = arith.shrui %squeeze3A_152, %shift_right_logical3A_153 : i32
    %shift_left3A_155 = arith.constant 7 : i32
    %shift_left3A_156 = arith.shli %shift_right_logical3A_154, %shift_left3A_155 : i32
    %min3A_157 = arith.constant 999808 : i32
    %min3A_158 = arith.minsi %shift_left3A_156, %min3A_157 : i32
    %multiple_of3A_159 = tpu.assume_multiple %min3A_158, 128 : i32
    %dma_start3A_160 = arith.constant 128 : i32
    %dma_start3A_161 = arith.constant 0 : i32
    %dma_start3A_162 = tpu.memref_slice %arg6[%dma_start3A_160, %dma_start3A_161] : memref<768x128xf32, #tpu.memory_space<vmem>> -> memref<16x128xf32, #tpu.memory_space<vmem>>
    %dma_start3A_163 = arith.constant 0 : i32
    %dma_start3A_164 = tpu.memref_slice %arg3[%dma_start3A_163, %multiple_of3A_159] : memref<16x1000000xf32, #tpu.memory_space<hbm>> -> memref<16x128xf32, #tpu.memory_space<hbm>>
    %dma_start3A_165 = arith.constant 128 : i32
    %dma_start3A_166 = arith.constant 0 : i32
    %dma_start3A_167 = tpu.memref_slice %arg6[%dma_start3A_165, %dma_start3A_166] : memref<768x128xf32, #tpu.memory_space<vmem>> -> memref<16x128xf32, #tpu.memory_space<vmem>>
    %dma_start3A_168 = arith.constant 0 : i32
    %dma_start3A_169 = tpu.memref_slice %arg3[%dma_start3A_168, %multiple_of3A_159] : memref<16x1000000xf32, #tpu.memory_space<hbm>> -> memref<16x128xf32, #tpu.memory_space<hbm>>
    tpu.enqueue_dma source(%dma_start3A_169 : memref<16x128xf32, #tpu.memory_space<hbm>>) target(%dma_start3A_167 : memref<16x128xf32, #tpu.memory_space<vmem>>) target_semaphore(%arg9 : memref<!tpu.dma_semaphore, #tpu.memory_space<semaphore_mem>>)
    %slice3A_170 = vector.extract_strided_slice %get3A_5 {offsets = [9], sizes = [1], strides = [1]} : vector<16xi32> to vector<1xi32>
    %squeeze3A_171 = vector.extract %slice3A_170[0] : i32 from vector<1xi32>
    %shift_right_logical3A_172 = arith.constant 7 : i32
    %shift_right_logical3A_173 = arith.shrui %squeeze3A_171, %shift_right_logical3A_172 : i32
    %shift_left3A_174 = arith.constant 7 : i32
    %shift_left3A_175 = arith.shli %shift_right_logical3A_173, %shift_left3A_174 : i32
    %min3A_176 = arith.constant 999808 : i32
    %min3A_177 = arith.minsi %shift_left3A_175, %min3A_176 : i32
    %multiple_of3A_178 = tpu.assume_multiple %min3A_177, 128 : i32
    %dma_start3A_179 = arith.constant 144 : i32
    %dma_start3A_180 = arith.constant 0 : i32
    %dma_start3A_181 = tpu.memref_slice %arg6[%dma_start3A_179, %dma_start3A_180] : memref<768x128xf32, #tpu.memory_space<vmem>> -> memref<16x128xf32, #tpu.memory_space<vmem>>
    %dma_start3A_182 = arith.constant 0 : i32
    %dma_start3A_183 = tpu.memref_slice %arg3[%dma_start3A_182, %multiple_of3A_178] : memref<16x1000000xf32, #tpu.memory_space<hbm>> -> memref<16x128xf32, #tpu.memory_space<hbm>>
    %dma_start3A_184 = arith.constant 144 : i32
    %dma_start3A_185 = arith.constant 0 : i32
    %dma_start3A_186 = tpu.memref_slice %arg6[%dma_start3A_184, %dma_start3A_185] : memref<768x128xf32, #tpu.memory_space<vmem>> -> memref<16x128xf32, #tpu.memory_space<vmem>>
    %dma_start3A_187 = arith.constant 0 : i32
    %dma_start3A_188 = tpu.memref_slice %arg3[%dma_start3A_187, %multiple_of3A_178] : memref<16x1000000xf32, #tpu.memory_space<hbm>> -> memref<16x128xf32, #tpu.memory_space<hbm>>
    tpu.enqueue_dma source(%dma_start3A_188 : memref<16x128xf32, #tpu.memory_space<hbm>>) target(%dma_start3A_186 : memref<16x128xf32, #tpu.memory_space<vmem>>) target_semaphore(%arg9 : memref<!tpu.dma_semaphore, #tpu.memory_space<semaphore_mem>>)
    %slice3A_189 = vector.extract_strided_slice %get3A_5 {offsets = [10], sizes = [1], strides = [1]} : vector<16xi32> to vector<1xi32>
    %squeeze3A_190 = vector.extract %slice3A_189[0] : i32 from vector<1xi32>
    %shift_right_logical3A_191 = arith.constant 7 : i32
    %shift_right_logical3A_192 = arith.shrui %squeeze3A_190, %shift_right_logical3A_191 : i32
    %shift_left3A_193 = arith.constant 7 : i32
    %shift_left3A_194 = arith.shli %shift_right_logical3A_192, %shift_left3A_193 : i32
    %min3A_195 = arith.constant 999808 : i32
    %min3A_196 = arith.minsi %shift_left3A_194, %min3A_195 : i32
    %multiple_of3A_197 = tpu.assume_multiple %min3A_196, 128 : i32
    %dma_start3A_198 = arith.constant 160 : i32
    %dma_start3A_199 = arith.constant 0 : i32
    %dma_start3A_200 = tpu.memref_slice %arg6[%dma_start3A_198, %dma_start3A_199] : memref<768x128xf32, #tpu.memory_space<vmem>> -> memref<16x128xf32, #tpu.memory_space<vmem>>
    %dma_start3A_201 = arith.constant 0 : i32
    %dma_start3A_202 = tpu.memref_slice %arg3[%dma_start3A_201, %multiple_of3A_197] : memref<16x1000000xf32, #tpu.memory_space<hbm>> -> memref<16x128xf32, #tpu.memory_space<hbm>>
    %dma_start3A_203 = arith.constant 160 : i32
    %dma_start3A_204 = arith.constant 0 : i32
    %dma_start3A_205 = tpu.memref_slice %arg6[%dma_start3A_203, %dma_start3A_204] : memref<768x128xf32, #tpu.memory_space<vmem>> -> memref<16x128xf32, #tpu.memory_space<vmem>>
    %dma_start3A_206 = arith.constant 0 : i32
    %dma_start3A_207 = tpu.memref_slice %arg3[%dma_start3A_206, %multiple_of3A_197] : memref<16x1000000xf32, #tpu.memory_space<hbm>> -> memref<16x128xf32, #tpu.memory_space<hbm>>
    tpu.enqueue_dma source(%dma_start3A_207 : memref<16x128xf32, #tpu.memory_space<hbm>>) target(%dma_start3A_205 : memref<16x128xf32, #tpu.memory_space<vmem>>) target_semaphore(%arg9 : memref<!tpu.dma_semaphore, #tpu.memory_space<semaphore_mem>>)
    %slice3A_208 = vector.extract_strided_slice %get3A_5 {offsets = [11], sizes = [1], strides = [1]} : vector<16xi32> to vector<1xi32>
    %squeeze3A_209 = vector.extract %slice3A_208[0] : i32 from vector<1xi32>
    %shift_right_logical3A_210 = arith.constant 7 : i32
    %shift_right_logical3A_211 = arith.shrui %squeeze3A_209, %shift_right_logical3A_210 : i32
    %shift_left3A_212 = arith.constant 7 : i32
    %shift_left3A_213 = arith.shli %shift_right_logical3A_211, %shift_left3A_212 : i32
    %min3A_214 = arith.constant 999808 : i32
    %min3A_215 = arith.minsi %shift_left3A_213, %min3A_214 : i32
    %multiple_of3A_216 = tpu.assume_multiple %min3A_215, 128 : i32
    %dma_start3A_217 = arith.constant 176 : i32
    %dma_start3A_218 = arith.constant 0 : i32
    %dma_start3A_219 = tpu.memref_slice %arg6[%dma_start3A_217, %dma_start3A_218] : memref<768x128xf32, #tpu.memory_space<vmem>> -> memref<16x128xf32, #tpu.memory_space<vmem>>
    %dma_start3A_220 = arith.constant 0 : i32
    %dma_start3A_221 = tpu.memref_slice %arg3[%dma_start3A_220, %multiple_of3A_216] : memref<16x1000000xf32, #tpu.memory_space<hbm>> -> memref<16x128xf32, #tpu.memory_space<hbm>>
    %dma_start3A_222 = arith.constant 176 : i32
    %dma_start3A_223 = arith.constant 0 : i32
    %dma_start3A_224 = tpu.memref_slice %arg6[%dma_start3A_222, %dma_start3A_223] : memref<768x128xf32, #tpu.memory_space<vmem>> -> memref<16x128xf32, #tpu.memory_space<vmem>>
    %dma_start3A_225 = arith.constant 0 : i32
    %dma_start3A_226 = tpu.memref_slice %arg3[%dma_start3A_225, %multiple_of3A_216] : memref<16x1000000xf32, #tpu.memory_space<hbm>> -> memref<16x128xf32, #tpu.memory_space<hbm>>
    tpu.enqueue_dma source(%dma_start3A_226 : memref<16x128xf32, #tpu.memory_space<hbm>>) target(%dma_start3A_224 : memref<16x128xf32, #tpu.memory_space<vmem>>) target_semaphore(%arg9 : memref<!tpu.dma_semaphore, #tpu.memory_space<semaphore_mem>>)
    %slice3A_227 = vector.extract_strided_slice %get3A_5 {offsets = [12], sizes = [1], strides = [1]} : vector<16xi32> to vector<1xi32>
    %squeeze3A_228 = vector.extract %slice3A_227[0] : i32 from vector<1xi32>
    %shift_right_logical3A_229 = arith.constant 7 : i32
    %shift_right_logical3A_230 = arith.shrui %squeeze3A_228, %shift_right_logical3A_229 : i32
    %shift_left3A_231 = arith.constant 7 : i32
    %shift_left3A_232 = arith.shli %shift_right_logical3A_230, %shift_left3A_231 : i32
    %min3A_233 = arith.constant 999808 : i32
    %min3A_234 = arith.minsi %shift_left3A_232, %min3A_233 : i32
    %multiple_of3A_235 = tpu.assume_multiple %min3A_234, 128 : i32
    %dma_start3A_236 = arith.constant 192 : i32
    %dma_start3A_237 = arith.constant 0 : i32
    %dma_start3A_238 = tpu.memref_slice %arg6[%dma_start3A_236, %dma_start3A_237] : memref<768x128xf32, #tpu.memory_space<vmem>> -> memref<16x128xf32, #tpu.memory_space<vmem>>
    %dma_start3A_239 = arith.constant 0 : i32
    %dma_start3A_240 = tpu.memref_slice %arg3[%dma_start3A_239, %multiple_of3A_235] : memref<16x1000000xf32, #tpu.memory_space<hbm>> -> memref<16x128xf32, #tpu.memory_space<hbm>>
    %dma_start3A_241 = arith.constant 192 : i32
    %dma_start3A_242 = arith.constant 0 : i32
    %dma_start3A_243 = tpu.memref_slice %arg6[%dma_start3A_241, %dma_start3A_242] : memref<768x128xf32, #tpu.memory_space<vmem>> -> memref<16x128xf32, #tpu.memory_space<vmem>>
    %dma_start3A_244 = arith.constant 0 : i32
    %dma_start3A_245 = tpu.memref_slice %arg3[%dma_start3A_244, %multiple_of3A_235] : memref<16x1000000xf32, #tpu.memory_space<hbm>> -> memref<16x128xf32, #tpu.memory_space<hbm>>
    tpu.enqueue_dma source(%dma_start3A_245 : memref<16x128xf32, #tpu.memory_space<hbm>>) target(%dma_start3A_243 : memref<16x128xf32, #tpu.memory_space<vmem>>) target_semaphore(%arg9 : memref<!tpu.dma_semaphore, #tpu.memory_space<semaphore_mem>>)
    %slice3A_246 = vector.extract_strided_slice %get3A_5 {offsets = [13], sizes = [1], strides = [1]} : vector<16xi32> to vector<1xi32>
    %squeeze3A_247 = vector.extract %slice3A_246[0] : i32 from vector<1xi32>
    %shift_right_logical3A_248 = arith.constant 7 : i32
    %shift_right_logical3A_249 = arith.shrui %squeeze3A_247, %shift_right_logical3A_248 : i32
    %shift_left3A_250 = arith.constant 7 : i32
    %shift_left3A_251 = arith.shli %shift_right_logical3A_249, %shift_left3A_250 : i32
    %min3A_252 = arith.constant 999808 : i32
    %min3A_253 = arith.minsi %shift_left3A_251, %min3A_252 : i32
    %multiple_of3A_254 = tpu.assume_multiple %min3A_253, 128 : i32
    %dma_start3A_255 = arith.constant 208 : i32
    %dma_start3A_256 = arith.constant 0 : i32
    %dma_start3A_257 = tpu.memref_slice %arg6[%dma_start3A_255, %dma_start3A_256] : memref<768x128xf32, #tpu.memory_space<vmem>> -> memref<16x128xf32, #tpu.memory_space<vmem>>
    %dma_start3A_258 = arith.constant 0 : i32
    %dma_start3A_259 = tpu.memref_slice %arg3[%dma_start3A_258, %multiple_of3A_254] : memref<16x1000000xf32, #tpu.memory_space<hbm>> -> memref<16x128xf32, #tpu.memory_space<hbm>>
    %dma_start3A_260 = arith.constant 208 : i32
    %dma_start3A_261 = arith.constant 0 : i32
    %dma_start3A_262 = tpu.memref_slice %arg6[%dma_start3A_260, %dma_start3A_261] : memref<768x128xf32, #tpu.memory_space<vmem>> -> memref<16x128xf32, #tpu.memory_space<vmem>>
    %dma_start3A_263 = arith.constant 0 : i32
    %dma_start3A_264 = tpu.memref_slice %arg3[%dma_start3A_263, %multiple_of3A_254] : memref<16x1000000xf32, #tpu.memory_space<hbm>> -> memref<16x128xf32, #tpu.memory_space<hbm>>
    tpu.enqueue_dma source(%dma_start3A_264 : memref<16x128xf32, #tpu.memory_space<hbm>>) target(%dma_start3A_262 : memref<16x128xf32, #tpu.memory_space<vmem>>) target_semaphore(%arg9 : memref<!tpu.dma_semaphore, #tpu.memory_space<semaphore_mem>>)
    %slice3A_265 = vector.extract_strided_slice %get3A_5 {offsets = [14], sizes = [1], strides = [1]} : vector<16xi32> to vector<1xi32>
    %squeeze3A_266 = vector.extract %slice3A_265[0] : i32 from vector<1xi32>
    %shift_right_logical3A_267 = arith.constant 7 : i32
    %shift_right_logical3A_268 = arith.shrui %squeeze3A_266, %shift_right_logical3A_267 : i32
    %shift_left3A_269 = arith.constant 7 : i32
    %shift_left3A_270 = arith.shli %shift_right_logical3A_268, %shift_left3A_269 : i32
    %min3A_271 = arith.constant 999808 : i32
    %min3A_272 = arith.minsi %shift_left3A_270, %min3A_271 : i32
    %multiple_of3A_273 = tpu.assume_multiple %min3A_272, 128 : i32
    %dma_start3A_274 = arith.constant 224 : i32
    %dma_start3A_275 = arith.constant 0 : i32
    %dma_start3A_276 = tpu.memref_slice %arg6[%dma_start3A_274, %dma_start3A_275] : memref<768x128xf32, #tpu.memory_space<vmem>> -> memref<16x128xf32, #tpu.memory_space<vmem>>
    %dma_start3A_277 = arith.constant 0 : i32
    %dma_start3A_278 = tpu.memref_slice %arg3[%dma_start3A_277, %multiple_of3A_273] : memref<16x1000000xf32, #tpu.memory_space<hbm>> -> memref<16x128xf32, #tpu.memory_space<hbm>>
    %dma_start3A_279 = arith.constant 224 : i32
    %dma_start3A_280 = arith.constant 0 : i32
    %dma_start3A_281 = tpu.memref_slice %arg6[%dma_start3A_279, %dma_start3A_280] : memref<768x128xf32, #tpu.memory_space<vmem>> -> memref<16x128xf32, #tpu.memory_space<vmem>>
    %dma_start3A_282 = arith.constant 0 : i32
    %dma_start3A_283 = tpu.memref_slice %arg3[%dma_start3A_282, %multiple_of3A_273] : memref<16x1000000xf32, #tpu.memory_space<hbm>> -> memref<16x128xf32, #tpu.memory_space<hbm>>
    tpu.enqueue_dma source(%dma_start3A_283 : memref<16x128xf32, #tpu.memory_space<hbm>>) target(%dma_start3A_281 : memref<16x128xf32, #tpu.memory_space<vmem>>) target_semaphore(%arg9 : memref<!tpu.dma_semaphore, #tpu.memory_space<semaphore_mem>>)
    %slice3A_284 = vector.extract_strided_slice %get3A_5 {offsets = [15], sizes = [1], strides = [1]} : vector<16xi32> to vector<1xi32>
    %squeeze3A_285 = vector.extract %slice3A_284[0] : i32 from vector<1xi32>
    %shift_right_logical3A_286 = arith.constant 7 : i32
    %shift_right_logical3A_287 = arith.shrui %squeeze3A_285, %shift_right_logical3A_286 : i32
    %shift_left3A_288 = arith.constant 7 : i32
    %shift_left3A_289 = arith.shli %shift_right_logical3A_287, %shift_left3A_288 : i32
    %min3A_290 = arith.constant 999808 : i32
    %min3A_291 = arith.minsi %shift_left3A_289, %min3A_290 : i32
    %multiple_of3A_292 = tpu.assume_multiple %min3A_291, 128 : i32
    %dma_start3A_293 = arith.constant 240 : i32
    %dma_start3A_294 = arith.constant 0 : i32
    %dma_start3A_295 = tpu.memref_slice %arg6[%dma_start3A_293, %dma_start3A_294] : memref<768x128xf32, #tpu.memory_space<vmem>> -> memref<16x128xf32, #tpu.memory_space<vmem>>
    %dma_start3A_296 = arith.constant 0 : i32
    %dma_start3A_297 = tpu.memref_slice %arg3[%dma_start3A_296, %multiple_of3A_292] : memref<16x1000000xf32, #tpu.memory_space<hbm>> -> memref<16x128xf32, #tpu.memory_space<hbm>>
    %dma_start3A_298 = arith.constant 240 : i32
    %dma_start3A_299 = arith.constant 0 : i32
    %dma_start3A_300 = tpu.memref_slice %arg6[%dma_start3A_298, %dma_start3A_299] : memref<768x128xf32, #tpu.memory_space<vmem>> -> memref<16x128xf32, #tpu.memory_space<vmem>>
    %dma_start3A_301 = arith.constant 0 : i32
    %dma_start3A_302 = tpu.memref_slice %arg3[%dma_start3A_301, %multiple_of3A_292] : memref<16x1000000xf32, #tpu.memory_space<hbm>> -> memref<16x128xf32, #tpu.memory_space<hbm>>
    tpu.enqueue_dma source(%dma_start3A_302 : memref<16x128xf32, #tpu.memory_space<hbm>>) target(%dma_start3A_300 : memref<16x128xf32, #tpu.memory_space<vmem>>) target_semaphore(%arg9 : memref<!tpu.dma_semaphore, #tpu.memory_space<semaphore_mem>>)
    %get3A_303 = arith.constant 0 : i32
    %get3A_304 = arith.index_cast %get3A_303 : i32 to index
    %get3A_305 = arith.constant 16 : index
    %get3A_306 = tpu.vector_load %arg5[%get3A_304, %get3A_305] {strides = array<i32>} : memref<4x128xi32, #tpu.memory_space<vmem>>, vector<16xi32>,
    %slice3A_307 = vector.extract_strided_slice %get3A_306 {offsets = [0], sizes = [1], strides = [1]} : vector<16xi32> to vector<1xi32>
    %squeeze3A_308 = vector.extract %slice3A_307[0] : i32 from vector<1xi32>
    %shift_right_logical3A_309 = arith.constant 7 : i32
    %shift_right_logical3A_310 = arith.shrui %squeeze3A_308, %shift_right_logical3A_309 : i32
    %shift_left3A_311 = arith.constant 7 : i32
    %shift_left3A_312 = arith.shli %shift_right_logical3A_310, %shift_left3A_311 : i32
    %min3A_313 = arith.constant 999808 : i32
    %min3A_314 = arith.minsi %shift_left3A_312, %min3A_313 : i32
    %multiple_of3A_315 = tpu.assume_multiple %min3A_314, 128 : i32
    %dma_start3A_316 = arith.constant 256 : i32
    %dma_start3A_317 = arith.constant 0 : i32
    %dma_start3A_318 = tpu.memref_slice %arg6[%dma_start3A_316, %dma_start3A_317] : memref<768x128xf32, #tpu.memory_space<vmem>> -> memref<16x128xf32, #tpu.memory_space<vmem>>
    %dma_start3A_319 = arith.constant 0 : i32
    %dma_start3A_320 = tpu.memref_slice %arg3[%dma_start3A_319, %multiple_of3A_315] : memref<16x1000000xf32, #tpu.memory_space<hbm>> -> memref<16x128xf32, #tpu.memory_space<hbm>>
    %dma_start3A_321 = arith.constant 256 : i32
    %dma_start3A_322 = arith.constant 0 : i32
    %dma_start3A_323 = tpu.memref_slice %arg6[%dma_start3A_321, %dma_start3A_322] : memref<768x128xf32, #tpu.memory_space<vmem>> -> memref<16x128xf32, #tpu.memory_space<vmem>>
    %dma_start3A_324 = arith.constant 0 : i32
    %dma_start3A_325 = tpu.memref_slice %arg3[%dma_start3A_324, %multiple_of3A_315] : memref<16x1000000xf32, #tpu.memory_space<hbm>> -> memref<16x128xf32, #tpu.memory_space<hbm>>
    tpu.enqueue_dma source(%dma_start3A_325 : memref<16x128xf32, #tpu.memory_space<hbm>>) target(%dma_start3A_323 : memref<16x128xf32, #tpu.memory_space<vmem>>) target_semaphore(%arg9 : memref<!tpu.dma_semaphore, #tpu.memory_space<semaphore_mem>>)
    %slice3A_326 = vector.extract_strided_slice %get3A_306 {offsets = [1], sizes = [1], strides = [1]} : vector<16xi32> to vector<1xi32>
    %squeeze3A_327 = vector.extract %slice3A_326[0] : i32 from vector<1xi32>
    %shift_right_logical3A_328 = arith.constant 7 : i32
    %shift_right_logical3A_329 = arith.shrui %squeeze3A_327, %shift_right_logical3A_328 : i32
    %shift_left3A_330 = arith.constant 7 : i32
    %shift_left3A_331 = arith.shli %shift_right_logical3A_329, %shift_left3A_330 : i32
    %min3A_332 = arith.constant 999808 : i32
    %min3A_333 = arith.minsi %shift_left3A_331, %min3A_332 : i32
    %multiple_of3A_334 = tpu.assume_multiple %min3A_333, 128 : i32
    %dma_start3A_335 = arith.constant 272 : i32
    %dma_start3A_336 = arith.constant 0 : i32
    %dma_start3A_337 = tpu.memref_slice %arg6[%dma_start3A_335, %dma_start3A_336] : memref<768x128xf32, #tpu.memory_space<vmem>> -> memref<16x128xf32, #tpu.memory_space<vmem>>
    %dma_start3A_338 = arith.constant 0 : i32
    %dma_start3A_339 = tpu.memref_slice %arg3[%dma_start3A_338, %multiple_of3A_334] : memref<16x1000000xf32, #tpu.memory_space<hbm>> -> memref<16x128xf32, #tpu.memory_space<hbm>>
    %dma_start3A_340 = arith.constant 272 : i32
    %dma_start3A_341 = arith.constant 0 : i32
    %dma_start3A_342 = tpu.memref_slice %arg6[%dma_start3A_340, %dma_start3A_341] : memref<768x128xf32, #tpu.memory_space<vmem>> -> memref<16x128xf32, #tpu.memory_space<vmem>>
    %dma_start3A_343 = arith.constant 0 : i32
    %dma_start3A_344 = tpu.memref_slice %arg3[%dma_start3A_343, %multiple_of3A_334] : memref<16x1000000xf32, #tpu.memory_space<hbm>> -> memref<16x128xf32, #tpu.memory_space<hbm>>
    tpu.enqueue_dma source(%dma_start3A_344 : memref<16x128xf32, #tpu.memory_space<hbm>>) target(%dma_start3A_342 : memref<16x128xf32, #tpu.memory_space<vmem>>) target_semaphore(%arg9 : memref<!tpu.dma_semaphore, #tpu.memory_space<semaphore_mem>>)
    %slice3A_345 = vector.extract_strided_slice %get3A_306 {offsets = [2], sizes = [1], strides = [1]} : vector<16xi32> to vector<1xi32>
    %squeeze3A_346 = vector.extract %slice3A_345[0] : i32 from vector<1xi32>
    %shift_right_logical3A_347 = arith.constant 7 : i32
    %shift_right_logical3A_348 = arith.shrui %squeeze3A_346, %shift_right_logical3A_347 : i32
    %shift_left3A_349 = arith.constant 7 : i32
    %shift_left3A_350 = arith.shli %shift_right_logical3A_348, %shift_left3A_349 : i32
    %min3A_351 = arith.constant 999808 : i32
    %min3A_352 = arith.minsi %shift_left3A_350, %min3A_351 : i32
    %multiple_of3A_353 = tpu.assume_multiple %min3A_352, 128 : i32
    %dma_start3A_354 = arith.constant 288 : i32
    %dma_start3A_355 = arith.constant 0 : i32
    %dma_start3A_356 = tpu.memref_slice %arg6[%dma_start3A_354, %dma_start3A_355] : memref<768x128xf32, #tpu.memory_space<vmem>> -> memref<16x128xf32, #tpu.memory_space<vmem>>
    %dma_start3A_357 = arith.constant 0 : i32
    %dma_start3A_358 = tpu.memref_slice %arg3[%dma_start3A_357, %multiple_of3A_353] : memref<16x1000000xf32, #tpu.memory_space<hbm>> -> memref<16x128xf32, #tpu.memory_space<hbm>>
    %dma_start3A_359 = arith.constant 288 : i32
    %dma_start3A_360 = arith.constant 0 : i32
    %dma_start3A_361 = tpu.memref_slice %arg6[%dma_start3A_359, %dma_start3A_360] : memref<768x128xf32, #tpu.memory_space<vmem>> -> memref<16x128xf32, #tpu.memory_space<vmem>>
    %dma_start3A_362 = arith.constant 0 : i32
    %dma_start3A_363 = tpu.memref_slice %arg3[%dma_start3A_362, %multiple_of3A_353] : memref<16x1000000xf32, #tpu.memory_space<hbm>> -> memref<16x128xf32, #tpu.memory_space<hbm>>
    tpu.enqueue_dma source(%dma_start3A_363 : memref<16x128xf32, #tpu.memory_space<hbm>>) target(%dma_start3A_361 : memref<16x128xf32, #tpu.memory_space<vmem>>) target_semaphore(%arg9 : memref<!tpu.dma_semaphore, #tpu.memory_space<semaphore_mem>>)
    %slice3A_364 = vector.extract_strided_slice %get3A_306 {offsets = [3], sizes = [1], strides = [1]} : vector<16xi32> to vector<1xi32>
    %squeeze3A_365 = vector.extract %slice3A_364[0] : i32 from vector<1xi32>
    %shift_right_logical3A_366 = arith.constant 7 : i32
    %shift_right_logical3A_367 = arith.shrui %squeeze3A_365, %shift_right_logical3A_366 : i32
    %shift_left3A_368 = arith.constant 7 : i32
    %shift_left3A_369 = arith.shli %shift_right_logical3A_367, %shift_left3A_368 : i32
    %min3A_370 = arith.constant 999808 : i32
    %min3A_371 = arith.minsi %shift_left3A_369, %min3A_370 : i32
    %multiple_of3A_372 = tpu.assume_multiple %min3A_371, 128 : i32
    %dma_start3A_373 = arith.constant 304 : i32
    %dma_start3A_374 = arith.constant 0 : i32
    %dma_start3A_375 = tpu.memref_slice %arg6[%dma_start3A_373, %dma_start3A_374] : memref<768x128xf32, #tpu.memory_space<vmem>> -> memref<16x128xf32, #tpu.memory_space<vmem>>
    %dma_start3A_376 = arith.constant 0 : i32
    %dma_start3A_377 = tpu.memref_slice %arg3[%dma_start3A_376, %multiple_of3A_372] : memref<16x1000000xf32, #tpu.memory_space<hbm>> -> memref<16x128xf32, #tpu.memory_space<hbm>>
    %dma_start3A_378 = arith.constant 304 : i32
    %dma_start3A_379 = arith.constant 0 : i32
    %dma_start3A_380 = tpu.memref_slice %arg6[%dma_start3A_378, %dma_start3A_379] : memref<768x128xf32, #tpu.memory_space<vmem>> -> memref<16x128xf32, #tpu.memory_space<vmem>>
    %dma_start3A_381 = arith.constant 0 : i32
    %dma_start3A_382 = tpu.memref_slice %arg3[%dma_start3A_381, %multiple_of3A_372] : memref<16x1000000xf32, #tpu.memory_space<hbm>> -> memref<16x128xf32, #tpu.memory_space<hbm>>
    tpu.enqueue_dma source(%dma_start3A_382 : memref<16x128xf32, #tpu.memory_space<hbm>>) target(%dma_start3A_380 : memref<16x128xf32, #tpu.memory_space<vmem>>) target_semaphore(%arg9 : memref<!tpu.dma_semaphore, #tpu.memory_space<semaphore_mem>>)
    %slice3A_383 = vector.extract_strided_slice %get3A_306 {offsets = [4], sizes = [1], strides = [1]} : vector<16xi32> to vector<1xi32>
    %squeeze3A_384 = vector.extract %slice3A_383[0] : i32 from vector<1xi32>
    %shift_right_logical3A_385 = arith.constant 7 : i32
    %shift_right_logical3A_386 = arith.shrui %squeeze3A_384, %shift_right_logical3A_385 : i32
    %shift_left3A_387 = arith.constant 7 : i32
    %shift_left3A_388 = arith.shli %shift_right_logical3A_386, %shift_left3A_387 : i32
    %min3A_389 = arith.constant 999808 : i32
    %min3A_390 = arith.minsi %shift_left3A_388, %min3A_389 : i32
    %multiple_of3A_391 = tpu.assume_multiple %min3A_390, 128 : i32
    %dma_start3A_392 = arith.constant 320 : i32
    %dma_start3A_393 = arith.constant 0 : i32
    %dma_start3A_394 = tpu.memref_slice %arg6[%dma_start3A_392, %dma_start3A_393] : memref<768x128xf32, #tpu.memory_space<vmem>> -> memref<16x128xf32, #tpu.memory_space<vmem>>
    %dma_start3A_395 = arith.constant 0 : i32
    %dma_start3A_396 = tpu.memref_slice %arg3[%dma_start3A_395, %multiple_of3A_391] : memref<16x1000000xf32, #tpu.memory_space<hbm>> -> memref<16x128xf32, #tpu.memory_space<hbm>>
    %dma_start3A_397 = arith.constant 320 : i32
    %dma_start3A_398 = arith.constant 0 : i32
    %dma_start3A_399 = tpu.memref_slice %arg6[%dma_start3A_397, %dma_start3A_398] : memref<768x128xf32, #tpu.memory_space<vmem>> -> memref<16x128xf32, #tpu.memory_space<vmem>>
    %dma_start3A_400 = arith.constant 0 : i32
    %dma_start3A_401 = tpu.memref_slice %arg3[%dma_start3A_400, %multiple_of3A_391] : memref<16x1000000xf32, #tpu.memory_space<hbm>> -> memref<16x128xf32, #tpu.memory_space<hbm>>
    tpu.enqueue_dma source(%dma_start3A_401 : memref<16x128xf32, #tpu.memory_space<hbm>>) target(%dma_start3A_399 : memref<16x128xf32, #tpu.memory_space<vmem>>) target_semaphore(%arg9 : memref<!tpu.dma_semaphore, #tpu.memory_space<semaphore_mem>>)
    %slice3A_402 = vector.extract_strided_slice %get3A_306 {offsets = [5], sizes = [1], strides = [1]} : vector<16xi32> to vector<1xi32>
    %squeeze3A_403 = vector.extract %slice3A_402[0] : i32 from vector<1xi32>
    %shift_right_logical3A_404 = arith.constant 7 : i32
    %shift_right_logical3A_405 = arith.shrui %squeeze3A_403, %shift_right_logical3A_404 : i32
    %shift_left3A_406 = arith.constant 7 : i32
    %shift_left3A_407 = arith.shli %shift_right_logical3A_405, %shift_left3A_406 : i32
    %min3A_408 = arith.constant 999808 : i32
    %min3A_409 = arith.minsi %shift_left3A_407, %min3A_408 : i32
    %multiple_of3A_410 = tpu.assume_multiple %min3A_409, 128 : i32
    %dma_start3A_411 = arith.constant 336 : i32
    %dma_start3A_412 = arith.constant 0 : i32
    %dma_start3A_413 = tpu.memref_slice %arg6[%dma_start3A_411, %dma_start3A_412] : memref<768x128xf32, #tpu.memory_space<vmem>> -> memref<16x128xf32, #tpu.memory_space<vmem>>
    %dma_start3A_414 = arith.constant 0 : i32
    %dma_start3A_415 = tpu.memref_slice %arg3[%dma_start3A_414, %multiple_of3A_410] : memref<16x1000000xf32, #tpu.memory_space<hbm>> -> memref<16x128xf32, #tpu.memory_space<hbm>>
    %dma_start3A_416 = arith.constant 336 : i32
    %dma_start3A_417 = arith.constant 0 : i32
    %dma_start3A_418 = tpu.memref_slice %arg6[%dma_start3A_416, %dma_start3A_417] : memref<768x128xf32, #tpu.memory_space<vmem>> -> memref<16x128xf32, #tpu.memory_space<vmem>>
    %dma_start3A_419 = arith.constant 0 : i32
    %dma_start3A_420 = tpu.memref_slice %arg3[%dma_start3A_419, %multiple_of3A_410] : memref<16x1000000xf32, #tpu.memory_space<hbm>> -> memref<16x128xf32, #tpu.memory_space<hbm>>
    tpu.enqueue_dma source(%dma_start3A_420 : memref<16x128xf32, #tpu.memory_space<hbm>>) target(%dma_start3A_418 : memref<16x128xf32, #tpu.memory_space<vmem>>) target_semaphore(%arg9 : memref<!tpu.dma_semaphore, #tpu.memory_space<semaphore_mem>>)
    %slice3A_421 = vector.extract_strided_slice %get3A_306 {offsets = [6], sizes = [1], strides = [1]} : vector<16xi32> to vector<1xi32>
    %squeeze3A_422 = vector.extract %slice3A_421[0] : i32 from vector<1xi32>
    %shift_right_logical3A_423 = arith.constant 7 : i32
    %shift_right_logical3A_424 = arith.shrui %squeeze3A_422, %shift_right_logical3A_423 : i32
    %shift_left3A_425 = arith.constant 7 : i32
    %shift_left3A_426 = arith.shli %shift_right_logical3A_424, %shift_left3A_425 : i32
    %min3A_427 = arith.constant 999808 : i32
    %min3A_428 = arith.minsi %shift_left3A_426, %min3A_427 : i32
    %multiple_of3A_429 = tpu.assume_multiple %min3A_428, 128 : i32
    %dma_start3A_430 = arith.constant 352 : i32
    %dma_start3A_431 = arith.constant 0 : i32
    %dma_start3A_432 = tpu.memref_slice %arg6[%dma_start3A_430, %dma_start3A_431] : memref<768x128xf32, #tpu.memory_space<vmem>> -> memref<16x128xf32, #tpu.memory_space<vmem>>
    %dma_start3A_433 = arith.constant 0 : i32
    %dma_start3A_434 = tpu.memref_slice %arg3[%dma_start3A_433, %multiple_of3A_429] : memref<16x1000000xf32, #tpu.memory_space<hbm>> -> memref<16x128xf32, #tpu.memory_space<hbm>>
    %dma_start3A_435 = arith.constant 352 : i32
    %dma_start3A_436 = arith.constant 0 : i32
    %dma_start3A_437 = tpu.memref_slice %arg6[%dma_start3A_435, %dma_start3A_436] : memref<768x128xf32, #tpu.memory_space<vmem>> -> memref<16x128xf32, #tpu.memory_space<vmem>>
    %dma_start3A_438 = arith.constant 0 : i32
    %dma_start3A_439 = tpu.memref_slice %arg3[%dma_start3A_438, %multiple_of3A_429] : memref<16x1000000xf32, #tpu.memory_space<hbm>> -> memref<16x128xf32, #tpu.memory_space<hbm>>
    tpu.enqueue_dma source(%dma_start3A_439 : memref<16x128xf32, #tpu.memory_space<hbm>>) target(%dma_start3A_437 : memref<16x128xf32, #tpu.memory_space<vmem>>) target_semaphore(%arg9 : memref<!tpu.dma_semaphore, #tpu.memory_space<semaphore_mem>>)
    %slice3A_440 = vector.extract_strided_slice %get3A_306 {offsets = [7], sizes = [1], strides = [1]} : vector<16xi32> to vector<1xi32>
    %squeeze3A_441 = vector.extract %slice3A_440[0] : i32 from vector<1xi32>
    %shift_right_logical3A_442 = arith.constant 7 : i32
    %shift_right_logical3A_443 = arith.shrui %squeeze3A_441, %shift_right_logical3A_442 : i32
    %shift_left3A_444 = arith.constant 7 : i32
    %shift_left3A_445 = arith.shli %shift_right_logical3A_443, %shift_left3A_444 : i32
    %min3A_446 = arith.constant 999808 : i32
    %min3A_447 = arith.minsi %shift_left3A_445, %min3A_446 : i32
    %multiple_of3A_448 = tpu.assume_multiple %min3A_447, 128 : i32
    %dma_start3A_449 = arith.constant 368 : i32
    %dma_start3A_450 = arith.constant 0 : i32
    %dma_start3A_451 = tpu.memref_slice %arg6[%dma_start3A_449, %dma_start3A_450] : memref<768x128xf32, #tpu.memory_space<vmem>> -> memref<16x128xf32, #tpu.memory_space<vmem>>
    %dma_start3A_452 = arith.constant 0 : i32
    %dma_start3A_453 = tpu.memref_slice %arg3[%dma_start3A_452, %multiple_of3A_448] : memref<16x1000000xf32, #tpu.memory_space<hbm>> -> memref<16x128xf32, #tpu.memory_space<hbm>>
    %dma_start3A_454 = arith.constant 368 : i32
    %dma_start3A_455 = arith.constant 0 : i32
    %dma_start3A_456 = tpu.memref_slice %arg6[%dma_start3A_454, %dma_start3A_455] : memref<768x128xf32, #tpu.memory_space<vmem>> -> memref<16x128xf32, #tpu.memory_space<vmem>>
    %dma_start3A_457 = arith.constant 0 : i32
    %dma_start3A_458 = tpu.memref_slice %arg3[%dma_start3A_457, %multiple_of3A_448] : memref<16x1000000xf32, #tpu.memory_space<hbm>> -> memref<16x128xf32, #tpu.memory_space<hbm>>
    tpu.enqueue_dma source(%dma_start3A_458 : memref<16x128xf32, #tpu.memory_space<hbm>>) target(%dma_start3A_456 : memref<16x128xf32, #tpu.memory_space<vmem>>) target_semaphore(%arg9 : memref<!tpu.dma_semaphore, #tpu.memory_space<semaphore_mem>>)
    %slice3A_459 = vector.extract_strided_slice %get3A_306 {offsets = [8], sizes = [1], strides = [1]} : vector<16xi32> to vector<1xi32>
    %squeeze3A_460 = vector.extract %slice3A_459[0] : i32 from vector<1xi32>
    %shift_right_logical3A_461 = arith.constant 7 : i32
    %shift_right_logical3A_462 = arith.shrui %squeeze3A_460, %shift_right_logical3A_461 : i32
    %shift_left3A_463 = arith.constant 7 : i32
    %shift_left3A_464 = arith.shli %shift_right_logical3A_462, %shift_left3A_463 : i32
    %min3A_465 = arith.constant 999808 : i32
    %min3A_466 = arith.minsi %shift_left3A_464, %min3A_465 : i32
    %multiple_of3A_467 = tpu.assume_multiple %min3A_466, 128 : i32
    %dma_start3A_468 = arith.constant 384 : i32
    %dma_start3A_469 = arith.constant 0 : i32
    %dma_start3A_470 = tpu.memref_slice %arg6[%dma_start3A_468, %dma_start3A_469] : memref<768x128xf32, #tpu.memory_space<vmem>> -> memref<16x128xf32, #tpu.memory_space<vmem>>
    %dma_start3A_471 = arith.constant 0 : i32
    %dma_start3A_472 = tpu.memref_slice %arg3[%dma_start3A_471, %multiple_of3A_467] : memref<16x1000000xf32, #tpu.memory_space<hbm>> -> memref<16x128xf32, #tpu.memory_space<hbm>>
    %dma_start3A_473 = arith.constant 384 : i32
    %dma_start3A_474 = arith.constant 0 : i32
    %dma_start3A_475 = tpu.memref_slice %arg6[%dma_start3A_473, %dma_start3A_474] : memref<768x128xf32, #tpu.memory_space<vmem>> -> memref<16x128xf32, #tpu.memory_space<vmem>>
    %dma_start3A_476 = arith.constant 0 : i32
    %dma_start3A_477 = tpu.memref_slice %arg3[%dma_start3A_476, %multiple_of3A_467] : memref<16x1000000xf32, #tpu.memory_space<hbm>> -> memref<16x128xf32, #tpu.memory_space<hbm>>
    tpu.enqueue_dma source(%dma_start3A_477 : memref<16x128xf32, #tpu.memory_space<hbm>>) target(%dma_start3A_475 : memref<16x128xf32, #tpu.memory_space<vmem>>) target_semaphore(%arg9 : memref<!tpu.dma_semaphore, #tpu.memory_space<semaphore_mem>>)
    %slice3A_478 = vector.extract_strided_slice %get3A_306 {offsets = [9], sizes = [1], strides = [1]} : vector<16xi32> to vector<1xi32>
    %squeeze3A_479 = vector.extract %slice3A_478[0] : i32 from vector<1xi32>
    %shift_right_logical3A_480 = arith.constant 7 : i32
    %shift_right_logical3A_481 = arith.shrui %squeeze3A_479, %shift_right_logical3A_480 : i32
    %shift_left3A_482 = arith.constant 7 : i32
    %shift_left3A_483 = arith.shli %shift_right_logical3A_481, %shift_left3A_482 : i32
    %min3A_484 = arith.constant 999808 : i32
    %min3A_485 = arith.minsi %shift_left3A_483, %min3A_484 : i32
    %multiple_of3A_486 = tpu.assume_multiple %min3A_485, 128 : i32
    %dma_start3A_487 = arith.constant 400 : i32
    %dma_start3A_488 = arith.constant 0 : i32
    %dma_start3A_489 = tpu.memref_slice %arg6[%dma_start3A_487, %dma_start3A_488] : memref<768x128xf32, #tpu.memory_space<vmem>> -> memref<16x128xf32, #tpu.memory_space<vmem>>
    %dma_start3A_490 = arith.constant 0 : i32
    %dma_start3A_491 = tpu.memref_slice %arg3[%dma_start3A_490, %multiple_of3A_486] : memref<16x1000000xf32, #tpu.memory_space<hbm>> -> memref<16x128xf32, #tpu.memory_space<hbm>>
    %dma_start3A_492 = arith.constant 400 : i32
    %dma_start3A_493 = arith.constant 0 : i32
    %dma_start3A_494 = tpu.memref_slice %arg6[%dma_start3A_492, %dma_start3A_493] : memref<768x128xf32, #tpu.memory_space<vmem>> -> memref<16x128xf32, #tpu.memory_space<vmem>>
    %dma_start3A_495 = arith.constant 0 : i32
    %dma_start3A_496 = tpu.memref_slice %arg3[%dma_start3A_495, %multiple_of3A_486] : memref<16x1000000xf32, #tpu.memory_space<hbm>> -> memref<16x128xf32, #tpu.memory_space<hbm>>
    tpu.enqueue_dma source(%dma_start3A_496 : memref<16x128xf32, #tpu.memory_space<hbm>>) target(%dma_start3A_494 : memref<16x128xf32, #tpu.memory_space<vmem>>) target_semaphore(%arg9 : memref<!tpu.dma_semaphore, #tpu.memory_space<semaphore_mem>>)
    %slice3A_497 = vector.extract_strided_slice %get3A_306 {offsets = [10], sizes = [1], strides = [1]} : vector<16xi32> to vector<1xi32>
    %squeeze3A_498 = vector.extract %slice3A_497[0] : i32 from vector<1xi32>
    %shift_right_logical3A_499 = arith.constant 7 : i32
    %shift_right_logical3A_500 = arith.shrui %squeeze3A_498, %shift_right_logical3A_499 : i32
    %shift_left3A_501 = arith.constant 7 : i32
    %shift_left3A_502 = arith.shli %shift_right_logical3A_500, %shift_left3A_501 : i32
    %min3A_503 = arith.constant 999808 : i32
    %min3A_504 = arith.minsi %shift_left3A_502, %min3A_503 : i32
    %multiple_of3A_505 = tpu.assume_multiple %min3A_504, 128 : i32
    %dma_start3A_506 = arith.constant 416 : i32
    %dma_start3A_507 = arith.constant 0 : i32
    %dma_start3A_508 = tpu.memref_slice %arg6[%dma_start3A_506, %dma_start3A_507] : memref<768x128xf32, #tpu.memory_space<vmem>> -> memref<16x128xf32, #tpu.memory_space<vmem>>
    %dma_start3A_509 = arith.constant 0 : i32
    %dma_start3A_510 = tpu.memref_slice %arg3[%dma_start3A_509, %multiple_of3A_505] : memref<16x1000000xf32, #tpu.memory_space<hbm>> -> memref<16x128xf32, #tpu.memory_space<hbm>>
    %dma_start3A_511 = arith.constant 416 : i32
    %dma_start3A_512 = arith.constant 0 : i32
    %dma_start3A_513 = tpu.memref_slice %arg6[%dma_start3A_511, %dma_start3A_512] : memref<768x128xf32, #tpu.memory_space<vmem>> -> memref<16x128xf32, #tpu.memory_space<vmem>>
    %dma_start3A_514 = arith.constant 0 : i32
    %dma_start3A_515 = tpu.memref_slice %arg3[%dma_start3A_514, %multiple_of3A_505] : memref<16x1000000xf32, #tpu.memory_space<hbm>> -> memref<16x128xf32, #tpu.memory_space<hbm>>
    tpu.enqueue_dma source(%dma_start3A_515 : memref<16x128xf32, #tpu.memory_space<hbm>>) target(%dma_start3A_513 : memref<16x128xf32, #tpu.memory_space<vmem>>) target_semaphore(%arg9 : memref<!tpu.dma_semaphore, #tpu.memory_space<semaphore_mem>>)
    %slice3A_516 = vector.extract_strided_slice %get3A_306 {offsets = [11], sizes = [1], strides = [1]} : vector<16xi32> to vector<1xi32>
    %squeeze3A_517 = vector.extract %slice3A_516[0] : i32 from vector<1xi32>
    %shift_right_logical3A_518 = arith.constant 7 : i32
    %shift_right_logical3A_519 = arith.shrui %squeeze3A_517, %shift_right_logical3A_518 : i32
    %shift_left3A_520 = arith.constant 7 : i32
    %shift_left3A_521 = arith.shli %shift_right_logical3A_519, %shift_left3A_520 : i32
    %min3A_522 = arith.constant 999808 : i32
    %min3A_523 = arith.minsi %shift_left3A_521, %min3A_522 : i32
    %multiple_of3A_524 = tpu.assume_multiple %min3A_523, 128 : i32
    %dma_start3A_525 = arith.constant 432 : i32
    %dma_start3A_526 = arith.constant 0 : i32
    %dma_start3A_527 = tpu.memref_slice %arg6[%dma_start3A_525, %dma_start3A_526] : memref<768x128xf32, #tpu.memory_space<vmem>> -> memref<16x128xf32, #tpu.memory_space<vmem>>
    %dma_start3A_528 = arith.constant 0 : i32
    %dma_start3A_529 = tpu.memref_slice %arg3[%dma_start3A_528, %multiple_of3A_524] : memref<16x1000000xf32, #tpu.memory_space<hbm>> -> memref<16x128xf32, #tpu.memory_space<hbm>>
    %dma_start3A_530 = arith.constant 432 : i32
    %dma_start3A_531 = arith.constant 0 : i32
    %dma_start3A_532 = tpu.memref_slice %arg6[%dma_start3A_530, %dma_start3A_531] : memref<768x128xf32, #tpu.memory_space<vmem>> -> memref<16x128xf32, #tpu.memory_space<vmem>>
    %dma_start3A_533 = arith.constant 0 : i32
    %dma_start3A_534 = tpu.memref_slice %arg3[%dma_start3A_533, %multiple_of3A_524] : memref<16x1000000xf32, #tpu.memory_space<hbm>> -> memref<16x128xf32, #tpu.memory_space<hbm>>
    tpu.enqueue_dma source(%dma_start3A_534 : memref<16x128xf32, #tpu.memory_space<hbm>>) target(%dma_start3A_532 : memref<16x128xf32, #tpu.memory_space<vmem>>) target_semaphore(%arg9 : memref<!tpu.dma_semaphore, #tpu.memory_space<semaphore_mem>>)
    %slice3A_535 = vector.extract_strided_slice %get3A_306 {offsets = [12], sizes = [1], strides = [1]} : vector<16xi32> to vector<1xi32>
    %squeeze3A_536 = vector.extract %slice3A_535[0] : i32 from vector<1xi32>
    %shift_right_logical3A_537 = arith.constant 7 : i32
    %shift_right_logical3A_538 = arith.shrui %squeeze3A_536, %shift_right_logical3A_537 : i32
    %shift_left3A_539 = arith.constant 7 : i32
    %shift_left3A_540 = arith.shli %shift_right_logical3A_538, %shift_left3A_539 : i32
    %min3A_541 = arith.constant 999808 : i32
    %min3A_542 = arith.minsi %shift_left3A_540, %min3A_541 : i32
    %multiple_of3A_543 = tpu.assume_multiple %min3A_542, 128 : i32
    %dma_start3A_544 = arith.constant 448 : i32
    %dma_start3A_545 = arith.constant 0 : i32
    %dma_start3A_546 = tpu.memref_slice %arg6[%dma_start3A_544, %dma_start3A_545] : memref<768x128xf32, #tpu.memory_space<vmem>> -> memref<16x128xf32, #tpu.memory_space<vmem>>
    %dma_start3A_547 = arith.constant 0 : i32
    %dma_start3A_548 = tpu.memref_slice %arg3[%dma_start3A_547, %multiple_of3A_543] : memref<16x1000000xf32, #tpu.memory_space<hbm>> -> memref<16x128xf32, #tpu.memory_space<hbm>>
    %dma_start3A_549 = arith.constant 448 : i32
    %dma_start3A_550 = arith.constant 0 : i32
    %dma_start3A_551 = tpu.memref_slice %arg6[%dma_start3A_549, %dma_start3A_550] : memref<768x128xf32, #tpu.memory_space<vmem>> -> memref<16x128xf32, #tpu.memory_space<vmem>>
    %dma_start3A_552 = arith.constant 0 : i32
    %dma_start3A_553 = tpu.memref_slice %arg3[%dma_start3A_552, %multiple_of3A_543] : memref<16x1000000xf32, #tpu.memory_space<hbm>> -> memref<16x128xf32, #tpu.memory_space<hbm>>
    tpu.enqueue_dma source(%dma_start3A_553 : memref<16x128xf32, #tpu.memory_space<hbm>>) target(%dma_start3A_551 : memref<16x128xf32, #tpu.memory_space<vmem>>) target_semaphore(%arg9 : memref<!tpu.dma_semaphore, #tpu.memory_space<semaphore_mem>>)
    %slice3A_554 = vector.extract_strided_slice %get3A_306 {offsets = [13], sizes = [1], strides = [1]} : vector<16xi32> to vector<1xi32>
    %squeeze3A_555 = vector.extract %slice3A_554[0] : i32 from vector<1xi32>
    %shift_right_logical3A_556 = arith.constant 7 : i32
    %shift_right_logical3A_557 = arith.shrui %squeeze3A_555, %shift_right_logical3A_556 : i32
    %shift_left3A_558 = arith.constant 7 : i32
    %shift_left3A_559 = arith.shli %shift_right_logical3A_557, %shift_left3A_558 : i32
    %min3A_560 = arith.constant 999808 : i32
    %min3A_561 = arith.minsi %shift_left3A_559, %min3A_560 : i32
    %multiple_of3A_562 = tpu.assume_multiple %min3A_561, 128 : i32
    %dma_start3A_563 = arith.constant 464 : i32
    %dma_start3A_564 = arith.constant 0 : i32
    %dma_start3A_565 = tpu.memref_slice %arg6[%dma_start3A_563, %dma_start3A_564] : memref<768x128xf32, #tpu.memory_space<vmem>> -> memref<16x128xf32, #tpu.memory_space<vmem>>
    %dma_start3A_566 = arith.constant 0 : i32
    %dma_start3A_567 = tpu.memref_slice %arg3[%dma_start3A_566, %multiple_of3A_562] : memref<16x1000000xf32, #tpu.memory_space<hbm>> -> memref<16x128xf32, #tpu.memory_space<hbm>>
    %dma_start3A_568 = arith.constant 464 : i32
    %dma_start3A_569 = arith.constant 0 : i32
    %dma_start3A_570 = tpu.memref_slice %arg6[%dma_start3A_568, %dma_start3A_569] : memref<768x128xf32, #tpu.memory_space<vmem>> -> memref<16x128xf32, #tpu.memory_space<vmem>>
    %dma_start3A_571 = arith.constant 0 : i32
    %dma_start3A_572 = tpu.memref_slice %arg3[%dma_start3A_571, %multiple_of3A_562] : memref<16x1000000xf32, #tpu.memory_space<hbm>> -> memref<16x128xf32, #tpu.memory_space<hbm>>
    tpu.enqueue_dma source(%dma_start3A_572 : memref<16x128xf32, #tpu.memory_space<hbm>>) target(%dma_start3A_570 : memref<16x128xf32, #tpu.memory_space<vmem>>) target_semaphore(%arg9 : memref<!tpu.dma_semaphore, #tpu.memory_space<semaphore_mem>>)
    %slice3A_573 = vector.extract_strided_slice %get3A_306 {offsets = [14], sizes = [1], strides = [1]} : vector<16xi32> to vector<1xi32>
    %squeeze3A_574 = vector.extract %slice3A_573[0] : i32 from vector<1xi32>
    %shift_right_logical3A_575 = arith.constant 7 : i32
    %shift_right_logical3A_576 = arith.shrui %squeeze3A_574, %shift_right_logical3A_575 : i32
    %shift_left3A_577 = arith.constant 7 : i32
    %shift_left3A_578 = arith.shli %shift_right_logical3A_576, %shift_left3A_577 : i32
    %min3A_579 = arith.constant 999808 : i32
    %min3A_580 = arith.minsi %shift_left3A_578, %min3A_579 : i32
    %multiple_of3A_581 = tpu.assume_multiple %min3A_580, 128 : i32
    %dma_start3A_582 = arith.constant 480 : i32
    %dma_start3A_583 = arith.constant 0 : i32
    %dma_start3A_584 = tpu.memref_slice %arg6[%dma_start3A_582, %dma_start3A_583] : memref<768x128xf32, #tpu.memory_space<vmem>> -> memref<16x128xf32, #tpu.memory_space<vmem>>
    %dma_start3A_585 = arith.constant 0 : i32
    %dma_start3A_586 = tpu.memref_slice %arg3[%dma_start3A_585, %multiple_of3A_581] : memref<16x1000000xf32, #tpu.memory_space<hbm>> -> memref<16x128xf32, #tpu.memory_space<hbm>>
    %dma_start3A_587 = arith.constant 480 : i32
    %dma_start3A_588 = arith.constant 0 : i32
    %dma_start3A_589 = tpu.memref_slice %arg6[%dma_start3A_587, %dma_start3A_588] : memref<768x128xf32, #tpu.memory_space<vmem>> -> memref<16x128xf32, #tpu.memory_space<vmem>>
    %dma_start3A_590 = arith.constant 0 : i32
    %dma_start3A_591 = tpu.memref_slice %arg3[%dma_start3A_590, %multiple_of3A_581] : memref<16x1000000xf32, #tpu.memory_space<hbm>> -> memref<16x128xf32, #tpu.memory_space<hbm>>
    tpu.enqueue_dma source(%dma_start3A_591 : memref<16x128xf32, #tpu.memory_space<hbm>>) target(%dma_start3A_589 : memref<16x128xf32, #tpu.memory_space<vmem>>) target_semaphore(%arg9 : memref<!tpu.dma_semaphore, #tpu.memory_space<semaphore_mem>>)
    %slice3A_592 = vector.extract_strided_slice %get3A_306 {offsets = [15], sizes = [1], strides = [1]} : vector<16xi32> to vector<1xi32>
    %squeeze3A_593 = vector.extract %slice3A_592[0] : i32 from vector<1xi32>
    %shift_right_logical3A_594 = arith.constant 7 : i32
    %shift_right_logical3A_595 = arith.shrui %squeeze3A_593, %shift_right_logical3A_594 : i32
    %shift_left3A_596 = arith.constant 7 : i32
    %shift_left3A_597 = arith.shli %shift_right_logical3A_595, %shift_left3A_596 : i32
    %min3A_598 = arith.constant 999808 : i32
    %min3A_599 = arith.minsi %shift_left3A_597, %min3A_598 : i32
    %multiple_of3A_600 = tpu.assume_multiple %min3A_599, 128 : i32
    %dma_start3A_601 = arith.constant 496 : i32
    %dma_start3A_602 = arith.constant 0 : i32
    %dma_start3A_603 = tpu.memref_slice %arg6[%dma_start3A_601, %dma_start3A_602] : memref<768x128xf32, #tpu.memory_space<vmem>> -> memref<16x128xf32, #tpu.memory_space<vmem>>
    %dma_start3A_604 = arith.constant 0 : i32
    %dma_start3A_605 = tpu.memref_slice %arg3[%dma_start3A_604, %multiple_of3A_600] : memref<16x1000000xf32, #tpu.memory_space<hbm>> -> memref<16x128xf32, #tpu.memory_space<hbm>>
    %dma_start3A_606 = arith.constant 496 : i32
    %dma_start3A_607 = arith.constant 0 : i32
    %dma_start3A_608 = tpu.memref_slice %arg6[%dma_start3A_606, %dma_start3A_607] : memref<768x128xf32, #tpu.memory_space<vmem>> -> memref<16x128xf32, #tpu.memory_space<vmem>>
    %dma_start3A_609 = arith.constant 0 : i32
    %dma_start3A_610 = tpu.memref_slice %arg3[%dma_start3A_609, %multiple_of3A_600] : memref<16x1000000xf32, #tpu.memory_space<hbm>> -> memref<16x128xf32, #tpu.memory_space<hbm>>
    tpu.enqueue_dma source(%dma_start3A_610 : memref<16x128xf32, #tpu.memory_space<hbm>>) target(%dma_start3A_608 : memref<16x128xf32, #tpu.memory_space<vmem>>) target_semaphore(%arg9 : memref<!tpu.dma_semaphore, #tpu.memory_space<semaphore_mem>>)
    %scan3A = arith.constant 2 : i32
    %scan3A_611 = arith.constant 30 : i32
    %scan3A_612 = arith.addi %scan3A, %scan3A_611 : i32
    %scan3A_613 = arith.constant 1 : i32
    %scan3A_614:2 = scf.for %scan3A_1672 = %scan3A to %scan3A_612 step %scan3A_613 iter_args(%scan3A_1673 = %get3A_5, %scan3A_1674 = %get3A_306) -> (vector<16xi32>, vector<16xi32>)  : i32 {
      %jit3A_1675 = arith.constant 8 : i32
      %div3A = arith.divsi %scan3A_1672, %jit3A_1675 : i32
      %sign3A = arith.constant 0 : i32
      %sign3A_1676 = arith.cmpi sgt, %scan3A_1672, %sign3A : i32
      %sign3A_1677 = arith.extui %sign3A_1676 : i1 to i32
      %sign3A_1678 = arith.constant 0 : i32
      %sign3A_1679 = arith.cmpi slt, %scan3A_1672, %sign3A_1678 : i32
      %sign3A_1680 = arith.extui %sign3A_1679 : i1 to i32
      %sign3A_1681 = arith.subi %sign3A_1677, %sign3A_1680 : i32
      %sign3A_1682 = arith.constant 0 : i32
      %sign3A_1683 = arith.cmpi sgt, %jit3A_1675, %sign3A_1682 : i32
      %sign3A_1684 = arith.extui %sign3A_1683 : i1 to i32
      %sign3A_1685 = arith.constant 0 : i32
      %sign3A_1686 = arith.cmpi slt, %jit3A_1675, %sign3A_1685 : i32
      %sign3A_1687 = arith.extui %sign3A_1686 : i1 to i32
      %sign3A_1688 = arith.subi %sign3A_1684, %sign3A_1687 : i32
      %ne3A_1689 = arith.cmpi ne, %sign3A_1681, %sign3A_1688 : i32
      %rem3A = arith.remsi %scan3A_1672, %jit3A_1675 : i32
      %ne3A_1690 = arith.constant 0 : i32
      %ne3A_1691 = arith.cmpi ne, %rem3A, %ne3A_1690 : i32
      %and3A_1692 = arith.andi %ne3A_1689, %ne3A_1691 : i1
      %sub3A_1693 = arith.constant 1 : i32
      %sub3A_1694 = arith.subi %div3A, %sub3A_1693 : i32
      %select_n3A_1695 = arith.select %and3A_1692, %sub3A_1694, %div3A : i32
      %jit3A_1696 = arith.constant 8 : i32
      %eq3A = arith.constant 0 : i32
      %eq3A_1697 = arith.cmpi eq, %jit3A_1696, %eq3A : i32
      %jit3A_1698 = arith.constant 1 : i32
      %select_n3A_1699 = arith.select %eq3A_1697, %jit3A_1698, %jit3A_1696 : i32
      %rem3A_1700 = arith.remsi %scan3A_1672, %select_n3A_1699 : i32
      %ne3A_1701 = arith.constant 0 : i32
      %ne3A_1702 = arith.cmpi ne, %rem3A_1700, %ne3A_1701 : i32
      %lt3A = arith.constant 0 : i32
      %lt3A_1703 = arith.cmpi slt, %rem3A_1700, %lt3A : i32
      %lt3A_1704 = arith.constant 0 : i32
      %lt3A_1705 = arith.cmpi slt, %select_n3A_1699, %lt3A_1704 : i32
      %ne3A_1706 = arith.xori %lt3A_1703, %lt3A_1705 : i1
      %and3A_1707 = arith.andi %ne3A_1706, %ne3A_1702 : i1
      %add3A_1708 = arith.addi %rem3A_1700, %select_n3A_1699 : i32
      %select_n3A_1709 = arith.select %and3A_1707, %add3A_1708, %rem3A_1700 : i32
      %mul3A_1710 = arith.constant 16 : i32
      %mul3A_1711 = arith.muli %select_n3A_1709, %mul3A_1710 : i32
      %get3A_1712 = arith.index_cast %select_n3A_1695 : i32 to index
      %get3A_1713 = arith.index_cast %mul3A_1711 : i32 to index
      %get3A_1714 = tpu.vector_load %arg5[%get3A_1712, %get3A_1713] {strides = array<i32>} : memref<4x128xi32, #tpu.memory_space<vmem>>, vector<16xi32>,
      %jit3A_1715 = arith.constant 3 : i32
      %eq3A_1716 = arith.constant 0 : i32
      %eq3A_1717 = arith.cmpi eq, %jit3A_1715, %eq3A_1716 : i32
      %jit3A_1718 = arith.constant 1 : i32
      %select_n3A_1719 = arith.select %eq3A_1717, %jit3A_1718, %jit3A_1715 : i32
      %rem3A_1720 = arith.remsi %scan3A_1672, %select_n3A_1719 : i32
      %ne3A_1721 = arith.constant 0 : i32
      %ne3A_1722 = arith.cmpi ne, %rem3A_1720, %ne3A_1721 : i32
      %lt3A_1723 = arith.constant 0 : i32
      %lt3A_1724 = arith.cmpi slt, %rem3A_1720, %lt3A_1723 : i32
      %lt3A_1725 = arith.constant 0 : i32
      %lt3A_1726 = arith.cmpi slt, %select_n3A_1719, %lt3A_1725 : i32
      %ne3A_1727 = arith.xori %lt3A_1724, %lt3A_1726 : i1
      %and3A_1728 = arith.andi %ne3A_1727, %ne3A_1722 : i1
      %add3A_1729 = arith.addi %rem3A_1720, %select_n3A_1719 : i32
      %select_n3A_1730 = arith.select %and3A_1728, %add3A_1729, %rem3A_1720 : i32
      %mul3A_1731 = arith.constant 256 : i32
      %mul3A_1732 = arith.muli %select_n3A_1730, %mul3A_1731 : i32
      %slice3A_1733 = vector.extract_strided_slice %get3A_1714 {offsets = [0], sizes = [1], strides = [1]} : vector<16xi32> to vector<1xi32>
      %squeeze3A_1734 = vector.extract %slice3A_1733[0] : i32 from vector<1xi32>
      %shift_right_logical3A_1735 = arith.constant 7 : i32
      %shift_right_logical3A_1736 = arith.shrui %squeeze3A_1734, %shift_right_logical3A_1735 : i32
      %shift_left3A_1737 = arith.constant 7 : i32
      %shift_left3A_1738 = arith.shli %shift_right_logical3A_1736, %shift_left3A_1737 : i32
      %min3A_1739 = arith.constant 999808 : i32
      %min3A_1740 = arith.minsi %shift_left3A_1738, %min3A_1739 : i32
      %multiple_of3A_1741 = tpu.assume_multiple %min3A_1740, 128 : i32
      %add3A_1742 = arith.constant 0 : i32
      %add3A_1743 = arith.addi %mul3A_1732, %add3A_1742 : i32
      %dma_start3A_1744 = arith.constant 0 : i32
      %dma_start3A_1745 = tpu.memref_slice %arg6[%add3A_1743, %dma_start3A_1744] : memref<768x128xf32, #tpu.memory_space<vmem>> -> memref<16x128xf32, #tpu.memory_space<vmem>>
      %dma_start3A_1746 = arith.constant 0 : i32
      %dma_start3A_1747 = tpu.memref_slice %arg3[%dma_start3A_1746, %multiple_of3A_1741] : memref<16x1000000xf32, #tpu.memory_space<hbm>> -> memref<16x128xf32, #tpu.memory_space<hbm>>
      %dma_start3A_1748 = arith.constant 0 : i32
      %dma_start3A_1749 = tpu.memref_slice %arg6[%add3A_1743, %dma_start3A_1748] : memref<768x128xf32, #tpu.memory_space<vmem>> -> memref<16x128xf32, #tpu.memory_space<vmem>>
      %dma_start3A_1750 = arith.constant 0 : i32
      %dma_start3A_1751 = tpu.memref_slice %arg3[%dma_start3A_1750, %multiple_of3A_1741] : memref<16x1000000xf32, #tpu.memory_space<hbm>> -> memref<16x128xf32, #tpu.memory_space<hbm>>
      tpu.enqueue_dma source(%dma_start3A_1751 : memref<16x128xf32, #tpu.memory_space<hbm>>) target(%dma_start3A_1749 : memref<16x128xf32, #tpu.memory_space<vmem>>) target_semaphore(%arg9 : memref<!tpu.dma_semaphore, #tpu.memory_space<semaphore_mem>>)
      %slice3A_1752 = vector.extract_strided_slice %get3A_1714 {offsets = [1], sizes = [1], strides = [1]} : vector<16xi32> to vector<1xi32>
      %squeeze3A_1753 = vector.extract %slice3A_1752[0] : i32 from vector<1xi32>
      %shift_right_logical3A_1754 = arith.constant 7 : i32
      %shift_right_logical3A_1755 = arith.shrui %squeeze3A_1753, %shift_right_logical3A_1754 : i32
      %shift_left3A_1756 = arith.constant 7 : i32
      %shift_left3A_1757 = arith.shli %shift_right_logical3A_1755, %shift_left3A_1756 : i32
      %min3A_1758 = arith.constant 999808 : i32
      %min3A_1759 = arith.minsi %shift_left3A_1757, %min3A_1758 : i32
      %multiple_of3A_1760 = tpu.assume_multiple %min3A_1759, 128 : i32
      %add3A_1761 = arith.constant 16 : i32
      %add3A_1762 = arith.addi %mul3A_1732, %add3A_1761 : i32
      %dma_start3A_1763 = arith.constant 0 : i32
      %dma_start3A_1764 = tpu.memref_slice %arg6[%add3A_1762, %dma_start3A_1763] : memref<768x128xf32, #tpu.memory_space<vmem>> -> memref<16x128xf32, #tpu.memory_space<vmem>>
      %dma_start3A_1765 = arith.constant 0 : i32
      %dma_start3A_1766 = tpu.memref_slice %arg3[%dma_start3A_1765, %multiple_of3A_1760] : memref<16x1000000xf32, #tpu.memory_space<hbm>> -> memref<16x128xf32, #tpu.memory_space<hbm>>
      %dma_start3A_1767 = arith.constant 0 : i32
      %dma_start3A_1768 = tpu.memref_slice %arg6[%add3A_1762, %dma_start3A_1767] : memref<768x128xf32, #tpu.memory_space<vmem>> -> memref<16x128xf32, #tpu.memory_space<vmem>>
      %dma_start3A_1769 = arith.constant 0 : i32
      %dma_start3A_1770 = tpu.memref_slice %arg3[%dma_start3A_1769, %multiple_of3A_1760] : memref<16x1000000xf32, #tpu.memory_space<hbm>> -> memref<16x128xf32, #tpu.memory_space<hbm>>
      tpu.enqueue_dma source(%dma_start3A_1770 : memref<16x128xf32, #tpu.memory_space<hbm>>) target(%dma_start3A_1768 : memref<16x128xf32, #tpu.memory_space<vmem>>) target_semaphore(%arg9 : memref<!tpu.dma_semaphore, #tpu.memory_space<semaphore_mem>>)
      %slice3A_1771 = vector.extract_strided_slice %get3A_1714 {offsets = [2], sizes = [1], strides = [1]} : vector<16xi32> to vector<1xi32>
      %squeeze3A_1772 = vector.extract %slice3A_1771[0] : i32 from vector<1xi32>
      %shift_right_logical3A_1773 = arith.constant 7 : i32
      %shift_right_logical3A_1774 = arith.shrui %squeeze3A_1772, %shift_right_logical3A_1773 : i32
      %shift_left3A_1775 = arith.constant 7 : i32
      %shift_left3A_1776 = arith.shli %shift_right_logical3A_1774, %shift_left3A_1775 : i32
      %min3A_1777 = arith.constant 999808 : i32
      %min3A_1778 = arith.minsi %shift_left3A_1776, %min3A_1777 : i32
      %multiple_of3A_1779 = tpu.assume_multiple %min3A_1778, 128 : i32
      %add3A_1780 = arith.constant 32 : i32
      %add3A_1781 = arith.addi %mul3A_1732, %add3A_1780 : i32
      %dma_start3A_1782 = arith.constant 0 : i32
      %dma_start3A_1783 = tpu.memref_slice %arg6[%add3A_1781, %dma_start3A_1782] : memref<768x128xf32, #tpu.memory_space<vmem>> -> memref<16x128xf32, #tpu.memory_space<vmem>>
      %dma_start3A_1784 = arith.constant 0 : i32
      %dma_start3A_1785 = tpu.memref_slice %arg3[%dma_start3A_1784, %multiple_of3A_1779] : memref<16x1000000xf32, #tpu.memory_space<hbm>> -> memref<16x128xf32, #tpu.memory_space<hbm>>
      %dma_start3A_1786 = arith.constant 0 : i32
      %dma_start3A_1787 = tpu.memref_slice %arg6[%add3A_1781, %dma_start3A_1786] : memref<768x128xf32, #tpu.memory_space<vmem>> -> memref<16x128xf32, #tpu.memory_space<vmem>>
      %dma_start3A_1788 = arith.constant 0 : i32
      %dma_start3A_1789 = tpu.memref_slice %arg3[%dma_start3A_1788, %multiple_of3A_1779] : memref<16x1000000xf32, #tpu.memory_space<hbm>> -> memref<16x128xf32, #tpu.memory_space<hbm>>
      tpu.enqueue_dma source(%dma_start3A_1789 : memref<16x128xf32, #tpu.memory_space<hbm>>) target(%dma_start3A_1787 : memref<16x128xf32, #tpu.memory_space<vmem>>) target_semaphore(%arg9 : memref<!tpu.dma_semaphore, #tpu.memory_space<semaphore_mem>>)
      %slice3A_1790 = vector.extract_strided_slice %get3A_1714 {offsets = [3], sizes = [1], strides = [1]} : vector<16xi32> to vector<1xi32>
      %squeeze3A_1791 = vector.extract %slice3A_1790[0] : i32 from vector<1xi32>
      %shift_right_logical3A_1792 = arith.constant 7 : i32
      %shift_right_logical3A_1793 = arith.shrui %squeeze3A_1791, %shift_right_logical3A_1792 : i32
      %shift_left3A_1794 = arith.constant 7 : i32
      %shift_left3A_1795 = arith.shli %shift_right_logical3A_1793, %shift_left3A_1794 : i32
      %min3A_1796 = arith.constant 999808 : i32
      %min3A_1797 = arith.minsi %shift_left3A_1795, %min3A_1796 : i32
      %multiple_of3A_1798 = tpu.assume_multiple %min3A_1797, 128 : i32
      %add3A_1799 = arith.constant 48 : i32
      %add3A_1800 = arith.addi %mul3A_1732, %add3A_1799 : i32
      %dma_start3A_1801 = arith.constant 0 : i32
      %dma_start3A_1802 = tpu.memref_slice %arg6[%add3A_1800, %dma_start3A_1801] : memref<768x128xf32, #tpu.memory_space<vmem>> -> memref<16x128xf32, #tpu.memory_space<vmem>>
      %dma_start3A_1803 = arith.constant 0 : i32
      %dma_start3A_1804 = tpu.memref_slice %arg3[%dma_start3A_1803, %multiple_of3A_1798] : memref<16x1000000xf32, #tpu.memory_space<hbm>> -> memref<16x128xf32, #tpu.memory_space<hbm>>
      %dma_start3A_1805 = arith.constant 0 : i32
      %dma_start3A_1806 = tpu.memref_slice %arg6[%add3A_1800, %dma_start3A_1805] : memref<768x128xf32, #tpu.memory_space<vmem>> -> memref<16x128xf32, #tpu.memory_space<vmem>>
      %dma_start3A_1807 = arith.constant 0 : i32
      %dma_start3A_1808 = tpu.memref_slice %arg3[%dma_start3A_1807, %multiple_of3A_1798] : memref<16x1000000xf32, #tpu.memory_space<hbm>> -> memref<16x128xf32, #tpu.memory_space<hbm>>
      tpu.enqueue_dma source(%dma_start3A_1808 : memref<16x128xf32, #tpu.memory_space<hbm>>) target(%dma_start3A_1806 : memref<16x128xf32, #tpu.memory_space<vmem>>) target_semaphore(%arg9 : memref<!tpu.dma_semaphore, #tpu.memory_space<semaphore_mem>>)
      %slice3A_1809 = vector.extract_strided_slice %get3A_1714 {offsets = [4], sizes = [1], strides = [1]} : vector<16xi32> to vector<1xi32>
      %squeeze3A_1810 = vector.extract %slice3A_1809[0] : i32 from vector<1xi32>
      %shift_right_logical3A_1811 = arith.constant 7 : i32
      %shift_right_logical3A_1812 = arith.shrui %squeeze3A_1810, %shift_right_logical3A_1811 : i32
      %shift_left3A_1813 = arith.constant 7 : i32
      %shift_left3A_1814 = arith.shli %shift_right_logical3A_1812, %shift_left3A_1813 : i32
      %min3A_1815 = arith.constant 999808 : i32
      %min3A_1816 = arith.minsi %shift_left3A_1814, %min3A_1815 : i32
      %multiple_of3A_1817 = tpu.assume_multiple %min3A_1816, 128 : i32
      %add3A_1818 = arith.constant 64 : i32
      %add3A_1819 = arith.addi %mul3A_1732, %add3A_1818 : i32
      %dma_start3A_1820 = arith.constant 0 : i32
      %dma_start3A_1821 = tpu.memref_slice %arg6[%add3A_1819, %dma_start3A_1820] : memref<768x128xf32, #tpu.memory_space<vmem>> -> memref<16x128xf32, #tpu.memory_space<vmem>>
      %dma_start3A_1822 = arith.constant 0 : i32
      %dma_start3A_1823 = tpu.memref_slice %arg3[%dma_start3A_1822, %multiple_of3A_1817] : memref<16x1000000xf32, #tpu.memory_space<hbm>> -> memref<16x128xf32, #tpu.memory_space<hbm>>
      %dma_start3A_1824 = arith.constant 0 : i32
      %dma_start3A_1825 = tpu.memref_slice %arg6[%add3A_1819, %dma_start3A_1824] : memref<768x128xf32, #tpu.memory_space<vmem>> -> memref<16x128xf32, #tpu.memory_space<vmem>>
      %dma_start3A_1826 = arith.constant 0 : i32
      %dma_start3A_1827 = tpu.memref_slice %arg3[%dma_start3A_1826, %multiple_of3A_1817] : memref<16x1000000xf32, #tpu.memory_space<hbm>> -> memref<16x128xf32, #tpu.memory_space<hbm>>
      tpu.enqueue_dma source(%dma_start3A_1827 : memref<16x128xf32, #tpu.memory_space<hbm>>) target(%dma_start3A_1825 : memref<16x128xf32, #tpu.memory_space<vmem>>) target_semaphore(%arg9 : memref<!tpu.dma_semaphore, #tpu.memory_space<semaphore_mem>>)
      %slice3A_1828 = vector.extract_strided_slice %get3A_1714 {offsets = [5], sizes = [1], strides = [1]} : vector<16xi32> to vector<1xi32>
      %squeeze3A_1829 = vector.extract %slice3A_1828[0] : i32 from vector<1xi32>
      %shift_right_logical3A_1830 = arith.constant 7 : i32
      %shift_right_logical3A_1831 = arith.shrui %squeeze3A_1829, %shift_right_logical3A_1830 : i32
      %shift_left3A_1832 = arith.constant 7 : i32
      %shift_left3A_1833 = arith.shli %shift_right_logical3A_1831, %shift_left3A_1832 : i32
      %min3A_1834 = arith.constant 999808 : i32
      %min3A_1835 = arith.minsi %shift_left3A_1833, %min3A_1834 : i32
      %multiple_of3A_1836 = tpu.assume_multiple %min3A_1835, 128 : i32
      %add3A_1837 = arith.constant 80 : i32
      %add3A_1838 = arith.addi %mul3A_1732, %add3A_1837 : i32
      %dma_start3A_1839 = arith.constant 0 : i32
      %dma_start3A_1840 = tpu.memref_slice %arg6[%add3A_1838, %dma_start3A_1839] : memref<768x128xf32, #tpu.memory_space<vmem>> -> memref<16x128xf32, #tpu.memory_space<vmem>>
      %dma_start3A_1841 = arith.constant 0 : i32
      %dma_start3A_1842 = tpu.memref_slice %arg3[%dma_start3A_1841, %multiple_of3A_1836] : memref<16x1000000xf32, #tpu.memory_space<hbm>> -> memref<16x128xf32, #tpu.memory_space<hbm>>
      %dma_start3A_1843 = arith.constant 0 : i32
      %dma_start3A_1844 = tpu.memref_slice %arg6[%add3A_1838, %dma_start3A_1843] : memref<768x128xf32, #tpu.memory_space<vmem>> -> memref<16x128xf32, #tpu.memory_space<vmem>>
      %dma_start3A_1845 = arith.constant 0 : i32
      %dma_start3A_1846 = tpu.memref_slice %arg3[%dma_start3A_1845, %multiple_of3A_1836] : memref<16x1000000xf32, #tpu.memory_space<hbm>> -> memref<16x128xf32, #tpu.memory_space<hbm>>
      tpu.enqueue_dma source(%dma_start3A_1846 : memref<16x128xf32, #tpu.memory_space<hbm>>) target(%dma_start3A_1844 : memref<16x128xf32, #tpu.memory_space<vmem>>) target_semaphore(%arg9 : memref<!tpu.dma_semaphore, #tpu.memory_space<semaphore_mem>>)
      %slice3A_1847 = vector.extract_strided_slice %get3A_1714 {offsets = [6], sizes = [1], strides = [1]} : vector<16xi32> to vector<1xi32>
      %squeeze3A_1848 = vector.extract %slice3A_1847[0] : i32 from vector<1xi32>
      %shift_right_logical3A_1849 = arith.constant 7 : i32
      %shift_right_logical3A_1850 = arith.shrui %squeeze3A_1848, %shift_right_logical3A_1849 : i32
      %shift_left3A_1851 = arith.constant 7 : i32
      %shift_left3A_1852 = arith.shli %shift_right_logical3A_1850, %shift_left3A_1851 : i32
      %min3A_1853 = arith.constant 999808 : i32
      %min3A_1854 = arith.minsi %shift_left3A_1852, %min3A_1853 : i32
      %multiple_of3A_1855 = tpu.assume_multiple %min3A_1854, 128 : i32
      %add3A_1856 = arith.constant 96 : i32
      %add3A_1857 = arith.addi %mul3A_1732, %add3A_1856 : i32
      %dma_start3A_1858 = arith.constant 0 : i32
      %dma_start3A_1859 = tpu.memref_slice %arg6[%add3A_1857, %dma_start3A_1858] : memref<768x128xf32, #tpu.memory_space<vmem>> -> memref<16x128xf32, #tpu.memory_space<vmem>>
      %dma_start3A_1860 = arith.constant 0 : i32
      %dma_start3A_1861 = tpu.memref_slice %arg3[%dma_start3A_1860, %multiple_of3A_1855] : memref<16x1000000xf32, #tpu.memory_space<hbm>> -> memref<16x128xf32, #tpu.memory_space<hbm>>
      %dma_start3A_1862 = arith.constant 0 : i32
      %dma_start3A_1863 = tpu.memref_slice %arg6[%add3A_1857, %dma_start3A_1862] : memref<768x128xf32, #tpu.memory_space<vmem>> -> memref<16x128xf32, #tpu.memory_space<vmem>>
      %dma_start3A_1864 = arith.constant 0 : i32
      %dma_start3A_1865 = tpu.memref_slice %arg3[%dma_start3A_1864, %multiple_of3A_1855] : memref<16x1000000xf32, #tpu.memory_space<hbm>> -> memref<16x128xf32, #tpu.memory_space<hbm>>
      tpu.enqueue_dma source(%dma_start3A_1865 : memref<16x128xf32, #tpu.memory_space<hbm>>) target(%dma_start3A_1863 : memref<16x128xf32, #tpu.memory_space<vmem>>) target_semaphore(%arg9 : memref<!tpu.dma_semaphore, #tpu.memory_space<semaphore_mem>>)
      %slice3A_1866 = vector.extract_strided_slice %get3A_1714 {offsets = [7], sizes = [1], strides = [1]} : vector<16xi32> to vector<1xi32>
      %squeeze3A_1867 = vector.extract %slice3A_1866[0] : i32 from vector<1xi32>
      %shift_right_logical3A_1868 = arith.constant 7 : i32
      %shift_right_logical3A_1869 = arith.shrui %squeeze3A_1867, %shift_right_logical3A_1868 : i32
      %shift_left3A_1870 = arith.constant 7 : i32
      %shift_left3A_1871 = arith.shli %shift_right_logical3A_1869, %shift_left3A_1870 : i32
      %min3A_1872 = arith.constant 999808 : i32
      %min3A_1873 = arith.minsi %shift_left3A_1871, %min3A_1872 : i32
      %multiple_of3A_1874 = tpu.assume_multiple %min3A_1873, 128 : i32
      %add3A_1875 = arith.constant 112 : i32
      %add3A_1876 = arith.addi %mul3A_1732, %add3A_1875 : i32
      %dma_start3A_1877 = arith.constant 0 : i32
      %dma_start3A_1878 = tpu.memref_slice %arg6[%add3A_1876, %dma_start3A_1877] : memref<768x128xf32, #tpu.memory_space<vmem>> -> memref<16x128xf32, #tpu.memory_space<vmem>>
      %dma_start3A_1879 = arith.constant 0 : i32
      %dma_start3A_1880 = tpu.memref_slice %arg3[%dma_start3A_1879, %multiple_of3A_1874] : memref<16x1000000xf32, #tpu.memory_space<hbm>> -> memref<16x128xf32, #tpu.memory_space<hbm>>
      %dma_start3A_1881 = arith.constant 0 : i32
      %dma_start3A_1882 = tpu.memref_slice %arg6[%add3A_1876, %dma_start3A_1881] : memref<768x128xf32, #tpu.memory_space<vmem>> -> memref<16x128xf32, #tpu.memory_space<vmem>>
      %dma_start3A_1883 = arith.constant 0 : i32
      %dma_start3A_1884 = tpu.memref_slice %arg3[%dma_start3A_1883, %multiple_of3A_1874] : memref<16x1000000xf32, #tpu.memory_space<hbm>> -> memref<16x128xf32, #tpu.memory_space<hbm>>
      tpu.enqueue_dma source(%dma_start3A_1884 : memref<16x128xf32, #tpu.memory_space<hbm>>) target(%dma_start3A_1882 : memref<16x128xf32, #tpu.memory_space<vmem>>) target_semaphore(%arg9 : memref<!tpu.dma_semaphore, #tpu.memory_space<semaphore_mem>>)
      %slice3A_1885 = vector.extract_strided_slice %get3A_1714 {offsets = [8], sizes = [1], strides = [1]} : vector<16xi32> to vector<1xi32>
      %squeeze3A_1886 = vector.extract %slice3A_1885[0] : i32 from vector<1xi32>
      %shift_right_logical3A_1887 = arith.constant 7 : i32
      %shift_right_logical3A_1888 = arith.shrui %squeeze3A_1886, %shift_right_logical3A_1887 : i32
      %shift_left3A_1889 = arith.constant 7 : i32
      %shift_left3A_1890 = arith.shli %shift_right_logical3A_1888, %shift_left3A_1889 : i32
      %min3A_1891 = arith.constant 999808 : i32
      %min3A_1892 = arith.minsi %shift_left3A_1890, %min3A_1891 : i32
      %multiple_of3A_1893 = tpu.assume_multiple %min3A_1892, 128 : i32
      %add3A_1894 = arith.constant 128 : i32
      %add3A_1895 = arith.addi %mul3A_1732, %add3A_1894 : i32
      %dma_start3A_1896 = arith.constant 0 : i32
      %dma_start3A_1897 = tpu.memref_slice %arg6[%add3A_1895, %dma_start3A_1896] : memref<768x128xf32, #tpu.memory_space<vmem>> -> memref<16x128xf32, #tpu.memory_space<vmem>>
      %dma_start3A_1898 = arith.constant 0 : i32
      %dma_start3A_1899 = tpu.memref_slice %arg3[%dma_start3A_1898, %multiple_of3A_1893] : memref<16x1000000xf32, #tpu.memory_space<hbm>> -> memref<16x128xf32, #tpu.memory_space<hbm>>
      %dma_start3A_1900 = arith.constant 0 : i32
      %dma_start3A_1901 = tpu.memref_slice %arg6[%add3A_1895, %dma_start3A_1900] : memref<768x128xf32, #tpu.memory_space<vmem>> -> memref<16x128xf32, #tpu.memory_space<vmem>>
      %dma_start3A_1902 = arith.constant 0 : i32
      %dma_start3A_1903 = tpu.memref_slice %arg3[%dma_start3A_1902, %multiple_of3A_1893] : memref<16x1000000xf32, #tpu.memory_space<hbm>> -> memref<16x128xf32, #tpu.memory_space<hbm>>
      tpu.enqueue_dma source(%dma_start3A_1903 : memref<16x128xf32, #tpu.memory_space<hbm>>) target(%dma_start3A_1901 : memref<16x128xf32, #tpu.memory_space<vmem>>) target_semaphore(%arg9 : memref<!tpu.dma_semaphore, #tpu.memory_space<semaphore_mem>>)
      %slice3A_1904 = vector.extract_strided_slice %get3A_1714 {offsets = [9], sizes = [1], strides = [1]} : vector<16xi32> to vector<1xi32>
      %squeeze3A_1905 = vector.extract %slice3A_1904[0] : i32 from vector<1xi32>
      %shift_right_logical3A_1906 = arith.constant 7 : i32
      %shift_right_logical3A_1907 = arith.shrui %squeeze3A_1905, %shift_right_logical3A_1906 : i32
      %shift_left3A_1908 = arith.constant 7 : i32
      %shift_left3A_1909 = arith.shli %shift_right_logical3A_1907, %shift_left3A_1908 : i32
      %min3A_1910 = arith.constant 999808 : i32
      %min3A_1911 = arith.minsi %shift_left3A_1909, %min3A_1910 : i32
      %multiple_of3A_1912 = tpu.assume_multiple %min3A_1911, 128 : i32
      %add3A_1913 = arith.constant 144 : i32
      %add3A_1914 = arith.addi %mul3A_1732, %add3A_1913 : i32
      %dma_start3A_1915 = arith.constant 0 : i32
      %dma_start3A_1916 = tpu.memref_slice %arg6[%add3A_1914, %dma_start3A_1915] : memref<768x128xf32, #tpu.memory_space<vmem>> -> memref<16x128xf32, #tpu.memory_space<vmem>>
      %dma_start3A_1917 = arith.constant 0 : i32
      %dma_start3A_1918 = tpu.memref_slice %arg3[%dma_start3A_1917, %multiple_of3A_1912] : memref<16x1000000xf32, #tpu.memory_space<hbm>> -> memref<16x128xf32, #tpu.memory_space<hbm>>
      %dma_start3A_1919 = arith.constant 0 : i32
      %dma_start3A_1920 = tpu.memref_slice %arg6[%add3A_1914, %dma_start3A_1919] : memref<768x128xf32, #tpu.memory_space<vmem>> -> memref<16x128xf32, #tpu.memory_space<vmem>>
      %dma_start3A_1921 = arith.constant 0 : i32
      %dma_start3A_1922 = tpu.memref_slice %arg3[%dma_start3A_1921, %multiple_of3A_1912] : memref<16x1000000xf32, #tpu.memory_space<hbm>> -> memref<16x128xf32, #tpu.memory_space<hbm>>
      tpu.enqueue_dma source(%dma_start3A_1922 : memref<16x128xf32, #tpu.memory_space<hbm>>) target(%dma_start3A_1920 : memref<16x128xf32, #tpu.memory_space<vmem>>) target_semaphore(%arg9 : memref<!tpu.dma_semaphore, #tpu.memory_space<semaphore_mem>>)
      %slice3A_1923 = vector.extract_strided_slice %get3A_1714 {offsets = [10], sizes = [1], strides = [1]} : vector<16xi32> to vector<1xi32>
      %squeeze3A_1924 = vector.extract %slice3A_1923[0] : i32 from vector<1xi32>
      %shift_right_logical3A_1925 = arith.constant 7 : i32
      %shift_right_logical3A_1926 = arith.shrui %squeeze3A_1924, %shift_right_logical3A_1925 : i32
      %shift_left3A_1927 = arith.constant 7 : i32
      %shift_left3A_1928 = arith.shli %shift_right_logical3A_1926, %shift_left3A_1927 : i32
      %min3A_1929 = arith.constant 999808 : i32
      %min3A_1930 = arith.minsi %shift_left3A_1928, %min3A_1929 : i32
      %multiple_of3A_1931 = tpu.assume_multiple %min3A_1930, 128 : i32
      %add3A_1932 = arith.constant 160 : i32
      %add3A_1933 = arith.addi %mul3A_1732, %add3A_1932 : i32
      %dma_start3A_1934 = arith.constant 0 : i32
      %dma_start3A_1935 = tpu.memref_slice %arg6[%add3A_1933, %dma_start3A_1934] : memref<768x128xf32, #tpu.memory_space<vmem>> -> memref<16x128xf32, #tpu.memory_space<vmem>>
      %dma_start3A_1936 = arith.constant 0 : i32
      %dma_start3A_1937 = tpu.memref_slice %arg3[%dma_start3A_1936, %multiple_of3A_1931] : memref<16x1000000xf32, #tpu.memory_space<hbm>> -> memref<16x128xf32, #tpu.memory_space<hbm>>
      %dma_start3A_1938 = arith.constant 0 : i32
      %dma_start3A_1939 = tpu.memref_slice %arg6[%add3A_1933, %dma_start3A_1938] : memref<768x128xf32, #tpu.memory_space<vmem>> -> memref<16x128xf32, #tpu.memory_space<vmem>>
      %dma_start3A_1940 = arith.constant 0 : i32
      %dma_start3A_1941 = tpu.memref_slice %arg3[%dma_start3A_1940, %multiple_of3A_1931] : memref<16x1000000xf32, #tpu.memory_space<hbm>> -> memref<16x128xf32, #tpu.memory_space<hbm>>
      tpu.enqueue_dma source(%dma_start3A_1941 : memref<16x128xf32, #tpu.memory_space<hbm>>) target(%dma_start3A_1939 : memref<16x128xf32, #tpu.memory_space<vmem>>) target_semaphore(%arg9 : memref<!tpu.dma_semaphore, #tpu.memory_space<semaphore_mem>>)
      %slice3A_1942 = vector.extract_strided_slice %get3A_1714 {offsets = [11], sizes = [1], strides = [1]} : vector<16xi32> to vector<1xi32>
      %squeeze3A_1943 = vector.extract %slice3A_1942[0] : i32 from vector<1xi32>
      %shift_right_logical3A_1944 = arith.constant 7 : i32
      %shift_right_logical3A_1945 = arith.shrui %squeeze3A_1943, %shift_right_logical3A_1944 : i32
      %shift_left3A_1946 = arith.constant 7 : i32
      %shift_left3A_1947 = arith.shli %shift_right_logical3A_1945, %shift_left3A_1946 : i32
      %min3A_1948 = arith.constant 999808 : i32
      %min3A_1949 = arith.minsi %shift_left3A_1947, %min3A_1948 : i32
      %multiple_of3A_1950 = tpu.assume_multiple %min3A_1949, 128 : i32
      %add3A_1951 = arith.constant 176 : i32
      %add3A_1952 = arith.addi %mul3A_1732, %add3A_1951 : i32
      %dma_start3A_1953 = arith.constant 0 : i32
      %dma_start3A_1954 = tpu.memref_slice %arg6[%add3A_1952, %dma_start3A_1953] : memref<768x128xf32, #tpu.memory_space<vmem>> -> memref<16x128xf32, #tpu.memory_space<vmem>>
      %dma_start3A_1955 = arith.constant 0 : i32
      %dma_start3A_1956 = tpu.memref_slice %arg3[%dma_start3A_1955, %multiple_of3A_1950] : memref<16x1000000xf32, #tpu.memory_space<hbm>> -> memref<16x128xf32, #tpu.memory_space<hbm>>
      %dma_start3A_1957 = arith.constant 0 : i32
      %dma_start3A_1958 = tpu.memref_slice %arg6[%add3A_1952, %dma_start3A_1957] : memref<768x128xf32, #tpu.memory_space<vmem>> -> memref<16x128xf32, #tpu.memory_space<vmem>>
      %dma_start3A_1959 = arith.constant 0 : i32
      %dma_start3A_1960 = tpu.memref_slice %arg3[%dma_start3A_1959, %multiple_of3A_1950] : memref<16x1000000xf32, #tpu.memory_space<hbm>> -> memref<16x128xf32, #tpu.memory_space<hbm>>
      tpu.enqueue_dma source(%dma_start3A_1960 : memref<16x128xf32, #tpu.memory_space<hbm>>) target(%dma_start3A_1958 : memref<16x128xf32, #tpu.memory_space<vmem>>) target_semaphore(%arg9 : memref<!tpu.dma_semaphore, #tpu.memory_space<semaphore_mem>>)
      %slice3A_1961 = vector.extract_strided_slice %get3A_1714 {offsets = [12], sizes = [1], strides = [1]} : vector<16xi32> to vector<1xi32>
      %squeeze3A_1962 = vector.extract %slice3A_1961[0] : i32 from vector<1xi32>
      %shift_right_logical3A_1963 = arith.constant 7 : i32
      %shift_right_logical3A_1964 = arith.shrui %squeeze3A_1962, %shift_right_logical3A_1963 : i32
      %shift_left3A_1965 = arith.constant 7 : i32
      %shift_left3A_1966 = arith.shli %shift_right_logical3A_1964, %shift_left3A_1965 : i32
      %min3A_1967 = arith.constant 999808 : i32
      %min3A_1968 = arith.minsi %shift_left3A_1966, %min3A_1967 : i32
      %multiple_of3A_1969 = tpu.assume_multiple %min3A_1968, 128 : i32
      %add3A_1970 = arith.constant 192 : i32
      %add3A_1971 = arith.addi %mul3A_1732, %add3A_1970 : i32
      %dma_start3A_1972 = arith.constant 0 : i32
      %dma_start3A_1973 = tpu.memref_slice %arg6[%add3A_1971, %dma_start3A_1972] : memref<768x128xf32, #tpu.memory_space<vmem>> -> memref<16x128xf32, #tpu.memory_space<vmem>>
      %dma_start3A_1974 = arith.constant 0 : i32
      %dma_start3A_1975 = tpu.memref_slice %arg3[%dma_start3A_1974, %multiple_of3A_1969] : memref<16x1000000xf32, #tpu.memory_space<hbm>> -> memref<16x128xf32, #tpu.memory_space<hbm>>
      %dma_start3A_1976 = arith.constant 0 : i32
      %dma_start3A_1977 = tpu.memref_slice %arg6[%add3A_1971, %dma_start3A_1976] : memref<768x128xf32, #tpu.memory_space<vmem>> -> memref<16x128xf32, #tpu.memory_space<vmem>>
      %dma_start3A_1978 = arith.constant 0 : i32
      %dma_start3A_1979 = tpu.memref_slice %arg3[%dma_start3A_1978, %multiple_of3A_1969] : memref<16x1000000xf32, #tpu.memory_space<hbm>> -> memref<16x128xf32, #tpu.memory_space<hbm>>
      tpu.enqueue_dma source(%dma_start3A_1979 : memref<16x128xf32, #tpu.memory_space<hbm>>) target(%dma_start3A_1977 : memref<16x128xf32, #tpu.memory_space<vmem>>) target_semaphore(%arg9 : memref<!tpu.dma_semaphore, #tpu.memory_space<semaphore_mem>>)
      %slice3A_1980 = vector.extract_strided_slice %get3A_1714 {offsets = [13], sizes = [1], strides = [1]} : vector<16xi32> to vector<1xi32>
      %squeeze3A_1981 = vector.extract %slice3A_1980[0] : i32 from vector<1xi32>
      %shift_right_logical3A_1982 = arith.constant 7 : i32
      %shift_right_logical3A_1983 = arith.shrui %squeeze3A_1981, %shift_right_logical3A_1982 : i32
      %shift_left3A_1984 = arith.constant 7 : i32
      %shift_left3A_1985 = arith.shli %shift_right_logical3A_1983, %shift_left3A_1984 : i32
      %min3A_1986 = arith.constant 999808 : i32
      %min3A_1987 = arith.minsi %shift_left3A_1985, %min3A_1986 : i32
      %multiple_of3A_1988 = tpu.assume_multiple %min3A_1987, 128 : i32
      %add3A_1989 = arith.constant 208 : i32
      %add3A_1990 = arith.addi %mul3A_1732, %add3A_1989 : i32
      %dma_start3A_1991 = arith.constant 0 : i32
      %dma_start3A_1992 = tpu.memref_slice %arg6[%add3A_1990, %dma_start3A_1991] : memref<768x128xf32, #tpu.memory_space<vmem>> -> memref<16x128xf32, #tpu.memory_space<vmem>>
      %dma_start3A_1993 = arith.constant 0 : i32
      %dma_start3A_1994 = tpu.memref_slice %arg3[%dma_start3A_1993, %multiple_of3A_1988] : memref<16x1000000xf32, #tpu.memory_space<hbm>> -> memref<16x128xf32, #tpu.memory_space<hbm>>
      %dma_start3A_1995 = arith.constant 0 : i32
      %dma_start3A_1996 = tpu.memref_slice %arg6[%add3A_1990, %dma_start3A_1995] : memref<768x128xf32, #tpu.memory_space<vmem>> -> memref<16x128xf32, #tpu.memory_space<vmem>>
      %dma_start3A_1997 = arith.constant 0 : i32
      %dma_start3A_1998 = tpu.memref_slice %arg3[%dma_start3A_1997, %multiple_of3A_1988] : memref<16x1000000xf32, #tpu.memory_space<hbm>> -> memref<16x128xf32, #tpu.memory_space<hbm>>
      tpu.enqueue_dma source(%dma_start3A_1998 : memref<16x128xf32, #tpu.memory_space<hbm>>) target(%dma_start3A_1996 : memref<16x128xf32, #tpu.memory_space<vmem>>) target_semaphore(%arg9 : memref<!tpu.dma_semaphore, #tpu.memory_space<semaphore_mem>>)
      %slice3A_1999 = vector.extract_strided_slice %get3A_1714 {offsets = [14], sizes = [1], strides = [1]} : vector<16xi32> to vector<1xi32>
      %squeeze3A_2000 = vector.extract %slice3A_1999[0] : i32 from vector<1xi32>
      %shift_right_logical3A_2001 = arith.constant 7 : i32
      %shift_right_logical3A_2002 = arith.shrui %squeeze3A_2000, %shift_right_logical3A_2001 : i32
      %shift_left3A_2003 = arith.constant 7 : i32
      %shift_left3A_2004 = arith.shli %shift_right_logical3A_2002, %shift_left3A_2003 : i32
      %min3A_2005 = arith.constant 999808 : i32
      %min3A_2006 = arith.minsi %shift_left3A_2004, %min3A_2005 : i32
      %multiple_of3A_2007 = tpu.assume_multiple %min3A_2006, 128 : i32
      %add3A_2008 = arith.constant 224 : i32
      %add3A_2009 = arith.addi %mul3A_1732, %add3A_2008 : i32
      %dma_start3A_2010 = arith.constant 0 : i32
      %dma_start3A_2011 = tpu.memref_slice %arg6[%add3A_2009, %dma_start3A_2010] : memref<768x128xf32, #tpu.memory_space<vmem>> -> memref<16x128xf32, #tpu.memory_space<vmem>>
      %dma_start3A_2012 = arith.constant 0 : i32
      %dma_start3A_2013 = tpu.memref_slice %arg3[%dma_start3A_2012, %multiple_of3A_2007] : memref<16x1000000xf32, #tpu.memory_space<hbm>> -> memref<16x128xf32, #tpu.memory_space<hbm>>
      %dma_start3A_2014 = arith.constant 0 : i32
      %dma_start3A_2015 = tpu.memref_slice %arg6[%add3A_2009, %dma_start3A_2014] : memref<768x128xf32, #tpu.memory_space<vmem>> -> memref<16x128xf32, #tpu.memory_space<vmem>>
      %dma_start3A_2016 = arith.constant 0 : i32
      %dma_start3A_2017 = tpu.memref_slice %arg3[%dma_start3A_2016, %multiple_of3A_2007] : memref<16x1000000xf32, #tpu.memory_space<hbm>> -> memref<16x128xf32, #tpu.memory_space<hbm>>
      tpu.enqueue_dma source(%dma_start3A_2017 : memref<16x128xf32, #tpu.memory_space<hbm>>) target(%dma_start3A_2015 : memref<16x128xf32, #tpu.memory_space<vmem>>) target_semaphore(%arg9 : memref<!tpu.dma_semaphore, #tpu.memory_space<semaphore_mem>>)
      %slice3A_2018 = vector.extract_strided_slice %get3A_1714 {offsets = [15], sizes = [1], strides = [1]} : vector<16xi32> to vector<1xi32>
      %squeeze3A_2019 = vector.extract %slice3A_2018[0] : i32 from vector<1xi32>
      %shift_right_logical3A_2020 = arith.constant 7 : i32
      %shift_right_logical3A_2021 = arith.shrui %squeeze3A_2019, %shift_right_logical3A_2020 : i32
      %shift_left3A_2022 = arith.constant 7 : i32
      %shift_left3A_2023 = arith.shli %shift_right_logical3A_2021, %shift_left3A_2022 : i32
      %min3A_2024 = arith.constant 999808 : i32
      %min3A_2025 = arith.minsi %shift_left3A_2023, %min3A_2024 : i32
      %multiple_of3A_2026 = tpu.assume_multiple %min3A_2025, 128 : i32
      %add3A_2027 = arith.constant 240 : i32
      %add3A_2028 = arith.addi %mul3A_1732, %add3A_2027 : i32
      %dma_start3A_2029 = arith.constant 0 : i32
      %dma_start3A_2030 = tpu.memref_slice %arg6[%add3A_2028, %dma_start3A_2029] : memref<768x128xf32, #tpu.memory_space<vmem>> -> memref<16x128xf32, #tpu.memory_space<vmem>>
      %dma_start3A_2031 = arith.constant 0 : i32
      %dma_start3A_2032 = tpu.memref_slice %arg3[%dma_start3A_2031, %multiple_of3A_2026] : memref<16x1000000xf32, #tpu.memory_space<hbm>> -> memref<16x128xf32, #tpu.memory_space<hbm>>
      %dma_start3A_2033 = arith.constant 0 : i32
      %dma_start3A_2034 = tpu.memref_slice %arg6[%add3A_2028, %dma_start3A_2033] : memref<768x128xf32, #tpu.memory_space<vmem>> -> memref<16x128xf32, #tpu.memory_space<vmem>>
      %dma_start3A_2035 = arith.constant 0 : i32
      %dma_start3A_2036 = tpu.memref_slice %arg3[%dma_start3A_2035, %multiple_of3A_2026] : memref<16x1000000xf32, #tpu.memory_space<hbm>> -> memref<16x128xf32, #tpu.memory_space<hbm>>
      tpu.enqueue_dma source(%dma_start3A_2036 : memref<16x128xf32, #tpu.memory_space<hbm>>) target(%dma_start3A_2034 : memref<16x128xf32, #tpu.memory_space<vmem>>) target_semaphore(%arg9 : memref<!tpu.dma_semaphore, #tpu.memory_space<semaphore_mem>>)
      %sub3A_2037 = arith.constant 2 : i32
      %sub3A_2038 = arith.subi %scan3A_1672, %sub3A_2037 : i32
      %jit3A_2039 = arith.constant 3 : i32
      %eq3A_2040 = arith.constant 0 : i32
      %eq3A_2041 = arith.cmpi eq, %jit3A_2039, %eq3A_2040 : i32
      %jit3A_2042 = arith.constant 1 : i32
      %select_n3A_2043 = arith.select %eq3A_2041, %jit3A_2042, %jit3A_2039 : i32
      %rem3A_2044 = arith.remsi %sub3A_2038, %select_n3A_2043 : i32
      %ne3A_2045 = arith.constant 0 : i32
      %ne3A_2046 = arith.cmpi ne, %rem3A_2044, %ne3A_2045 : i32
      %lt3A_2047 = arith.constant 0 : i32
      %lt3A_2048 = arith.cmpi slt, %rem3A_2044, %lt3A_2047 : i32
      %lt3A_2049 = arith.constant 0 : i32
      %lt3A_2050 = arith.cmpi slt, %select_n3A_2043, %lt3A_2049 : i32
      %ne3A_2051 = arith.xori %lt3A_2048, %lt3A_2050 : i1
      %and3A_2052 = arith.andi %ne3A_2051, %ne3A_2046 : i1
      %add3A_2053 = arith.addi %rem3A_2044, %select_n3A_2043 : i32
      %select_n3A_2054 = arith.select %and3A_2052, %add3A_2053, %rem3A_2044 : i32
      %mul3A_2055 = arith.constant 256 : i32
      %mul3A_2056 = arith.muli %select_n3A_2054, %mul3A_2055 : i32
      %add3A_2057 = arith.constant 0 : i32
      %add3A_2058 = arith.addi %mul3A_2056, %add3A_2057 : i32
      %dma_wait3A_2059 = arith.constant 0 : i32
      %dma_wait3A_2060 = tpu.memref_slice %arg6[%add3A_2058, %dma_wait3A_2059] : memref<768x128xf32, #tpu.memory_space<vmem>> -> memref<16x128xf32, #tpu.memory_space<vmem>>
      %dma_wait3A_2061 = arith.constant 0 : i32
      %dma_wait3A_2062 = arith.constant 0 : i32
      %dma_wait3A_2063 = tpu.memref_slice %arg3[%dma_wait3A_2061, %dma_wait3A_2062] : memref<16x1000000xf32, #tpu.memory_space<hbm>> -> memref<16x128xf32, #tpu.memory_space<hbm>>
      %dma_wait3A_2064 = arith.constant 0 : i32
      %dma_wait3A_2065 = tpu.memref_slice %arg6[%add3A_2058, %dma_wait3A_2064] : memref<768x128xf32, #tpu.memory_space<vmem>> -> memref<16x128xf32, #tpu.memory_space<vmem>>
      %dma_wait3A_2066 = arith.constant 0 : i32
      %dma_wait3A_2067 = arith.constant 0 : i32
      %dma_wait3A_2068 = tpu.memref_slice %arg3[%dma_wait3A_2066, %dma_wait3A_2067] : memref<16x1000000xf32, #tpu.memory_space<hbm>> -> memref<16x128xf32, #tpu.memory_space<hbm>>
      tpu.wait_dma2 semaphore(%arg9 : memref<!tpu.dma_semaphore, #tpu.memory_space<semaphore_mem>>) src(%dma_wait3A_2068 : memref<16x128xf32, #tpu.memory_space<hbm>>) dst(%dma_wait3A_2065 : memref<16x128xf32, #tpu.memory_space<vmem>>)
      %add3A_2069 = arith.constant 16 : i32
      %add3A_2070 = arith.addi %mul3A_2056, %add3A_2069 : i32
      %dma_wait3A_2071 = arith.constant 0 : i32
      %dma_wait3A_2072 = tpu.memref_slice %arg6[%add3A_2070, %dma_wait3A_2071] : memref<768x128xf32, #tpu.memory_space<vmem>> -> memref<16x128xf32, #tpu.memory_space<vmem>>
      %dma_wait3A_2073 = arith.constant 0 : i32
      %dma_wait3A_2074 = arith.constant 0 : i32
      %dma_wait3A_2075 = tpu.memref_slice %arg3[%dma_wait3A_2073, %dma_wait3A_2074] : memref<16x1000000xf32, #tpu.memory_space<hbm>> -> memref<16x128xf32, #tpu.memory_space<hbm>>
      %dma_wait3A_2076 = arith.constant 0 : i32
      %dma_wait3A_2077 = tpu.memref_slice %arg6[%add3A_2070, %dma_wait3A_2076] : memref<768x128xf32, #tpu.memory_space<vmem>> -> memref<16x128xf32, #tpu.memory_space<vmem>>
      %dma_wait3A_2078 = arith.constant 0 : i32
      %dma_wait3A_2079 = arith.constant 0 : i32
      %dma_wait3A_2080 = tpu.memref_slice %arg3[%dma_wait3A_2078, %dma_wait3A_2079] : memref<16x1000000xf32, #tpu.memory_space<hbm>> -> memref<16x128xf32, #tpu.memory_space<hbm>>
      tpu.wait_dma2 semaphore(%arg9 : memref<!tpu.dma_semaphore, #tpu.memory_space<semaphore_mem>>) src(%dma_wait3A_2080 : memref<16x128xf32, #tpu.memory_space<hbm>>) dst(%dma_wait3A_2077 : memref<16x128xf32, #tpu.memory_space<vmem>>)
      %add3A_2081 = arith.constant 32 : i32
      %add3A_2082 = arith.addi %mul3A_2056, %add3A_2081 : i32
      %dma_wait3A_2083 = arith.constant 0 : i32
      %dma_wait3A_2084 = tpu.memref_slice %arg6[%add3A_2082, %dma_wait3A_2083] : memref<768x128xf32, #tpu.memory_space<vmem>> -> memref<16x128xf32, #tpu.memory_space<vmem>>
      %dma_wait3A_2085 = arith.constant 0 : i32
      %dma_wait3A_2086 = arith.constant 0 : i32
      %dma_wait3A_2087 = tpu.memref_slice %arg3[%dma_wait3A_2085, %dma_wait3A_2086] : memref<16x1000000xf32, #tpu.memory_space<hbm>> -> memref<16x128xf32, #tpu.memory_space<hbm>>
      %dma_wait3A_2088 = arith.constant 0 : i32
      %dma_wait3A_2089 = tpu.memref_slice %arg6[%add3A_2082, %dma_wait3A_2088] : memref<768x128xf32, #tpu.memory_space<vmem>> -> memref<16x128xf32, #tpu.memory_space<vmem>>
      %dma_wait3A_2090 = arith.constant 0 : i32
      %dma_wait3A_2091 = arith.constant 0 : i32
      %dma_wait3A_2092 = tpu.memref_slice %arg3[%dma_wait3A_2090, %dma_wait3A_2091] : memref<16x1000000xf32, #tpu.memory_space<hbm>> -> memref<16x128xf32, #tpu.memory_space<hbm>>
      tpu.wait_dma2 semaphore(%arg9 : memref<!tpu.dma_semaphore, #tpu.memory_space<semaphore_mem>>) src(%dma_wait3A_2092 : memref<16x128xf32, #tpu.memory_space<hbm>>) dst(%dma_wait3A_2089 : memref<16x128xf32, #tpu.memory_space<vmem>>)
      %add3A_2093 = arith.constant 48 : i32
      %add3A_2094 = arith.addi %mul3A_2056, %add3A_2093 : i32
      %dma_wait3A_2095 = arith.constant 0 : i32
      %dma_wait3A_2096 = tpu.memref_slice %arg6[%add3A_2094, %dma_wait3A_2095] : memref<768x128xf32, #tpu.memory_space<vmem>> -> memref<16x128xf32, #tpu.memory_space<vmem>>
      %dma_wait3A_2097 = arith.constant 0 : i32
      %dma_wait3A_2098 = arith.constant 0 : i32
      %dma_wait3A_2099 = tpu.memref_slice %arg3[%dma_wait3A_2097, %dma_wait3A_2098] : memref<16x1000000xf32, #tpu.memory_space<hbm>> -> memref<16x128xf32, #tpu.memory_space<hbm>>
      %dma_wait3A_2100 = arith.constant 0 : i32
      %dma_wait3A_2101 = tpu.memref_slice %arg6[%add3A_2094, %dma_wait3A_2100] : memref<768x128xf32, #tpu.memory_space<vmem>> -> memref<16x128xf32, #tpu.memory_space<vmem>>
      %dma_wait3A_2102 = arith.constant 0 : i32
      %dma_wait3A_2103 = arith.constant 0 : i32
      %dma_wait3A_2104 = tpu.memref_slice %arg3[%dma_wait3A_2102, %dma_wait3A_2103] : memref<16x1000000xf32, #tpu.memory_space<hbm>> -> memref<16x128xf32, #tpu.memory_space<hbm>>
      tpu.wait_dma2 semaphore(%arg9 : memref<!tpu.dma_semaphore, #tpu.memory_space<semaphore_mem>>) src(%dma_wait3A_2104 : memref<16x128xf32, #tpu.memory_space<hbm>>) dst(%dma_wait3A_2101 : memref<16x128xf32, #tpu.memory_space<vmem>>)
      %add3A_2105 = arith.constant 64 : i32
      %add3A_2106 = arith.addi %mul3A_2056, %add3A_2105 : i32
      %dma_wait3A_2107 = arith.constant 0 : i32
      %dma_wait3A_2108 = tpu.memref_slice %arg6[%add3A_2106, %dma_wait3A_2107] : memref<768x128xf32, #tpu.memory_space<vmem>> -> memref<16x128xf32, #tpu.memory_space<vmem>>
      %dma_wait3A_2109 = arith.constant 0 : i32
      %dma_wait3A_2110 = arith.constant 0 : i32
      %dma_wait3A_2111 = tpu.memref_slice %arg3[%dma_wait3A_2109, %dma_wait3A_2110] : memref<16x1000000xf32, #tpu.memory_space<hbm>> -> memref<16x128xf32, #tpu.memory_space<hbm>>
      %dma_wait3A_2112 = arith.constant 0 : i32
      %dma_wait3A_2113 = tpu.memref_slice %arg6[%add3A_2106, %dma_wait3A_2112] : memref<768x128xf32, #tpu.memory_space<vmem>> -> memref<16x128xf32, #tpu.memory_space<vmem>>
      %dma_wait3A_2114 = arith.constant 0 : i32
      %dma_wait3A_2115 = arith.constant 0 : i32
      %dma_wait3A_2116 = tpu.memref_slice %arg3[%dma_wait3A_2114, %dma_wait3A_2115] : memref<16x1000000xf32, #tpu.memory_space<hbm>> -> memref<16x128xf32, #tpu.memory_space<hbm>>
      tpu.wait_dma2 semaphore(%arg9 : memref<!tpu.dma_semaphore, #tpu.memory_space<semaphore_mem>>) src(%dma_wait3A_2116 : memref<16x128xf32, #tpu.memory_space<hbm>>) dst(%dma_wait3A_2113 : memref<16x128xf32, #tpu.memory_space<vmem>>)
      %add3A_2117 = arith.constant 80 : i32
      %add3A_2118 = arith.addi %mul3A_2056, %add3A_2117 : i32
      %dma_wait3A_2119 = arith.constant 0 : i32
      %dma_wait3A_2120 = tpu.memref_slice %arg6[%add3A_2118, %dma_wait3A_2119] : memref<768x128xf32, #tpu.memory_space<vmem>> -> memref<16x128xf32, #tpu.memory_space<vmem>>
      %dma_wait3A_2121 = arith.constant 0 : i32
      %dma_wait3A_2122 = arith.constant 0 : i32
      %dma_wait3A_2123 = tpu.memref_slice %arg3[%dma_wait3A_2121, %dma_wait3A_2122] : memref<16x1000000xf32, #tpu.memory_space<hbm>> -> memref<16x128xf32, #tpu.memory_space<hbm>>
      %dma_wait3A_2124 = arith.constant 0 : i32
      %dma_wait3A_2125 = tpu.memref_slice %arg6[%add3A_2118, %dma_wait3A_2124] : memref<768x128xf32, #tpu.memory_space<vmem>> -> memref<16x128xf32, #tpu.memory_space<vmem>>
      %dma_wait3A_2126 = arith.constant 0 : i32
      %dma_wait3A_2127 = arith.constant 0 : i32
      %dma_wait3A_2128 = tpu.memref_slice %arg3[%dma_wait3A_2126, %dma_wait3A_2127] : memref<16x1000000xf32, #tpu.memory_space<hbm>> -> memref<16x128xf32, #tpu.memory_space<hbm>>
      tpu.wait_dma2 semaphore(%arg9 : memref<!tpu.dma_semaphore, #tpu.memory_space<semaphore_mem>>) src(%dma_wait3A_2128 : memref<16x128xf32, #tpu.memory_space<hbm>>) dst(%dma_wait3A_2125 : memref<16x128xf32, #tpu.memory_space<vmem>>)
      %add3A_2129 = arith.constant 96 : i32
      %add3A_2130 = arith.addi %mul3A_2056, %add3A_2129 : i32
      %dma_wait3A_2131 = arith.constant 0 : i32
      %dma_wait3A_2132 = tpu.memref_slice %arg6[%add3A_2130, %dma_wait3A_2131] : memref<768x128xf32, #tpu.memory_space<vmem>> -> memref<16x128xf32, #tpu.memory_space<vmem>>
      %dma_wait3A_2133 = arith.constant 0 : i32
      %dma_wait3A_2134 = arith.constant 0 : i32
      %dma_wait3A_2135 = tpu.memref_slice %arg3[%dma_wait3A_2133, %dma_wait3A_2134] : memref<16x1000000xf32, #tpu.memory_space<hbm>> -> memref<16x128xf32, #tpu.memory_space<hbm>>
      %dma_wait3A_2136 = arith.constant 0 : i32
      %dma_wait3A_2137 = tpu.memref_slice %arg6[%add3A_2130, %dma_wait3A_2136] : memref<768x128xf32, #tpu.memory_space<vmem>> -> memref<16x128xf32, #tpu.memory_space<vmem>>
      %dma_wait3A_2138 = arith.constant 0 : i32
      %dma_wait3A_2139 = arith.constant 0 : i32
      %dma_wait3A_2140 = tpu.memref_slice %arg3[%dma_wait3A_2138, %dma_wait3A_2139] : memref<16x1000000xf32, #tpu.memory_space<hbm>> -> memref<16x128xf32, #tpu.memory_space<hbm>>
      tpu.wait_dma2 semaphore(%arg9 : memref<!tpu.dma_semaphore, #tpu.memory_space<semaphore_mem>>) src(%dma_wait3A_2140 : memref<16x128xf32, #tpu.memory_space<hbm>>) dst(%dma_wait3A_2137 : memref<16x128xf32, #tpu.memory_space<vmem>>)
      %add3A_2141 = arith.constant 112 : i32
      %add3A_2142 = arith.addi %mul3A_2056, %add3A_2141 : i32
      %dma_wait3A_2143 = arith.constant 0 : i32
      %dma_wait3A_2144 = tpu.memref_slice %arg6[%add3A_2142, %dma_wait3A_2143] : memref<768x128xf32, #tpu.memory_space<vmem>> -> memref<16x128xf32, #tpu.memory_space<vmem>>
      %dma_wait3A_2145 = arith.constant 0 : i32
      %dma_wait3A_2146 = arith.constant 0 : i32
      %dma_wait3A_2147 = tpu.memref_slice %arg3[%dma_wait3A_2145, %dma_wait3A_2146] : memref<16x1000000xf32, #tpu.memory_space<hbm>> -> memref<16x128xf32, #tpu.memory_space<hbm>>
      %dma_wait3A_2148 = arith.constant 0 : i32
      %dma_wait3A_2149 = tpu.memref_slice %arg6[%add3A_2142, %dma_wait3A_2148] : memref<768x128xf32, #tpu.memory_space<vmem>> -> memref<16x128xf32, #tpu.memory_space<vmem>>
      %dma_wait3A_2150 = arith.constant 0 : i32
      %dma_wait3A_2151 = arith.constant 0 : i32
      %dma_wait3A_2152 = tpu.memref_slice %arg3[%dma_wait3A_2150, %dma_wait3A_2151] : memref<16x1000000xf32, #tpu.memory_space<hbm>> -> memref<16x128xf32, #tpu.memory_space<hbm>>
      tpu.wait_dma2 semaphore(%arg9 : memref<!tpu.dma_semaphore, #tpu.memory_space<semaphore_mem>>) src(%dma_wait3A_2152 : memref<16x128xf32, #tpu.memory_space<hbm>>) dst(%dma_wait3A_2149 : memref<16x128xf32, #tpu.memory_space<vmem>>)
      %add3A_2153 = arith.constant 128 : i32
      %add3A_2154 = arith.addi %mul3A_2056, %add3A_2153 : i32
      %dma_wait3A_2155 = arith.constant 0 : i32
      %dma_wait3A_2156 = tpu.memref_slice %arg6[%add3A_2154, %dma_wait3A_2155] : memref<768x128xf32, #tpu.memory_space<vmem>> -> memref<16x128xf32, #tpu.memory_space<vmem>>
      %dma_wait3A_2157 = arith.constant 0 : i32
      %dma_wait3A_2158 = arith.constant 0 : i32
      %dma_wait3A_2159 = tpu.memref_slice %arg3[%dma_wait3A_2157, %dma_wait3A_2158] : memref<16x1000000xf32, #tpu.memory_space<hbm>> -> memref<16x128xf32, #tpu.memory_space<hbm>>
      %dma_wait3A_2160 = arith.constant 0 : i32
      %dma_wait3A_2161 = tpu.memref_slice %arg6[%add3A_2154, %dma_wait3A_2160] : memref<768x128xf32, #tpu.memory_space<vmem>> -> memref<16x128xf32, #tpu.memory_space<vmem>>
      %dma_wait3A_2162 = arith.constant 0 : i32
      %dma_wait3A_2163 = arith.constant 0 : i32
      %dma_wait3A_2164 = tpu.memref_slice %arg3[%dma_wait3A_2162, %dma_wait3A_2163] : memref<16x1000000xf32, #tpu.memory_space<hbm>> -> memref<16x128xf32, #tpu.memory_space<hbm>>
      tpu.wait_dma2 semaphore(%arg9 : memref<!tpu.dma_semaphore, #tpu.memory_space<semaphore_mem>>) src(%dma_wait3A_2164 : memref<16x128xf32, #tpu.memory_space<hbm>>) dst(%dma_wait3A_2161 : memref<16x128xf32, #tpu.memory_space<vmem>>)
      %add3A_2165 = arith.constant 144 : i32
      %add3A_2166 = arith.addi %mul3A_2056, %add3A_2165 : i32
      %dma_wait3A_2167 = arith.constant 0 : i32
      %dma_wait3A_2168 = tpu.memref_slice %arg6[%add3A_2166, %dma_wait3A_2167] : memref<768x128xf32, #tpu.memory_space<vmem>> -> memref<16x128xf32, #tpu.memory_space<vmem>>
      %dma_wait3A_2169 = arith.constant 0 : i32
      %dma_wait3A_2170 = arith.constant 0 : i32
      %dma_wait3A_2171 = tpu.memref_slice %arg3[%dma_wait3A_2169, %dma_wait3A_2170] : memref<16x1000000xf32, #tpu.memory_space<hbm>> -> memref<16x128xf32, #tpu.memory_space<hbm>>
      %dma_wait3A_2172 = arith.constant 0 : i32
      %dma_wait3A_2173 = tpu.memref_slice %arg6[%add3A_2166, %dma_wait3A_2172] : memref<768x128xf32, #tpu.memory_space<vmem>> -> memref<16x128xf32, #tpu.memory_space<vmem>>
      %dma_wait3A_2174 = arith.constant 0 : i32
      %dma_wait3A_2175 = arith.constant 0 : i32
      %dma_wait3A_2176 = tpu.memref_slice %arg3[%dma_wait3A_2174, %dma_wait3A_2175] : memref<16x1000000xf32, #tpu.memory_space<hbm>> -> memref<16x128xf32, #tpu.memory_space<hbm>>
      tpu.wait_dma2 semaphore(%arg9 : memref<!tpu.dma_semaphore, #tpu.memory_space<semaphore_mem>>) src(%dma_wait3A_2176 : memref<16x128xf32, #tpu.memory_space<hbm>>) dst(%dma_wait3A_2173 : memref<16x128xf32, #tpu.memory_space<vmem>>)
      %add3A_2177 = arith.constant 160 : i32
      %add3A_2178 = arith.addi %mul3A_2056, %add3A_2177 : i32
      %dma_wait3A_2179 = arith.constant 0 : i32
      %dma_wait3A_2180 = tpu.memref_slice %arg6[%add3A_2178, %dma_wait3A_2179] : memref<768x128xf32, #tpu.memory_space<vmem>> -> memref<16x128xf32, #tpu.memory_space<vmem>>
      %dma_wait3A_2181 = arith.constant 0 : i32
      %dma_wait3A_2182 = arith.constant 0 : i32
      %dma_wait3A_2183 = tpu.memref_slice %arg3[%dma_wait3A_2181, %dma_wait3A_2182] : memref<16x1000000xf32, #tpu.memory_space<hbm>> -> memref<16x128xf32, #tpu.memory_space<hbm>>
      %dma_wait3A_2184 = arith.constant 0 : i32
      %dma_wait3A_2185 = tpu.memref_slice %arg6[%add3A_2178, %dma_wait3A_2184] : memref<768x128xf32, #tpu.memory_space<vmem>> -> memref<16x128xf32, #tpu.memory_space<vmem>>
      %dma_wait3A_2186 = arith.constant 0 : i32
      %dma_wait3A_2187 = arith.constant 0 : i32
      %dma_wait3A_2188 = tpu.memref_slice %arg3[%dma_wait3A_2186, %dma_wait3A_2187] : memref<16x1000000xf32, #tpu.memory_space<hbm>> -> memref<16x128xf32, #tpu.memory_space<hbm>>
      tpu.wait_dma2 semaphore(%arg9 : memref<!tpu.dma_semaphore, #tpu.memory_space<semaphore_mem>>) src(%dma_wait3A_2188 : memref<16x128xf32, #tpu.memory_space<hbm>>) dst(%dma_wait3A_2185 : memref<16x128xf32, #tpu.memory_space<vmem>>)
      %add3A_2189 = arith.constant 176 : i32
      %add3A_2190 = arith.addi %mul3A_2056, %add3A_2189 : i32
      %dma_wait3A_2191 = arith.constant 0 : i32
      %dma_wait3A_2192 = tpu.memref_slice %arg6[%add3A_2190, %dma_wait3A_2191] : memref<768x128xf32, #tpu.memory_space<vmem>> -> memref<16x128xf32, #tpu.memory_space<vmem>>
      %dma_wait3A_2193 = arith.constant 0 : i32
      %dma_wait3A_2194 = arith.constant 0 : i32
      %dma_wait3A_2195 = tpu.memref_slice %arg3[%dma_wait3A_2193, %dma_wait3A_2194] : memref<16x1000000xf32, #tpu.memory_space<hbm>> -> memref<16x128xf32, #tpu.memory_space<hbm>>
      %dma_wait3A_2196 = arith.constant 0 : i32
      %dma_wait3A_2197 = tpu.memref_slice %arg6[%add3A_2190, %dma_wait3A_2196] : memref<768x128xf32, #tpu.memory_space<vmem>> -> memref<16x128xf32, #tpu.memory_space<vmem>>
      %dma_wait3A_2198 = arith.constant 0 : i32
      %dma_wait3A_2199 = arith.constant 0 : i32
      %dma_wait3A_2200 = tpu.memref_slice %arg3[%dma_wait3A_2198, %dma_wait3A_2199] : memref<16x1000000xf32, #tpu.memory_space<hbm>> -> memref<16x128xf32, #tpu.memory_space<hbm>>
      tpu.wait_dma2 semaphore(%arg9 : memref<!tpu.dma_semaphore, #tpu.memory_space<semaphore_mem>>) src(%dma_wait3A_2200 : memref<16x128xf32, #tpu.memory_space<hbm>>) dst(%dma_wait3A_2197 : memref<16x128xf32, #tpu.memory_space<vmem>>)
      %add3A_2201 = arith.constant 192 : i32
      %add3A_2202 = arith.addi %mul3A_2056, %add3A_2201 : i32
      %dma_wait3A_2203 = arith.constant 0 : i32
      %dma_wait3A_2204 = tpu.memref_slice %arg6[%add3A_2202, %dma_wait3A_2203] : memref<768x128xf32, #tpu.memory_space<vmem>> -> memref<16x128xf32, #tpu.memory_space<vmem>>
      %dma_wait3A_2205 = arith.constant 0 : i32
      %dma_wait3A_2206 = arith.constant 0 : i32
      %dma_wait3A_2207 = tpu.memref_slice %arg3[%dma_wait3A_2205, %dma_wait3A_2206] : memref<16x1000000xf32, #tpu.memory_space<hbm>> -> memref<16x128xf32, #tpu.memory_space<hbm>>
      %dma_wait3A_2208 = arith.constant 0 : i32
      %dma_wait3A_2209 = tpu.memref_slice %arg6[%add3A_2202, %dma_wait3A_2208] : memref<768x128xf32, #tpu.memory_space<vmem>> -> memref<16x128xf32, #tpu.memory_space<vmem>>
      %dma_wait3A_2210 = arith.constant 0 : i32
      %dma_wait3A_2211 = arith.constant 0 : i32
      %dma_wait3A_2212 = tpu.memref_slice %arg3[%dma_wait3A_2210, %dma_wait3A_2211] : memref<16x1000000xf32, #tpu.memory_space<hbm>> -> memref<16x128xf32, #tpu.memory_space<hbm>>
      tpu.wait_dma2 semaphore(%arg9 : memref<!tpu.dma_semaphore, #tpu.memory_space<semaphore_mem>>) src(%dma_wait3A_2212 : memref<16x128xf32, #tpu.memory_space<hbm>>) dst(%dma_wait3A_2209 : memref<16x128xf32, #tpu.memory_space<vmem>>)
      %add3A_2213 = arith.constant 208 : i32
      %add3A_2214 = arith.addi %mul3A_2056, %add3A_2213 : i32
      %dma_wait3A_2215 = arith.constant 0 : i32
      %dma_wait3A_2216 = tpu.memref_slice %arg6[%add3A_2214, %dma_wait3A_2215] : memref<768x128xf32, #tpu.memory_space<vmem>> -> memref<16x128xf32, #tpu.memory_space<vmem>>
      %dma_wait3A_2217 = arith.constant 0 : i32
      %dma_wait3A_2218 = arith.constant 0 : i32
      %dma_wait3A_2219 = tpu.memref_slice %arg3[%dma_wait3A_2217, %dma_wait3A_2218] : memref<16x1000000xf32, #tpu.memory_space<hbm>> -> memref<16x128xf32, #tpu.memory_space<hbm>>
      %dma_wait3A_2220 = arith.constant 0 : i32
      %dma_wait3A_2221 = tpu.memref_slice %arg6[%add3A_2214, %dma_wait3A_2220] : memref<768x128xf32, #tpu.memory_space<vmem>> -> memref<16x128xf32, #tpu.memory_space<vmem>>
      %dma_wait3A_2222 = arith.constant 0 : i32
      %dma_wait3A_2223 = arith.constant 0 : i32
      %dma_wait3A_2224 = tpu.memref_slice %arg3[%dma_wait3A_2222, %dma_wait3A_2223] : memref<16x1000000xf32, #tpu.memory_space<hbm>> -> memref<16x128xf32, #tpu.memory_space<hbm>>
      tpu.wait_dma2 semaphore(%arg9 : memref<!tpu.dma_semaphore, #tpu.memory_space<semaphore_mem>>) src(%dma_wait3A_2224 : memref<16x128xf32, #tpu.memory_space<hbm>>) dst(%dma_wait3A_2221 : memref<16x128xf32, #tpu.memory_space<vmem>>)
      %add3A_2225 = arith.constant 224 : i32
      %add3A_2226 = arith.addi %mul3A_2056, %add3A_2225 : i32
      %dma_wait3A_2227 = arith.constant 0 : i32
      %dma_wait3A_2228 = tpu.memref_slice %arg6[%add3A_2226, %dma_wait3A_2227] : memref<768x128xf32, #tpu.memory_space<vmem>> -> memref<16x128xf32, #tpu.memory_space<vmem>>
      %dma_wait3A_2229 = arith.constant 0 : i32
      %dma_wait3A_2230 = arith.constant 0 : i32
      %dma_wait3A_2231 = tpu.memref_slice %arg3[%dma_wait3A_2229, %dma_wait3A_2230] : memref<16x1000000xf32, #tpu.memory_space<hbm>> -> memref<16x128xf32, #tpu.memory_space<hbm>>
      %dma_wait3A_2232 = arith.constant 0 : i32
      %dma_wait3A_2233 = tpu.memref_slice %arg6[%add3A_2226, %dma_wait3A_2232] : memref<768x128xf32, #tpu.memory_space<vmem>> -> memref<16x128xf32, #tpu.memory_space<vmem>>
      %dma_wait3A_2234 = arith.constant 0 : i32
      %dma_wait3A_2235 = arith.constant 0 : i32
      %dma_wait3A_2236 = tpu.memref_slice %arg3[%dma_wait3A_2234, %dma_wait3A_2235] : memref<16x1000000xf32, #tpu.memory_space<hbm>> -> memref<16x128xf32, #tpu.memory_space<hbm>>
      tpu.wait_dma2 semaphore(%arg9 : memref<!tpu.dma_semaphore, #tpu.memory_space<semaphore_mem>>) src(%dma_wait3A_2236 : memref<16x128xf32, #tpu.memory_space<hbm>>) dst(%dma_wait3A_2233 : memref<16x128xf32, #tpu.memory_space<vmem>>)
      %add3A_2237 = arith.constant 240 : i32
      %add3A_2238 = arith.addi %mul3A_2056, %add3A_2237 : i32
      %dma_wait3A_2239 = arith.constant 0 : i32
      %dma_wait3A_2240 = tpu.memref_slice %arg6[%add3A_2238, %dma_wait3A_2239] : memref<768x128xf32, #tpu.memory_space<vmem>> -> memref<16x128xf32, #tpu.memory_space<vmem>>
      %dma_wait3A_2241 = arith.constant 0 : i32
      %dma_wait3A_2242 = arith.constant 0 : i32
      %dma_wait3A_2243 = tpu.memref_slice %arg3[%dma_wait3A_2241, %dma_wait3A_2242] : memref<16x1000000xf32, #tpu.memory_space<hbm>> -> memref<16x128xf32, #tpu.memory_space<hbm>>
      %dma_wait3A_2244 = arith.constant 0 : i32
      %dma_wait3A_2245 = tpu.memref_slice %arg6[%add3A_2238, %dma_wait3A_2244] : memref<768x128xf32, #tpu.memory_space<vmem>> -> memref<16x128xf32, #tpu.memory_space<vmem>>
      %dma_wait3A_2246 = arith.constant 0 : i32
      %dma_wait3A_2247 = arith.constant 0 : i32
      %dma_wait3A_2248 = tpu.memref_slice %arg3[%dma_wait3A_2246, %dma_wait3A_2247] : memref<16x1000000xf32, #tpu.memory_space<hbm>> -> memref<16x128xf32, #tpu.memory_space<hbm>>
      tpu.wait_dma2 semaphore(%arg9 : memref<!tpu.dma_semaphore, #tpu.memory_space<semaphore_mem>>) src(%dma_wait3A_2248 : memref<16x128xf32, #tpu.memory_space<hbm>>) dst(%dma_wait3A_2245 : memref<16x128xf32, #tpu.memory_space<vmem>>)
      %and3A_2249 = arith.constant 127 : i32
      %and3A_2250 = vector.broadcast %and3A_2249 : i32 to vector<16xi32>
      %and3A_2251 = arith.andi %scan3A_1673, %and3A_2250 : vector<16xi32>
      %sub3A_2252 = arith.constant 999936 : i32
      %sub3A_2253 = vector.broadcast %sub3A_2252 : i32 to vector<16xi32>
      %sub3A_2254 = arith.subi %scan3A_1673, %sub3A_2253 : vector<16xi32>
      %clamp3A_2255 = arith.constant 0 : i32
      %clamp3A_2256 = arith.constant 63 : i32
      %clamp3A_2257 = vector.broadcast %clamp3A_2255 : i32 to vector<16xi32>
      %clamp3A_2258 = arith.maxsi %sub3A_2254, %clamp3A_2257 : vector<16xi32>
      %clamp3A_2259 = vector.broadcast %clamp3A_2256 : i32 to vector<16xi32>
      %clamp3A_2260 = arith.minsi %clamp3A_2258, %clamp3A_2259 : vector<16xi32>
      %ge3A_2261 = arith.constant 999936 : i32
      %ge3A_2262 = vector.broadcast %ge3A_2261 : i32 to vector<16xi32>
      %ge3A_2263 = arith.cmpi sge, %scan3A_1673, %ge3A_2262 : vector<16xi32>
      %jit3A_2264 = arith.constant 1 : i32
      %jit3A_2265 = arith.constant 0 : i32
      %broadcast_in_dim3A_2266 = vector.broadcast %jit3A_2264 : i32 to vector<16xi32>
      %broadcast_in_dim3A_2267 = vector.broadcast %jit3A_2265 : i32 to vector<16xi32>
      %select_n3A_2268 = arith.select %ge3A_2263, %broadcast_in_dim3A_2266, %broadcast_in_dim3A_2267 : vector<16xi1>, vector<16xi32>
      %slice3A_2269 = vector.extract_strided_slice %and3A_2251 {offsets = [0], sizes = [1], strides = [1]} : vector<16xi32> to vector<1xi32>
      %squeeze3A_2270 = vector.extract %slice3A_2269[0] : i32 from vector<1xi32>
      %broadcast_in_dim3A_2271 = vector.broadcast %squeeze3A_2270 : i32 to vector<16xi32>
      %add3A_2272 = arith.constant 0 : i32
      %add3A_2273 = arith.addi %mul3A_2056, %add3A_2272 : i32
      %add3A_2274 = vector.broadcast %add3A_2273 : i32 to vector<16xi32>
      %add3A_2275 = arith.addi %iota3A, %add3A_2274 : vector<16xi32>
      %gather3A_2276 = tpu.vector_load_idx %arg6[%add3A_2275, %broadcast_in_dim3A_2271] : memref<768x128xf32, #tpu.memory_space<vmem>>[vector<16xi32>, vector<16xi32>], vector<16xf32>,
      %slice3A_2277 = vector.extract_strided_slice %clamp3A_2260 {offsets = [0], sizes = [1], strides = [1]} : vector<16xi32> to vector<1xi32>
      %squeeze3A_2278 = vector.extract %slice3A_2277[0] : i32 from vector<1xi32>
      %broadcast_in_dim3A_2279 = vector.broadcast %squeeze3A_2278 : i32 to vector<16xi32>
      %gather3A_2280 = tpu.vector_load_idx %arg7[%iota3A, %broadcast_in_dim3A_2279] : memref<16x64xf32, #tpu.memory_space<vmem>>[vector<16xi32>, vector<16xi32>], vector<16xf32>,
      %slice3A_2281 = vector.extract_strided_slice %select_n3A_2268 {offsets = [0], sizes = [1], strides = [1]} : vector<16xi32> to vector<1xi32>
      %squeeze3A_2282 = vector.extract %slice3A_2281[0] : i32 from vector<1xi32>
      %broadcast_in_dim3A_2283 = vector.broadcast %squeeze3A_2282 : i32 to vector<16xi32>
      %ne3A_2284 = arith.constant 0 : i32
      %ne3A_2285 = vector.broadcast %ne3A_2284 : i32 to vector<16xi32>
      %ne3A_2286 = arith.cmpi ne, %broadcast_in_dim3A_2283, %ne3A_2285 : vector<16xi32>
      %select_n3A_2287 = arith.select %ne3A_2286, %gather3A_2280, %gather3A_2276 : vector<16xi1>, vector<16xf32>
      %mul3A_2288 = arith.constant 16 : i32
      %mul3A_2289 = arith.muli %sub3A_2038, %mul3A_2288 : i32
      %add3A_2290 = arith.constant 0 : i32
      %add3A_2291 = arith.addi %mul3A_2289, %add3A_2290 : i32
      %broadcast_in_dim3A_2292 = vector.broadcast %add3A_2291 : i32 to vector<16xi32>
      tpu.vector_store_idx %arg8[%iota3A, %broadcast_in_dim3A_2292], %select_n3A_2287 : memref<16x512xf32, #tpu.memory_space<vmem>>[vector<16xi32>, vector<16xi32>], vector<16xf32>,
      %slice3A_2293 = vector.extract_strided_slice %and3A_2251 {offsets = [1], sizes = [1], strides = [1]} : vector<16xi32> to vector<1xi32>
      %squeeze3A_2294 = vector.extract %slice3A_2293[0] : i32 from vector<1xi32>
      %broadcast_in_dim3A_2295 = vector.broadcast %squeeze3A_2294 : i32 to vector<16xi32>
      %add3A_2296 = arith.constant 16 : i32
      %add3A_2297 = arith.addi %mul3A_2056, %add3A_2296 : i32
      %add3A_2298 = vector.broadcast %add3A_2297 : i32 to vector<16xi32>
      %add3A_2299 = arith.addi %iota3A, %add3A_2298 : vector<16xi32>
      %gather3A_2300 = tpu.vector_load_idx %arg6[%add3A_2299, %broadcast_in_dim3A_2295] : memref<768x128xf32, #tpu.memory_space<vmem>>[vector<16xi32>, vector<16xi32>], vector<16xf32>,
      %slice3A_2301 = vector.extract_strided_slice %clamp3A_2260 {offsets = [1], sizes = [1], strides = [1]} : vector<16xi32> to vector<1xi32>
      %squeeze3A_2302 = vector.extract %slice3A_2301[0] : i32 from vector<1xi32>
      %broadcast_in_dim3A_2303 = vector.broadcast %squeeze3A_2302 : i32 to vector<16xi32>
      %gather3A_2304 = tpu.vector_load_idx %arg7[%iota3A, %broadcast_in_dim3A_2303] : memref<16x64xf32, #tpu.memory_space<vmem>>[vector<16xi32>, vector<16xi32>], vector<16xf32>,
      %slice3A_2305 = vector.extract_strided_slice %select_n3A_2268 {offsets = [1], sizes = [1], strides = [1]} : vector<16xi32> to vector<1xi32>
      %squeeze3A_2306 = vector.extract %slice3A_2305[0] : i32 from vector<1xi32>
      %broadcast_in_dim3A_2307 = vector.broadcast %squeeze3A_2306 : i32 to vector<16xi32>
      %ne3A_2308 = arith.constant 0 : i32
      %ne3A_2309 = vector.broadcast %ne3A_2308 : i32 to vector<16xi32>
      %ne3A_2310 = arith.cmpi ne, %broadcast_in_dim3A_2307, %ne3A_2309 : vector<16xi32>
      %select_n3A_2311 = arith.select %ne3A_2310, %gather3A_2304, %gather3A_2300 : vector<16xi1>, vector<16xf32>
      %mul3A_2312 = arith.constant 16 : i32
      %mul3A_2313 = arith.muli %sub3A_2038, %mul3A_2312 : i32
      %add3A_2314 = arith.constant 1 : i32
      %add3A_2315 = arith.addi %mul3A_2313, %add3A_2314 : i32
      %broadcast_in_dim3A_2316 = vector.broadcast %add3A_2315 : i32 to vector<16xi32>
      tpu.vector_store_idx %arg8[%iota3A, %broadcast_in_dim3A_2316], %select_n3A_2311 : memref<16x512xf32, #tpu.memory_space<vmem>>[vector<16xi32>, vector<16xi32>], vector<16xf32>,
      %slice3A_2317 = vector.extract_strided_slice %and3A_2251 {offsets = [2], sizes = [1], strides = [1]} : vector<16xi32> to vector<1xi32>
      %squeeze3A_2318 = vector.extract %slice3A_2317[0] : i32 from vector<1xi32>
      %broadcast_in_dim3A_2319 = vector.broadcast %squeeze3A_2318 : i32 to vector<16xi32>
      %add3A_2320 = arith.constant 32 : i32
      %add3A_2321 = arith.addi %mul3A_2056, %add3A_2320 : i32
      %add3A_2322 = vector.broadcast %add3A_2321 : i32 to vector<16xi32>
      %add3A_2323 = arith.addi %iota3A, %add3A_2322 : vector<16xi32>
      %gather3A_2324 = tpu.vector_load_idx %arg6[%add3A_2323, %broadcast_in_dim3A_2319] : memref<768x128xf32, #tpu.memory_space<vmem>>[vector<16xi32>, vector<16xi32>], vector<16xf32>,
      %slice3A_2325 = vector.extract_strided_slice %clamp3A_2260 {offsets = [2], sizes = [1], strides = [1]} : vector<16xi32> to vector<1xi32>
      %squeeze3A_2326 = vector.extract %slice3A_2325[0] : i32 from vector<1xi32>
      %broadcast_in_dim3A_2327 = vector.broadcast %squeeze3A_2326 : i32 to vector<16xi32>
      %gather3A_2328 = tpu.vector_load_idx %arg7[%iota3A, %broadcast_in_dim3A_2327] : memref<16x64xf32, #tpu.memory_space<vmem>>[vector<16xi32>, vector<16xi32>], vector<16xf32>,
      %slice3A_2329 = vector.extract_strided_slice %select_n3A_2268 {offsets = [2], sizes = [1], strides = [1]} : vector<16xi32> to vector<1xi32>
      %squeeze3A_2330 = vector.extract %slice3A_2329[0] : i32 from vector<1xi32>
      %broadcast_in_dim3A_2331 = vector.broadcast %squeeze3A_2330 : i32 to vector<16xi32>
      %ne3A_2332 = arith.constant 0 : i32
      %ne3A_2333 = vector.broadcast %ne3A_2332 : i32 to vector<16xi32>
      %ne3A_2334 = arith.cmpi ne, %broadcast_in_dim3A_2331, %ne3A_2333 : vector<16xi32>
      %select_n3A_2335 = arith.select %ne3A_2334, %gather3A_2328, %gather3A_2324 : vector<16xi1>, vector<16xf32>
      %mul3A_2336 = arith.constant 16 : i32
      %mul3A_2337 = arith.muli %sub3A_2038, %mul3A_2336 : i32
      %add3A_2338 = arith.constant 2 : i32
      %add3A_2339 = arith.addi %mul3A_2337, %add3A_2338 : i32
      %broadcast_in_dim3A_2340 = vector.broadcast %add3A_2339 : i32 to vector<16xi32>
      tpu.vector_store_idx %arg8[%iota3A, %broadcast_in_dim3A_2340], %select_n3A_2335 : memref<16x512xf32, #tpu.memory_space<vmem>>[vector<16xi32>, vector<16xi32>], vector<16xf32>,
      %slice3A_2341 = vector.extract_strided_slice %and3A_2251 {offsets = [3], sizes = [1], strides = [1]} : vector<16xi32> to vector<1xi32>
      %squeeze3A_2342 = vector.extract %slice3A_2341[0] : i32 from vector<1xi32>
      %broadcast_in_dim3A_2343 = vector.broadcast %squeeze3A_2342 : i32 to vector<16xi32>
      %add3A_2344 = arith.constant 48 : i32
      %add3A_2345 = arith.addi %mul3A_2056, %add3A_2344 : i32
      %add3A_2346 = vector.broadcast %add3A_2345 : i32 to vector<16xi32>
      %add3A_2347 = arith.addi %iota3A, %add3A_2346 : vector<16xi32>
      %gather3A_2348 = tpu.vector_load_idx %arg6[%add3A_2347, %broadcast_in_dim3A_2343] : memref<768x128xf32, #tpu.memory_space<vmem>>[vector<16xi32>, vector<16xi32>], vector<16xf32>,
      %slice3A_2349 = vector.extract_strided_slice %clamp3A_2260 {offsets = [3], sizes = [1], strides = [1]} : vector<16xi32> to vector<1xi32>
      %squeeze3A_2350 = vector.extract %slice3A_2349[0] : i32 from vector<1xi32>
      %broadcast_in_dim3A_2351 = vector.broadcast %squeeze3A_2350 : i32 to vector<16xi32>
      %gather3A_2352 = tpu.vector_load_idx %arg7[%iota3A, %broadcast_in_dim3A_2351] : memref<16x64xf32, #tpu.memory_space<vmem>>[vector<16xi32>, vector<16xi32>], vector<16xf32>,
      %slice3A_2353 = vector.extract_strided_slice %select_n3A_2268 {offsets = [3], sizes = [1], strides = [1]} : vector<16xi32> to vector<1xi32>
      %squeeze3A_2354 = vector.extract %slice3A_2353[0] : i32 from vector<1xi32>
      %broadcast_in_dim3A_2355 = vector.broadcast %squeeze3A_2354 : i32 to vector<16xi32>
      %ne3A_2356 = arith.constant 0 : i32
      %ne3A_2357 = vector.broadcast %ne3A_2356 : i32 to vector<16xi32>
      %ne3A_2358 = arith.cmpi ne, %broadcast_in_dim3A_2355, %ne3A_2357 : vector<16xi32>
      %select_n3A_2359 = arith.select %ne3A_2358, %gather3A_2352, %gather3A_2348 : vector<16xi1>, vector<16xf32>
      %mul3A_2360 = arith.constant 16 : i32
      %mul3A_2361 = arith.muli %sub3A_2038, %mul3A_2360 : i32
      %add3A_2362 = arith.constant 3 : i32
      %add3A_2363 = arith.addi %mul3A_2361, %add3A_2362 : i32
      %broadcast_in_dim3A_2364 = vector.broadcast %add3A_2363 : i32 to vector<16xi32>
      tpu.vector_store_idx %arg8[%iota3A, %broadcast_in_dim3A_2364], %select_n3A_2359 : memref<16x512xf32, #tpu.memory_space<vmem>>[vector<16xi32>, vector<16xi32>], vector<16xf32>,
      %slice3A_2365 = vector.extract_strided_slice %and3A_2251 {offsets = [4], sizes = [1], strides = [1]} : vector<16xi32> to vector<1xi32>
      %squeeze3A_2366 = vector.extract %slice3A_2365[0] : i32 from vector<1xi32>
      %broadcast_in_dim3A_2367 = vector.broadcast %squeeze3A_2366 : i32 to vector<16xi32>
      %add3A_2368 = arith.constant 64 : i32
      %add3A_2369 = arith.addi %mul3A_2056, %add3A_2368 : i32
      %add3A_2370 = vector.broadcast %add3A_2369 : i32 to vector<16xi32>
      %add3A_2371 = arith.addi %iota3A, %add3A_2370 : vector<16xi32>
      %gather3A_2372 = tpu.vector_load_idx %arg6[%add3A_2371, %broadcast_in_dim3A_2367] : memref<768x128xf32, #tpu.memory_space<vmem>>[vector<16xi32>, vector<16xi32>], vector<16xf32>,
      %slice3A_2373 = vector.extract_strided_slice %clamp3A_2260 {offsets = [4], sizes = [1], strides = [1]} : vector<16xi32> to vector<1xi32>
      %squeeze3A_2374 = vector.extract %slice3A_2373[0] : i32 from vector<1xi32>
      %broadcast_in_dim3A_2375 = vector.broadcast %squeeze3A_2374 : i32 to vector<16xi32>
      %gather3A_2376 = tpu.vector_load_idx %arg7[%iota3A, %broadcast_in_dim3A_2375] : memref<16x64xf32, #tpu.memory_space<vmem>>[vector<16xi32>, vector<16xi32>], vector<16xf32>,
      %slice3A_2377 = vector.extract_strided_slice %select_n3A_2268 {offsets = [4], sizes = [1], strides = [1]} : vector<16xi32> to vector<1xi32>
      %squeeze3A_2378 = vector.extract %slice3A_2377[0] : i32 from vector<1xi32>
      %broadcast_in_dim3A_2379 = vector.broadcast %squeeze3A_2378 : i32 to vector<16xi32>
      %ne3A_2380 = arith.constant 0 : i32
      %ne3A_2381 = vector.broadcast %ne3A_2380 : i32 to vector<16xi32>
      %ne3A_2382 = arith.cmpi ne, %broadcast_in_dim3A_2379, %ne3A_2381 : vector<16xi32>
      %select_n3A_2383 = arith.select %ne3A_2382, %gather3A_2376, %gather3A_2372 : vector<16xi1>, vector<16xf32>
      %mul3A_2384 = arith.constant 16 : i32
      %mul3A_2385 = arith.muli %sub3A_2038, %mul3A_2384 : i32
      %add3A_2386 = arith.constant 4 : i32
      %add3A_2387 = arith.addi %mul3A_2385, %add3A_2386 : i32
      %broadcast_in_dim3A_2388 = vector.broadcast %add3A_2387 : i32 to vector<16xi32>
      tpu.vector_store_idx %arg8[%iota3A, %broadcast_in_dim3A_2388], %select_n3A_2383 : memref<16x512xf32, #tpu.memory_space<vmem>>[vector<16xi32>, vector<16xi32>], vector<16xf32>,
      %slice3A_2389 = vector.extract_strided_slice %and3A_2251 {offsets = [5], sizes = [1], strides = [1]} : vector<16xi32> to vector<1xi32>
      %squeeze3A_2390 = vector.extract %slice3A_2389[0] : i32 from vector<1xi32>
      %broadcast_in_dim3A_2391 = vector.broadcast %squeeze3A_2390 : i32 to vector<16xi32>
      %add3A_2392 = arith.constant 80 : i32
      %add3A_2393 = arith.addi %mul3A_2056, %add3A_2392 : i32
      %add3A_2394 = vector.broadcast %add3A_2393 : i32 to vector<16xi32>
      %add3A_2395 = arith.addi %iota3A, %add3A_2394 : vector<16xi32>
      %gather3A_2396 = tpu.vector_load_idx %arg6[%add3A_2395, %broadcast_in_dim3A_2391] : memref<768x128xf32, #tpu.memory_space<vmem>>[vector<16xi32>, vector<16xi32>], vector<16xf32>,
      %slice3A_2397 = vector.extract_strided_slice %clamp3A_2260 {offsets = [5], sizes = [1], strides = [1]} : vector<16xi32> to vector<1xi32>
      %squeeze3A_2398 = vector.extract %slice3A_2397[0] : i32 from vector<1xi32>
      %broadcast_in_dim3A_2399 = vector.broadcast %squeeze3A_2398 : i32 to vector<16xi32>
      %gather3A_2400 = tpu.vector_load_idx %arg7[%iota3A, %broadcast_in_dim3A_2399] : memref<16x64xf32, #tpu.memory_space<vmem>>[vector<16xi32>, vector<16xi32>], vector<16xf32>,
      %slice3A_2401 = vector.extract_strided_slice %select_n3A_2268 {offsets = [5], sizes = [1], strides = [1]} : vector<16xi32> to vector<1xi32>
      %squeeze3A_2402 = vector.extract %slice3A_2401[0] : i32 from vector<1xi32>
      %broadcast_in_dim3A_2403 = vector.broadcast %squeeze3A_2402 : i32 to vector<16xi32>
      %ne3A_2404 = arith.constant 0 : i32
      %ne3A_2405 = vector.broadcast %ne3A_2404 : i32 to vector<16xi32>
      %ne3A_2406 = arith.cmpi ne, %broadcast_in_dim3A_2403, %ne3A_2405 : vector<16xi32>
      %select_n3A_2407 = arith.select %ne3A_2406, %gather3A_2400, %gather3A_2396 : vector<16xi1>, vector<16xf32>
      %mul3A_2408 = arith.constant 16 : i32
      %mul3A_2409 = arith.muli %sub3A_2038, %mul3A_2408 : i32
      %add3A_2410 = arith.constant 5 : i32
      %add3A_2411 = arith.addi %mul3A_2409, %add3A_2410 : i32
      %broadcast_in_dim3A_2412 = vector.broadcast %add3A_2411 : i32 to vector<16xi32>
      tpu.vector_store_idx %arg8[%iota3A, %broadcast_in_dim3A_2412], %select_n3A_2407 : memref<16x512xf32, #tpu.memory_space<vmem>>[vector<16xi32>, vector<16xi32>], vector<16xf32>,
      %slice3A_2413 = vector.extract_strided_slice %and3A_2251 {offsets = [6], sizes = [1], strides = [1]} : vector<16xi32> to vector<1xi32>
      %squeeze3A_2414 = vector.extract %slice3A_2413[0] : i32 from vector<1xi32>
      %broadcast_in_dim3A_2415 = vector.broadcast %squeeze3A_2414 : i32 to vector<16xi32>
      %add3A_2416 = arith.constant 96 : i32
      %add3A_2417 = arith.addi %mul3A_2056, %add3A_2416 : i32
      %add3A_2418 = vector.broadcast %add3A_2417 : i32 to vector<16xi32>
      %add3A_2419 = arith.addi %iota3A, %add3A_2418 : vector<16xi32>
      %gather3A_2420 = tpu.vector_load_idx %arg6[%add3A_2419, %broadcast_in_dim3A_2415] : memref<768x128xf32, #tpu.memory_space<vmem>>[vector<16xi32>, vector<16xi32>], vector<16xf32>,
      %slice3A_2421 = vector.extract_strided_slice %clamp3A_2260 {offsets = [6], sizes = [1], strides = [1]} : vector<16xi32> to vector<1xi32>
      %squeeze3A_2422 = vector.extract %slice3A_2421[0] : i32 from vector<1xi32>
      %broadcast_in_dim3A_2423 = vector.broadcast %squeeze3A_2422 : i32 to vector<16xi32>
      %gather3A_2424 = tpu.vector_load_idx %arg7[%iota3A, %broadcast_in_dim3A_2423] : memref<16x64xf32, #tpu.memory_space<vmem>>[vector<16xi32>, vector<16xi32>], vector<16xf32>,
      %slice3A_2425 = vector.extract_strided_slice %select_n3A_2268 {offsets = [6], sizes = [1], strides = [1]} : vector<16xi32> to vector<1xi32>
      %squeeze3A_2426 = vector.extract %slice3A_2425[0] : i32 from vector<1xi32>
      %broadcast_in_dim3A_2427 = vector.broadcast %squeeze3A_2426 : i32 to vector<16xi32>
      %ne3A_2428 = arith.constant 0 : i32
      %ne3A_2429 = vector.broadcast %ne3A_2428 : i32 to vector<16xi32>
      %ne3A_2430 = arith.cmpi ne, %broadcast_in_dim3A_2427, %ne3A_2429 : vector<16xi32>
      %select_n3A_2431 = arith.select %ne3A_2430, %gather3A_2424, %gather3A_2420 : vector<16xi1>, vector<16xf32>
      %mul3A_2432 = arith.constant 16 : i32
      %mul3A_2433 = arith.muli %sub3A_2038, %mul3A_2432 : i32
      %add3A_2434 = arith.constant 6 : i32
      %add3A_2435 = arith.addi %mul3A_2433, %add3A_2434 : i32
      %broadcast_in_dim3A_2436 = vector.broadcast %add3A_2435 : i32 to vector<16xi32>
      tpu.vector_store_idx %arg8[%iota3A, %broadcast_in_dim3A_2436], %select_n3A_2431 : memref<16x512xf32, #tpu.memory_space<vmem>>[vector<16xi32>, vector<16xi32>], vector<16xf32>,
      %slice3A_2437 = vector.extract_strided_slice %and3A_2251 {offsets = [7], sizes = [1], strides = [1]} : vector<16xi32> to vector<1xi32>
      %squeeze3A_2438 = vector.extract %slice3A_2437[0] : i32 from vector<1xi32>
      %broadcast_in_dim3A_2439 = vector.broadcast %squeeze3A_2438 : i32 to vector<16xi32>
      %add3A_2440 = arith.constant 112 : i32
      %add3A_2441 = arith.addi %mul3A_2056, %add3A_2440 : i32
      %add3A_2442 = vector.broadcast %add3A_2441 : i32 to vector<16xi32>
      %add3A_2443 = arith.addi %iota3A, %add3A_2442 : vector<16xi32>
      %gather3A_2444 = tpu.vector_load_idx %arg6[%add3A_2443, %broadcast_in_dim3A_2439] : memref<768x128xf32, #tpu.memory_space<vmem>>[vector<16xi32>, vector<16xi32>], vector<16xf32>,
      %slice3A_2445 = vector.extract_strided_slice %clamp3A_2260 {offsets = [7], sizes = [1], strides = [1]} : vector<16xi32> to vector<1xi32>
      %squeeze3A_2446 = vector.extract %slice3A_2445[0] : i32 from vector<1xi32>
      %broadcast_in_dim3A_2447 = vector.broadcast %squeeze3A_2446 : i32 to vector<16xi32>
      %gather3A_2448 = tpu.vector_load_idx %arg7[%iota3A, %broadcast_in_dim3A_2447] : memref<16x64xf32, #tpu.memory_space<vmem>>[vector<16xi32>, vector<16xi32>], vector<16xf32>,
      %slice3A_2449 = vector.extract_strided_slice %select_n3A_2268 {offsets = [7], sizes = [1], strides = [1]} : vector<16xi32> to vector<1xi32>
      %squeeze3A_2450 = vector.extract %slice3A_2449[0] : i32 from vector<1xi32>
      %broadcast_in_dim3A_2451 = vector.broadcast %squeeze3A_2450 : i32 to vector<16xi32>
      %ne3A_2452 = arith.constant 0 : i32
      %ne3A_2453 = vector.broadcast %ne3A_2452 : i32 to vector<16xi32>
      %ne3A_2454 = arith.cmpi ne, %broadcast_in_dim3A_2451, %ne3A_2453 : vector<16xi32>
      %select_n3A_2455 = arith.select %ne3A_2454, %gather3A_2448, %gather3A_2444 : vector<16xi1>, vector<16xf32>
      %mul3A_2456 = arith.constant 16 : i32
      %mul3A_2457 = arith.muli %sub3A_2038, %mul3A_2456 : i32
      %add3A_2458 = arith.constant 7 : i32
      %add3A_2459 = arith.addi %mul3A_2457, %add3A_2458 : i32
      %broadcast_in_dim3A_2460 = vector.broadcast %add3A_2459 : i32 to vector<16xi32>
      tpu.vector_store_idx %arg8[%iota3A, %broadcast_in_dim3A_2460], %select_n3A_2455 : memref<16x512xf32, #tpu.memory_space<vmem>>[vector<16xi32>, vector<16xi32>], vector<16xf32>,
      %slice3A_2461 = vector.extract_strided_slice %and3A_2251 {offsets = [8], sizes = [1], strides = [1]} : vector<16xi32> to vector<1xi32>
      %squeeze3A_2462 = vector.extract %slice3A_2461[0] : i32 from vector<1xi32>
      %broadcast_in_dim3A_2463 = vector.broadcast %squeeze3A_2462 : i32 to vector<16xi32>
      %add3A_2464 = arith.constant 128 : i32
      %add3A_2465 = arith.addi %mul3A_2056, %add3A_2464 : i32
      %add3A_2466 = vector.broadcast %add3A_2465 : i32 to vector<16xi32>
      %add3A_2467 = arith.addi %iota3A, %add3A_2466 : vector<16xi32>
      %gather3A_2468 = tpu.vector_load_idx %arg6[%add3A_2467, %broadcast_in_dim3A_2463] : memref<768x128xf32, #tpu.memory_space<vmem>>[vector<16xi32>, vector<16xi32>], vector<16xf32>,
      %slice3A_2469 = vector.extract_strided_slice %clamp3A_2260 {offsets = [8], sizes = [1], strides = [1]} : vector<16xi32> to vector<1xi32>
      %squeeze3A_2470 = vector.extract %slice3A_2469[0] : i32 from vector<1xi32>
      %broadcast_in_dim3A_2471 = vector.broadcast %squeeze3A_2470 : i32 to vector<16xi32>
      %gather3A_2472 = tpu.vector_load_idx %arg7[%iota3A, %broadcast_in_dim3A_2471] : memref<16x64xf32, #tpu.memory_space<vmem>>[vector<16xi32>, vector<16xi32>], vector<16xf32>,
      %slice3A_2473 = vector.extract_strided_slice %select_n3A_2268 {offsets = [8], sizes = [1], strides = [1]} : vector<16xi32> to vector<1xi32>
      %squeeze3A_2474 = vector.extract %slice3A_2473[0] : i32 from vector<1xi32>
      %broadcast_in_dim3A_2475 = vector.broadcast %squeeze3A_2474 : i32 to vector<16xi32>
      %ne3A_2476 = arith.constant 0 : i32
      %ne3A_2477 = vector.broadcast %ne3A_2476 : i32 to vector<16xi32>
      %ne3A_2478 = arith.cmpi ne, %broadcast_in_dim3A_2475, %ne3A_2477 : vector<16xi32>
      %select_n3A_2479 = arith.select %ne3A_2478, %gather3A_2472, %gather3A_2468 : vector<16xi1>, vector<16xf32>
      %mul3A_2480 = arith.constant 16 : i32
      %mul3A_2481 = arith.muli %sub3A_2038, %mul3A_2480 : i32
      %add3A_2482 = arith.constant 8 : i32
      %add3A_2483 = arith.addi %mul3A_2481, %add3A_2482 : i32
      %broadcast_in_dim3A_2484 = vector.broadcast %add3A_2483 : i32 to vector<16xi32>
      tpu.vector_store_idx %arg8[%iota3A, %broadcast_in_dim3A_2484], %select_n3A_2479 : memref<16x512xf32, #tpu.memory_space<vmem>>[vector<16xi32>, vector<16xi32>], vector<16xf32>,
      %slice3A_2485 = vector.extract_strided_slice %and3A_2251 {offsets = [9], sizes = [1], strides = [1]} : vector<16xi32> to vector<1xi32>
      %squeeze3A_2486 = vector.extract %slice3A_2485[0] : i32 from vector<1xi32>
      %broadcast_in_dim3A_2487 = vector.broadcast %squeeze3A_2486 : i32 to vector<16xi32>
      %add3A_2488 = arith.constant 144 : i32
      %add3A_2489 = arith.addi %mul3A_2056, %add3A_2488 : i32
      %add3A_2490 = vector.broadcast %add3A_2489 : i32 to vector<16xi32>
      %add3A_2491 = arith.addi %iota3A, %add3A_2490 : vector<16xi32>
      %gather3A_2492 = tpu.vector_load_idx %arg6[%add3A_2491, %broadcast_in_dim3A_2487] : memref<768x128xf32, #tpu.memory_space<vmem>>[vector<16xi32>, vector<16xi32>], vector<16xf32>,
      %slice3A_2493 = vector.extract_strided_slice %clamp3A_2260 {offsets = [9], sizes = [1], strides = [1]} : vector<16xi32> to vector<1xi32>
      %squeeze3A_2494 = vector.extract %slice3A_2493[0] : i32 from vector<1xi32>
      %broadcast_in_dim3A_2495 = vector.broadcast %squeeze3A_2494 : i32 to vector<16xi32>
      %gather3A_2496 = tpu.vector_load_idx %arg7[%iota3A, %broadcast_in_dim3A_2495] : memref<16x64xf32, #tpu.memory_space<vmem>>[vector<16xi32>, vector<16xi32>], vector<16xf32>,
      %slice3A_2497 = vector.extract_strided_slice %select_n3A_2268 {offsets = [9], sizes = [1], strides = [1]} : vector<16xi32> to vector<1xi32>
      %squeeze3A_2498 = vector.extract %slice3A_2497[0] : i32 from vector<1xi32>
      %broadcast_in_dim3A_2499 = vector.broadcast %squeeze3A_2498 : i32 to vector<16xi32>
      %ne3A_2500 = arith.constant 0 : i32
      %ne3A_2501 = vector.broadcast %ne3A_2500 : i32 to vector<16xi32>
      %ne3A_2502 = arith.cmpi ne, %broadcast_in_dim3A_2499, %ne3A_2501 : vector<16xi32>
      %select_n3A_2503 = arith.select %ne3A_2502, %gather3A_2496, %gather3A_2492 : vector<16xi1>, vector<16xf32>
      %mul3A_2504 = arith.constant 16 : i32
      %mul3A_2505 = arith.muli %sub3A_2038, %mul3A_2504 : i32
      %add3A_2506 = arith.constant 9 : i32
      %add3A_2507 = arith.addi %mul3A_2505, %add3A_2506 : i32
      %broadcast_in_dim3A_2508 = vector.broadcast %add3A_2507 : i32 to vector<16xi32>
      tpu.vector_store_idx %arg8[%iota3A, %broadcast_in_dim3A_2508], %select_n3A_2503 : memref<16x512xf32, #tpu.memory_space<vmem>>[vector<16xi32>, vector<16xi32>], vector<16xf32>,
      %slice3A_2509 = vector.extract_strided_slice %and3A_2251 {offsets = [10], sizes = [1], strides = [1]} : vector<16xi32> to vector<1xi32>
      %squeeze3A_2510 = vector.extract %slice3A_2509[0] : i32 from vector<1xi32>
      %broadcast_in_dim3A_2511 = vector.broadcast %squeeze3A_2510 : i32 to vector<16xi32>
      %add3A_2512 = arith.constant 160 : i32
      %add3A_2513 = arith.addi %mul3A_2056, %add3A_2512 : i32
      %add3A_2514 = vector.broadcast %add3A_2513 : i32 to vector<16xi32>
      %add3A_2515 = arith.addi %iota3A, %add3A_2514 : vector<16xi32>
      %gather3A_2516 = tpu.vector_load_idx %arg6[%add3A_2515, %broadcast_in_dim3A_2511] : memref<768x128xf32, #tpu.memory_space<vmem>>[vector<16xi32>, vector<16xi32>], vector<16xf32>,
      %slice3A_2517 = vector.extract_strided_slice %clamp3A_2260 {offsets = [10], sizes = [1], strides = [1]} : vector<16xi32> to vector<1xi32>
      %squeeze3A_2518 = vector.extract %slice3A_2517[0] : i32 from vector<1xi32>
      %broadcast_in_dim3A_2519 = vector.broadcast %squeeze3A_2518 : i32 to vector<16xi32>
      %gather3A_2520 = tpu.vector_load_idx %arg7[%iota3A, %broadcast_in_dim3A_2519] : memref<16x64xf32, #tpu.memory_space<vmem>>[vector<16xi32>, vector<16xi32>], vector<16xf32>,
      %slice3A_2521 = vector.extract_strided_slice %select_n3A_2268 {offsets = [10], sizes = [1], strides = [1]} : vector<16xi32> to vector<1xi32>
      %squeeze3A_2522 = vector.extract %slice3A_2521[0] : i32 from vector<1xi32>
      %broadcast_in_dim3A_2523 = vector.broadcast %squeeze3A_2522 : i32 to vector<16xi32>
      %ne3A_2524 = arith.constant 0 : i32
      %ne3A_2525 = vector.broadcast %ne3A_2524 : i32 to vector<16xi32>
      %ne3A_2526 = arith.cmpi ne, %broadcast_in_dim3A_2523, %ne3A_2525 : vector<16xi32>
      %select_n3A_2527 = arith.select %ne3A_2526, %gather3A_2520, %gather3A_2516 : vector<16xi1>, vector<16xf32>
      %mul3A_2528 = arith.constant 16 : i32
      %mul3A_2529 = arith.muli %sub3A_2038, %mul3A_2528 : i32
      %add3A_2530 = arith.constant 10 : i32
      %add3A_2531 = arith.addi %mul3A_2529, %add3A_2530 : i32
      %broadcast_in_dim3A_2532 = vector.broadcast %add3A_2531 : i32 to vector<16xi32>
      tpu.vector_store_idx %arg8[%iota3A, %broadcast_in_dim3A_2532], %select_n3A_2527 : memref<16x512xf32, #tpu.memory_space<vmem>>[vector<16xi32>, vector<16xi32>], vector<16xf32>,
      %slice3A_2533 = vector.extract_strided_slice %and3A_2251 {offsets = [11], sizes = [1], strides = [1]} : vector<16xi32> to vector<1xi32>
      %squeeze3A_2534 = vector.extract %slice3A_2533[0] : i32 from vector<1xi32>
      %broadcast_in_dim3A_2535 = vector.broadcast %squeeze3A_2534 : i32 to vector<16xi32>
      %add3A_2536 = arith.constant 176 : i32
      %add3A_2537 = arith.addi %mul3A_2056, %add3A_2536 : i32
      %add3A_2538 = vector.broadcast %add3A_2537 : i32 to vector<16xi32>
      %add3A_2539 = arith.addi %iota3A, %add3A_2538 : vector<16xi32>
      %gather3A_2540 = tpu.vector_load_idx %arg6[%add3A_2539, %broadcast_in_dim3A_2535] : memref<768x128xf32, #tpu.memory_space<vmem>>[vector<16xi32>, vector<16xi32>], vector<16xf32>,
      %slice3A_2541 = vector.extract_strided_slice %clamp3A_2260 {offsets = [11], sizes = [1], strides = [1]} : vector<16xi32> to vector<1xi32>
      %squeeze3A_2542 = vector.extract %slice3A_2541[0] : i32 from vector<1xi32>
      %broadcast_in_dim3A_2543 = vector.broadcast %squeeze3A_2542 : i32 to vector<16xi32>
      %gather3A_2544 = tpu.vector_load_idx %arg7[%iota3A, %broadcast_in_dim3A_2543] : memref<16x64xf32, #tpu.memory_space<vmem>>[vector<16xi32>, vector<16xi32>], vector<16xf32>,
      %slice3A_2545 = vector.extract_strided_slice %select_n3A_2268 {offsets = [11], sizes = [1], strides = [1]} : vector<16xi32> to vector<1xi32>
      %squeeze3A_2546 = vector.extract %slice3A_2545[0] : i32 from vector<1xi32>
      %broadcast_in_dim3A_2547 = vector.broadcast %squeeze3A_2546 : i32 to vector<16xi32>
      %ne3A_2548 = arith.constant 0 : i32
      %ne3A_2549 = vector.broadcast %ne3A_2548 : i32 to vector<16xi32>
      %ne3A_2550 = arith.cmpi ne, %broadcast_in_dim3A_2547, %ne3A_2549 : vector<16xi32>
      %select_n3A_2551 = arith.select %ne3A_2550, %gather3A_2544, %gather3A_2540 : vector<16xi1>, vector<16xf32>
      %mul3A_2552 = arith.constant 16 : i32
      %mul3A_2553 = arith.muli %sub3A_2038, %mul3A_2552 : i32
      %add3A_2554 = arith.constant 11 : i32
      %add3A_2555 = arith.addi %mul3A_2553, %add3A_2554 : i32
      %broadcast_in_dim3A_2556 = vector.broadcast %add3A_2555 : i32 to vector<16xi32>
      tpu.vector_store_idx %arg8[%iota3A, %broadcast_in_dim3A_2556], %select_n3A_2551 : memref<16x512xf32, #tpu.memory_space<vmem>>[vector<16xi32>, vector<16xi32>], vector<16xf32>,
      %slice3A_2557 = vector.extract_strided_slice %and3A_2251 {offsets = [12], sizes = [1], strides = [1]} : vector<16xi32> to vector<1xi32>
      %squeeze3A_2558 = vector.extract %slice3A_2557[0] : i32 from vector<1xi32>
      %broadcast_in_dim3A_2559 = vector.broadcast %squeeze3A_2558 : i32 to vector<16xi32>
      %add3A_2560 = arith.constant 192 : i32
      %add3A_2561 = arith.addi %mul3A_2056, %add3A_2560 : i32
      %add3A_2562 = vector.broadcast %add3A_2561 : i32 to vector<16xi32>
      %add3A_2563 = arith.addi %iota3A, %add3A_2562 : vector<16xi32>
      %gather3A_2564 = tpu.vector_load_idx %arg6[%add3A_2563, %broadcast_in_dim3A_2559] : memref<768x128xf32, #tpu.memory_space<vmem>>[vector<16xi32>, vector<16xi32>], vector<16xf32>,
      %slice3A_2565 = vector.extract_strided_slice %clamp3A_2260 {offsets = [12], sizes = [1], strides = [1]} : vector<16xi32> to vector<1xi32>
      %squeeze3A_2566 = vector.extract %slice3A_2565[0] : i32 from vector<1xi32>
      %broadcast_in_dim3A_2567 = vector.broadcast %squeeze3A_2566 : i32 to vector<16xi32>
      %gather3A_2568 = tpu.vector_load_idx %arg7[%iota3A, %broadcast_in_dim3A_2567] : memref<16x64xf32, #tpu.memory_space<vmem>>[vector<16xi32>, vector<16xi32>], vector<16xf32>,
      %slice3A_2569 = vector.extract_strided_slice %select_n3A_2268 {offsets = [12], sizes = [1], strides = [1]} : vector<16xi32> to vector<1xi32>
      %squeeze3A_2570 = vector.extract %slice3A_2569[0] : i32 from vector<1xi32>
      %broadcast_in_dim3A_2571 = vector.broadcast %squeeze3A_2570 : i32 to vector<16xi32>
      %ne3A_2572 = arith.constant 0 : i32
      %ne3A_2573 = vector.broadcast %ne3A_2572 : i32 to vector<16xi32>
      %ne3A_2574 = arith.cmpi ne, %broadcast_in_dim3A_2571, %ne3A_2573 : vector<16xi32>
      %select_n3A_2575 = arith.select %ne3A_2574, %gather3A_2568, %gather3A_2564 : vector<16xi1>, vector<16xf32>
      %mul3A_2576 = arith.constant 16 : i32
      %mul3A_2577 = arith.muli %sub3A_2038, %mul3A_2576 : i32
      %add3A_2578 = arith.constant 12 : i32
      %add3A_2579 = arith.addi %mul3A_2577, %add3A_2578 : i32
      %broadcast_in_dim3A_2580 = vector.broadcast %add3A_2579 : i32 to vector<16xi32>
      tpu.vector_store_idx %arg8[%iota3A, %broadcast_in_dim3A_2580], %select_n3A_2575 : memref<16x512xf32, #tpu.memory_space<vmem>>[vector<16xi32>, vector<16xi32>], vector<16xf32>,
      %slice3A_2581 = vector.extract_strided_slice %and3A_2251 {offsets = [13], sizes = [1], strides = [1]} : vector<16xi32> to vector<1xi32>
      %squeeze3A_2582 = vector.extract %slice3A_2581[0] : i32 from vector<1xi32>
      %broadcast_in_dim3A_2583 = vector.broadcast %squeeze3A_2582 : i32 to vector<16xi32>
      %add3A_2584 = arith.constant 208 : i32
      %add3A_2585 = arith.addi %mul3A_2056, %add3A_2584 : i32
      %add3A_2586 = vector.broadcast %add3A_2585 : i32 to vector<16xi32>
      %add3A_2587 = arith.addi %iota3A, %add3A_2586 : vector<16xi32>
      %gather3A_2588 = tpu.vector_load_idx %arg6[%add3A_2587, %broadcast_in_dim3A_2583] : memref<768x128xf32, #tpu.memory_space<vmem>>[vector<16xi32>, vector<16xi32>], vector<16xf32>,
      %slice3A_2589 = vector.extract_strided_slice %clamp3A_2260 {offsets = [13], sizes = [1], strides = [1]} : vector<16xi32> to vector<1xi32>
      %squeeze3A_2590 = vector.extract %slice3A_2589[0] : i32 from vector<1xi32>
      %broadcast_in_dim3A_2591 = vector.broadcast %squeeze3A_2590 : i32 to vector<16xi32>
      %gather3A_2592 = tpu.vector_load_idx %arg7[%iota3A, %broadcast_in_dim3A_2591] : memref<16x64xf32, #tpu.memory_space<vmem>>[vector<16xi32>, vector<16xi32>], vector<16xf32>,
      %slice3A_2593 = vector.extract_strided_slice %select_n3A_2268 {offsets = [13], sizes = [1], strides = [1]} : vector<16xi32> to vector<1xi32>
      %squeeze3A_2594 = vector.extract %slice3A_2593[0] : i32 from vector<1xi32>
      %broadcast_in_dim3A_2595 = vector.broadcast %squeeze3A_2594 : i32 to vector<16xi32>
      %ne3A_2596 = arith.constant 0 : i32
      %ne3A_2597 = vector.broadcast %ne3A_2596 : i32 to vector<16xi32>
      %ne3A_2598 = arith.cmpi ne, %broadcast_in_dim3A_2595, %ne3A_2597 : vector<16xi32>
      %select_n3A_2599 = arith.select %ne3A_2598, %gather3A_2592, %gather3A_2588 : vector<16xi1>, vector<16xf32>
      %mul3A_2600 = arith.constant 16 : i32
      %mul3A_2601 = arith.muli %sub3A_2038, %mul3A_2600 : i32
      %add3A_2602 = arith.constant 13 : i32
      %add3A_2603 = arith.addi %mul3A_2601, %add3A_2602 : i32
      %broadcast_in_dim3A_2604 = vector.broadcast %add3A_2603 : i32 to vector<16xi32>
      tpu.vector_store_idx %arg8[%iota3A, %broadcast_in_dim3A_2604], %select_n3A_2599 : memref<16x512xf32, #tpu.memory_space<vmem>>[vector<16xi32>, vector<16xi32>], vector<16xf32>,
      %slice3A_2605 = vector.extract_strided_slice %and3A_2251 {offsets = [14], sizes = [1], strides = [1]} : vector<16xi32> to vector<1xi32>
      %squeeze3A_2606 = vector.extract %slice3A_2605[0] : i32 from vector<1xi32>
      %broadcast_in_dim3A_2607 = vector.broadcast %squeeze3A_2606 : i32 to vector<16xi32>
      %add3A_2608 = arith.constant 224 : i32
      %add3A_2609 = arith.addi %mul3A_2056, %add3A_2608 : i32
      %add3A_2610 = vector.broadcast %add3A_2609 : i32 to vector<16xi32>
      %add3A_2611 = arith.addi %iota3A, %add3A_2610 : vector<16xi32>
      %gather3A_2612 = tpu.vector_load_idx %arg6[%add3A_2611, %broadcast_in_dim3A_2607] : memref<768x128xf32, #tpu.memory_space<vmem>>[vector<16xi32>, vector<16xi32>], vector<16xf32>,
      %slice3A_2613 = vector.extract_strided_slice %clamp3A_2260 {offsets = [14], sizes = [1], strides = [1]} : vector<16xi32> to vector<1xi32>
      %squeeze3A_2614 = vector.extract %slice3A_2613[0] : i32 from vector<1xi32>
      %broadcast_in_dim3A_2615 = vector.broadcast %squeeze3A_2614 : i32 to vector<16xi32>
      %gather3A_2616 = tpu.vector_load_idx %arg7[%iota3A, %broadcast_in_dim3A_2615] : memref<16x64xf32, #tpu.memory_space<vmem>>[vector<16xi32>, vector<16xi32>], vector<16xf32>,
      %slice3A_2617 = vector.extract_strided_slice %select_n3A_2268 {offsets = [14], sizes = [1], strides = [1]} : vector<16xi32> to vector<1xi32>
      %squeeze3A_2618 = vector.extract %slice3A_2617[0] : i32 from vector<1xi32>
      %broadcast_in_dim3A_2619 = vector.broadcast %squeeze3A_2618 : i32 to vector<16xi32>
      %ne3A_2620 = arith.constant 0 : i32
      %ne3A_2621 = vector.broadcast %ne3A_2620 : i32 to vector<16xi32>
      %ne3A_2622 = arith.cmpi ne, %broadcast_in_dim3A_2619, %ne3A_2621 : vector<16xi32>
      %select_n3A_2623 = arith.select %ne3A_2622, %gather3A_2616, %gather3A_2612 : vector<16xi1>, vector<16xf32>
      %mul3A_2624 = arith.constant 16 : i32
      %mul3A_2625 = arith.muli %sub3A_2038, %mul3A_2624 : i32
      %add3A_2626 = arith.constant 14 : i32
      %add3A_2627 = arith.addi %mul3A_2625, %add3A_2626 : i32
      %broadcast_in_dim3A_2628 = vector.broadcast %add3A_2627 : i32 to vector<16xi32>
      tpu.vector_store_idx %arg8[%iota3A, %broadcast_in_dim3A_2628], %select_n3A_2623 : memref<16x512xf32, #tpu.memory_space<vmem>>[vector<16xi32>, vector<16xi32>], vector<16xf32>,
      %slice3A_2629 = vector.extract_strided_slice %and3A_2251 {offsets = [15], sizes = [1], strides = [1]} : vector<16xi32> to vector<1xi32>
      %squeeze3A_2630 = vector.extract %slice3A_2629[0] : i32 from vector<1xi32>
      %broadcast_in_dim3A_2631 = vector.broadcast %squeeze3A_2630 : i32 to vector<16xi32>
      %add3A_2632 = arith.constant 240 : i32
      %add3A_2633 = arith.addi %mul3A_2056, %add3A_2632 : i32
      %add3A_2634 = vector.broadcast %add3A_2633 : i32 to vector<16xi32>
      %add3A_2635 = arith.addi %iota3A, %add3A_2634 : vector<16xi32>
      %gather3A_2636 = tpu.vector_load_idx %arg6[%add3A_2635, %broadcast_in_dim3A_2631] : memref<768x128xf32, #tpu.memory_space<vmem>>[vector<16xi32>, vector<16xi32>], vector<16xf32>,
      %slice3A_2637 = vector.extract_strided_slice %clamp3A_2260 {offsets = [15], sizes = [1], strides = [1]} : vector<16xi32> to vector<1xi32>
      %squeeze3A_2638 = vector.extract %slice3A_2637[0] : i32 from vector<1xi32>
      %broadcast_in_dim3A_2639 = vector.broadcast %squeeze3A_2638 : i32 to vector<16xi32>
      %gather3A_2640 = tpu.vector_load_idx %arg7[%iota3A, %broadcast_in_dim3A_2639] : memref<16x64xf32, #tpu.memory_space<vmem>>[vector<16xi32>, vector<16xi32>], vector<16xf32>,
      %slice3A_2641 = vector.extract_strided_slice %select_n3A_2268 {offsets = [15], sizes = [1], strides = [1]} : vector<16xi32> to vector<1xi32>
      %squeeze3A_2642 = vector.extract %slice3A_2641[0] : i32 from vector<1xi32>
      %broadcast_in_dim3A_2643 = vector.broadcast %squeeze3A_2642 : i32 to vector<16xi32>
      %ne3A_2644 = arith.constant 0 : i32
      %ne3A_2645 = vector.broadcast %ne3A_2644 : i32 to vector<16xi32>
      %ne3A_2646 = arith.cmpi ne, %broadcast_in_dim3A_2643, %ne3A_2645 : vector<16xi32>
      %select_n3A_2647 = arith.select %ne3A_2646, %gather3A_2640, %gather3A_2636 : vector<16xi1>, vector<16xf32>
      %mul3A_2648 = arith.constant 16 : i32
      %mul3A_2649 = arith.muli %sub3A_2038, %mul3A_2648 : i32
      %add3A_2650 = arith.constant 15 : i32
      %add3A_2651 = arith.addi %mul3A_2649, %add3A_2650 : i32
      %broadcast_in_dim3A_2652 = vector.broadcast %add3A_2651 : i32 to vector<16xi32>
      tpu.vector_store_idx %arg8[%iota3A, %broadcast_in_dim3A_2652], %select_n3A_2647 : memref<16x512xf32, #tpu.memory_space<vmem>>[vector<16xi32>, vector<16xi32>], vector<16xf32>,
      scf.yield %scan3A_1674, %get3A_1714 : vector<16xi32>, vector<16xi32>
    }
    %scan3A_615 = arith.constant 30 : i32
    %dma_wait3A = arith.constant 0 : i32
    %dma_wait3A_616 = arith.constant 0 : i32
    %dma_wait3A_617 = tpu.memref_slice %arg6[%dma_wait3A, %dma_wait3A_616] : memref<768x128xf32, #tpu.memory_space<vmem>> -> memref<16x128xf32, #tpu.memory_space<vmem>>
    %dma_wait3A_618 = arith.constant 0 : i32
    %dma_wait3A_619 = arith.constant 0 : i32
    %dma_wait3A_620 = tpu.memref_slice %arg3[%dma_wait3A_618, %dma_wait3A_619] : memref<16x1000000xf32, #tpu.memory_space<hbm>> -> memref<16x128xf32, #tpu.memory_space<hbm>>
    %dma_wait3A_621 = arith.constant 0 : i32
    %dma_wait3A_622 = arith.constant 0 : i32
    %dma_wait3A_623 = tpu.memref_slice %arg6[%dma_wait3A_621, %dma_wait3A_622] : memref<768x128xf32, #tpu.memory_space<vmem>> -> memref<16x128xf32, #tpu.memory_space<vmem>>
    %dma_wait3A_624 = arith.constant 0 : i32
    %dma_wait3A_625 = arith.constant 0 : i32
    %dma_wait3A_626 = tpu.memref_slice %arg3[%dma_wait3A_624, %dma_wait3A_625] : memref<16x1000000xf32, #tpu.memory_space<hbm>> -> memref<16x128xf32, #tpu.memory_space<hbm>>
    tpu.wait_dma2 semaphore(%arg9 : memref<!tpu.dma_semaphore, #tpu.memory_space<semaphore_mem>>) src(%dma_wait3A_626 : memref<16x128xf32, #tpu.memory_space<hbm>>) dst(%dma_wait3A_623 : memref<16x128xf32, #tpu.memory_space<vmem>>)
    %dma_wait3A_627 = arith.constant 16 : i32
    %dma_wait3A_628 = arith.constant 0 : i32
    %dma_wait3A_629 = tpu.memref_slice %arg6[%dma_wait3A_627, %dma_wait3A_628] : memref<768x128xf32, #tpu.memory_space<vmem>> -> memref<16x128xf32, #tpu.memory_space<vmem>>
    %dma_wait3A_630 = arith.constant 0 : i32
    %dma_wait3A_631 = arith.constant 0 : i32
    %dma_wait3A_632 = tpu.memref_slice %arg3[%dma_wait3A_630, %dma_wait3A_631] : memref<16x1000000xf32, #tpu.memory_space<hbm>> -> memref<16x128xf32, #tpu.memory_space<hbm>>
    %dma_wait3A_633 = arith.constant 16 : i32
    %dma_wait3A_634 = arith.constant 0 : i32
    %dma_wait3A_635 = tpu.memref_slice %arg6[%dma_wait3A_633, %dma_wait3A_634] : memref<768x128xf32, #tpu.memory_space<vmem>> -> memref<16x128xf32, #tpu.memory_space<vmem>>
    %dma_wait3A_636 = arith.constant 0 : i32
    %dma_wait3A_637 = arith.constant 0 : i32
    %dma_wait3A_638 = tpu.memref_slice %arg3[%dma_wait3A_636, %dma_wait3A_637] : memref<16x1000000xf32, #tpu.memory_space<hbm>> -> memref<16x128xf32, #tpu.memory_space<hbm>>
    tpu.wait_dma2 semaphore(%arg9 : memref<!tpu.dma_semaphore, #tpu.memory_space<semaphore_mem>>) src(%dma_wait3A_638 : memref<16x128xf32, #tpu.memory_space<hbm>>) dst(%dma_wait3A_635 : memref<16x128xf32, #tpu.memory_space<vmem>>)
    %dma_wait3A_639 = arith.constant 32 : i32
    %dma_wait3A_640 = arith.constant 0 : i32
    %dma_wait3A_641 = tpu.memref_slice %arg6[%dma_wait3A_639, %dma_wait3A_640] : memref<768x128xf32, #tpu.memory_space<vmem>> -> memref<16x128xf32, #tpu.memory_space<vmem>>
    %dma_wait3A_642 = arith.constant 0 : i32
    %dma_wait3A_643 = arith.constant 0 : i32
    %dma_wait3A_644 = tpu.memref_slice %arg3[%dma_wait3A_642, %dma_wait3A_643] : memref<16x1000000xf32, #tpu.memory_space<hbm>> -> memref<16x128xf32, #tpu.memory_space<hbm>>
    %dma_wait3A_645 = arith.constant 32 : i32
    %dma_wait3A_646 = arith.constant 0 : i32
    %dma_wait3A_647 = tpu.memref_slice %arg6[%dma_wait3A_645, %dma_wait3A_646] : memref<768x128xf32, #tpu.memory_space<vmem>> -> memref<16x128xf32, #tpu.memory_space<vmem>>
    %dma_wait3A_648 = arith.constant 0 : i32
    %dma_wait3A_649 = arith.constant 0 : i32
    %dma_wait3A_650 = tpu.memref_slice %arg3[%dma_wait3A_648, %dma_wait3A_649] : memref<16x1000000xf32, #tpu.memory_space<hbm>> -> memref<16x128xf32, #tpu.memory_space<hbm>>
    tpu.wait_dma2 semaphore(%arg9 : memref<!tpu.dma_semaphore, #tpu.memory_space<semaphore_mem>>) src(%dma_wait3A_650 : memref<16x128xf32, #tpu.memory_space<hbm>>) dst(%dma_wait3A_647 : memref<16x128xf32, #tpu.memory_space<vmem>>)
    %dma_wait3A_651 = arith.constant 48 : i32
    %dma_wait3A_652 = arith.constant 0 : i32
    %dma_wait3A_653 = tpu.memref_slice %arg6[%dma_wait3A_651, %dma_wait3A_652] : memref<768x128xf32, #tpu.memory_space<vmem>> -> memref<16x128xf32, #tpu.memory_space<vmem>>
    %dma_wait3A_654 = arith.constant 0 : i32
    %dma_wait3A_655 = arith.constant 0 : i32
    %dma_wait3A_656 = tpu.memref_slice %arg3[%dma_wait3A_654, %dma_wait3A_655] : memref<16x1000000xf32, #tpu.memory_space<hbm>> -> memref<16x128xf32, #tpu.memory_space<hbm>>
    %dma_wait3A_657 = arith.constant 48 : i32
    %dma_wait3A_658 = arith.constant 0 : i32
    %dma_wait3A_659 = tpu.memref_slice %arg6[%dma_wait3A_657, %dma_wait3A_658] : memref<768x128xf32, #tpu.memory_space<vmem>> -> memref<16x128xf32, #tpu.memory_space<vmem>>
    %dma_wait3A_660 = arith.constant 0 : i32
    %dma_wait3A_661 = arith.constant 0 : i32
    %dma_wait3A_662 = tpu.memref_slice %arg3[%dma_wait3A_660, %dma_wait3A_661] : memref<16x1000000xf32, #tpu.memory_space<hbm>> -> memref<16x128xf32, #tpu.memory_space<hbm>>
    tpu.wait_dma2 semaphore(%arg9 : memref<!tpu.dma_semaphore, #tpu.memory_space<semaphore_mem>>) src(%dma_wait3A_662 : memref<16x128xf32, #tpu.memory_space<hbm>>) dst(%dma_wait3A_659 : memref<16x128xf32, #tpu.memory_space<vmem>>)
    %dma_wait3A_663 = arith.constant 64 : i32
    %dma_wait3A_664 = arith.constant 0 : i32
    %dma_wait3A_665 = tpu.memref_slice %arg6[%dma_wait3A_663, %dma_wait3A_664] : memref<768x128xf32, #tpu.memory_space<vmem>> -> memref<16x128xf32, #tpu.memory_space<vmem>>
    %dma_wait3A_666 = arith.constant 0 : i32
    %dma_wait3A_667 = arith.constant 0 : i32
    %dma_wait3A_668 = tpu.memref_slice %arg3[%dma_wait3A_666, %dma_wait3A_667] : memref<16x1000000xf32, #tpu.memory_space<hbm>> -> memref<16x128xf32, #tpu.memory_space<hbm>>
    %dma_wait3A_669 = arith.constant 64 : i32
    %dma_wait3A_670 = arith.constant 0 : i32
    %dma_wait3A_671 = tpu.memref_slice %arg6[%dma_wait3A_669, %dma_wait3A_670] : memref<768x128xf32, #tpu.memory_space<vmem>> -> memref<16x128xf32, #tpu.memory_space<vmem>>
    %dma_wait3A_672 = arith.constant 0 : i32
    %dma_wait3A_673 = arith.constant 0 : i32
    %dma_wait3A_674 = tpu.memref_slice %arg3[%dma_wait3A_672, %dma_wait3A_673] : memref<16x1000000xf32, #tpu.memory_space<hbm>> -> memref<16x128xf32, #tpu.memory_space<hbm>>
    tpu.wait_dma2 semaphore(%arg9 : memref<!tpu.dma_semaphore, #tpu.memory_space<semaphore_mem>>) src(%dma_wait3A_674 : memref<16x128xf32, #tpu.memory_space<hbm>>) dst(%dma_wait3A_671 : memref<16x128xf32, #tpu.memory_space<vmem>>)
    %dma_wait3A_675 = arith.constant 80 : i32
    %dma_wait3A_676 = arith.constant 0 : i32
    %dma_wait3A_677 = tpu.memref_slice %arg6[%dma_wait3A_675, %dma_wait3A_676] : memref<768x128xf32, #tpu.memory_space<vmem>> -> memref<16x128xf32, #tpu.memory_space<vmem>>
    %dma_wait3A_678 = arith.constant 0 : i32
    %dma_wait3A_679 = arith.constant 0 : i32
    %dma_wait3A_680 = tpu.memref_slice %arg3[%dma_wait3A_678, %dma_wait3A_679] : memref<16x1000000xf32, #tpu.memory_space<hbm>> -> memref<16x128xf32, #tpu.memory_space<hbm>>
    %dma_wait3A_681 = arith.constant 80 : i32
    %dma_wait3A_682 = arith.constant 0 : i32
    %dma_wait3A_683 = tpu.memref_slice %arg6[%dma_wait3A_681, %dma_wait3A_682] : memref<768x128xf32, #tpu.memory_space<vmem>> -> memref<16x128xf32, #tpu.memory_space<vmem>>
    %dma_wait3A_684 = arith.constant 0 : i32
    %dma_wait3A_685 = arith.constant 0 : i32
    %dma_wait3A_686 = tpu.memref_slice %arg3[%dma_wait3A_684, %dma_wait3A_685] : memref<16x1000000xf32, #tpu.memory_space<hbm>> -> memref<16x128xf32, #tpu.memory_space<hbm>>
    tpu.wait_dma2 semaphore(%arg9 : memref<!tpu.dma_semaphore, #tpu.memory_space<semaphore_mem>>) src(%dma_wait3A_686 : memref<16x128xf32, #tpu.memory_space<hbm>>) dst(%dma_wait3A_683 : memref<16x128xf32, #tpu.memory_space<vmem>>)
    %dma_wait3A_687 = arith.constant 96 : i32
    %dma_wait3A_688 = arith.constant 0 : i32
    %dma_wait3A_689 = tpu.memref_slice %arg6[%dma_wait3A_687, %dma_wait3A_688] : memref<768x128xf32, #tpu.memory_space<vmem>> -> memref<16x128xf32, #tpu.memory_space<vmem>>
    %dma_wait3A_690 = arith.constant 0 : i32
    %dma_wait3A_691 = arith.constant 0 : i32
    %dma_wait3A_692 = tpu.memref_slice %arg3[%dma_wait3A_690, %dma_wait3A_691] : memref<16x1000000xf32, #tpu.memory_space<hbm>> -> memref<16x128xf32, #tpu.memory_space<hbm>>
    %dma_wait3A_693 = arith.constant 96 : i32
    %dma_wait3A_694 = arith.constant 0 : i32
    %dma_wait3A_695 = tpu.memref_slice %arg6[%dma_wait3A_693, %dma_wait3A_694] : memref<768x128xf32, #tpu.memory_space<vmem>> -> memref<16x128xf32, #tpu.memory_space<vmem>>
    %dma_wait3A_696 = arith.constant 0 : i32
    %dma_wait3A_697 = arith.constant 0 : i32
    %dma_wait3A_698 = tpu.memref_slice %arg3[%dma_wait3A_696, %dma_wait3A_697] : memref<16x1000000xf32, #tpu.memory_space<hbm>> -> memref<16x128xf32, #tpu.memory_space<hbm>>
    tpu.wait_dma2 semaphore(%arg9 : memref<!tpu.dma_semaphore, #tpu.memory_space<semaphore_mem>>) src(%dma_wait3A_698 : memref<16x128xf32, #tpu.memory_space<hbm>>) dst(%dma_wait3A_695 : memref<16x128xf32, #tpu.memory_space<vmem>>)
    %dma_wait3A_699 = arith.constant 112 : i32
    %dma_wait3A_700 = arith.constant 0 : i32
    %dma_wait3A_701 = tpu.memref_slice %arg6[%dma_wait3A_699, %dma_wait3A_700] : memref<768x128xf32, #tpu.memory_space<vmem>> -> memref<16x128xf32, #tpu.memory_space<vmem>>
    %dma_wait3A_702 = arith.constant 0 : i32
    %dma_wait3A_703 = arith.constant 0 : i32
    %dma_wait3A_704 = tpu.memref_slice %arg3[%dma_wait3A_702, %dma_wait3A_703] : memref<16x1000000xf32, #tpu.memory_space<hbm>> -> memref<16x128xf32, #tpu.memory_space<hbm>>
    %dma_wait3A_705 = arith.constant 112 : i32
    %dma_wait3A_706 = arith.constant 0 : i32
    %dma_wait3A_707 = tpu.memref_slice %arg6[%dma_wait3A_705, %dma_wait3A_706] : memref<768x128xf32, #tpu.memory_space<vmem>> -> memref<16x128xf32, #tpu.memory_space<vmem>>
    %dma_wait3A_708 = arith.constant 0 : i32
    %dma_wait3A_709 = arith.constant 0 : i32
    %dma_wait3A_710 = tpu.memref_slice %arg3[%dma_wait3A_708, %dma_wait3A_709] : memref<16x1000000xf32, #tpu.memory_space<hbm>> -> memref<16x128xf32, #tpu.memory_space<hbm>>
    tpu.wait_dma2 semaphore(%arg9 : memref<!tpu.dma_semaphore, #tpu.memory_space<semaphore_mem>>) src(%dma_wait3A_710 : memref<16x128xf32, #tpu.memory_space<hbm>>) dst(%dma_wait3A_707 : memref<16x128xf32, #tpu.memory_space<vmem>>)
    %dma_wait3A_711 = arith.constant 128 : i32
    %dma_wait3A_712 = arith.constant 0 : i32
    %dma_wait3A_713 = tpu.memref_slice %arg6[%dma_wait3A_711, %dma_wait3A_712] : memref<768x128xf32, #tpu.memory_space<vmem>> -> memref<16x128xf32, #tpu.memory_space<vmem>>
    %dma_wait3A_714 = arith.constant 0 : i32
    %dma_wait3A_715 = arith.constant 0 : i32
    %dma_wait3A_716 = tpu.memref_slice %arg3[%dma_wait3A_714, %dma_wait3A_715] : memref<16x1000000xf32, #tpu.memory_space<hbm>> -> memref<16x128xf32, #tpu.memory_space<hbm>>
    %dma_wait3A_717 = arith.constant 128 : i32
    %dma_wait3A_718 = arith.constant 0 : i32
    %dma_wait3A_719 = tpu.memref_slice %arg6[%dma_wait3A_717, %dma_wait3A_718] : memref<768x128xf32, #tpu.memory_space<vmem>> -> memref<16x128xf32, #tpu.memory_space<vmem>>
    %dma_wait3A_720 = arith.constant 0 : i32
    %dma_wait3A_721 = arith.constant 0 : i32
    %dma_wait3A_722 = tpu.memref_slice %arg3[%dma_wait3A_720, %dma_wait3A_721] : memref<16x1000000xf32, #tpu.memory_space<hbm>> -> memref<16x128xf32, #tpu.memory_space<hbm>>
    tpu.wait_dma2 semaphore(%arg9 : memref<!tpu.dma_semaphore, #tpu.memory_space<semaphore_mem>>) src(%dma_wait3A_722 : memref<16x128xf32, #tpu.memory_space<hbm>>) dst(%dma_wait3A_719 : memref<16x128xf32, #tpu.memory_space<vmem>>)
    %dma_wait3A_723 = arith.constant 144 : i32
    %dma_wait3A_724 = arith.constant 0 : i32
    %dma_wait3A_725 = tpu.memref_slice %arg6[%dma_wait3A_723, %dma_wait3A_724] : memref<768x128xf32, #tpu.memory_space<vmem>> -> memref<16x128xf32, #tpu.memory_space<vmem>>
    %dma_wait3A_726 = arith.constant 0 : i32
    %dma_wait3A_727 = arith.constant 0 : i32
    %dma_wait3A_728 = tpu.memref_slice %arg3[%dma_wait3A_726, %dma_wait3A_727] : memref<16x1000000xf32, #tpu.memory_space<hbm>> -> memref<16x128xf32, #tpu.memory_space<hbm>>
    %dma_wait3A_729 = arith.constant 144 : i32
    %dma_wait3A_730 = arith.constant 0 : i32
    %dma_wait3A_731 = tpu.memref_slice %arg6[%dma_wait3A_729, %dma_wait3A_730] : memref<768x128xf32, #tpu.memory_space<vmem>> -> memref<16x128xf32, #tpu.memory_space<vmem>>
    %dma_wait3A_732 = arith.constant 0 : i32
    %dma_wait3A_733 = arith.constant 0 : i32
    %dma_wait3A_734 = tpu.memref_slice %arg3[%dma_wait3A_732, %dma_wait3A_733] : memref<16x1000000xf32, #tpu.memory_space<hbm>> -> memref<16x128xf32, #tpu.memory_space<hbm>>
    tpu.wait_dma2 semaphore(%arg9 : memref<!tpu.dma_semaphore, #tpu.memory_space<semaphore_mem>>) src(%dma_wait3A_734 : memref<16x128xf32, #tpu.memory_space<hbm>>) dst(%dma_wait3A_731 : memref<16x128xf32, #tpu.memory_space<vmem>>)
    %dma_wait3A_735 = arith.constant 160 : i32
    %dma_wait3A_736 = arith.constant 0 : i32
    %dma_wait3A_737 = tpu.memref_slice %arg6[%dma_wait3A_735, %dma_wait3A_736] : memref<768x128xf32, #tpu.memory_space<vmem>> -> memref<16x128xf32, #tpu.memory_space<vmem>>
    %dma_wait3A_738 = arith.constant 0 : i32
    %dma_wait3A_739 = arith.constant 0 : i32
    %dma_wait3A_740 = tpu.memref_slice %arg3[%dma_wait3A_738, %dma_wait3A_739] : memref<16x1000000xf32, #tpu.memory_space<hbm>> -> memref<16x128xf32, #tpu.memory_space<hbm>>
    %dma_wait3A_741 = arith.constant 160 : i32
    %dma_wait3A_742 = arith.constant 0 : i32
    %dma_wait3A_743 = tpu.memref_slice %arg6[%dma_wait3A_741, %dma_wait3A_742] : memref<768x128xf32, #tpu.memory_space<vmem>> -> memref<16x128xf32, #tpu.memory_space<vmem>>
    %dma_wait3A_744 = arith.constant 0 : i32
    %dma_wait3A_745 = arith.constant 0 : i32
    %dma_wait3A_746 = tpu.memref_slice %arg3[%dma_wait3A_744, %dma_wait3A_745] : memref<16x1000000xf32, #tpu.memory_space<hbm>> -> memref<16x128xf32, #tpu.memory_space<hbm>>
    tpu.wait_dma2 semaphore(%arg9 : memref<!tpu.dma_semaphore, #tpu.memory_space<semaphore_mem>>) src(%dma_wait3A_746 : memref<16x128xf32, #tpu.memory_space<hbm>>) dst(%dma_wait3A_743 : memref<16x128xf32, #tpu.memory_space<vmem>>)
    %dma_wait3A_747 = arith.constant 176 : i32
    %dma_wait3A_748 = arith.constant 0 : i32
    %dma_wait3A_749 = tpu.memref_slice %arg6[%dma_wait3A_747, %dma_wait3A_748] : memref<768x128xf32, #tpu.memory_space<vmem>> -> memref<16x128xf32, #tpu.memory_space<vmem>>
    %dma_wait3A_750 = arith.constant 0 : i32
    %dma_wait3A_751 = arith.constant 0 : i32
    %dma_wait3A_752 = tpu.memref_slice %arg3[%dma_wait3A_750, %dma_wait3A_751] : memref<16x1000000xf32, #tpu.memory_space<hbm>> -> memref<16x128xf32, #tpu.memory_space<hbm>>
    %dma_wait3A_753 = arith.constant 176 : i32
    %dma_wait3A_754 = arith.constant 0 : i32
    %dma_wait3A_755 = tpu.memref_slice %arg6[%dma_wait3A_753, %dma_wait3A_754] : memref<768x128xf32, #tpu.memory_space<vmem>> -> memref<16x128xf32, #tpu.memory_space<vmem>>
    %dma_wait3A_756 = arith.constant 0 : i32
    %dma_wait3A_757 = arith.constant 0 : i32
    %dma_wait3A_758 = tpu.memref_slice %arg3[%dma_wait3A_756, %dma_wait3A_757] : memref<16x1000000xf32, #tpu.memory_space<hbm>> -> memref<16x128xf32, #tpu.memory_space<hbm>>
    tpu.wait_dma2 semaphore(%arg9 : memref<!tpu.dma_semaphore, #tpu.memory_space<semaphore_mem>>) src(%dma_wait3A_758 : memref<16x128xf32, #tpu.memory_space<hbm>>) dst(%dma_wait3A_755 : memref<16x128xf32, #tpu.memory_space<vmem>>)
    %dma_wait3A_759 = arith.constant 192 : i32
    %dma_wait3A_760 = arith.constant 0 : i32
    %dma_wait3A_761 = tpu.memref_slice %arg6[%dma_wait3A_759, %dma_wait3A_760] : memref<768x128xf32, #tpu.memory_space<vmem>> -> memref<16x128xf32, #tpu.memory_space<vmem>>
    %dma_wait3A_762 = arith.constant 0 : i32
    %dma_wait3A_763 = arith.constant 0 : i32
    %dma_wait3A_764 = tpu.memref_slice %arg3[%dma_wait3A_762, %dma_wait3A_763] : memref<16x1000000xf32, #tpu.memory_space<hbm>> -> memref<16x128xf32, #tpu.memory_space<hbm>>
    %dma_wait3A_765 = arith.constant 192 : i32
    %dma_wait3A_766 = arith.constant 0 : i32
    %dma_wait3A_767 = tpu.memref_slice %arg6[%dma_wait3A_765, %dma_wait3A_766] : memref<768x128xf32, #tpu.memory_space<vmem>> -> memref<16x128xf32, #tpu.memory_space<vmem>>
    %dma_wait3A_768 = arith.constant 0 : i32
    %dma_wait3A_769 = arith.constant 0 : i32
    %dma_wait3A_770 = tpu.memref_slice %arg3[%dma_wait3A_768, %dma_wait3A_769] : memref<16x1000000xf32, #tpu.memory_space<hbm>> -> memref<16x128xf32, #tpu.memory_space<hbm>>
    tpu.wait_dma2 semaphore(%arg9 : memref<!tpu.dma_semaphore, #tpu.memory_space<semaphore_mem>>) src(%dma_wait3A_770 : memref<16x128xf32, #tpu.memory_space<hbm>>) dst(%dma_wait3A_767 : memref<16x128xf32, #tpu.memory_space<vmem>>)
    %dma_wait3A_771 = arith.constant 208 : i32
    %dma_wait3A_772 = arith.constant 0 : i32
    %dma_wait3A_773 = tpu.memref_slice %arg6[%dma_wait3A_771, %dma_wait3A_772] : memref<768x128xf32, #tpu.memory_space<vmem>> -> memref<16x128xf32, #tpu.memory_space<vmem>>
    %dma_wait3A_774 = arith.constant 0 : i32
    %dma_wait3A_775 = arith.constant 0 : i32
    %dma_wait3A_776 = tpu.memref_slice %arg3[%dma_wait3A_774, %dma_wait3A_775] : memref<16x1000000xf32, #tpu.memory_space<hbm>> -> memref<16x128xf32, #tpu.memory_space<hbm>>
    %dma_wait3A_777 = arith.constant 208 : i32
    %dma_wait3A_778 = arith.constant 0 : i32
    %dma_wait3A_779 = tpu.memref_slice %arg6[%dma_wait3A_777, %dma_wait3A_778] : memref<768x128xf32, #tpu.memory_space<vmem>> -> memref<16x128xf32, #tpu.memory_space<vmem>>
    %dma_wait3A_780 = arith.constant 0 : i32
    %dma_wait3A_781 = arith.constant 0 : i32
    %dma_wait3A_782 = tpu.memref_slice %arg3[%dma_wait3A_780, %dma_wait3A_781] : memref<16x1000000xf32, #tpu.memory_space<hbm>> -> memref<16x128xf32, #tpu.memory_space<hbm>>
    tpu.wait_dma2 semaphore(%arg9 : memref<!tpu.dma_semaphore, #tpu.memory_space<semaphore_mem>>) src(%dma_wait3A_782 : memref<16x128xf32, #tpu.memory_space<hbm>>) dst(%dma_wait3A_779 : memref<16x128xf32, #tpu.memory_space<vmem>>)
    %dma_wait3A_783 = arith.constant 224 : i32
    %dma_wait3A_784 = arith.constant 0 : i32
    %dma_wait3A_785 = tpu.memref_slice %arg6[%dma_wait3A_783, %dma_wait3A_784] : memref<768x128xf32, #tpu.memory_space<vmem>> -> memref<16x128xf32, #tpu.memory_space<vmem>>
    %dma_wait3A_786 = arith.constant 0 : i32
    %dma_wait3A_787 = arith.constant 0 : i32
    %dma_wait3A_788 = tpu.memref_slice %arg3[%dma_wait3A_786, %dma_wait3A_787] : memref<16x1000000xf32, #tpu.memory_space<hbm>> -> memref<16x128xf32, #tpu.memory_space<hbm>>
    %dma_wait3A_789 = arith.constant 224 : i32
    %dma_wait3A_790 = arith.constant 0 : i32
    %dma_wait3A_791 = tpu.memref_slice %arg6[%dma_wait3A_789, %dma_wait3A_790] : memref<768x128xf32, #tpu.memory_space<vmem>> -> memref<16x128xf32, #tpu.memory_space<vmem>>
    %dma_wait3A_792 = arith.constant 0 : i32
    %dma_wait3A_793 = arith.constant 0 : i32
    %dma_wait3A_794 = tpu.memref_slice %arg3[%dma_wait3A_792, %dma_wait3A_793] : memref<16x1000000xf32, #tpu.memory_space<hbm>> -> memref<16x128xf32, #tpu.memory_space<hbm>>
    tpu.wait_dma2 semaphore(%arg9 : memref<!tpu.dma_semaphore, #tpu.memory_space<semaphore_mem>>) src(%dma_wait3A_794 : memref<16x128xf32, #tpu.memory_space<hbm>>) dst(%dma_wait3A_791 : memref<16x128xf32, #tpu.memory_space<vmem>>)
    %dma_wait3A_795 = arith.constant 240 : i32
    %dma_wait3A_796 = arith.constant 0 : i32
    %dma_wait3A_797 = tpu.memref_slice %arg6[%dma_wait3A_795, %dma_wait3A_796] : memref<768x128xf32, #tpu.memory_space<vmem>> -> memref<16x128xf32, #tpu.memory_space<vmem>>
    %dma_wait3A_798 = arith.constant 0 : i32
    %dma_wait3A_799 = arith.constant 0 : i32
    %dma_wait3A_800 = tpu.memref_slice %arg3[%dma_wait3A_798, %dma_wait3A_799] : memref<16x1000000xf32, #tpu.memory_space<hbm>> -> memref<16x128xf32, #tpu.memory_space<hbm>>
    %dma_wait3A_801 = arith.constant 240 : i32
    %dma_wait3A_802 = arith.constant 0 : i32
    %dma_wait3A_803 = tpu.memref_slice %arg6[%dma_wait3A_801, %dma_wait3A_802] : memref<768x128xf32, #tpu.memory_space<vmem>> -> memref<16x128xf32, #tpu.memory_space<vmem>>
    %dma_wait3A_804 = arith.constant 0 : i32
    %dma_wait3A_805 = arith.constant 0 : i32
    %dma_wait3A_806 = tpu.memref_slice %arg3[%dma_wait3A_804, %dma_wait3A_805] : memref<16x1000000xf32, #tpu.memory_space<hbm>> -> memref<16x128xf32, #tpu.memory_space<hbm>>
    tpu.wait_dma2 semaphore(%arg9 : memref<!tpu.dma_semaphore, #tpu.memory_space<semaphore_mem>>) src(%dma_wait3A_806 : memref<16x128xf32, #tpu.memory_space<hbm>>) dst(%dma_wait3A_803 : memref<16x128xf32, #tpu.memory_space<vmem>>)
    %and3A = arith.constant 127 : i32
    %and3A_807 = vector.broadcast %and3A : i32 to vector<16xi32>
    %and3A_808 = arith.andi %scan3A_614#0, %and3A_807 : vector<16xi32>
    %sub3A = arith.constant 999936 : i32
    %sub3A_809 = vector.broadcast %sub3A : i32 to vector<16xi32>
    %sub3A_810 = arith.subi %scan3A_614#0, %sub3A_809 : vector<16xi32>
    %clamp3A = arith.constant 0 : i32
    %clamp3A_811 = arith.constant 63 : i32
    %clamp3A_812 = vector.broadcast %clamp3A : i32 to vector<16xi32>
    %clamp3A_813 = arith.maxsi %sub3A_810, %clamp3A_812 : vector<16xi32>
    %clamp3A_814 = vector.broadcast %clamp3A_811 : i32 to vector<16xi32>
    %clamp3A_815 = arith.minsi %clamp3A_813, %clamp3A_814 : vector<16xi32>
    %ge3A = arith.constant 999936 : i32
    %ge3A_816 = vector.broadcast %ge3A : i32 to vector<16xi32>
    %ge3A_817 = arith.cmpi sge, %scan3A_614#0, %ge3A_816 : vector<16xi32>
    %jit3A = arith.constant 1 : i32
    %jit3A_818 = arith.constant 0 : i32
    %broadcast_in_dim3A = vector.broadcast %jit3A : i32 to vector<16xi32>
    %broadcast_in_dim3A_819 = vector.broadcast %jit3A_818 : i32 to vector<16xi32>
    %select_n3A = arith.select %ge3A_817, %broadcast_in_dim3A, %broadcast_in_dim3A_819 : vector<16xi1>, vector<16xi32>
    %slice3A_820 = vector.extract_strided_slice %and3A_808 {offsets = [0], sizes = [1], strides = [1]} : vector<16xi32> to vector<1xi32>
    %squeeze3A_821 = vector.extract %slice3A_820[0] : i32 from vector<1xi32>
    %broadcast_in_dim3A_822 = vector.broadcast %squeeze3A_821 : i32 to vector<16xi32>
    %add3A_823 = arith.constant 0 : i32
    %add3A_824 = vector.broadcast %add3A_823 : i32 to vector<16xi32>
    %add3A_825 = arith.addi %iota3A, %add3A_824 : vector<16xi32>
    %gather3A = tpu.vector_load_idx %arg6[%add3A_825, %broadcast_in_dim3A_822] : memref<768x128xf32, #tpu.memory_space<vmem>>[vector<16xi32>, vector<16xi32>], vector<16xf32>,
    %slice3A_826 = vector.extract_strided_slice %clamp3A_815 {offsets = [0], sizes = [1], strides = [1]} : vector<16xi32> to vector<1xi32>
    %squeeze3A_827 = vector.extract %slice3A_826[0] : i32 from vector<1xi32>
    %broadcast_in_dim3A_828 = vector.broadcast %squeeze3A_827 : i32 to vector<16xi32>
    %gather3A_829 = tpu.vector_load_idx %arg7[%iota3A, %broadcast_in_dim3A_828] : memref<16x64xf32, #tpu.memory_space<vmem>>[vector<16xi32>, vector<16xi32>], vector<16xf32>,
    %slice3A_830 = vector.extract_strided_slice %select_n3A {offsets = [0], sizes = [1], strides = [1]} : vector<16xi32> to vector<1xi32>
    %squeeze3A_831 = vector.extract %slice3A_830[0] : i32 from vector<1xi32>
    %broadcast_in_dim3A_832 = vector.broadcast %squeeze3A_831 : i32 to vector<16xi32>
    %ne3A = arith.constant 0 : i32
    %ne3A_833 = vector.broadcast %ne3A : i32 to vector<16xi32>
    %ne3A_834 = arith.cmpi ne, %broadcast_in_dim3A_832, %ne3A_833 : vector<16xi32>
    %select_n3A_835 = arith.select %ne3A_834, %gather3A_829, %gather3A : vector<16xi1>, vector<16xf32>
    %broadcast_in_dim3A_836 = arith.constant 480 : i32
    %broadcast_in_dim3A_837 = vector.broadcast %broadcast_in_dim3A_836 : i32 to vector<16xi32>
    tpu.vector_store_idx %arg8[%iota3A, %broadcast_in_dim3A_837], %select_n3A_835 : memref<16x512xf32, #tpu.memory_space<vmem>>[vector<16xi32>, vector<16xi32>], vector<16xf32>,
    %slice3A_838 = vector.extract_strided_slice %and3A_808 {offsets = [1], sizes = [1], strides = [1]} : vector<16xi32> to vector<1xi32>
    %squeeze3A_839 = vector.extract %slice3A_838[0] : i32 from vector<1xi32>
    %broadcast_in_dim3A_840 = vector.broadcast %squeeze3A_839 : i32 to vector<16xi32>
    %add3A_841 = arith.constant 16 : i32
    %add3A_842 = vector.broadcast %add3A_841 : i32 to vector<16xi32>
    %add3A_843 = arith.addi %iota3A, %add3A_842 : vector<16xi32>
    %gather3A_844 = tpu.vector_load_idx %arg6[%add3A_843, %broadcast_in_dim3A_840] : memref<768x128xf32, #tpu.memory_space<vmem>>[vector<16xi32>, vector<16xi32>], vector<16xf32>,
    %slice3A_845 = vector.extract_strided_slice %clamp3A_815 {offsets = [1], sizes = [1], strides = [1]} : vector<16xi32> to vector<1xi32>
    %squeeze3A_846 = vector.extract %slice3A_845[0] : i32 from vector<1xi32>
    %broadcast_in_dim3A_847 = vector.broadcast %squeeze3A_846 : i32 to vector<16xi32>
    %gather3A_848 = tpu.vector_load_idx %arg7[%iota3A, %broadcast_in_dim3A_847] : memref<16x64xf32, #tpu.memory_space<vmem>>[vector<16xi32>, vector<16xi32>], vector<16xf32>,
    %slice3A_849 = vector.extract_strided_slice %select_n3A {offsets = [1], sizes = [1], strides = [1]} : vector<16xi32> to vector<1xi32>
    %squeeze3A_850 = vector.extract %slice3A_849[0] : i32 from vector<1xi32>
    %broadcast_in_dim3A_851 = vector.broadcast %squeeze3A_850 : i32 to vector<16xi32>
    %ne3A_852 = arith.constant 0 : i32
    %ne3A_853 = vector.broadcast %ne3A_852 : i32 to vector<16xi32>
    %ne3A_854 = arith.cmpi ne, %broadcast_in_dim3A_851, %ne3A_853 : vector<16xi32>
    %select_n3A_855 = arith.select %ne3A_854, %gather3A_848, %gather3A_844 : vector<16xi1>, vector<16xf32>
    %broadcast_in_dim3A_856 = arith.constant 481 : i32
    %broadcast_in_dim3A_857 = vector.broadcast %broadcast_in_dim3A_856 : i32 to vector<16xi32>
    tpu.vector_store_idx %arg8[%iota3A, %broadcast_in_dim3A_857], %select_n3A_855 : memref<16x512xf32, #tpu.memory_space<vmem>>[vector<16xi32>, vector<16xi32>], vector<16xf32>,
    %slice3A_858 = vector.extract_strided_slice %and3A_808 {offsets = [2], sizes = [1], strides = [1]} : vector<16xi32> to vector<1xi32>
    %squeeze3A_859 = vector.extract %slice3A_858[0] : i32 from vector<1xi32>
    %broadcast_in_dim3A_860 = vector.broadcast %squeeze3A_859 : i32 to vector<16xi32>
    %add3A_861 = arith.constant 32 : i32
    %add3A_862 = vector.broadcast %add3A_861 : i32 to vector<16xi32>
    %add3A_863 = arith.addi %iota3A, %add3A_862 : vector<16xi32>
    %gather3A_864 = tpu.vector_load_idx %arg6[%add3A_863, %broadcast_in_dim3A_860] : memref<768x128xf32, #tpu.memory_space<vmem>>[vector<16xi32>, vector<16xi32>], vector<16xf32>,
    %slice3A_865 = vector.extract_strided_slice %clamp3A_815 {offsets = [2], sizes = [1], strides = [1]} : vector<16xi32> to vector<1xi32>
    %squeeze3A_866 = vector.extract %slice3A_865[0] : i32 from vector<1xi32>
    %broadcast_in_dim3A_867 = vector.broadcast %squeeze3A_866 : i32 to vector<16xi32>
    %gather3A_868 = tpu.vector_load_idx %arg7[%iota3A, %broadcast_in_dim3A_867] : memref<16x64xf32, #tpu.memory_space<vmem>>[vector<16xi32>, vector<16xi32>], vector<16xf32>,
    %slice3A_869 = vector.extract_strided_slice %select_n3A {offsets = [2], sizes = [1], strides = [1]} : vector<16xi32> to vector<1xi32>
    %squeeze3A_870 = vector.extract %slice3A_869[0] : i32 from vector<1xi32>
    %broadcast_in_dim3A_871 = vector.broadcast %squeeze3A_870 : i32 to vector<16xi32>
    %ne3A_872 = arith.constant 0 : i32
    %ne3A_873 = vector.broadcast %ne3A_872 : i32 to vector<16xi32>
    %ne3A_874 = arith.cmpi ne, %broadcast_in_dim3A_871, %ne3A_873 : vector<16xi32>
    %select_n3A_875 = arith.select %ne3A_874, %gather3A_868, %gather3A_864 : vector<16xi1>, vector<16xf32>
    %broadcast_in_dim3A_876 = arith.constant 482 : i32
    %broadcast_in_dim3A_877 = vector.broadcast %broadcast_in_dim3A_876 : i32 to vector<16xi32>
    tpu.vector_store_idx %arg8[%iota3A, %broadcast_in_dim3A_877], %select_n3A_875 : memref<16x512xf32, #tpu.memory_space<vmem>>[vector<16xi32>, vector<16xi32>], vector<16xf32>,
    %slice3A_878 = vector.extract_strided_slice %and3A_808 {offsets = [3], sizes = [1], strides = [1]} : vector<16xi32> to vector<1xi32>
    %squeeze3A_879 = vector.extract %slice3A_878[0] : i32 from vector<1xi32>
    %broadcast_in_dim3A_880 = vector.broadcast %squeeze3A_879 : i32 to vector<16xi32>
    %add3A_881 = arith.constant 48 : i32
    %add3A_882 = vector.broadcast %add3A_881 : i32 to vector<16xi32>
    %add3A_883 = arith.addi %iota3A, %add3A_882 : vector<16xi32>
    %gather3A_884 = tpu.vector_load_idx %arg6[%add3A_883, %broadcast_in_dim3A_880] : memref<768x128xf32, #tpu.memory_space<vmem>>[vector<16xi32>, vector<16xi32>], vector<16xf32>,
    %slice3A_885 = vector.extract_strided_slice %clamp3A_815 {offsets = [3], sizes = [1], strides = [1]} : vector<16xi32> to vector<1xi32>
    %squeeze3A_886 = vector.extract %slice3A_885[0] : i32 from vector<1xi32>
    %broadcast_in_dim3A_887 = vector.broadcast %squeeze3A_886 : i32 to vector<16xi32>
    %gather3A_888 = tpu.vector_load_idx %arg7[%iota3A, %broadcast_in_dim3A_887] : memref<16x64xf32, #tpu.memory_space<vmem>>[vector<16xi32>, vector<16xi32>], vector<16xf32>,
    %slice3A_889 = vector.extract_strided_slice %select_n3A {offsets = [3], sizes = [1], strides = [1]} : vector<16xi32> to vector<1xi32>
    %squeeze3A_890 = vector.extract %slice3A_889[0] : i32 from vector<1xi32>
    %broadcast_in_dim3A_891 = vector.broadcast %squeeze3A_890 : i32 to vector<16xi32>
    %ne3A_892 = arith.constant 0 : i32
    %ne3A_893 = vector.broadcast %ne3A_892 : i32 to vector<16xi32>
    %ne3A_894 = arith.cmpi ne, %broadcast_in_dim3A_891, %ne3A_893 : vector<16xi32>
    %select_n3A_895 = arith.select %ne3A_894, %gather3A_888, %gather3A_884 : vector<16xi1>, vector<16xf32>
    %broadcast_in_dim3A_896 = arith.constant 483 : i32
    %broadcast_in_dim3A_897 = vector.broadcast %broadcast_in_dim3A_896 : i32 to vector<16xi32>
    tpu.vector_store_idx %arg8[%iota3A, %broadcast_in_dim3A_897], %select_n3A_895 : memref<16x512xf32, #tpu.memory_space<vmem>>[vector<16xi32>, vector<16xi32>], vector<16xf32>,
    %slice3A_898 = vector.extract_strided_slice %and3A_808 {offsets = [4], sizes = [1], strides = [1]} : vector<16xi32> to vector<1xi32>
    %squeeze3A_899 = vector.extract %slice3A_898[0] : i32 from vector<1xi32>
    %broadcast_in_dim3A_900 = vector.broadcast %squeeze3A_899 : i32 to vector<16xi32>
    %add3A_901 = arith.constant 64 : i32
    %add3A_902 = vector.broadcast %add3A_901 : i32 to vector<16xi32>
    %add3A_903 = arith.addi %iota3A, %add3A_902 : vector<16xi32>
    %gather3A_904 = tpu.vector_load_idx %arg6[%add3A_903, %broadcast_in_dim3A_900] : memref<768x128xf32, #tpu.memory_space<vmem>>[vector<16xi32>, vector<16xi32>], vector<16xf32>,
    %slice3A_905 = vector.extract_strided_slice %clamp3A_815 {offsets = [4], sizes = [1], strides = [1]} : vector<16xi32> to vector<1xi32>
    %squeeze3A_906 = vector.extract %slice3A_905[0] : i32 from vector<1xi32>
    %broadcast_in_dim3A_907 = vector.broadcast %squeeze3A_906 : i32 to vector<16xi32>
    %gather3A_908 = tpu.vector_load_idx %arg7[%iota3A, %broadcast_in_dim3A_907] : memref<16x64xf32, #tpu.memory_space<vmem>>[vector<16xi32>, vector<16xi32>], vector<16xf32>,
    %slice3A_909 = vector.extract_strided_slice %select_n3A {offsets = [4], sizes = [1], strides = [1]} : vector<16xi32> to vector<1xi32>
    %squeeze3A_910 = vector.extract %slice3A_909[0] : i32 from vector<1xi32>
    %broadcast_in_dim3A_911 = vector.broadcast %squeeze3A_910 : i32 to vector<16xi32>
    %ne3A_912 = arith.constant 0 : i32
    %ne3A_913 = vector.broadcast %ne3A_912 : i32 to vector<16xi32>
    %ne3A_914 = arith.cmpi ne, %broadcast_in_dim3A_911, %ne3A_913 : vector<16xi32>
    %select_n3A_915 = arith.select %ne3A_914, %gather3A_908, %gather3A_904 : vector<16xi1>, vector<16xf32>
    %broadcast_in_dim3A_916 = arith.constant 484 : i32
    %broadcast_in_dim3A_917 = vector.broadcast %broadcast_in_dim3A_916 : i32 to vector<16xi32>
    tpu.vector_store_idx %arg8[%iota3A, %broadcast_in_dim3A_917], %select_n3A_915 : memref<16x512xf32, #tpu.memory_space<vmem>>[vector<16xi32>, vector<16xi32>], vector<16xf32>,
    %slice3A_918 = vector.extract_strided_slice %and3A_808 {offsets = [5], sizes = [1], strides = [1]} : vector<16xi32> to vector<1xi32>
    %squeeze3A_919 = vector.extract %slice3A_918[0] : i32 from vector<1xi32>
    %broadcast_in_dim3A_920 = vector.broadcast %squeeze3A_919 : i32 to vector<16xi32>
    %add3A_921 = arith.constant 80 : i32
    %add3A_922 = vector.broadcast %add3A_921 : i32 to vector<16xi32>
    %add3A_923 = arith.addi %iota3A, %add3A_922 : vector<16xi32>
    %gather3A_924 = tpu.vector_load_idx %arg6[%add3A_923, %broadcast_in_dim3A_920] : memref<768x128xf32, #tpu.memory_space<vmem>>[vector<16xi32>, vector<16xi32>], vector<16xf32>,
    %slice3A_925 = vector.extract_strided_slice %clamp3A_815 {offsets = [5], sizes = [1], strides = [1]} : vector<16xi32> to vector<1xi32>
    %squeeze3A_926 = vector.extract %slice3A_925[0] : i32 from vector<1xi32>
    %broadcast_in_dim3A_927 = vector.broadcast %squeeze3A_926 : i32 to vector<16xi32>
    %gather3A_928 = tpu.vector_load_idx %arg7[%iota3A, %broadcast_in_dim3A_927] : memref<16x64xf32, #tpu.memory_space<vmem>>[vector<16xi32>, vector<16xi32>], vector<16xf32>,
    %slice3A_929 = vector.extract_strided_slice %select_n3A {offsets = [5], sizes = [1], strides = [1]} : vector<16xi32> to vector<1xi32>
    %squeeze3A_930 = vector.extract %slice3A_929[0] : i32 from vector<1xi32>
    %broadcast_in_dim3A_931 = vector.broadcast %squeeze3A_930 : i32 to vector<16xi32>
    %ne3A_932 = arith.constant 0 : i32
    %ne3A_933 = vector.broadcast %ne3A_932 : i32 to vector<16xi32>
    %ne3A_934 = arith.cmpi ne, %broadcast_in_dim3A_931, %ne3A_933 : vector<16xi32>
    %select_n3A_935 = arith.select %ne3A_934, %gather3A_928, %gather3A_924 : vector<16xi1>, vector<16xf32>
    %broadcast_in_dim3A_936 = arith.constant 485 : i32
    %broadcast_in_dim3A_937 = vector.broadcast %broadcast_in_dim3A_936 : i32 to vector<16xi32>
    tpu.vector_store_idx %arg8[%iota3A, %broadcast_in_dim3A_937], %select_n3A_935 : memref<16x512xf32, #tpu.memory_space<vmem>>[vector<16xi32>, vector<16xi32>], vector<16xf32>,
    %slice3A_938 = vector.extract_strided_slice %and3A_808 {offsets = [6], sizes = [1], strides = [1]} : vector<16xi32> to vector<1xi32>
    %squeeze3A_939 = vector.extract %slice3A_938[0] : i32 from vector<1xi32>
    %broadcast_in_dim3A_940 = vector.broadcast %squeeze3A_939 : i32 to vector<16xi32>
    %add3A_941 = arith.constant 96 : i32
    %add3A_942 = vector.broadcast %add3A_941 : i32 to vector<16xi32>
    %add3A_943 = arith.addi %iota3A, %add3A_942 : vector<16xi32>
    %gather3A_944 = tpu.vector_load_idx %arg6[%add3A_943, %broadcast_in_dim3A_940] : memref<768x128xf32, #tpu.memory_space<vmem>>[vector<16xi32>, vector<16xi32>], vector<16xf32>,
    %slice3A_945 = vector.extract_strided_slice %clamp3A_815 {offsets = [6], sizes = [1], strides = [1]} : vector<16xi32> to vector<1xi32>
    %squeeze3A_946 = vector.extract %slice3A_945[0] : i32 from vector<1xi32>
    %broadcast_in_dim3A_947 = vector.broadcast %squeeze3A_946 : i32 to vector<16xi32>
    %gather3A_948 = tpu.vector_load_idx %arg7[%iota3A, %broadcast_in_dim3A_947] : memref<16x64xf32, #tpu.memory_space<vmem>>[vector<16xi32>, vector<16xi32>], vector<16xf32>,
    %slice3A_949 = vector.extract_strided_slice %select_n3A {offsets = [6], sizes = [1], strides = [1]} : vector<16xi32> to vector<1xi32>
    %squeeze3A_950 = vector.extract %slice3A_949[0] : i32 from vector<1xi32>
    %broadcast_in_dim3A_951 = vector.broadcast %squeeze3A_950 : i32 to vector<16xi32>
    %ne3A_952 = arith.constant 0 : i32
    %ne3A_953 = vector.broadcast %ne3A_952 : i32 to vector<16xi32>
    %ne3A_954 = arith.cmpi ne, %broadcast_in_dim3A_951, %ne3A_953 : vector<16xi32>
    %select_n3A_955 = arith.select %ne3A_954, %gather3A_948, %gather3A_944 : vector<16xi1>, vector<16xf32>
    %broadcast_in_dim3A_956 = arith.constant 486 : i32
    %broadcast_in_dim3A_957 = vector.broadcast %broadcast_in_dim3A_956 : i32 to vector<16xi32>
    tpu.vector_store_idx %arg8[%iota3A, %broadcast_in_dim3A_957], %select_n3A_955 : memref<16x512xf32, #tpu.memory_space<vmem>>[vector<16xi32>, vector<16xi32>], vector<16xf32>,
    %slice3A_958 = vector.extract_strided_slice %and3A_808 {offsets = [7], sizes = [1], strides = [1]} : vector<16xi32> to vector<1xi32>
    %squeeze3A_959 = vector.extract %slice3A_958[0] : i32 from vector<1xi32>
    %broadcast_in_dim3A_960 = vector.broadcast %squeeze3A_959 : i32 to vector<16xi32>
    %add3A_961 = arith.constant 112 : i32
    %add3A_962 = vector.broadcast %add3A_961 : i32 to vector<16xi32>
    %add3A_963 = arith.addi %iota3A, %add3A_962 : vector<16xi32>
    %gather3A_964 = tpu.vector_load_idx %arg6[%add3A_963, %broadcast_in_dim3A_960] : memref<768x128xf32, #tpu.memory_space<vmem>>[vector<16xi32>, vector<16xi32>], vector<16xf32>,
    %slice3A_965 = vector.extract_strided_slice %clamp3A_815 {offsets = [7], sizes = [1], strides = [1]} : vector<16xi32> to vector<1xi32>
    %squeeze3A_966 = vector.extract %slice3A_965[0] : i32 from vector<1xi32>
    %broadcast_in_dim3A_967 = vector.broadcast %squeeze3A_966 : i32 to vector<16xi32>
    %gather3A_968 = tpu.vector_load_idx %arg7[%iota3A, %broadcast_in_dim3A_967] : memref<16x64xf32, #tpu.memory_space<vmem>>[vector<16xi32>, vector<16xi32>], vector<16xf32>,
    %slice3A_969 = vector.extract_strided_slice %select_n3A {offsets = [7], sizes = [1], strides = [1]} : vector<16xi32> to vector<1xi32>
    %squeeze3A_970 = vector.extract %slice3A_969[0] : i32 from vector<1xi32>
    %broadcast_in_dim3A_971 = vector.broadcast %squeeze3A_970 : i32 to vector<16xi32>
    %ne3A_972 = arith.constant 0 : i32
    %ne3A_973 = vector.broadcast %ne3A_972 : i32 to vector<16xi32>
    %ne3A_974 = arith.cmpi ne, %broadcast_in_dim3A_971, %ne3A_973 : vector<16xi32>
    %select_n3A_975 = arith.select %ne3A_974, %gather3A_968, %gather3A_964 : vector<16xi1>, vector<16xf32>
    %broadcast_in_dim3A_976 = arith.constant 487 : i32
    %broadcast_in_dim3A_977 = vector.broadcast %broadcast_in_dim3A_976 : i32 to vector<16xi32>
    tpu.vector_store_idx %arg8[%iota3A, %broadcast_in_dim3A_977], %select_n3A_975 : memref<16x512xf32, #tpu.memory_space<vmem>>[vector<16xi32>, vector<16xi32>], vector<16xf32>,
    %slice3A_978 = vector.extract_strided_slice %and3A_808 {offsets = [8], sizes = [1], strides = [1]} : vector<16xi32> to vector<1xi32>
    %squeeze3A_979 = vector.extract %slice3A_978[0] : i32 from vector<1xi32>
    %broadcast_in_dim3A_980 = vector.broadcast %squeeze3A_979 : i32 to vector<16xi32>
    %add3A_981 = arith.constant 128 : i32
    %add3A_982 = vector.broadcast %add3A_981 : i32 to vector<16xi32>
    %add3A_983 = arith.addi %iota3A, %add3A_982 : vector<16xi32>
    %gather3A_984 = tpu.vector_load_idx %arg6[%add3A_983, %broadcast_in_dim3A_980] : memref<768x128xf32, #tpu.memory_space<vmem>>[vector<16xi32>, vector<16xi32>], vector<16xf32>,
    %slice3A_985 = vector.extract_strided_slice %clamp3A_815 {offsets = [8], sizes = [1], strides = [1]} : vector<16xi32> to vector<1xi32>
    %squeeze3A_986 = vector.extract %slice3A_985[0] : i32 from vector<1xi32>
    %broadcast_in_dim3A_987 = vector.broadcast %squeeze3A_986 : i32 to vector<16xi32>
    %gather3A_988 = tpu.vector_load_idx %arg7[%iota3A, %broadcast_in_dim3A_987] : memref<16x64xf32, #tpu.memory_space<vmem>>[vector<16xi32>, vector<16xi32>], vector<16xf32>,
    %slice3A_989 = vector.extract_strided_slice %select_n3A {offsets = [8], sizes = [1], strides = [1]} : vector<16xi32> to vector<1xi32>
    %squeeze3A_990 = vector.extract %slice3A_989[0] : i32 from vector<1xi32>
    %broadcast_in_dim3A_991 = vector.broadcast %squeeze3A_990 : i32 to vector<16xi32>
    %ne3A_992 = arith.constant 0 : i32
    %ne3A_993 = vector.broadcast %ne3A_992 : i32 to vector<16xi32>
    %ne3A_994 = arith.cmpi ne, %broadcast_in_dim3A_991, %ne3A_993 : vector<16xi32>
    %select_n3A_995 = arith.select %ne3A_994, %gather3A_988, %gather3A_984 : vector<16xi1>, vector<16xf32>
    %broadcast_in_dim3A_996 = arith.constant 488 : i32
    %broadcast_in_dim3A_997 = vector.broadcast %broadcast_in_dim3A_996 : i32 to vector<16xi32>
    tpu.vector_store_idx %arg8[%iota3A, %broadcast_in_dim3A_997], %select_n3A_995 : memref<16x512xf32, #tpu.memory_space<vmem>>[vector<16xi32>, vector<16xi32>], vector<16xf32>,
    %slice3A_998 = vector.extract_strided_slice %and3A_808 {offsets = [9], sizes = [1], strides = [1]} : vector<16xi32> to vector<1xi32>
    %squeeze3A_999 = vector.extract %slice3A_998[0] : i32 from vector<1xi32>
    %broadcast_in_dim3A_1000 = vector.broadcast %squeeze3A_999 : i32 to vector<16xi32>
    %add3A_1001 = arith.constant 144 : i32
    %add3A_1002 = vector.broadcast %add3A_1001 : i32 to vector<16xi32>
    %add3A_1003 = arith.addi %iota3A, %add3A_1002 : vector<16xi32>
    %gather3A_1004 = tpu.vector_load_idx %arg6[%add3A_1003, %broadcast_in_dim3A_1000] : memref<768x128xf32, #tpu.memory_space<vmem>>[vector<16xi32>, vector<16xi32>], vector<16xf32>,
    %slice3A_1005 = vector.extract_strided_slice %clamp3A_815 {offsets = [9], sizes = [1], strides = [1]} : vector<16xi32> to vector<1xi32>
    %squeeze3A_1006 = vector.extract %slice3A_1005[0] : i32 from vector<1xi32>
    %broadcast_in_dim3A_1007 = vector.broadcast %squeeze3A_1006 : i32 to vector<16xi32>
    %gather3A_1008 = tpu.vector_load_idx %arg7[%iota3A, %broadcast_in_dim3A_1007] : memref<16x64xf32, #tpu.memory_space<vmem>>[vector<16xi32>, vector<16xi32>], vector<16xf32>,
    %slice3A_1009 = vector.extract_strided_slice %select_n3A {offsets = [9], sizes = [1], strides = [1]} : vector<16xi32> to vector<1xi32>
    %squeeze3A_1010 = vector.extract %slice3A_1009[0] : i32 from vector<1xi32>
    %broadcast_in_dim3A_1011 = vector.broadcast %squeeze3A_1010 : i32 to vector<16xi32>
    %ne3A_1012 = arith.constant 0 : i32
    %ne3A_1013 = vector.broadcast %ne3A_1012 : i32 to vector<16xi32>
    %ne3A_1014 = arith.cmpi ne, %broadcast_in_dim3A_1011, %ne3A_1013 : vector<16xi32>
    %select_n3A_1015 = arith.select %ne3A_1014, %gather3A_1008, %gather3A_1004 : vector<16xi1>, vector<16xf32>
    %broadcast_in_dim3A_1016 = arith.constant 489 : i32
    %broadcast_in_dim3A_1017 = vector.broadcast %broadcast_in_dim3A_1016 : i32 to vector<16xi32>
    tpu.vector_store_idx %arg8[%iota3A, %broadcast_in_dim3A_1017], %select_n3A_1015 : memref<16x512xf32, #tpu.memory_space<vmem>>[vector<16xi32>, vector<16xi32>], vector<16xf32>,
    %slice3A_1018 = vector.extract_strided_slice %and3A_808 {offsets = [10], sizes = [1], strides = [1]} : vector<16xi32> to vector<1xi32>
    %squeeze3A_1019 = vector.extract %slice3A_1018[0] : i32 from vector<1xi32>
    %broadcast_in_dim3A_1020 = vector.broadcast %squeeze3A_1019 : i32 to vector<16xi32>
    %add3A_1021 = arith.constant 160 : i32
    %add3A_1022 = vector.broadcast %add3A_1021 : i32 to vector<16xi32>
    %add3A_1023 = arith.addi %iota3A, %add3A_1022 : vector<16xi32>
    %gather3A_1024 = tpu.vector_load_idx %arg6[%add3A_1023, %broadcast_in_dim3A_1020] : memref<768x128xf32, #tpu.memory_space<vmem>>[vector<16xi32>, vector<16xi32>], vector<16xf32>,
    %slice3A_1025 = vector.extract_strided_slice %clamp3A_815 {offsets = [10], sizes = [1], strides = [1]} : vector<16xi32> to vector<1xi32>
    %squeeze3A_1026 = vector.extract %slice3A_1025[0] : i32 from vector<1xi32>
    %broadcast_in_dim3A_1027 = vector.broadcast %squeeze3A_1026 : i32 to vector<16xi32>
    %gather3A_1028 = tpu.vector_load_idx %arg7[%iota3A, %broadcast_in_dim3A_1027] : memref<16x64xf32, #tpu.memory_space<vmem>>[vector<16xi32>, vector<16xi32>], vector<16xf32>,
    %slice3A_1029 = vector.extract_strided_slice %select_n3A {offsets = [10], sizes = [1], strides = [1]} : vector<16xi32> to vector<1xi32>
    %squeeze3A_1030 = vector.extract %slice3A_1029[0] : i32 from vector<1xi32>
    %broadcast_in_dim3A_1031 = vector.broadcast %squeeze3A_1030 : i32 to vector<16xi32>
    %ne3A_1032 = arith.constant 0 : i32
    %ne3A_1033 = vector.broadcast %ne3A_1032 : i32 to vector<16xi32>
    %ne3A_1034 = arith.cmpi ne, %broadcast_in_dim3A_1031, %ne3A_1033 : vector<16xi32>
    %select_n3A_1035 = arith.select %ne3A_1034, %gather3A_1028, %gather3A_1024 : vector<16xi1>, vector<16xf32>
    %broadcast_in_dim3A_1036 = arith.constant 490 : i32
    %broadcast_in_dim3A_1037 = vector.broadcast %broadcast_in_dim3A_1036 : i32 to vector<16xi32>
    tpu.vector_store_idx %arg8[%iota3A, %broadcast_in_dim3A_1037], %select_n3A_1035 : memref<16x512xf32, #tpu.memory_space<vmem>>[vector<16xi32>, vector<16xi32>], vector<16xf32>,
    %slice3A_1038 = vector.extract_strided_slice %and3A_808 {offsets = [11], sizes = [1], strides = [1]} : vector<16xi32> to vector<1xi32>
    %squeeze3A_1039 = vector.extract %slice3A_1038[0] : i32 from vector<1xi32>
    %broadcast_in_dim3A_1040 = vector.broadcast %squeeze3A_1039 : i32 to vector<16xi32>
    %add3A_1041 = arith.constant 176 : i32
    %add3A_1042 = vector.broadcast %add3A_1041 : i32 to vector<16xi32>
    %add3A_1043 = arith.addi %iota3A, %add3A_1042 : vector<16xi32>
    %gather3A_1044 = tpu.vector_load_idx %arg6[%add3A_1043, %broadcast_in_dim3A_1040] : memref<768x128xf32, #tpu.memory_space<vmem>>[vector<16xi32>, vector<16xi32>], vector<16xf32>,
    %slice3A_1045 = vector.extract_strided_slice %clamp3A_815 {offsets = [11], sizes = [1], strides = [1]} : vector<16xi32> to vector<1xi32>
    %squeeze3A_1046 = vector.extract %slice3A_1045[0] : i32 from vector<1xi32>
    %broadcast_in_dim3A_1047 = vector.broadcast %squeeze3A_1046 : i32 to vector<16xi32>
    %gather3A_1048 = tpu.vector_load_idx %arg7[%iota3A, %broadcast_in_dim3A_1047] : memref<16x64xf32, #tpu.memory_space<vmem>>[vector<16xi32>, vector<16xi32>], vector<16xf32>,
    %slice3A_1049 = vector.extract_strided_slice %select_n3A {offsets = [11], sizes = [1], strides = [1]} : vector<16xi32> to vector<1xi32>
    %squeeze3A_1050 = vector.extract %slice3A_1049[0] : i32 from vector<1xi32>
    %broadcast_in_dim3A_1051 = vector.broadcast %squeeze3A_1050 : i32 to vector<16xi32>
    %ne3A_1052 = arith.constant 0 : i32
    %ne3A_1053 = vector.broadcast %ne3A_1052 : i32 to vector<16xi32>
    %ne3A_1054 = arith.cmpi ne, %broadcast_in_dim3A_1051, %ne3A_1053 : vector<16xi32>
    %select_n3A_1055 = arith.select %ne3A_1054, %gather3A_1048, %gather3A_1044 : vector<16xi1>, vector<16xf32>
    %broadcast_in_dim3A_1056 = arith.constant 491 : i32
    %broadcast_in_dim3A_1057 = vector.broadcast %broadcast_in_dim3A_1056 : i32 to vector<16xi32>
    tpu.vector_store_idx %arg8[%iota3A, %broadcast_in_dim3A_1057], %select_n3A_1055 : memref<16x512xf32, #tpu.memory_space<vmem>>[vector<16xi32>, vector<16xi32>], vector<16xf32>,
    %slice3A_1058 = vector.extract_strided_slice %and3A_808 {offsets = [12], sizes = [1], strides = [1]} : vector<16xi32> to vector<1xi32>
    %squeeze3A_1059 = vector.extract %slice3A_1058[0] : i32 from vector<1xi32>
    %broadcast_in_dim3A_1060 = vector.broadcast %squeeze3A_1059 : i32 to vector<16xi32>
    %add3A_1061 = arith.constant 192 : i32
    %add3A_1062 = vector.broadcast %add3A_1061 : i32 to vector<16xi32>
    %add3A_1063 = arith.addi %iota3A, %add3A_1062 : vector<16xi32>
    %gather3A_1064 = tpu.vector_load_idx %arg6[%add3A_1063, %broadcast_in_dim3A_1060] : memref<768x128xf32, #tpu.memory_space<vmem>>[vector<16xi32>, vector<16xi32>], vector<16xf32>,
    %slice3A_1065 = vector.extract_strided_slice %clamp3A_815 {offsets = [12], sizes = [1], strides = [1]} : vector<16xi32> to vector<1xi32>
    %squeeze3A_1066 = vector.extract %slice3A_1065[0] : i32 from vector<1xi32>
    %broadcast_in_dim3A_1067 = vector.broadcast %squeeze3A_1066 : i32 to vector<16xi32>
    %gather3A_1068 = tpu.vector_load_idx %arg7[%iota3A, %broadcast_in_dim3A_1067] : memref<16x64xf32, #tpu.memory_space<vmem>>[vector<16xi32>, vector<16xi32>], vector<16xf32>,
    %slice3A_1069 = vector.extract_strided_slice %select_n3A {offsets = [12], sizes = [1], strides = [1]} : vector<16xi32> to vector<1xi32>
    %squeeze3A_1070 = vector.extract %slice3A_1069[0] : i32 from vector<1xi32>
    %broadcast_in_dim3A_1071 = vector.broadcast %squeeze3A_1070 : i32 to vector<16xi32>
    %ne3A_1072 = arith.constant 0 : i32
    %ne3A_1073 = vector.broadcast %ne3A_1072 : i32 to vector<16xi32>
    %ne3A_1074 = arith.cmpi ne, %broadcast_in_dim3A_1071, %ne3A_1073 : vector<16xi32>
    %select_n3A_1075 = arith.select %ne3A_1074, %gather3A_1068, %gather3A_1064 : vector<16xi1>, vector<16xf32>
    %broadcast_in_dim3A_1076 = arith.constant 492 : i32
    %broadcast_in_dim3A_1077 = vector.broadcast %broadcast_in_dim3A_1076 : i32 to vector<16xi32>
    tpu.vector_store_idx %arg8[%iota3A, %broadcast_in_dim3A_1077], %select_n3A_1075 : memref<16x512xf32, #tpu.memory_space<vmem>>[vector<16xi32>, vector<16xi32>], vector<16xf32>,
    %slice3A_1078 = vector.extract_strided_slice %and3A_808 {offsets = [13], sizes = [1], strides = [1]} : vector<16xi32> to vector<1xi32>
    %squeeze3A_1079 = vector.extract %slice3A_1078[0] : i32 from vector<1xi32>
    %broadcast_in_dim3A_1080 = vector.broadcast %squeeze3A_1079 : i32 to vector<16xi32>
    %add3A_1081 = arith.constant 208 : i32
    %add3A_1082 = vector.broadcast %add3A_1081 : i32 to vector<16xi32>
    %add3A_1083 = arith.addi %iota3A, %add3A_1082 : vector<16xi32>
    %gather3A_1084 = tpu.vector_load_idx %arg6[%add3A_1083, %broadcast_in_dim3A_1080] : memref<768x128xf32, #tpu.memory_space<vmem>>[vector<16xi32>, vector<16xi32>], vector<16xf32>,
    %slice3A_1085 = vector.extract_strided_slice %clamp3A_815 {offsets = [13], sizes = [1], strides = [1]} : vector<16xi32> to vector<1xi32>
    %squeeze3A_1086 = vector.extract %slice3A_1085[0] : i32 from vector<1xi32>
    %broadcast_in_dim3A_1087 = vector.broadcast %squeeze3A_1086 : i32 to vector<16xi32>
    %gather3A_1088 = tpu.vector_load_idx %arg7[%iota3A, %broadcast_in_dim3A_1087] : memref<16x64xf32, #tpu.memory_space<vmem>>[vector<16xi32>, vector<16xi32>], vector<16xf32>,
    %slice3A_1089 = vector.extract_strided_slice %select_n3A {offsets = [13], sizes = [1], strides = [1]} : vector<16xi32> to vector<1xi32>
    %squeeze3A_1090 = vector.extract %slice3A_1089[0] : i32 from vector<1xi32>
    %broadcast_in_dim3A_1091 = vector.broadcast %squeeze3A_1090 : i32 to vector<16xi32>
    %ne3A_1092 = arith.constant 0 : i32
    %ne3A_1093 = vector.broadcast %ne3A_1092 : i32 to vector<16xi32>
    %ne3A_1094 = arith.cmpi ne, %broadcast_in_dim3A_1091, %ne3A_1093 : vector<16xi32>
    %select_n3A_1095 = arith.select %ne3A_1094, %gather3A_1088, %gather3A_1084 : vector<16xi1>, vector<16xf32>
    %broadcast_in_dim3A_1096 = arith.constant 493 : i32
    %broadcast_in_dim3A_1097 = vector.broadcast %broadcast_in_dim3A_1096 : i32 to vector<16xi32>
    tpu.vector_store_idx %arg8[%iota3A, %broadcast_in_dim3A_1097], %select_n3A_1095 : memref<16x512xf32, #tpu.memory_space<vmem>>[vector<16xi32>, vector<16xi32>], vector<16xf32>,
    %slice3A_1098 = vector.extract_strided_slice %and3A_808 {offsets = [14], sizes = [1], strides = [1]} : vector<16xi32> to vector<1xi32>
    %squeeze3A_1099 = vector.extract %slice3A_1098[0] : i32 from vector<1xi32>
    %broadcast_in_dim3A_1100 = vector.broadcast %squeeze3A_1099 : i32 to vector<16xi32>
    %add3A_1101 = arith.constant 224 : i32
    %add3A_1102 = vector.broadcast %add3A_1101 : i32 to vector<16xi32>
    %add3A_1103 = arith.addi %iota3A, %add3A_1102 : vector<16xi32>
    %gather3A_1104 = tpu.vector_load_idx %arg6[%add3A_1103, %broadcast_in_dim3A_1100] : memref<768x128xf32, #tpu.memory_space<vmem>>[vector<16xi32>, vector<16xi32>], vector<16xf32>,
    %slice3A_1105 = vector.extract_strided_slice %clamp3A_815 {offsets = [14], sizes = [1], strides = [1]} : vector<16xi32> to vector<1xi32>
    %squeeze3A_1106 = vector.extract %slice3A_1105[0] : i32 from vector<1xi32>
    %broadcast_in_dim3A_1107 = vector.broadcast %squeeze3A_1106 : i32 to vector<16xi32>
    %gather3A_1108 = tpu.vector_load_idx %arg7[%iota3A, %broadcast_in_dim3A_1107] : memref<16x64xf32, #tpu.memory_space<vmem>>[vector<16xi32>, vector<16xi32>], vector<16xf32>,
    %slice3A_1109 = vector.extract_strided_slice %select_n3A {offsets = [14], sizes = [1], strides = [1]} : vector<16xi32> to vector<1xi32>
    %squeeze3A_1110 = vector.extract %slice3A_1109[0] : i32 from vector<1xi32>
    %broadcast_in_dim3A_1111 = vector.broadcast %squeeze3A_1110 : i32 to vector<16xi32>
    %ne3A_1112 = arith.constant 0 : i32
    %ne3A_1113 = vector.broadcast %ne3A_1112 : i32 to vector<16xi32>
    %ne3A_1114 = arith.cmpi ne, %broadcast_in_dim3A_1111, %ne3A_1113 : vector<16xi32>
    %select_n3A_1115 = arith.select %ne3A_1114, %gather3A_1108, %gather3A_1104 : vector<16xi1>, vector<16xf32>
    %broadcast_in_dim3A_1116 = arith.constant 494 : i32
    %broadcast_in_dim3A_1117 = vector.broadcast %broadcast_in_dim3A_1116 : i32 to vector<16xi32>
    tpu.vector_store_idx %arg8[%iota3A, %broadcast_in_dim3A_1117], %select_n3A_1115 : memref<16x512xf32, #tpu.memory_space<vmem>>[vector<16xi32>, vector<16xi32>], vector<16xf32>,
    %slice3A_1118 = vector.extract_strided_slice %and3A_808 {offsets = [15], sizes = [1], strides = [1]} : vector<16xi32> to vector<1xi32>
    %squeeze3A_1119 = vector.extract %slice3A_1118[0] : i32 from vector<1xi32>
    %broadcast_in_dim3A_1120 = vector.broadcast %squeeze3A_1119 : i32 to vector<16xi32>
    %add3A_1121 = arith.constant 240 : i32
    %add3A_1122 = vector.broadcast %add3A_1121 : i32 to vector<16xi32>
    %add3A_1123 = arith.addi %iota3A, %add3A_1122 : vector<16xi32>
    %gather3A_1124 = tpu.vector_load_idx %arg6[%add3A_1123, %broadcast_in_dim3A_1120] : memref<768x128xf32, #tpu.memory_space<vmem>>[vector<16xi32>, vector<16xi32>], vector<16xf32>,
    %slice3A_1125 = vector.extract_strided_slice %clamp3A_815 {offsets = [15], sizes = [1], strides = [1]} : vector<16xi32> to vector<1xi32>
    %squeeze3A_1126 = vector.extract %slice3A_1125[0] : i32 from vector<1xi32>
    %broadcast_in_dim3A_1127 = vector.broadcast %squeeze3A_1126 : i32 to vector<16xi32>
    %gather3A_1128 = tpu.vector_load_idx %arg7[%iota3A, %broadcast_in_dim3A_1127] : memref<16x64xf32, #tpu.memory_space<vmem>>[vector<16xi32>, vector<16xi32>], vector<16xf32>,
    %slice3A_1129 = vector.extract_strided_slice %select_n3A {offsets = [15], sizes = [1], strides = [1]} : vector<16xi32> to vector<1xi32>
    %squeeze3A_1130 = vector.extract %slice3A_1129[0] : i32 from vector<1xi32>
    %broadcast_in_dim3A_1131 = vector.broadcast %squeeze3A_1130 : i32 to vector<16xi32>
    %ne3A_1132 = arith.constant 0 : i32
    %ne3A_1133 = vector.broadcast %ne3A_1132 : i32 to vector<16xi32>
    %ne3A_1134 = arith.cmpi ne, %broadcast_in_dim3A_1131, %ne3A_1133 : vector<16xi32>
    %select_n3A_1135 = arith.select %ne3A_1134, %gather3A_1128, %gather3A_1124 : vector<16xi1>, vector<16xf32>
    %broadcast_in_dim3A_1136 = arith.constant 495 : i32
    %broadcast_in_dim3A_1137 = vector.broadcast %broadcast_in_dim3A_1136 : i32 to vector<16xi32>
    tpu.vector_store_idx %arg8[%iota3A, %broadcast_in_dim3A_1137], %select_n3A_1135 : memref<16x512xf32, #tpu.memory_space<vmem>>[vector<16xi32>, vector<16xi32>], vector<16xf32>,
    %dma_wait3A_1138 = arith.constant 256 : i32
    %dma_wait3A_1139 = arith.constant 0 : i32
    %dma_wait3A_1140 = tpu.memref_slice %arg6[%dma_wait3A_1138, %dma_wait3A_1139] : memref<768x128xf32, #tpu.memory_space<vmem>> -> memref<16x128xf32, #tpu.memory_space<vmem>>
    %dma_wait3A_1141 = arith.constant 0 : i32
    %dma_wait3A_1142 = arith.constant 0 : i32
    %dma_wait3A_1143 = tpu.memref_slice %arg3[%dma_wait3A_1141, %dma_wait3A_1142] : memref<16x1000000xf32, #tpu.memory_space<hbm>> -> memref<16x128xf32, #tpu.memory_space<hbm>>
    %dma_wait3A_1144 = arith.constant 256 : i32
    %dma_wait3A_1145 = arith.constant 0 : i32
    %dma_wait3A_1146 = tpu.memref_slice %arg6[%dma_wait3A_1144, %dma_wait3A_1145] : memref<768x128xf32, #tpu.memory_space<vmem>> -> memref<16x128xf32, #tpu.memory_space<vmem>>
    %dma_wait3A_1147 = arith.constant 0 : i32
    %dma_wait3A_1148 = arith.constant 0 : i32
    %dma_wait3A_1149 = tpu.memref_slice %arg3[%dma_wait3A_1147, %dma_wait3A_1148] : memref<16x1000000xf32, #tpu.memory_space<hbm>> -> memref<16x128xf32, #tpu.memory_space<hbm>>
    tpu.wait_dma2 semaphore(%arg9 : memref<!tpu.dma_semaphore, #tpu.memory_space<semaphore_mem>>) src(%dma_wait3A_1149 : memref<16x128xf32, #tpu.memory_space<hbm>>) dst(%dma_wait3A_1146 : memref<16x128xf32, #tpu.memory_space<vmem>>)
    %dma_wait3A_1150 = arith.constant 272 : i32
    %dma_wait3A_1151 = arith.constant 0 : i32
    %dma_wait3A_1152 = tpu.memref_slice %arg6[%dma_wait3A_1150, %dma_wait3A_1151] : memref<768x128xf32, #tpu.memory_space<vmem>> -> memref<16x128xf32, #tpu.memory_space<vmem>>
    %dma_wait3A_1153 = arith.constant 0 : i32
    %dma_wait3A_1154 = arith.constant 0 : i32
    %dma_wait3A_1155 = tpu.memref_slice %arg3[%dma_wait3A_1153, %dma_wait3A_1154] : memref<16x1000000xf32, #tpu.memory_space<hbm>> -> memref<16x128xf32, #tpu.memory_space<hbm>>
    %dma_wait3A_1156 = arith.constant 272 : i32
    %dma_wait3A_1157 = arith.constant 0 : i32
    %dma_wait3A_1158 = tpu.memref_slice %arg6[%dma_wait3A_1156, %dma_wait3A_1157] : memref<768x128xf32, #tpu.memory_space<vmem>> -> memref<16x128xf32, #tpu.memory_space<vmem>>
    %dma_wait3A_1159 = arith.constant 0 : i32
    %dma_wait3A_1160 = arith.constant 0 : i32
    %dma_wait3A_1161 = tpu.memref_slice %arg3[%dma_wait3A_1159, %dma_wait3A_1160] : memref<16x1000000xf32, #tpu.memory_space<hbm>> -> memref<16x128xf32, #tpu.memory_space<hbm>>
    tpu.wait_dma2 semaphore(%arg9 : memref<!tpu.dma_semaphore, #tpu.memory_space<semaphore_mem>>) src(%dma_wait3A_1161 : memref<16x128xf32, #tpu.memory_space<hbm>>) dst(%dma_wait3A_1158 : memref<16x128xf32, #tpu.memory_space<vmem>>)
    %dma_wait3A_1162 = arith.constant 288 : i32
    %dma_wait3A_1163 = arith.constant 0 : i32
    %dma_wait3A_1164 = tpu.memref_slice %arg6[%dma_wait3A_1162, %dma_wait3A_1163] : memref<768x128xf32, #tpu.memory_space<vmem>> -> memref<16x128xf32, #tpu.memory_space<vmem>>
    %dma_wait3A_1165 = arith.constant 0 : i32
    %dma_wait3A_1166 = arith.constant 0 : i32
    %dma_wait3A_1167 = tpu.memref_slice %arg3[%dma_wait3A_1165, %dma_wait3A_1166] : memref<16x1000000xf32, #tpu.memory_space<hbm>> -> memref<16x128xf32, #tpu.memory_space<hbm>>
    %dma_wait3A_1168 = arith.constant 288 : i32
    %dma_wait3A_1169 = arith.constant 0 : i32
    %dma_wait3A_1170 = tpu.memref_slice %arg6[%dma_wait3A_1168, %dma_wait3A_1169] : memref<768x128xf32, #tpu.memory_space<vmem>> -> memref<16x128xf32, #tpu.memory_space<vmem>>
    %dma_wait3A_1171 = arith.constant 0 : i32
    %dma_wait3A_1172 = arith.constant 0 : i32
    %dma_wait3A_1173 = tpu.memref_slice %arg3[%dma_wait3A_1171, %dma_wait3A_1172] : memref<16x1000000xf32, #tpu.memory_space<hbm>> -> memref<16x128xf32, #tpu.memory_space<hbm>>
    tpu.wait_dma2 semaphore(%arg9 : memref<!tpu.dma_semaphore, #tpu.memory_space<semaphore_mem>>) src(%dma_wait3A_1173 : memref<16x128xf32, #tpu.memory_space<hbm>>) dst(%dma_wait3A_1170 : memref<16x128xf32, #tpu.memory_space<vmem>>)
    %dma_wait3A_1174 = arith.constant 304 : i32
    %dma_wait3A_1175 = arith.constant 0 : i32
    %dma_wait3A_1176 = tpu.memref_slice %arg6[%dma_wait3A_1174, %dma_wait3A_1175] : memref<768x128xf32, #tpu.memory_space<vmem>> -> memref<16x128xf32, #tpu.memory_space<vmem>>
    %dma_wait3A_1177 = arith.constant 0 : i32
    %dma_wait3A_1178 = arith.constant 0 : i32
    %dma_wait3A_1179 = tpu.memref_slice %arg3[%dma_wait3A_1177, %dma_wait3A_1178] : memref<16x1000000xf32, #tpu.memory_space<hbm>> -> memref<16x128xf32, #tpu.memory_space<hbm>>
    %dma_wait3A_1180 = arith.constant 304 : i32
    %dma_wait3A_1181 = arith.constant 0 : i32
    %dma_wait3A_1182 = tpu.memref_slice %arg6[%dma_wait3A_1180, %dma_wait3A_1181] : memref<768x128xf32, #tpu.memory_space<vmem>> -> memref<16x128xf32, #tpu.memory_space<vmem>>
    %dma_wait3A_1183 = arith.constant 0 : i32
    %dma_wait3A_1184 = arith.constant 0 : i32
    %dma_wait3A_1185 = tpu.memref_slice %arg3[%dma_wait3A_1183, %dma_wait3A_1184] : memref<16x1000000xf32, #tpu.memory_space<hbm>> -> memref<16x128xf32, #tpu.memory_space<hbm>>
    tpu.wait_dma2 semaphore(%arg9 : memref<!tpu.dma_semaphore, #tpu.memory_space<semaphore_mem>>) src(%dma_wait3A_1185 : memref<16x128xf32, #tpu.memory_space<hbm>>) dst(%dma_wait3A_1182 : memref<16x128xf32, #tpu.memory_space<vmem>>)
    %dma_wait3A_1186 = arith.constant 320 : i32
    %dma_wait3A_1187 = arith.constant 0 : i32
    %dma_wait3A_1188 = tpu.memref_slice %arg6[%dma_wait3A_1186, %dma_wait3A_1187] : memref<768x128xf32, #tpu.memory_space<vmem>> -> memref<16x128xf32, #tpu.memory_space<vmem>>
    %dma_wait3A_1189 = arith.constant 0 : i32
    %dma_wait3A_1190 = arith.constant 0 : i32
    %dma_wait3A_1191 = tpu.memref_slice %arg3[%dma_wait3A_1189, %dma_wait3A_1190] : memref<16x1000000xf32, #tpu.memory_space<hbm>> -> memref<16x128xf32, #tpu.memory_space<hbm>>
    %dma_wait3A_1192 = arith.constant 320 : i32
    %dma_wait3A_1193 = arith.constant 0 : i32
    %dma_wait3A_1194 = tpu.memref_slice %arg6[%dma_wait3A_1192, %dma_wait3A_1193] : memref<768x128xf32, #tpu.memory_space<vmem>> -> memref<16x128xf32, #tpu.memory_space<vmem>>
    %dma_wait3A_1195 = arith.constant 0 : i32
    %dma_wait3A_1196 = arith.constant 0 : i32
    %dma_wait3A_1197 = tpu.memref_slice %arg3[%dma_wait3A_1195, %dma_wait3A_1196] : memref<16x1000000xf32, #tpu.memory_space<hbm>> -> memref<16x128xf32, #tpu.memory_space<hbm>>
    tpu.wait_dma2 semaphore(%arg9 : memref<!tpu.dma_semaphore, #tpu.memory_space<semaphore_mem>>) src(%dma_wait3A_1197 : memref<16x128xf32, #tpu.memory_space<hbm>>) dst(%dma_wait3A_1194 : memref<16x128xf32, #tpu.memory_space<vmem>>)
    %dma_wait3A_1198 = arith.constant 336 : i32
    %dma_wait3A_1199 = arith.constant 0 : i32
    %dma_wait3A_1200 = tpu.memref_slice %arg6[%dma_wait3A_1198, %dma_wait3A_1199] : memref<768x128xf32, #tpu.memory_space<vmem>> -> memref<16x128xf32, #tpu.memory_space<vmem>>
    %dma_wait3A_1201 = arith.constant 0 : i32
    %dma_wait3A_1202 = arith.constant 0 : i32
    %dma_wait3A_1203 = tpu.memref_slice %arg3[%dma_wait3A_1201, %dma_wait3A_1202] : memref<16x1000000xf32, #tpu.memory_space<hbm>> -> memref<16x128xf32, #tpu.memory_space<hbm>>
    %dma_wait3A_1204 = arith.constant 336 : i32
    %dma_wait3A_1205 = arith.constant 0 : i32
    %dma_wait3A_1206 = tpu.memref_slice %arg6[%dma_wait3A_1204, %dma_wait3A_1205] : memref<768x128xf32, #tpu.memory_space<vmem>> -> memref<16x128xf32, #tpu.memory_space<vmem>>
    %dma_wait3A_1207 = arith.constant 0 : i32
    %dma_wait3A_1208 = arith.constant 0 : i32
    %dma_wait3A_1209 = tpu.memref_slice %arg3[%dma_wait3A_1207, %dma_wait3A_1208] : memref<16x1000000xf32, #tpu.memory_space<hbm>> -> memref<16x128xf32, #tpu.memory_space<hbm>>
    tpu.wait_dma2 semaphore(%arg9 : memref<!tpu.dma_semaphore, #tpu.memory_space<semaphore_mem>>) src(%dma_wait3A_1209 : memref<16x128xf32, #tpu.memory_space<hbm>>) dst(%dma_wait3A_1206 : memref<16x128xf32, #tpu.memory_space<vmem>>)
    %dma_wait3A_1210 = arith.constant 352 : i32
    %dma_wait3A_1211 = arith.constant 0 : i32
    %dma_wait3A_1212 = tpu.memref_slice %arg6[%dma_wait3A_1210, %dma_wait3A_1211] : memref<768x128xf32, #tpu.memory_space<vmem>> -> memref<16x128xf32, #tpu.memory_space<vmem>>
    %dma_wait3A_1213 = arith.constant 0 : i32
    %dma_wait3A_1214 = arith.constant 0 : i32
    %dma_wait3A_1215 = tpu.memref_slice %arg3[%dma_wait3A_1213, %dma_wait3A_1214] : memref<16x1000000xf32, #tpu.memory_space<hbm>> -> memref<16x128xf32, #tpu.memory_space<hbm>>
    %dma_wait3A_1216 = arith.constant 352 : i32
    %dma_wait3A_1217 = arith.constant 0 : i32
    %dma_wait3A_1218 = tpu.memref_slice %arg6[%dma_wait3A_1216, %dma_wait3A_1217] : memref<768x128xf32, #tpu.memory_space<vmem>> -> memref<16x128xf32, #tpu.memory_space<vmem>>
    %dma_wait3A_1219 = arith.constant 0 : i32
    %dma_wait3A_1220 = arith.constant 0 : i32
    %dma_wait3A_1221 = tpu.memref_slice %arg3[%dma_wait3A_1219, %dma_wait3A_1220] : memref<16x1000000xf32, #tpu.memory_space<hbm>> -> memref<16x128xf32, #tpu.memory_space<hbm>>
    tpu.wait_dma2 semaphore(%arg9 : memref<!tpu.dma_semaphore, #tpu.memory_space<semaphore_mem>>) src(%dma_wait3A_1221 : memref<16x128xf32, #tpu.memory_space<hbm>>) dst(%dma_wait3A_1218 : memref<16x128xf32, #tpu.memory_space<vmem>>)
    %dma_wait3A_1222 = arith.constant 368 : i32
    %dma_wait3A_1223 = arith.constant 0 : i32
    %dma_wait3A_1224 = tpu.memref_slice %arg6[%dma_wait3A_1222, %dma_wait3A_1223] : memref<768x128xf32, #tpu.memory_space<vmem>> -> memref<16x128xf32, #tpu.memory_space<vmem>>
    %dma_wait3A_1225 = arith.constant 0 : i32
    %dma_wait3A_1226 = arith.constant 0 : i32
    %dma_wait3A_1227 = tpu.memref_slice %arg3[%dma_wait3A_1225, %dma_wait3A_1226] : memref<16x1000000xf32, #tpu.memory_space<hbm>> -> memref<16x128xf32, #tpu.memory_space<hbm>>
    %dma_wait3A_1228 = arith.constant 368 : i32
    %dma_wait3A_1229 = arith.constant 0 : i32
    %dma_wait3A_1230 = tpu.memref_slice %arg6[%dma_wait3A_1228, %dma_wait3A_1229] : memref<768x128xf32, #tpu.memory_space<vmem>> -> memref<16x128xf32, #tpu.memory_space<vmem>>
    %dma_wait3A_1231 = arith.constant 0 : i32
    %dma_wait3A_1232 = arith.constant 0 : i32
    %dma_wait3A_1233 = tpu.memref_slice %arg3[%dma_wait3A_1231, %dma_wait3A_1232] : memref<16x1000000xf32, #tpu.memory_space<hbm>> -> memref<16x128xf32, #tpu.memory_space<hbm>>
    tpu.wait_dma2 semaphore(%arg9 : memref<!tpu.dma_semaphore, #tpu.memory_space<semaphore_mem>>) src(%dma_wait3A_1233 : memref<16x128xf32, #tpu.memory_space<hbm>>) dst(%dma_wait3A_1230 : memref<16x128xf32, #tpu.memory_space<vmem>>)
    %dma_wait3A_1234 = arith.constant 384 : i32
    %dma_wait3A_1235 = arith.constant 0 : i32
    %dma_wait3A_1236 = tpu.memref_slice %arg6[%dma_wait3A_1234, %dma_wait3A_1235] : memref<768x128xf32, #tpu.memory_space<vmem>> -> memref<16x128xf32, #tpu.memory_space<vmem>>
    %dma_wait3A_1237 = arith.constant 0 : i32
    %dma_wait3A_1238 = arith.constant 0 : i32
    %dma_wait3A_1239 = tpu.memref_slice %arg3[%dma_wait3A_1237, %dma_wait3A_1238] : memref<16x1000000xf32, #tpu.memory_space<hbm>> -> memref<16x128xf32, #tpu.memory_space<hbm>>
    %dma_wait3A_1240 = arith.constant 384 : i32
    %dma_wait3A_1241 = arith.constant 0 : i32
    %dma_wait3A_1242 = tpu.memref_slice %arg6[%dma_wait3A_1240, %dma_wait3A_1241] : memref<768x128xf32, #tpu.memory_space<vmem>> -> memref<16x128xf32, #tpu.memory_space<vmem>>
    %dma_wait3A_1243 = arith.constant 0 : i32
    %dma_wait3A_1244 = arith.constant 0 : i32
    %dma_wait3A_1245 = tpu.memref_slice %arg3[%dma_wait3A_1243, %dma_wait3A_1244] : memref<16x1000000xf32, #tpu.memory_space<hbm>> -> memref<16x128xf32, #tpu.memory_space<hbm>>
    tpu.wait_dma2 semaphore(%arg9 : memref<!tpu.dma_semaphore, #tpu.memory_space<semaphore_mem>>) src(%dma_wait3A_1245 : memref<16x128xf32, #tpu.memory_space<hbm>>) dst(%dma_wait3A_1242 : memref<16x128xf32, #tpu.memory_space<vmem>>)
    %dma_wait3A_1246 = arith.constant 400 : i32
    %dma_wait3A_1247 = arith.constant 0 : i32
    %dma_wait3A_1248 = tpu.memref_slice %arg6[%dma_wait3A_1246, %dma_wait3A_1247] : memref<768x128xf32, #tpu.memory_space<vmem>> -> memref<16x128xf32, #tpu.memory_space<vmem>>
    %dma_wait3A_1249 = arith.constant 0 : i32
    %dma_wait3A_1250 = arith.constant 0 : i32
    %dma_wait3A_1251 = tpu.memref_slice %arg3[%dma_wait3A_1249, %dma_wait3A_1250] : memref<16x1000000xf32, #tpu.memory_space<hbm>> -> memref<16x128xf32, #tpu.memory_space<hbm>>
    %dma_wait3A_1252 = arith.constant 400 : i32
    %dma_wait3A_1253 = arith.constant 0 : i32
    %dma_wait3A_1254 = tpu.memref_slice %arg6[%dma_wait3A_1252, %dma_wait3A_1253] : memref<768x128xf32, #tpu.memory_space<vmem>> -> memref<16x128xf32, #tpu.memory_space<vmem>>
    %dma_wait3A_1255 = arith.constant 0 : i32
    %dma_wait3A_1256 = arith.constant 0 : i32
    %dma_wait3A_1257 = tpu.memref_slice %arg3[%dma_wait3A_1255, %dma_wait3A_1256] : memref<16x1000000xf32, #tpu.memory_space<hbm>> -> memref<16x128xf32, #tpu.memory_space<hbm>>
    tpu.wait_dma2 semaphore(%arg9 : memref<!tpu.dma_semaphore, #tpu.memory_space<semaphore_mem>>) src(%dma_wait3A_1257 : memref<16x128xf32, #tpu.memory_space<hbm>>) dst(%dma_wait3A_1254 : memref<16x128xf32, #tpu.memory_space<vmem>>)
    %dma_wait3A_1258 = arith.constant 416 : i32
    %dma_wait3A_1259 = arith.constant 0 : i32
    %dma_wait3A_1260 = tpu.memref_slice %arg6[%dma_wait3A_1258, %dma_wait3A_1259] : memref<768x128xf32, #tpu.memory_space<vmem>> -> memref<16x128xf32, #tpu.memory_space<vmem>>
    %dma_wait3A_1261 = arith.constant 0 : i32
    %dma_wait3A_1262 = arith.constant 0 : i32
    %dma_wait3A_1263 = tpu.memref_slice %arg3[%dma_wait3A_1261, %dma_wait3A_1262] : memref<16x1000000xf32, #tpu.memory_space<hbm>> -> memref<16x128xf32, #tpu.memory_space<hbm>>
    %dma_wait3A_1264 = arith.constant 416 : i32
    %dma_wait3A_1265 = arith.constant 0 : i32
    %dma_wait3A_1266 = tpu.memref_slice %arg6[%dma_wait3A_1264, %dma_wait3A_1265] : memref<768x128xf32, #tpu.memory_space<vmem>> -> memref<16x128xf32, #tpu.memory_space<vmem>>
    %dma_wait3A_1267 = arith.constant 0 : i32
    %dma_wait3A_1268 = arith.constant 0 : i32
    %dma_wait3A_1269 = tpu.memref_slice %arg3[%dma_wait3A_1267, %dma_wait3A_1268] : memref<16x1000000xf32, #tpu.memory_space<hbm>> -> memref<16x128xf32, #tpu.memory_space<hbm>>
    tpu.wait_dma2 semaphore(%arg9 : memref<!tpu.dma_semaphore, #tpu.memory_space<semaphore_mem>>) src(%dma_wait3A_1269 : memref<16x128xf32, #tpu.memory_space<hbm>>) dst(%dma_wait3A_1266 : memref<16x128xf32, #tpu.memory_space<vmem>>)
    %dma_wait3A_1270 = arith.constant 432 : i32
    %dma_wait3A_1271 = arith.constant 0 : i32
    %dma_wait3A_1272 = tpu.memref_slice %arg6[%dma_wait3A_1270, %dma_wait3A_1271] : memref<768x128xf32, #tpu.memory_space<vmem>> -> memref<16x128xf32, #tpu.memory_space<vmem>>
    %dma_wait3A_1273 = arith.constant 0 : i32
    %dma_wait3A_1274 = arith.constant 0 : i32
    %dma_wait3A_1275 = tpu.memref_slice %arg3[%dma_wait3A_1273, %dma_wait3A_1274] : memref<16x1000000xf32, #tpu.memory_space<hbm>> -> memref<16x128xf32, #tpu.memory_space<hbm>>
    %dma_wait3A_1276 = arith.constant 432 : i32
    %dma_wait3A_1277 = arith.constant 0 : i32
    %dma_wait3A_1278 = tpu.memref_slice %arg6[%dma_wait3A_1276, %dma_wait3A_1277] : memref<768x128xf32, #tpu.memory_space<vmem>> -> memref<16x128xf32, #tpu.memory_space<vmem>>
    %dma_wait3A_1279 = arith.constant 0 : i32
    %dma_wait3A_1280 = arith.constant 0 : i32
    %dma_wait3A_1281 = tpu.memref_slice %arg3[%dma_wait3A_1279, %dma_wait3A_1280] : memref<16x1000000xf32, #tpu.memory_space<hbm>> -> memref<16x128xf32, #tpu.memory_space<hbm>>
    tpu.wait_dma2 semaphore(%arg9 : memref<!tpu.dma_semaphore, #tpu.memory_space<semaphore_mem>>) src(%dma_wait3A_1281 : memref<16x128xf32, #tpu.memory_space<hbm>>) dst(%dma_wait3A_1278 : memref<16x128xf32, #tpu.memory_space<vmem>>)
    %dma_wait3A_1282 = arith.constant 448 : i32
    %dma_wait3A_1283 = arith.constant 0 : i32
    %dma_wait3A_1284 = tpu.memref_slice %arg6[%dma_wait3A_1282, %dma_wait3A_1283] : memref<768x128xf32, #tpu.memory_space<vmem>> -> memref<16x128xf32, #tpu.memory_space<vmem>>
    %dma_wait3A_1285 = arith.constant 0 : i32
    %dma_wait3A_1286 = arith.constant 0 : i32
    %dma_wait3A_1287 = tpu.memref_slice %arg3[%dma_wait3A_1285, %dma_wait3A_1286] : memref<16x1000000xf32, #tpu.memory_space<hbm>> -> memref<16x128xf32, #tpu.memory_space<hbm>>
    %dma_wait3A_1288 = arith.constant 448 : i32
    %dma_wait3A_1289 = arith.constant 0 : i32
    %dma_wait3A_1290 = tpu.memref_slice %arg6[%dma_wait3A_1288, %dma_wait3A_1289] : memref<768x128xf32, #tpu.memory_space<vmem>> -> memref<16x128xf32, #tpu.memory_space<vmem>>
    %dma_wait3A_1291 = arith.constant 0 : i32
    %dma_wait3A_1292 = arith.constant 0 : i32
    %dma_wait3A_1293 = tpu.memref_slice %arg3[%dma_wait3A_1291, %dma_wait3A_1292] : memref<16x1000000xf32, #tpu.memory_space<hbm>> -> memref<16x128xf32, #tpu.memory_space<hbm>>
    tpu.wait_dma2 semaphore(%arg9 : memref<!tpu.dma_semaphore, #tpu.memory_space<semaphore_mem>>) src(%dma_wait3A_1293 : memref<16x128xf32, #tpu.memory_space<hbm>>) dst(%dma_wait3A_1290 : memref<16x128xf32, #tpu.memory_space<vmem>>)
    %dma_wait3A_1294 = arith.constant 464 : i32
    %dma_wait3A_1295 = arith.constant 0 : i32
    %dma_wait3A_1296 = tpu.memref_slice %arg6[%dma_wait3A_1294, %dma_wait3A_1295] : memref<768x128xf32, #tpu.memory_space<vmem>> -> memref<16x128xf32, #tpu.memory_space<vmem>>
    %dma_wait3A_1297 = arith.constant 0 : i32
    %dma_wait3A_1298 = arith.constant 0 : i32
    %dma_wait3A_1299 = tpu.memref_slice %arg3[%dma_wait3A_1297, %dma_wait3A_1298] : memref<16x1000000xf32, #tpu.memory_space<hbm>> -> memref<16x128xf32, #tpu.memory_space<hbm>>
    %dma_wait3A_1300 = arith.constant 464 : i32
    %dma_wait3A_1301 = arith.constant 0 : i32
    %dma_wait3A_1302 = tpu.memref_slice %arg6[%dma_wait3A_1300, %dma_wait3A_1301] : memref<768x128xf32, #tpu.memory_space<vmem>> -> memref<16x128xf32, #tpu.memory_space<vmem>>
    %dma_wait3A_1303 = arith.constant 0 : i32
    %dma_wait3A_1304 = arith.constant 0 : i32
    %dma_wait3A_1305 = tpu.memref_slice %arg3[%dma_wait3A_1303, %dma_wait3A_1304] : memref<16x1000000xf32, #tpu.memory_space<hbm>> -> memref<16x128xf32, #tpu.memory_space<hbm>>
    tpu.wait_dma2 semaphore(%arg9 : memref<!tpu.dma_semaphore, #tpu.memory_space<semaphore_mem>>) src(%dma_wait3A_1305 : memref<16x128xf32, #tpu.memory_space<hbm>>) dst(%dma_wait3A_1302 : memref<16x128xf32, #tpu.memory_space<vmem>>)
    %dma_wait3A_1306 = arith.constant 480 : i32
    %dma_wait3A_1307 = arith.constant 0 : i32
    %dma_wait3A_1308 = tpu.memref_slice %arg6[%dma_wait3A_1306, %dma_wait3A_1307] : memref<768x128xf32, #tpu.memory_space<vmem>> -> memref<16x128xf32, #tpu.memory_space<vmem>>
    %dma_wait3A_1309 = arith.constant 0 : i32
    %dma_wait3A_1310 = arith.constant 0 : i32
    %dma_wait3A_1311 = tpu.memref_slice %arg3[%dma_wait3A_1309, %dma_wait3A_1310] : memref<16x1000000xf32, #tpu.memory_space<hbm>> -> memref<16x128xf32, #tpu.memory_space<hbm>>
    %dma_wait3A_1312 = arith.constant 480 : i32
    %dma_wait3A_1313 = arith.constant 0 : i32
    %dma_wait3A_1314 = tpu.memref_slice %arg6[%dma_wait3A_1312, %dma_wait3A_1313] : memref<768x128xf32, #tpu.memory_space<vmem>> -> memref<16x128xf32, #tpu.memory_space<vmem>>
    %dma_wait3A_1315 = arith.constant 0 : i32
    %dma_wait3A_1316 = arith.constant 0 : i32
    %dma_wait3A_1317 = tpu.memref_slice %arg3[%dma_wait3A_1315, %dma_wait3A_1316] : memref<16x1000000xf32, #tpu.memory_space<hbm>> -> memref<16x128xf32, #tpu.memory_space<hbm>>
    tpu.wait_dma2 semaphore(%arg9 : memref<!tpu.dma_semaphore, #tpu.memory_space<semaphore_mem>>) src(%dma_wait3A_1317 : memref<16x128xf32, #tpu.memory_space<hbm>>) dst(%dma_wait3A_1314 : memref<16x128xf32, #tpu.memory_space<vmem>>)
    %dma_wait3A_1318 = arith.constant 496 : i32
    %dma_wait3A_1319 = arith.constant 0 : i32
    %dma_wait3A_1320 = tpu.memref_slice %arg6[%dma_wait3A_1318, %dma_wait3A_1319] : memref<768x128xf32, #tpu.memory_space<vmem>> -> memref<16x128xf32, #tpu.memory_space<vmem>>
    %dma_wait3A_1321 = arith.constant 0 : i32
    %dma_wait3A_1322 = arith.constant 0 : i32
    %dma_wait3A_1323 = tpu.memref_slice %arg3[%dma_wait3A_1321, %dma_wait3A_1322] : memref<16x1000000xf32, #tpu.memory_space<hbm>> -> memref<16x128xf32, #tpu.memory_space<hbm>>
    %dma_wait3A_1324 = arith.constant 496 : i32
    %dma_wait3A_1325 = arith.constant 0 : i32
    %dma_wait3A_1326 = tpu.memref_slice %arg6[%dma_wait3A_1324, %dma_wait3A_1325] : memref<768x128xf32, #tpu.memory_space<vmem>> -> memref<16x128xf32, #tpu.memory_space<vmem>>
    %dma_wait3A_1327 = arith.constant 0 : i32
    %dma_wait3A_1328 = arith.constant 0 : i32
    %dma_wait3A_1329 = tpu.memref_slice %arg3[%dma_wait3A_1327, %dma_wait3A_1328] : memref<16x1000000xf32, #tpu.memory_space<hbm>> -> memref<16x128xf32, #tpu.memory_space<hbm>>
    tpu.wait_dma2 semaphore(%arg9 : memref<!tpu.dma_semaphore, #tpu.memory_space<semaphore_mem>>) src(%dma_wait3A_1329 : memref<16x128xf32, #tpu.memory_space<hbm>>) dst(%dma_wait3A_1326 : memref<16x128xf32, #tpu.memory_space<vmem>>)
    %and3A_1330 = arith.constant 127 : i32
    %and3A_1331 = vector.broadcast %and3A_1330 : i32 to vector<16xi32>
    %and3A_1332 = arith.andi %scan3A_614#1, %and3A_1331 : vector<16xi32>
    %sub3A_1333 = arith.constant 999936 : i32
    %sub3A_1334 = vector.broadcast %sub3A_1333 : i32 to vector<16xi32>
    %sub3A_1335 = arith.subi %scan3A_614#1, %sub3A_1334 : vector<16xi32>
    %clamp3A_1336 = arith.constant 0 : i32
    %clamp3A_1337 = arith.constant 63 : i32
    %clamp3A_1338 = vector.broadcast %clamp3A_1336 : i32 to vector<16xi32>
    %clamp3A_1339 = arith.maxsi %sub3A_1335, %clamp3A_1338 : vector<16xi32>
    %clamp3A_1340 = vector.broadcast %clamp3A_1337 : i32 to vector<16xi32>
    %clamp3A_1341 = arith.minsi %clamp3A_1339, %clamp3A_1340 : vector<16xi32>
    %ge3A_1342 = arith.constant 999936 : i32
    %ge3A_1343 = vector.broadcast %ge3A_1342 : i32 to vector<16xi32>
    %ge3A_1344 = arith.cmpi sge, %scan3A_614#1, %ge3A_1343 : vector<16xi32>
    %jit3A_1345 = arith.constant 1 : i32
    %jit3A_1346 = arith.constant 0 : i32
    %broadcast_in_dim3A_1347 = vector.broadcast %jit3A_1345 : i32 to vector<16xi32>
    %broadcast_in_dim3A_1348 = vector.broadcast %jit3A_1346 : i32 to vector<16xi32>
    %select_n3A_1349 = arith.select %ge3A_1344, %broadcast_in_dim3A_1347, %broadcast_in_dim3A_1348 : vector<16xi1>, vector<16xi32>
    %slice3A_1350 = vector.extract_strided_slice %and3A_1332 {offsets = [0], sizes = [1], strides = [1]} : vector<16xi32> to vector<1xi32>
    %squeeze3A_1351 = vector.extract %slice3A_1350[0] : i32 from vector<1xi32>
    %broadcast_in_dim3A_1352 = vector.broadcast %squeeze3A_1351 : i32 to vector<16xi32>
    %add3A_1353 = arith.constant 256 : i32
    %add3A_1354 = vector.broadcast %add3A_1353 : i32 to vector<16xi32>
    %add3A_1355 = arith.addi %iota3A, %add3A_1354 : vector<16xi32>
    %gather3A_1356 = tpu.vector_load_idx %arg6[%add3A_1355, %broadcast_in_dim3A_1352] : memref<768x128xf32, #tpu.memory_space<vmem>>[vector<16xi32>, vector<16xi32>], vector<16xf32>,
    %slice3A_1357 = vector.extract_strided_slice %clamp3A_1341 {offsets = [0], sizes = [1], strides = [1]} : vector<16xi32> to vector<1xi32>
    %squeeze3A_1358 = vector.extract %slice3A_1357[0] : i32 from vector<1xi32>
    %broadcast_in_dim3A_1359 = vector.broadcast %squeeze3A_1358 : i32 to vector<16xi32>
    %gather3A_1360 = tpu.vector_load_idx %arg7[%iota3A, %broadcast_in_dim3A_1359] : memref<16x64xf32, #tpu.memory_space<vmem>>[vector<16xi32>, vector<16xi32>], vector<16xf32>,
    %slice3A_1361 = vector.extract_strided_slice %select_n3A_1349 {offsets = [0], sizes = [1], strides = [1]} : vector<16xi32> to vector<1xi32>
    %squeeze3A_1362 = vector.extract %slice3A_1361[0] : i32 from vector<1xi32>
    %broadcast_in_dim3A_1363 = vector.broadcast %squeeze3A_1362 : i32 to vector<16xi32>
    %ne3A_1364 = arith.constant 0 : i32
    %ne3A_1365 = vector.broadcast %ne3A_1364 : i32 to vector<16xi32>
    %ne3A_1366 = arith.cmpi ne, %broadcast_in_dim3A_1363, %ne3A_1365 : vector<16xi32>
    %select_n3A_1367 = arith.select %ne3A_1366, %gather3A_1360, %gather3A_1356 : vector<16xi1>, vector<16xf32>
    %broadcast_in_dim3A_1368 = arith.constant 496 : i32
    %broadcast_in_dim3A_1369 = vector.broadcast %broadcast_in_dim3A_1368 : i32 to vector<16xi32>
    tpu.vector_store_idx %arg8[%iota3A, %broadcast_in_dim3A_1369], %select_n3A_1367 : memref<16x512xf32, #tpu.memory_space<vmem>>[vector<16xi32>, vector<16xi32>], vector<16xf32>,
    %slice3A_1370 = vector.extract_strided_slice %and3A_1332 {offsets = [1], sizes = [1], strides = [1]} : vector<16xi32> to vector<1xi32>
    %squeeze3A_1371 = vector.extract %slice3A_1370[0] : i32 from vector<1xi32>
    %broadcast_in_dim3A_1372 = vector.broadcast %squeeze3A_1371 : i32 to vector<16xi32>
    %add3A_1373 = arith.constant 272 : i32
    %add3A_1374 = vector.broadcast %add3A_1373 : i32 to vector<16xi32>
    %add3A_1375 = arith.addi %iota3A, %add3A_1374 : vector<16xi32>
    %gather3A_1376 = tpu.vector_load_idx %arg6[%add3A_1375, %broadcast_in_dim3A_1372] : memref<768x128xf32, #tpu.memory_space<vmem>>[vector<16xi32>, vector<16xi32>], vector<16xf32>,
    %slice3A_1377 = vector.extract_strided_slice %clamp3A_1341 {offsets = [1], sizes = [1], strides = [1]} : vector<16xi32> to vector<1xi32>
    %squeeze3A_1378 = vector.extract %slice3A_1377[0] : i32 from vector<1xi32>
    %broadcast_in_dim3A_1379 = vector.broadcast %squeeze3A_1378 : i32 to vector<16xi32>
    %gather3A_1380 = tpu.vector_load_idx %arg7[%iota3A, %broadcast_in_dim3A_1379] : memref<16x64xf32, #tpu.memory_space<vmem>>[vector<16xi32>, vector<16xi32>], vector<16xf32>,
    %slice3A_1381 = vector.extract_strided_slice %select_n3A_1349 {offsets = [1], sizes = [1], strides = [1]} : vector<16xi32> to vector<1xi32>
    %squeeze3A_1382 = vector.extract %slice3A_1381[0] : i32 from vector<1xi32>
    %broadcast_in_dim3A_1383 = vector.broadcast %squeeze3A_1382 : i32 to vector<16xi32>
    %ne3A_1384 = arith.constant 0 : i32
    %ne3A_1385 = vector.broadcast %ne3A_1384 : i32 to vector<16xi32>
    %ne3A_1386 = arith.cmpi ne, %broadcast_in_dim3A_1383, %ne3A_1385 : vector<16xi32>
    %select_n3A_1387 = arith.select %ne3A_1386, %gather3A_1380, %gather3A_1376 : vector<16xi1>, vector<16xf32>
    %broadcast_in_dim3A_1388 = arith.constant 497 : i32
    %broadcast_in_dim3A_1389 = vector.broadcast %broadcast_in_dim3A_1388 : i32 to vector<16xi32>
    tpu.vector_store_idx %arg8[%iota3A, %broadcast_in_dim3A_1389], %select_n3A_1387 : memref<16x512xf32, #tpu.memory_space<vmem>>[vector<16xi32>, vector<16xi32>], vector<16xf32>,
    %slice3A_1390 = vector.extract_strided_slice %and3A_1332 {offsets = [2], sizes = [1], strides = [1]} : vector<16xi32> to vector<1xi32>
    %squeeze3A_1391 = vector.extract %slice3A_1390[0] : i32 from vector<1xi32>
    %broadcast_in_dim3A_1392 = vector.broadcast %squeeze3A_1391 : i32 to vector<16xi32>
    %add3A_1393 = arith.constant 288 : i32
    %add3A_1394 = vector.broadcast %add3A_1393 : i32 to vector<16xi32>
    %add3A_1395 = arith.addi %iota3A, %add3A_1394 : vector<16xi32>
    %gather3A_1396 = tpu.vector_load_idx %arg6[%add3A_1395, %broadcast_in_dim3A_1392] : memref<768x128xf32, #tpu.memory_space<vmem>>[vector<16xi32>, vector<16xi32>], vector<16xf32>,
    %slice3A_1397 = vector.extract_strided_slice %clamp3A_1341 {offsets = [2], sizes = [1], strides = [1]} : vector<16xi32> to vector<1xi32>
    %squeeze3A_1398 = vector.extract %slice3A_1397[0] : i32 from vector<1xi32>
    %broadcast_in_dim3A_1399 = vector.broadcast %squeeze3A_1398 : i32 to vector<16xi32>
    %gather3A_1400 = tpu.vector_load_idx %arg7[%iota3A, %broadcast_in_dim3A_1399] : memref<16x64xf32, #tpu.memory_space<vmem>>[vector<16xi32>, vector<16xi32>], vector<16xf32>,
    %slice3A_1401 = vector.extract_strided_slice %select_n3A_1349 {offsets = [2], sizes = [1], strides = [1]} : vector<16xi32> to vector<1xi32>
    %squeeze3A_1402 = vector.extract %slice3A_1401[0] : i32 from vector<1xi32>
    %broadcast_in_dim3A_1403 = vector.broadcast %squeeze3A_1402 : i32 to vector<16xi32>
    %ne3A_1404 = arith.constant 0 : i32
    %ne3A_1405 = vector.broadcast %ne3A_1404 : i32 to vector<16xi32>
    %ne3A_1406 = arith.cmpi ne, %broadcast_in_dim3A_1403, %ne3A_1405 : vector<16xi32>
    %select_n3A_1407 = arith.select %ne3A_1406, %gather3A_1400, %gather3A_1396 : vector<16xi1>, vector<16xf32>
    %broadcast_in_dim3A_1408 = arith.constant 498 : i32
    %broadcast_in_dim3A_1409 = vector.broadcast %broadcast_in_dim3A_1408 : i32 to vector<16xi32>
    tpu.vector_store_idx %arg8[%iota3A, %broadcast_in_dim3A_1409], %select_n3A_1407 : memref<16x512xf32, #tpu.memory_space<vmem>>[vector<16xi32>, vector<16xi32>], vector<16xf32>,
    %slice3A_1410 = vector.extract_strided_slice %and3A_1332 {offsets = [3], sizes = [1], strides = [1]} : vector<16xi32> to vector<1xi32>
    %squeeze3A_1411 = vector.extract %slice3A_1410[0] : i32 from vector<1xi32>
    %broadcast_in_dim3A_1412 = vector.broadcast %squeeze3A_1411 : i32 to vector<16xi32>
    %add3A_1413 = arith.constant 304 : i32
    %add3A_1414 = vector.broadcast %add3A_1413 : i32 to vector<16xi32>
    %add3A_1415 = arith.addi %iota3A, %add3A_1414 : vector<16xi32>
    %gather3A_1416 = tpu.vector_load_idx %arg6[%add3A_1415, %broadcast_in_dim3A_1412] : memref<768x128xf32, #tpu.memory_space<vmem>>[vector<16xi32>, vector<16xi32>], vector<16xf32>,
    %slice3A_1417 = vector.extract_strided_slice %clamp3A_1341 {offsets = [3], sizes = [1], strides = [1]} : vector<16xi32> to vector<1xi32>
    %squeeze3A_1418 = vector.extract %slice3A_1417[0] : i32 from vector<1xi32>
    %broadcast_in_dim3A_1419 = vector.broadcast %squeeze3A_1418 : i32 to vector<16xi32>
    %gather3A_1420 = tpu.vector_load_idx %arg7[%iota3A, %broadcast_in_dim3A_1419] : memref<16x64xf32, #tpu.memory_space<vmem>>[vector<16xi32>, vector<16xi32>], vector<16xf32>,
    %slice3A_1421 = vector.extract_strided_slice %select_n3A_1349 {offsets = [3], sizes = [1], strides = [1]} : vector<16xi32> to vector<1xi32>
    %squeeze3A_1422 = vector.extract %slice3A_1421[0] : i32 from vector<1xi32>
    %broadcast_in_dim3A_1423 = vector.broadcast %squeeze3A_1422 : i32 to vector<16xi32>
    %ne3A_1424 = arith.constant 0 : i32
    %ne3A_1425 = vector.broadcast %ne3A_1424 : i32 to vector<16xi32>
    %ne3A_1426 = arith.cmpi ne, %broadcast_in_dim3A_1423, %ne3A_1425 : vector<16xi32>
    %select_n3A_1427 = arith.select %ne3A_1426, %gather3A_1420, %gather3A_1416 : vector<16xi1>, vector<16xf32>
    %broadcast_in_dim3A_1428 = arith.constant 499 : i32
    %broadcast_in_dim3A_1429 = vector.broadcast %broadcast_in_dim3A_1428 : i32 to vector<16xi32>
    tpu.vector_store_idx %arg8[%iota3A, %broadcast_in_dim3A_1429], %select_n3A_1427 : memref<16x512xf32, #tpu.memory_space<vmem>>[vector<16xi32>, vector<16xi32>], vector<16xf32>,
    %slice3A_1430 = vector.extract_strided_slice %and3A_1332 {offsets = [4], sizes = [1], strides = [1]} : vector<16xi32> to vector<1xi32>
    %squeeze3A_1431 = vector.extract %slice3A_1430[0] : i32 from vector<1xi32>
    %broadcast_in_dim3A_1432 = vector.broadcast %squeeze3A_1431 : i32 to vector<16xi32>
    %add3A_1433 = arith.constant 320 : i32
    %add3A_1434 = vector.broadcast %add3A_1433 : i32 to vector<16xi32>
    %add3A_1435 = arith.addi %iota3A, %add3A_1434 : vector<16xi32>
    %gather3A_1436 = tpu.vector_load_idx %arg6[%add3A_1435, %broadcast_in_dim3A_1432] : memref<768x128xf32, #tpu.memory_space<vmem>>[vector<16xi32>, vector<16xi32>], vector<16xf32>,
    %slice3A_1437 = vector.extract_strided_slice %clamp3A_1341 {offsets = [4], sizes = [1], strides = [1]} : vector<16xi32> to vector<1xi32>
    %squeeze3A_1438 = vector.extract %slice3A_1437[0] : i32 from vector<1xi32>
    %broadcast_in_dim3A_1439 = vector.broadcast %squeeze3A_1438 : i32 to vector<16xi32>
    %gather3A_1440 = tpu.vector_load_idx %arg7[%iota3A, %broadcast_in_dim3A_1439] : memref<16x64xf32, #tpu.memory_space<vmem>>[vector<16xi32>, vector<16xi32>], vector<16xf32>,
    %slice3A_1441 = vector.extract_strided_slice %select_n3A_1349 {offsets = [4], sizes = [1], strides = [1]} : vector<16xi32> to vector<1xi32>
    %squeeze3A_1442 = vector.extract %slice3A_1441[0] : i32 from vector<1xi32>
    %broadcast_in_dim3A_1443 = vector.broadcast %squeeze3A_1442 : i32 to vector<16xi32>
    %ne3A_1444 = arith.constant 0 : i32
    %ne3A_1445 = vector.broadcast %ne3A_1444 : i32 to vector<16xi32>
    %ne3A_1446 = arith.cmpi ne, %broadcast_in_dim3A_1443, %ne3A_1445 : vector<16xi32>
    %select_n3A_1447 = arith.select %ne3A_1446, %gather3A_1440, %gather3A_1436 : vector<16xi1>, vector<16xf32>
    %broadcast_in_dim3A_1448 = arith.constant 500 : i32
    %broadcast_in_dim3A_1449 = vector.broadcast %broadcast_in_dim3A_1448 : i32 to vector<16xi32>
    tpu.vector_store_idx %arg8[%iota3A, %broadcast_in_dim3A_1449], %select_n3A_1447 : memref<16x512xf32, #tpu.memory_space<vmem>>[vector<16xi32>, vector<16xi32>], vector<16xf32>,
    %slice3A_1450 = vector.extract_strided_slice %and3A_1332 {offsets = [5], sizes = [1], strides = [1]} : vector<16xi32> to vector<1xi32>
    %squeeze3A_1451 = vector.extract %slice3A_1450[0] : i32 from vector<1xi32>
    %broadcast_in_dim3A_1452 = vector.broadcast %squeeze3A_1451 : i32 to vector<16xi32>
    %add3A_1453 = arith.constant 336 : i32
    %add3A_1454 = vector.broadcast %add3A_1453 : i32 to vector<16xi32>
    %add3A_1455 = arith.addi %iota3A, %add3A_1454 : vector<16xi32>
    %gather3A_1456 = tpu.vector_load_idx %arg6[%add3A_1455, %broadcast_in_dim3A_1452] : memref<768x128xf32, #tpu.memory_space<vmem>>[vector<16xi32>, vector<16xi32>], vector<16xf32>,
    %slice3A_1457 = vector.extract_strided_slice %clamp3A_1341 {offsets = [5], sizes = [1], strides = [1]} : vector<16xi32> to vector<1xi32>
    %squeeze3A_1458 = vector.extract %slice3A_1457[0] : i32 from vector<1xi32>
    %broadcast_in_dim3A_1459 = vector.broadcast %squeeze3A_1458 : i32 to vector<16xi32>
    %gather3A_1460 = tpu.vector_load_idx %arg7[%iota3A, %broadcast_in_dim3A_1459] : memref<16x64xf32, #tpu.memory_space<vmem>>[vector<16xi32>, vector<16xi32>], vector<16xf32>,
    %slice3A_1461 = vector.extract_strided_slice %select_n3A_1349 {offsets = [5], sizes = [1], strides = [1]} : vector<16xi32> to vector<1xi32>
    %squeeze3A_1462 = vector.extract %slice3A_1461[0] : i32 from vector<1xi32>
    %broadcast_in_dim3A_1463 = vector.broadcast %squeeze3A_1462 : i32 to vector<16xi32>
    %ne3A_1464 = arith.constant 0 : i32
    %ne3A_1465 = vector.broadcast %ne3A_1464 : i32 to vector<16xi32>
    %ne3A_1466 = arith.cmpi ne, %broadcast_in_dim3A_1463, %ne3A_1465 : vector<16xi32>
    %select_n3A_1467 = arith.select %ne3A_1466, %gather3A_1460, %gather3A_1456 : vector<16xi1>, vector<16xf32>
    %broadcast_in_dim3A_1468 = arith.constant 501 : i32
    %broadcast_in_dim3A_1469 = vector.broadcast %broadcast_in_dim3A_1468 : i32 to vector<16xi32>
    tpu.vector_store_idx %arg8[%iota3A, %broadcast_in_dim3A_1469], %select_n3A_1467 : memref<16x512xf32, #tpu.memory_space<vmem>>[vector<16xi32>, vector<16xi32>], vector<16xf32>,
    %slice3A_1470 = vector.extract_strided_slice %and3A_1332 {offsets = [6], sizes = [1], strides = [1]} : vector<16xi32> to vector<1xi32>
    %squeeze3A_1471 = vector.extract %slice3A_1470[0] : i32 from vector<1xi32>
    %broadcast_in_dim3A_1472 = vector.broadcast %squeeze3A_1471 : i32 to vector<16xi32>
    %add3A_1473 = arith.constant 352 : i32
    %add3A_1474 = vector.broadcast %add3A_1473 : i32 to vector<16xi32>
    %add3A_1475 = arith.addi %iota3A, %add3A_1474 : vector<16xi32>
    %gather3A_1476 = tpu.vector_load_idx %arg6[%add3A_1475, %broadcast_in_dim3A_1472] : memref<768x128xf32, #tpu.memory_space<vmem>>[vector<16xi32>, vector<16xi32>], vector<16xf32>,
    %slice3A_1477 = vector.extract_strided_slice %clamp3A_1341 {offsets = [6], sizes = [1], strides = [1]} : vector<16xi32> to vector<1xi32>
    %squeeze3A_1478 = vector.extract %slice3A_1477[0] : i32 from vector<1xi32>
    %broadcast_in_dim3A_1479 = vector.broadcast %squeeze3A_1478 : i32 to vector<16xi32>
    %gather3A_1480 = tpu.vector_load_idx %arg7[%iota3A, %broadcast_in_dim3A_1479] : memref<16x64xf32, #tpu.memory_space<vmem>>[vector<16xi32>, vector<16xi32>], vector<16xf32>,
    %slice3A_1481 = vector.extract_strided_slice %select_n3A_1349 {offsets = [6], sizes = [1], strides = [1]} : vector<16xi32> to vector<1xi32>
    %squeeze3A_1482 = vector.extract %slice3A_1481[0] : i32 from vector<1xi32>
    %broadcast_in_dim3A_1483 = vector.broadcast %squeeze3A_1482 : i32 to vector<16xi32>
    %ne3A_1484 = arith.constant 0 : i32
    %ne3A_1485 = vector.broadcast %ne3A_1484 : i32 to vector<16xi32>
    %ne3A_1486 = arith.cmpi ne, %broadcast_in_dim3A_1483, %ne3A_1485 : vector<16xi32>
    %select_n3A_1487 = arith.select %ne3A_1486, %gather3A_1480, %gather3A_1476 : vector<16xi1>, vector<16xf32>
    %broadcast_in_dim3A_1488 = arith.constant 502 : i32
    %broadcast_in_dim3A_1489 = vector.broadcast %broadcast_in_dim3A_1488 : i32 to vector<16xi32>
    tpu.vector_store_idx %arg8[%iota3A, %broadcast_in_dim3A_1489], %select_n3A_1487 : memref<16x512xf32, #tpu.memory_space<vmem>>[vector<16xi32>, vector<16xi32>], vector<16xf32>,
    %slice3A_1490 = vector.extract_strided_slice %and3A_1332 {offsets = [7], sizes = [1], strides = [1]} : vector<16xi32> to vector<1xi32>
    %squeeze3A_1491 = vector.extract %slice3A_1490[0] : i32 from vector<1xi32>
    %broadcast_in_dim3A_1492 = vector.broadcast %squeeze3A_1491 : i32 to vector<16xi32>
    %add3A_1493 = arith.constant 368 : i32
    %add3A_1494 = vector.broadcast %add3A_1493 : i32 to vector<16xi32>
    %add3A_1495 = arith.addi %iota3A, %add3A_1494 : vector<16xi32>
    %gather3A_1496 = tpu.vector_load_idx %arg6[%add3A_1495, %broadcast_in_dim3A_1492] : memref<768x128xf32, #tpu.memory_space<vmem>>[vector<16xi32>, vector<16xi32>], vector<16xf32>,
    %slice3A_1497 = vector.extract_strided_slice %clamp3A_1341 {offsets = [7], sizes = [1], strides = [1]} : vector<16xi32> to vector<1xi32>
    %squeeze3A_1498 = vector.extract %slice3A_1497[0] : i32 from vector<1xi32>
    %broadcast_in_dim3A_1499 = vector.broadcast %squeeze3A_1498 : i32 to vector<16xi32>
    %gather3A_1500 = tpu.vector_load_idx %arg7[%iota3A, %broadcast_in_dim3A_1499] : memref<16x64xf32, #tpu.memory_space<vmem>>[vector<16xi32>, vector<16xi32>], vector<16xf32>,
    %slice3A_1501 = vector.extract_strided_slice %select_n3A_1349 {offsets = [7], sizes = [1], strides = [1]} : vector<16xi32> to vector<1xi32>
    %squeeze3A_1502 = vector.extract %slice3A_1501[0] : i32 from vector<1xi32>
    %broadcast_in_dim3A_1503 = vector.broadcast %squeeze3A_1502 : i32 to vector<16xi32>
    %ne3A_1504 = arith.constant 0 : i32
    %ne3A_1505 = vector.broadcast %ne3A_1504 : i32 to vector<16xi32>
    %ne3A_1506 = arith.cmpi ne, %broadcast_in_dim3A_1503, %ne3A_1505 : vector<16xi32>
    %select_n3A_1507 = arith.select %ne3A_1506, %gather3A_1500, %gather3A_1496 : vector<16xi1>, vector<16xf32>
    %broadcast_in_dim3A_1508 = arith.constant 503 : i32
    %broadcast_in_dim3A_1509 = vector.broadcast %broadcast_in_dim3A_1508 : i32 to vector<16xi32>
    tpu.vector_store_idx %arg8[%iota3A, %broadcast_in_dim3A_1509], %select_n3A_1507 : memref<16x512xf32, #tpu.memory_space<vmem>>[vector<16xi32>, vector<16xi32>], vector<16xf32>,
    %slice3A_1510 = vector.extract_strided_slice %and3A_1332 {offsets = [8], sizes = [1], strides = [1]} : vector<16xi32> to vector<1xi32>
    %squeeze3A_1511 = vector.extract %slice3A_1510[0] : i32 from vector<1xi32>
    %broadcast_in_dim3A_1512 = vector.broadcast %squeeze3A_1511 : i32 to vector<16xi32>
    %add3A_1513 = arith.constant 384 : i32
    %add3A_1514 = vector.broadcast %add3A_1513 : i32 to vector<16xi32>
    %add3A_1515 = arith.addi %iota3A, %add3A_1514 : vector<16xi32>
    %gather3A_1516 = tpu.vector_load_idx %arg6[%add3A_1515, %broadcast_in_dim3A_1512] : memref<768x128xf32, #tpu.memory_space<vmem>>[vector<16xi32>, vector<16xi32>], vector<16xf32>,
    %slice3A_1517 = vector.extract_strided_slice %clamp3A_1341 {offsets = [8], sizes = [1], strides = [1]} : vector<16xi32> to vector<1xi32>
    %squeeze3A_1518 = vector.extract %slice3A_1517[0] : i32 from vector<1xi32>
    %broadcast_in_dim3A_1519 = vector.broadcast %squeeze3A_1518 : i32 to vector<16xi32>
    %gather3A_1520 = tpu.vector_load_idx %arg7[%iota3A, %broadcast_in_dim3A_1519] : memref<16x64xf32, #tpu.memory_space<vmem>>[vector<16xi32>, vector<16xi32>], vector<16xf32>,
    %slice3A_1521 = vector.extract_strided_slice %select_n3A_1349 {offsets = [8], sizes = [1], strides = [1]} : vector<16xi32> to vector<1xi32>
    %squeeze3A_1522 = vector.extract %slice3A_1521[0] : i32 from vector<1xi32>
    %broadcast_in_dim3A_1523 = vector.broadcast %squeeze3A_1522 : i32 to vector<16xi32>
    %ne3A_1524 = arith.constant 0 : i32
    %ne3A_1525 = vector.broadcast %ne3A_1524 : i32 to vector<16xi32>
    %ne3A_1526 = arith.cmpi ne, %broadcast_in_dim3A_1523, %ne3A_1525 : vector<16xi32>
    %select_n3A_1527 = arith.select %ne3A_1526, %gather3A_1520, %gather3A_1516 : vector<16xi1>, vector<16xf32>
    %broadcast_in_dim3A_1528 = arith.constant 504 : i32
    %broadcast_in_dim3A_1529 = vector.broadcast %broadcast_in_dim3A_1528 : i32 to vector<16xi32>
    tpu.vector_store_idx %arg8[%iota3A, %broadcast_in_dim3A_1529], %select_n3A_1527 : memref<16x512xf32, #tpu.memory_space<vmem>>[vector<16xi32>, vector<16xi32>], vector<16xf32>,
    %slice3A_1530 = vector.extract_strided_slice %and3A_1332 {offsets = [9], sizes = [1], strides = [1]} : vector<16xi32> to vector<1xi32>
    %squeeze3A_1531 = vector.extract %slice3A_1530[0] : i32 from vector<1xi32>
    %broadcast_in_dim3A_1532 = vector.broadcast %squeeze3A_1531 : i32 to vector<16xi32>
    %add3A_1533 = arith.constant 400 : i32
    %add3A_1534 = vector.broadcast %add3A_1533 : i32 to vector<16xi32>
    %add3A_1535 = arith.addi %iota3A, %add3A_1534 : vector<16xi32>
    %gather3A_1536 = tpu.vector_load_idx %arg6[%add3A_1535, %broadcast_in_dim3A_1532] : memref<768x128xf32, #tpu.memory_space<vmem>>[vector<16xi32>, vector<16xi32>], vector<16xf32>,
    %slice3A_1537 = vector.extract_strided_slice %clamp3A_1341 {offsets = [9], sizes = [1], strides = [1]} : vector<16xi32> to vector<1xi32>
    %squeeze3A_1538 = vector.extract %slice3A_1537[0] : i32 from vector<1xi32>
    %broadcast_in_dim3A_1539 = vector.broadcast %squeeze3A_1538 : i32 to vector<16xi32>
    %gather3A_1540 = tpu.vector_load_idx %arg7[%iota3A, %broadcast_in_dim3A_1539] : memref<16x64xf32, #tpu.memory_space<vmem>>[vector<16xi32>, vector<16xi32>], vector<16xf32>,
    %slice3A_1541 = vector.extract_strided_slice %select_n3A_1349 {offsets = [9], sizes = [1], strides = [1]} : vector<16xi32> to vector<1xi32>
    %squeeze3A_1542 = vector.extract %slice3A_1541[0] : i32 from vector<1xi32>
    %broadcast_in_dim3A_1543 = vector.broadcast %squeeze3A_1542 : i32 to vector<16xi32>
    %ne3A_1544 = arith.constant 0 : i32
    %ne3A_1545 = vector.broadcast %ne3A_1544 : i32 to vector<16xi32>
    %ne3A_1546 = arith.cmpi ne, %broadcast_in_dim3A_1543, %ne3A_1545 : vector<16xi32>
    %select_n3A_1547 = arith.select %ne3A_1546, %gather3A_1540, %gather3A_1536 : vector<16xi1>, vector<16xf32>
    %broadcast_in_dim3A_1548 = arith.constant 505 : i32
    %broadcast_in_dim3A_1549 = vector.broadcast %broadcast_in_dim3A_1548 : i32 to vector<16xi32>
    tpu.vector_store_idx %arg8[%iota3A, %broadcast_in_dim3A_1549], %select_n3A_1547 : memref<16x512xf32, #tpu.memory_space<vmem>>[vector<16xi32>, vector<16xi32>], vector<16xf32>,
    %slice3A_1550 = vector.extract_strided_slice %and3A_1332 {offsets = [10], sizes = [1], strides = [1]} : vector<16xi32> to vector<1xi32>
    %squeeze3A_1551 = vector.extract %slice3A_1550[0] : i32 from vector<1xi32>
    %broadcast_in_dim3A_1552 = vector.broadcast %squeeze3A_1551 : i32 to vector<16xi32>
    %add3A_1553 = arith.constant 416 : i32
    %add3A_1554 = vector.broadcast %add3A_1553 : i32 to vector<16xi32>
    %add3A_1555 = arith.addi %iota3A, %add3A_1554 : vector<16xi32>
    %gather3A_1556 = tpu.vector_load_idx %arg6[%add3A_1555, %broadcast_in_dim3A_1552] : memref<768x128xf32, #tpu.memory_space<vmem>>[vector<16xi32>, vector<16xi32>], vector<16xf32>,
    %slice3A_1557 = vector.extract_strided_slice %clamp3A_1341 {offsets = [10], sizes = [1], strides = [1]} : vector<16xi32> to vector<1xi32>
    %squeeze3A_1558 = vector.extract %slice3A_1557[0] : i32 from vector<1xi32>
    %broadcast_in_dim3A_1559 = vector.broadcast %squeeze3A_1558 : i32 to vector<16xi32>
    %gather3A_1560 = tpu.vector_load_idx %arg7[%iota3A, %broadcast_in_dim3A_1559] : memref<16x64xf32, #tpu.memory_space<vmem>>[vector<16xi32>, vector<16xi32>], vector<16xf32>,
    %slice3A_1561 = vector.extract_strided_slice %select_n3A_1349 {offsets = [10], sizes = [1], strides = [1]} : vector<16xi32> to vector<1xi32>
    %squeeze3A_1562 = vector.extract %slice3A_1561[0] : i32 from vector<1xi32>
    %broadcast_in_dim3A_1563 = vector.broadcast %squeeze3A_1562 : i32 to vector<16xi32>
    %ne3A_1564 = arith.constant 0 : i32
    %ne3A_1565 = vector.broadcast %ne3A_1564 : i32 to vector<16xi32>
    %ne3A_1566 = arith.cmpi ne, %broadcast_in_dim3A_1563, %ne3A_1565 : vector<16xi32>
    %select_n3A_1567 = arith.select %ne3A_1566, %gather3A_1560, %gather3A_1556 : vector<16xi1>, vector<16xf32>
    %broadcast_in_dim3A_1568 = arith.constant 506 : i32
    %broadcast_in_dim3A_1569 = vector.broadcast %broadcast_in_dim3A_1568 : i32 to vector<16xi32>
    tpu.vector_store_idx %arg8[%iota3A, %broadcast_in_dim3A_1569], %select_n3A_1567 : memref<16x512xf32, #tpu.memory_space<vmem>>[vector<16xi32>, vector<16xi32>], vector<16xf32>,
    %slice3A_1570 = vector.extract_strided_slice %and3A_1332 {offsets = [11], sizes = [1], strides = [1]} : vector<16xi32> to vector<1xi32>
    %squeeze3A_1571 = vector.extract %slice3A_1570[0] : i32 from vector<1xi32>
    %broadcast_in_dim3A_1572 = vector.broadcast %squeeze3A_1571 : i32 to vector<16xi32>
    %add3A_1573 = arith.constant 432 : i32
    %add3A_1574 = vector.broadcast %add3A_1573 : i32 to vector<16xi32>
    %add3A_1575 = arith.addi %iota3A, %add3A_1574 : vector<16xi32>
    %gather3A_1576 = tpu.vector_load_idx %arg6[%add3A_1575, %broadcast_in_dim3A_1572] : memref<768x128xf32, #tpu.memory_space<vmem>>[vector<16xi32>, vector<16xi32>], vector<16xf32>,
    %slice3A_1577 = vector.extract_strided_slice %clamp3A_1341 {offsets = [11], sizes = [1], strides = [1]} : vector<16xi32> to vector<1xi32>
    %squeeze3A_1578 = vector.extract %slice3A_1577[0] : i32 from vector<1xi32>
    %broadcast_in_dim3A_1579 = vector.broadcast %squeeze3A_1578 : i32 to vector<16xi32>
    %gather3A_1580 = tpu.vector_load_idx %arg7[%iota3A, %broadcast_in_dim3A_1579] : memref<16x64xf32, #tpu.memory_space<vmem>>[vector<16xi32>, vector<16xi32>], vector<16xf32>,
    %slice3A_1581 = vector.extract_strided_slice %select_n3A_1349 {offsets = [11], sizes = [1], strides = [1]} : vector<16xi32> to vector<1xi32>
    %squeeze3A_1582 = vector.extract %slice3A_1581[0] : i32 from vector<1xi32>
    %broadcast_in_dim3A_1583 = vector.broadcast %squeeze3A_1582 : i32 to vector<16xi32>
    %ne3A_1584 = arith.constant 0 : i32
    %ne3A_1585 = vector.broadcast %ne3A_1584 : i32 to vector<16xi32>
    %ne3A_1586 = arith.cmpi ne, %broadcast_in_dim3A_1583, %ne3A_1585 : vector<16xi32>
    %select_n3A_1587 = arith.select %ne3A_1586, %gather3A_1580, %gather3A_1576 : vector<16xi1>, vector<16xf32>
    %broadcast_in_dim3A_1588 = arith.constant 507 : i32
    %broadcast_in_dim3A_1589 = vector.broadcast %broadcast_in_dim3A_1588 : i32 to vector<16xi32>
    tpu.vector_store_idx %arg8[%iota3A, %broadcast_in_dim3A_1589], %select_n3A_1587 : memref<16x512xf32, #tpu.memory_space<vmem>>[vector<16xi32>, vector<16xi32>], vector<16xf32>,
    %slice3A_1590 = vector.extract_strided_slice %and3A_1332 {offsets = [12], sizes = [1], strides = [1]} : vector<16xi32> to vector<1xi32>
    %squeeze3A_1591 = vector.extract %slice3A_1590[0] : i32 from vector<1xi32>
    %broadcast_in_dim3A_1592 = vector.broadcast %squeeze3A_1591 : i32 to vector<16xi32>
    %add3A_1593 = arith.constant 448 : i32
    %add3A_1594 = vector.broadcast %add3A_1593 : i32 to vector<16xi32>
    %add3A_1595 = arith.addi %iota3A, %add3A_1594 : vector<16xi32>
    %gather3A_1596 = tpu.vector_load_idx %arg6[%add3A_1595, %broadcast_in_dim3A_1592] : memref<768x128xf32, #tpu.memory_space<vmem>>[vector<16xi32>, vector<16xi32>], vector<16xf32>,
    %slice3A_1597 = vector.extract_strided_slice %clamp3A_1341 {offsets = [12], sizes = [1], strides = [1]} : vector<16xi32> to vector<1xi32>
    %squeeze3A_1598 = vector.extract %slice3A_1597[0] : i32 from vector<1xi32>
    %broadcast_in_dim3A_1599 = vector.broadcast %squeeze3A_1598 : i32 to vector<16xi32>
    %gather3A_1600 = tpu.vector_load_idx %arg7[%iota3A, %broadcast_in_dim3A_1599] : memref<16x64xf32, #tpu.memory_space<vmem>>[vector<16xi32>, vector<16xi32>], vector<16xf32>,
    %slice3A_1601 = vector.extract_strided_slice %select_n3A_1349 {offsets = [12], sizes = [1], strides = [1]} : vector<16xi32> to vector<1xi32>
    %squeeze3A_1602 = vector.extract %slice3A_1601[0] : i32 from vector<1xi32>
    %broadcast_in_dim3A_1603 = vector.broadcast %squeeze3A_1602 : i32 to vector<16xi32>
    %ne3A_1604 = arith.constant 0 : i32
    %ne3A_1605 = vector.broadcast %ne3A_1604 : i32 to vector<16xi32>
    %ne3A_1606 = arith.cmpi ne, %broadcast_in_dim3A_1603, %ne3A_1605 : vector<16xi32>
    %select_n3A_1607 = arith.select %ne3A_1606, %gather3A_1600, %gather3A_1596 : vector<16xi1>, vector<16xf32>
    %broadcast_in_dim3A_1608 = arith.constant 508 : i32
    %broadcast_in_dim3A_1609 = vector.broadcast %broadcast_in_dim3A_1608 : i32 to vector<16xi32>
    tpu.vector_store_idx %arg8[%iota3A, %broadcast_in_dim3A_1609], %select_n3A_1607 : memref<16x512xf32, #tpu.memory_space<vmem>>[vector<16xi32>, vector<16xi32>], vector<16xf32>,
    %slice3A_1610 = vector.extract_strided_slice %and3A_1332 {offsets = [13], sizes = [1], strides = [1]} : vector<16xi32> to vector<1xi32>
    %squeeze3A_1611 = vector.extract %slice3A_1610[0] : i32 from vector<1xi32>
    %broadcast_in_dim3A_1612 = vector.broadcast %squeeze3A_1611 : i32 to vector<16xi32>
    %add3A_1613 = arith.constant 464 : i32
    %add3A_1614 = vector.broadcast %add3A_1613 : i32 to vector<16xi32>
    %add3A_1615 = arith.addi %iota3A, %add3A_1614 : vector<16xi32>
    %gather3A_1616 = tpu.vector_load_idx %arg6[%add3A_1615, %broadcast_in_dim3A_1612] : memref<768x128xf32, #tpu.memory_space<vmem>>[vector<16xi32>, vector<16xi32>], vector<16xf32>,
    %slice3A_1617 = vector.extract_strided_slice %clamp3A_1341 {offsets = [13], sizes = [1], strides = [1]} : vector<16xi32> to vector<1xi32>
    %squeeze3A_1618 = vector.extract %slice3A_1617[0] : i32 from vector<1xi32>
    %broadcast_in_dim3A_1619 = vector.broadcast %squeeze3A_1618 : i32 to vector<16xi32>
    %gather3A_1620 = tpu.vector_load_idx %arg7[%iota3A, %broadcast_in_dim3A_1619] : memref<16x64xf32, #tpu.memory_space<vmem>>[vector<16xi32>, vector<16xi32>], vector<16xf32>,
    %slice3A_1621 = vector.extract_strided_slice %select_n3A_1349 {offsets = [13], sizes = [1], strides = [1]} : vector<16xi32> to vector<1xi32>
    %squeeze3A_1622 = vector.extract %slice3A_1621[0] : i32 from vector<1xi32>
    %broadcast_in_dim3A_1623 = vector.broadcast %squeeze3A_1622 : i32 to vector<16xi32>
    %ne3A_1624 = arith.constant 0 : i32
    %ne3A_1625 = vector.broadcast %ne3A_1624 : i32 to vector<16xi32>
    %ne3A_1626 = arith.cmpi ne, %broadcast_in_dim3A_1623, %ne3A_1625 : vector<16xi32>
    %select_n3A_1627 = arith.select %ne3A_1626, %gather3A_1620, %gather3A_1616 : vector<16xi1>, vector<16xf32>
    %broadcast_in_dim3A_1628 = arith.constant 509 : i32
    %broadcast_in_dim3A_1629 = vector.broadcast %broadcast_in_dim3A_1628 : i32 to vector<16xi32>
    tpu.vector_store_idx %arg8[%iota3A, %broadcast_in_dim3A_1629], %select_n3A_1627 : memref<16x512xf32, #tpu.memory_space<vmem>>[vector<16xi32>, vector<16xi32>], vector<16xf32>,
    %slice3A_1630 = vector.extract_strided_slice %and3A_1332 {offsets = [14], sizes = [1], strides = [1]} : vector<16xi32> to vector<1xi32>
    %squeeze3A_1631 = vector.extract %slice3A_1630[0] : i32 from vector<1xi32>
    %broadcast_in_dim3A_1632 = vector.broadcast %squeeze3A_1631 : i32 to vector<16xi32>
    %add3A_1633 = arith.constant 480 : i32
    %add3A_1634 = vector.broadcast %add3A_1633 : i32 to vector<16xi32>
    %add3A_1635 = arith.addi %iota3A, %add3A_1634 : vector<16xi32>
    %gather3A_1636 = tpu.vector_load_idx %arg6[%add3A_1635, %broadcast_in_dim3A_1632] : memref<768x128xf32, #tpu.memory_space<vmem>>[vector<16xi32>, vector<16xi32>], vector<16xf32>,
    %slice3A_1637 = vector.extract_strided_slice %clamp3A_1341 {offsets = [14], sizes = [1], strides = [1]} : vector<16xi32> to vector<1xi32>
    %squeeze3A_1638 = vector.extract %slice3A_1637[0] : i32 from vector<1xi32>
    %broadcast_in_dim3A_1639 = vector.broadcast %squeeze3A_1638 : i32 to vector<16xi32>
    %gather3A_1640 = tpu.vector_load_idx %arg7[%iota3A, %broadcast_in_dim3A_1639] : memref<16x64xf32, #tpu.memory_space<vmem>>[vector<16xi32>, vector<16xi32>], vector<16xf32>,
    %slice3A_1641 = vector.extract_strided_slice %select_n3A_1349 {offsets = [14], sizes = [1], strides = [1]} : vector<16xi32> to vector<1xi32>
    %squeeze3A_1642 = vector.extract %slice3A_1641[0] : i32 from vector<1xi32>
    %broadcast_in_dim3A_1643 = vector.broadcast %squeeze3A_1642 : i32 to vector<16xi32>
    %ne3A_1644 = arith.constant 0 : i32
    %ne3A_1645 = vector.broadcast %ne3A_1644 : i32 to vector<16xi32>
    %ne3A_1646 = arith.cmpi ne, %broadcast_in_dim3A_1643, %ne3A_1645 : vector<16xi32>
    %select_n3A_1647 = arith.select %ne3A_1646, %gather3A_1640, %gather3A_1636 : vector<16xi1>, vector<16xf32>
    %broadcast_in_dim3A_1648 = arith.constant 510 : i32
    %broadcast_in_dim3A_1649 = vector.broadcast %broadcast_in_dim3A_1648 : i32 to vector<16xi32>
    tpu.vector_store_idx %arg8[%iota3A, %broadcast_in_dim3A_1649], %select_n3A_1647 : memref<16x512xf32, #tpu.memory_space<vmem>>[vector<16xi32>, vector<16xi32>], vector<16xf32>,
    %slice3A_1650 = vector.extract_strided_slice %and3A_1332 {offsets = [15], sizes = [1], strides = [1]} : vector<16xi32> to vector<1xi32>
    %squeeze3A_1651 = vector.extract %slice3A_1650[0] : i32 from vector<1xi32>
    %broadcast_in_dim3A_1652 = vector.broadcast %squeeze3A_1651 : i32 to vector<16xi32>
    %add3A_1653 = arith.constant 496 : i32
    %add3A_1654 = vector.broadcast %add3A_1653 : i32 to vector<16xi32>
    %add3A_1655 = arith.addi %iota3A, %add3A_1654 : vector<16xi32>
    %gather3A_1656 = tpu.vector_load_idx %arg6[%add3A_1655, %broadcast_in_dim3A_1652] : memref<768x128xf32, #tpu.memory_space<vmem>>[vector<16xi32>, vector<16xi32>], vector<16xf32>,
    %slice3A_1657 = vector.extract_strided_slice %clamp3A_1341 {offsets = [15], sizes = [1], strides = [1]} : vector<16xi32> to vector<1xi32>
    %squeeze3A_1658 = vector.extract %slice3A_1657[0] : i32 from vector<1xi32>
    %broadcast_in_dim3A_1659 = vector.broadcast %squeeze3A_1658 : i32 to vector<16xi32>
    %gather3A_1660 = tpu.vector_load_idx %arg7[%iota3A, %broadcast_in_dim3A_1659] : memref<16x64xf32, #tpu.memory_space<vmem>>[vector<16xi32>, vector<16xi32>], vector<16xf32>,
    %slice3A_1661 = vector.extract_strided_slice %select_n3A_1349 {offsets = [15], sizes = [1], strides = [1]} : vector<16xi32> to vector<1xi32>
    %squeeze3A_1662 = vector.extract %slice3A_1661[0] : i32 from vector<1xi32>
    %broadcast_in_dim3A_1663 = vector.broadcast %squeeze3A_1662 : i32 to vector<16xi32>
    %ne3A_1664 = arith.constant 0 : i32
    %ne3A_1665 = vector.broadcast %ne3A_1664 : i32 to vector<16xi32>
    %ne3A_1666 = arith.cmpi ne, %broadcast_in_dim3A_1663, %ne3A_1665 : vector<16xi32>
    %select_n3A_1667 = arith.select %ne3A_1666, %gather3A_1660, %gather3A_1656 : vector<16xi1>, vector<16xf32>
    %broadcast_in_dim3A_1668 = arith.constant 511 : i32
    %broadcast_in_dim3A_1669 = vector.broadcast %broadcast_in_dim3A_1668 : i32 to vector<16xi32>
    tpu.vector_store_idx %arg8[%iota3A, %broadcast_in_dim3A_1669], %select_n3A_1667 : memref<16x512xf32, #tpu.memory_space<vmem>>[vector<16xi32>, vector<16xi32>], vector<16xf32>,
    %mul3A_1670 = arith.constant 512 : i32
    %mul3A_1671 = arith.muli %add3A, %mul3A_1670 : i32
    "tpu.region"() ({
      %run_scoped3A = tpu.sem_alloc : memref<!tpu.dma_semaphore, #tpu.memory_space<semaphore_mem>>
      %dma_start3A_1672 = arith.constant 0 : i32
      %dma_start3A_1673 = tpu.memref_slice %arg4[%dma_start3A_1672, %mul3A_1671] : memref<16x16384xf32, #tpu.memory_space<hbm>> -> memref<16x512xf32, #tpu.memory_space<hbm>>
      %dma_start3A_1674 = arith.constant 0 : i32
      %dma_start3A_1675 = tpu.memref_slice %arg4[%dma_start3A_1674, %mul3A_1671] : memref<16x16384xf32, #tpu.memory_space<hbm>> -> memref<16x512xf32, #tpu.memory_space<hbm>>
      tpu.enqueue_dma source(%arg8 : memref<16x512xf32, #tpu.memory_space<vmem>>) target(%dma_start3A_1675 : memref<16x512xf32, #tpu.memory_space<hbm>>) target_semaphore(%run_scoped3A : memref<!tpu.dma_semaphore, #tpu.memory_space<semaphore_mem>>)
      %dma_wait3A_1676 = arith.constant 0 : i32
      %dma_wait3A_1677 = tpu.memref_slice %arg4[%dma_wait3A_1676, %mul3A_1671] : memref<16x16384xf32, #tpu.memory_space<hbm>> -> memref<16x512xf32, #tpu.memory_space<hbm>>
      %dma_wait3A_1678 = arith.constant 0 : i32
      %dma_wait3A_1679 = tpu.memref_slice %arg4[%dma_wait3A_1678, %mul3A_1671] : memref<16x16384xf32, #tpu.memory_space<hbm>> -> memref<16x512xf32, #tpu.memory_space<hbm>>
      tpu.wait_dma2 semaphore(%run_scoped3A : memref<!tpu.dma_semaphore, #tpu.memory_space<semaphore_mem>>) src(%arg8 : memref<16x512xf32, #tpu.memory_space<vmem>>) dst(%dma_wait3A_1679 : memref<16x512xf32, #tpu.memory_space<hbm>>)
      tpu.yield
    }) : () -> ()
    return
  }
}

</mosaic_0001>

<sc_bundles>
// kernel: kernel.3.cloned.1.call-start
scs
__scs_entry_jumppad:
0x0: {  	(pc) =	sbr.rel $0x88, $3  }
0x1: {  	(tag) =	ssettag $0x0;
	lr =	simm.s32 $0x1  }
0x2: {  	[smem:$0x3F9F] =	sst lr;
	_ =	strace $0xD0000000  }
0x3: {  	_ = 	snop  }
0x4: {  	_ = 	snop  }
0x5: {  	_ = 	snop  }
0x6: {  	_ = 	snop  }
0x7: {  	_ = 	snop  }
__scs_overlays_trampoline_lowered:
0x8: {  	[smem:$0x3FAE] =	sst s0  }
0x9: {  	[smem:$0x3FAF] =	sst s1  }
0xa: {  	[smem:$0x3FB0] =	sst s2  }
0xb: {  	[smem:$0x3FB1] =	sst s3  }
0xc: {  	[smem:$0x3FB2] =	sst s4  }
0xd: {  	[smem:$0x3FB3] =	sst s5  }
0xe: {  	[smem:$0x3FB4] =	sst s6  }
0xf: {  	[smem:$0x3FB5] =	sst s7  }
0x10: {  	[smem:$0x3FB6] =	sst s8  }
0x11: {  	[smem:$0x3FB7] =	sst s9;
	s0 =	simm.s32 @!p0 $0x0  }
0x12: {  	s1 =	sld [smem:$0x3F9D];
	s0 =	simm.s32 @p0 $0x1  }
0x13: {  	[smem:$0x3FB8] =	sst s0;
	s0 =	simm.s32 @!p1 $0x0  }
0x14: {  	s2 =	sld [smem:$0x3F9C];
	s0 =	simm.s32 @p1 $0x1  }
0x15: {  	[smem:$0x3FB9] =	sst s0;
	s0 =	simm.s32 @!p2 $0x0  }
0x16: {  	s3 =	sld [smem:$0x3FDB];
	s0 =	simm.s32 @p2 $0x1  }
0x17: {  	s4 =	simm.s32 $0x1BF5;
	[smem:$0x3FBB] =	sst s0  }
0x18: {  	s0 =	sld [smem:$0x3F9E];
	_ =	swait.ge [sflag:s4], $0x0  }
0x19: {  	s7 =	sld [smem:$0x3F9F]  }
0x1a: {  	s8 =	sadd.s32 $0xFFFFE003, lr  }
0x1b: {  	s9 =	sadd.s32 $0xFFFFFEF7, lr;
	s5 =	simm.s32 $0xFFFFFFFF;
	p2 =	slt.u32 s8, $0xFFFFF086  }
0x1c: {  	p1 =	slt.u32 s9, $0xF7A;
	s5 =	simm.s32 @!p2 $0x0  }
0x1d: {  	s5 =	simm.s32 @p1 $0x1;
	p0 =	seq.s32 s7, s2  }
0x1e: {  	s7 =	smul.u32 @!p0 $0xF7A, s2;
	p2 =	seq.s32 @!p0 s5, $0x0  }
0x1f: {  	s9 =	smul.u32 $0xF7A, s1;
	s8 =	simm.s32 @!p0 $0x1BF5;
	p2 =	por !p2, p0  }
0x20: {  	[sflag:s8] =	ssyncset.s32 @!p0 $0xFFFFF086;
	s6 =	sadd.s32 @!p0 s3, s7;
	s7 =	simm.s32 @!p0 $0x108  }
0x21: {  	s3 =	sadd.s32 s3, s9;
	s6 =	sadd.s32 @!p0 $0x88, s6;
	s7 =	simm.s32 @p2 $0x1082  }
0x22: {  	[simem:s7], [sflag:s8] =	dma.local @!p0 [hbm:s6], $0xF7A  }
0x23: {  	s9 =	sor.u32 $0xD0000000, s2;
	s6 =	simm.s32 $0x108;
	_ =	swait.ge @!p0 [sflag:s8], $0x0  }
0x24: {  	s3 =	sadd.s32 $0x88, s3;
	s6 =	simm.s32 @!p1 $0x1082;
	[sflag:s4] =	ssyncset.s32 $0xFFFFF086  }
0x25: {  	[simem:s6], [sflag:s4] =	dma.local [hbm:s3], $0xF7A  }
0x26: {  	[smem:$0x3F9F] =	sst s1;
	(tag) =	ssettag s2;
	_ =	strace s9  }
0x27: {  	s1 =	sld [smem:$0x3FAF]  }
0x28: {  	s2 =	sld [smem:$0x3FB0]  }
0x29: {  	s4 =	sld [smem:$0x3FB2]  }
0x2a: {  	p0 =	seq.s32 s5, $0x0;
	s5 =	sld [smem:$0x3FB3]  }
0x2b: {  	s6 =	sld [smem:$0x3FB4]  }
0x2c: {  	s7 =	sld [smem:$0x3FB5]  }
0x2d: {  	s3 =	simm.s32 $0x108;
	s8 =	sld [smem:$0x3FB6]  }
0x2e: {  	s3 =	simm.s32 @!p0 $0x1082;
	s9 =	sld [smem:$0x3FB7]  }
0x2f: {  	lr =	sadd.s32 s0, s3;
	s0 =	sld [smem:$0x3FAE]  }
0x30: {  	s3 =	sld [smem:$0x3FB1]  }
0x31: {  	[smem:$0x3FBA] =	sst s10  }
0x32: {  	s10 =	sld [smem:$0x3FB8];
	_ =	sdelay $0x3  }
0x33: {  	p0 =	seq.s32 s10, $0x1;
	s10 =	sld [smem:$0x3FBA];
	_ =	sdelay $0x3  }
0x34: {  	[smem:$0x3FBA] =	sst s10  }
0x35: {  	s10 =	sld [smem:$0x3FB9];
	_ =	sdelay $0x3  }
0x36: {  	p1 =	seq.s32 s10, $0x1;
	s10 =	sld [smem:$0x3FBA];
	_ =	sdelay $0x3  }
0x37: {  	[smem:$0x3FBA] =	sst s10  }
0x38: {  	s10 =	sld [smem:$0x3FBB]  }
0x39: {  	_ = 	snop;
	(pc) =	sbr.ind lr, $3  }
0x3a: {  	_ = 	snop  }
0x3b: {  	_ = 	snop  }
0x3c: {  	p2 =	seq.s32 s10, $0x1;
	s10 =	sld [smem:$0x3FBA]  }
0x3d: {  	_ =	shalt  }
0x3e: {  	_ =	shalt  }
0x3f: {  	_ =	shalt  }
0x40: {  	_ =	shalt  }
0x41: {  	_ =	shalt  }
0x42: {  	_ =	shalt  }
0x43: {  	_ =	shalt  }
0x44: {  	_ =	shalt  }
0x45: {  	_ =	shalt  }
0x46: {  	_ =	shalt  }
0x47: {  	_ =	shalt  }
0x48: {  	_ =	shalt  }
0x49: {  	_ =	shalt  }
0x4a: {  	_ =	shalt  }
0x4b: {  	_ =	shalt  }
0x4c: {  	_ =	shalt  }
0x4d: {  	_ =	shalt  }
0x4e: {  	_ =	shalt  }
0x4f: {  	_ =	shalt  }
0x50: {  	_ =	shalt  }
0x51: {  	_ =	shalt  }
0x52: {  	_ =	shalt  }
0x53: {  	_ =	shalt  }
0x54: {  	_ =	shalt  }
0x55: {  	_ =	shalt  }
0x56: {  	_ =	shalt  }
0x57: {  	_ =	shalt  }
0x58: {  	_ =	shalt  }
0x59: {  	_ =	shalt  }
0x5a: {  	_ =	shalt  }
0x5b: {  	_ =	shalt  }
0x5c: {  	_ =	shalt  }
0x5d: {  	_ =	shalt  }
0x5e: {  	_ =	shalt  }
0x5f: {  	_ =	shalt  }
0x60: {  	_ =	shalt  }
0x61: {  	_ =	shalt  }
0x62: {  	_ =	shalt  }
0x63: {  	_ =	shalt  }
0x64: {  	_ =	shalt  }
0x65: {  	_ =	shalt  }
0x66: {  	_ =	shalt  }
0x67: {  	_ =	shalt  }
0x68: {  	_ =	shalt  }
0x69: {  	_ =	shalt  }
0x6a: {  	_ =	shalt  }
0x6b: {  	_ =	shalt  }
0x6c: {  	_ =	shalt  }
0x6d: {  	_ =	shalt  }
0x6e: {  	_ =	shalt  }
0x6f: {  	_ =	shalt  }
0x70: {  	_ =	shalt  }
0x71: {  	_ =	shalt  }
0x72: {  	_ =	shalt  }
0x73: {  	_ =	shalt  }
0x74: {  	_ =	shalt  }
0x75: {  	_ =	shalt  }
0x76: {  	_ =	shalt  }
0x77: {  	_ =	shalt  }
0x78: {  	_ =	shalt  }
0x79: {  	_ =	shalt  }
0x7a: {  	_ =	shalt  }
0x7b: {  	_ =	shalt  }
0x7c: {  	_ =	shalt  }
0x7d: {  	_ =	shalt  }
0x7e: {  	_ =	shalt  }
0x7f: {  	_ =	shalt  }
0x80: {  	_ =	shalt  }
0x81: {  	_ =	shalt  }
0x82: {  	_ =	shalt  }
0x83: {  	_ =	shalt  }
0x84: {  	_ =	shalt  }
0x85: {  	_ =	shalt  }
0x86: {  	_ =	shalt  }
0x87: {  	_ =	shalt  }
.Lfunc_end0:
.L_simem_size_0:
called_computation_lowered:
.L_overlay_start_0:
0x88: {  	s2 =	sld [smem:$0x3FD9]  }
0x89: {  	s3 =	sld [smem:$0x3FFE];
	_ =	sdelay $0x1  }
0x8a: {  	s1 =	srdreg.scid  }
0x8b: {  	s0 =	sand.u32 $0x1, s1  }
0x8c: {  	s17 =	sshll.u32 s0, $0xA;
	s2 =	sadd.s32 s3, s2  }
0x8d: {  	s2 =	sadd.s32 s2, s17  }
0x8e: {  	[smem:$0x3FC6] =	sst s2  }
0x8f: {  	_ = 	snop  }
0x90: {  	s2 =	sld [smem:$0x3FC8]  }
0x91: {  	s18 =	sld [smem:$0x3FD0];
	(tm) =	ssettm $0x1  }
0x92: {  	s4 =	sld [smem:$0x3FFB];
	_ =	sdelay $0x3  }
0x93: {  	_ =	strace s4  }
0x94: {  	s4 =	sld [smem:$0x3FFC];
	_ =	sdelay $0x3  }
0x95: {  	_ =	strace s4  }
0x96: {  	s4 =	sld [smem:$0x3FFD];
	_ =	sdelay $0x3  }
0x97: {  	_ =	strace s4  }
0x98: {  	_ =	strace $0x8FFFFFFF  }
0x99: {  	s19 =	sld [smem:$0x3FDB];
	_ =	sdelay $0x1  }
0x9a: {  	s5 =	simm.s32 $_scs_section_size  }
0x9b: {  	s6 =	simm.s32 $_size__tile_overlayer_lowered;
	s7 =	simm.s32 $_tile_overlayer_lowered  }
0x9c: {  	s22 =	simm.s32 $0x1BFF;
	s21 =	sshll.u32 s7, $0x1;
	s4 =	sadd.s32 s5, s19  }
0x9d: {  	s8 =	simm.s32 $0x0;
	s20 =	sshll.u32 s6, $0x1;
	s6 =	sadd.s32 s21, s4  }
0x9e: {  	[timem:s8], [sflag:s22] =	dma.local [hbm:s6], s20  }
0x9f: {  	_ =	swait.ge [sflag:s22], s20  }
0xa0: {  	s5 =	ssub.s32 $0x0, s20;
	[sflag:s22] =	ssyncset.done $0x0  }
0xa1: {  	[sflag:s22] =	ssyncadd.s32 s5;
	_ =	sdelay $0x1  }
0xa2: {  	s23 =	simm.s32 $0x1B8B  }
0xa3: {  	_ =	swait.ge [sflag:s23], $0x1  }
0xa4: {  	[sflag:s23] =	ssyncset.done $0x0  }
0xa5: {  	s25 =	simm.s32 $0x1B8E;
	s24 =	sld [smem:$0x3FFE];
	[sflag:s23] =	ssyncadd.s32 $0xFFFFFFFF  }
0xa6: {  	s26 =	simm.s32 $execute0_lowered;
	[smem:$0x3FD2] =	sst s25  }
0xa7: {  	s6 =	sshll.u32 s26, $0x1;
	_ =	strace $0x80000046;
	[dreg:$0x1] =	wrdreg $0xFFFFFFFF  }
0xa8: {  	s28 =	simm.s32 $_size_execute0_lowered;
	s4 =	sadd.s32 s4, s6;
	[dreg:$0x0] =	wrdreg $0x0  }
0xa9: {  	s6 =	sshll.u32 s28, $0x1;
	[dreg:$0x2] =	wrdreg s4  }
0xaa: {  	[dreg:$0x3] =	wrdreg s6  }
0xab: {  	[dreg:$0x4] =	wrdreg $0xC0  }
0xac: {  	_ =	task [dreg:s8], $0x5FFFF  }
0xad: {  	[dreg:$0x1] =	wrdreg $0xFFFFFFFF  }
0xae: {  	[dreg:$0x0] =	wrdreg $0x60  }
0xaf: {  	[dreg:$0x2] =	wrdreg s24  }
0xb0: {  	[dreg:$0x3] =	wrdreg s2  }
0xb1: {  	[dreg:$0x4] =	wrdreg s18  }
0xb2: {  	[dreg:$0x5] =	wrdreg $0x9  }
0xb3: {  	_ =	task.clear_ibuf [dreg:s8], $0x6FFFF;
	_ =	strace $0x90000046  }
0xb4: {  	s29 =	simm.s32 $0x9;
	_ =	strace $0x80000048  }
0xb5: {  	_ =	swait.ge [sflag:s29], $0x1  }
0xb6: {  	[sflag:s29] =	ssyncadd.s32 $0xFFFFFFFF  }
0xb7: {  	_ =	strace $0x90000048  }
0xb8: {  	_ =	sfence  }
0xb9: {  	s30 =	sld [smem:$0x0];
	_ =	sdelay $0x2  }
0xba: {  	s31 =	sshll.u32 s1, $0xD;
	s1 =	sshrl.u32 s1, $0x2  }
0xbb: {  	s3 =	sand.u32 $0x4000, s31;
	s1 =	sadd.s32 s1, s30  }
0xbc: {  	s0 =	sor.u32 s3, s0;
	s1 =	sshll.u32 s1, $0x11  }
0xbd: {  	s0 =	sor.u32 s1, s0  }
0xbe: {  	s0 =	sadd.s32 $0x8F2B, s0  }
0xbf: {  	[sflag:s0] =	ssyncadd.remote.s32 $0x1  }
0xc0: {  	_ =	sfence.sel $0xFFFF  }
0xc1: {  	[dreg:$0x0] =	wrdreg $0xFFFFFFFF;
	(pc) =	sbr.abs _section_cstart, $3  }
0xc2: {  	[dreg:$0x1] =	wrdreg $0xFFFFFFFF  }
0xc3: {  	_ =	task.clear_ibuf [dreg:s8], $0x2FFFF;
	_ =	strace $0x9FFFFFFF  }
0xc4: {  	(tm) =	ssettm $0x7FFFFFFF  }
0xc5: {  	_ =	shalt  }
tec
execute0_lowered:
.L_overlay_start_1:
0x0: {  	(tag) =	ssettag $0x1  }
0x1: {  	v0 =	vimm.s32 $0x1380;
	vm14 =	vcmask $0x300;
	vm13 =	vcmask $0x704  }
0x2: {  	vm12 =	vcmask $0xB08;
	vm11 =	vcmask $0xF0C;
	vm10 =	vcmask $0x1310  }
0x3: {  	vm9 =	vcmask $0x1714;
	v1 =	vlaneseq.u32;
	vm8 =	vcmask $0x1B18  }
0x4: {  	vm7 =	vcmask $0x1F1C;
	v3 =	vimm.s32 $0x1FE0;
	vm0 =	vcmask $0x2320  }
0x5: {  	v4 =	vimm.s32 $0x1FE1;
	vm1 =	vcmask $0x2724;
	vm2 =	vcmask $0x2B28  }
0x6: {  	vm3 =	vcmask $0x2F2C;
	vm4 =	vcmask $0x3330;
	vm5 =	vcmask $0x3734  }
0x7: {  	vm6 =	vcmask $0x3B38;
	v6 =	vimm.s32 $0x1FE2;
	v8 =	vimm.s32 $0x1FE3  }
0x8: {  	v9 =	vimm.s32 $0x1FE4;
	v12 =	vimm.s32 $0x1FE5;
	v14 =	vimm.s32 $0x1FE6  }
0x9: {  	v15 =	vimm.s32 $0x1FE7;
	v18 =	vimm.s32 $0x1FE8;
	v20 =	vimm.s32 $0x1FE9  }
0xa: {  	v21 =	vimm.s32 $0x1FEA;
	v24 =	vimm.s32 $0x1FEB;
	v26 =	vimm.s32 $0x1FEC  }
0xb: {  	v27 =	vimm.s32 $0x1FED;
	v30 =	vimm.s32 $0x1FEE;
	v32 =	vimm.s32 $0x1FEF  }
0xc: {  	v33 =	vimm.s32 $0x1FF0;
	v37 =	vimm.s32 $0x1FF1;
	v38 =	vimm.s32 $0x1FF2  }
0xd: {  	v39 =	vimm.s32 $0x1FF3;
	v63 =	vimm.s32 $0x1FF4;
	v42 =	vimm.s32 $0x1FF5  }
0xe: {  	v43 =	vimm.s32 $0x1FF6;
	v44 =	vimm.s32 $0x1FF7;
	v45 =	vimm.s32 $0x1FF8  }
0xf: {  	v46 =	vimm.s32 $0x1FF9;
	v47 =	vimm.s32 $0x1FFA;
	v48 =	vimm.s32 $0x1FFB  }
0x10: {  	v49 =	vimm.s32 $0x1FFC;
	v50 =	vimm.s32 $0x1FFD;
	v51 =	vimm.s32 $0x1FFE  }
0x11: {  	v52 =	vimm.s32 $0x1FFF;
	v0 =	vsel vm14, $0x0, v0;
	v3 =	vsel vm14, $0xC60, v3  }
0x12: {  	v4 =	vsel vm14, $0xC61, v4;
	v7 =	vsel vm14, $0xC62, v6;
	v8 =	vsel vm14, $0xC63, v8  }
0x13: {  	v9 =	vsel vm14, $0xC64, v9;
	v13 =	vsel vm14, $0xC65, v12;
	v14 =	vsel vm14, $0xC66, v14  }
0x14: {  	v15 =	vsel vm14, $0xC67, v15;
	v19 =	vsel vm14, $0xC68, v18;
	v20 =	vsel vm14, $0xC69, v20  }
0x15: {  	v21 =	vsel vm14, $0xC6A, v21;
	v25 =	vsel vm14, $0xC6B, v24;
	v26 =	vsel vm14, $0xC6C, v26  }
0x16: {  	v27 =	vsel vm14, $0xC6D, v27;
	v31 =	vsel vm14, $0xC6E, v30;
	v32 =	vsel vm14, $0xC6F, v32  }
0x17: {  	v33 =	vsel vm14, $0xC70, v33;
	v37 =	vsel vm14, $0xC71, v37;
	v38 =	vsel vm14, $0xC72, v38  }
0x18: {  	v39 =	vsel vm14, $0xC73, v39;
	v42 =	vsel vm14, $0xC75, v42;
	v43 =	vsel vm14, $0xC76, v43  }
0x19: {  	v44 =	vsel vm14, $0xC77, v44;
	v45 =	vsel vm14, $0xC78, v45;
	v46 =	vsel vm14, $0xC79, v46  }
0x1a: {  	v47 =	vsel vm14, $0xC7A, v47;
	v48 =	vsel vm14, $0xC7B, v48;
	v49 =	vsel vm14, $0xC7C, v49  }
0x1b: {  	v50 =	vsel vm14, $0xC7D, v50;
	v51 =	vsel vm14, $0xC7E, v51;
	v52 =	vsel vm14, $0xC7F, v52  }
0x1c: {  	v0 =	vsel vm13, $0x80, v0;
	v3 =	vsel vm13, $0xCE0, v3;
	v4 =	vsel vm13, $0xCE1, v4  }
0x1d: {  	v7 =	vsel vm13, $0xCE2, v7;
	v8 =	vsel vm13, $0xCE3, v8;
	v9 =	vsel vm13, $0xCE4, v9  }
0x1e: {  	v13 =	vsel vm13, $0xCE5, v13;
	v14 =	vsel vm13, $0xCE6, v14;
	v15 =	vsel vm13, $0xCE7, v15  }
0x1f: {  	v19 =	vsel vm13, $0xCE8, v19;
	v20 =	vsel vm13, $0xCE9, v20;
	v21 =	vsel vm13, $0xCEA, v21  }
0x20: {  	v25 =	vsel vm13, $0xCEB, v25;
	v26 =	vsel vm13, $0xCEC, v26;
	v27 =	vsel vm13, $0xCED, v27  }
0x21: {  	v31 =	vsel vm13, $0xCEE, v31;
	v32 =	vsel vm13, $0xCEF, v32;
	v33 =	vsel vm13, $0xCF0, v33  }
0x22: {  	v37 =	vsel vm13, $0xCF1, v37;
	v38 =	vsel vm13, $0xCF2, v38;
	v39 =	vsel vm13, $0xCF3, v39  }
0x23: {  	v42 =	vsel vm13, $0xCF5, v42;
	v43 =	vsel vm13, $0xCF6, v43;
	v44 =	vsel vm13, $0xCF7, v44  }
0x24: {  	v45 =	vsel vm13, $0xCF8, v45;
	v46 =	vsel vm13, $0xCF9, v46;
	v47 =	vsel vm13, $0xCFA, v47  }
0x25: {  	v48 =	vsel vm13, $0xCFB, v48;
	v49 =	vsel vm13, $0xCFC, v49;
	v50 =	vsel vm13, $0xCFD, v50  }
0x26: {  	v51 =	vsel vm13, $0xCFE, v51;
	v52 =	vsel vm13, $0xCFF, v52;
	v0 =	vsel vm12, $0x100, v0  }
0x27: {  	v3 =	vsel vm12, $0xD60, v3;
	v4 =	vsel vm12, $0xD61, v4;
	v7 =	vsel vm12, $0xD62, v7  }
0x28: {  	v8 =	vsel vm12, $0xD63, v8;
	v9 =	vsel vm12, $0xD64, v9;
	v13 =	vsel vm12, $0xD65, v13  }
0x29: {  	v14 =	vsel vm12, $0xD66, v14;
	v15 =	vsel vm12, $0xD67, v15;
	v19 =	vsel vm12, $0xD68, v19  }
0x2a: {  	v20 =	vsel vm12, $0xD69, v20;
	v21 =	vsel vm12, $0xD6A, v21;
	v25 =	vsel vm12, $0xD6B, v25  }
0x2b: {  	v26 =	vsel vm12, $0xD6C, v26;
	v27 =	vsel vm12, $0xD6D, v27;
	v31 =	vsel vm12, $0xD6E, v31  }
0x2c: {  	v32 =	vsel vm12, $0xD6F, v32;
	v33 =	vsel vm12, $0xD70, v33;
	v37 =	vsel vm12, $0xD71, v37  }
0x2d: {  	v38 =	vsel vm12, $0xD72, v38;
	v39 =	vsel vm12, $0xD73, v39;
	v42 =	vsel vm12, $0xD75, v42  }
0x2e: {  	v43 =	vsel vm12, $0xD76, v43;
	v44 =	vsel vm12, $0xD77, v44;
	v45 =	vsel vm12, $0xD78, v45  }
0x2f: {  	v46 =	vsel vm12, $0xD79, v46;
	v47 =	vsel vm12, $0xD7A, v47;
	v48 =	vsel vm12, $0xD7B, v48  }
0x30: {  	v49 =	vsel vm12, $0xD7C, v49;
	v50 =	vsel vm12, $0xD7D, v50;
	v51 =	vsel vm12, $0xD7E, v51  }
0x31: {  	v52 =	vsel vm12, $0xD7F, v52;
	v0 =	vsel vm11, $0x180, v0;
	v3 =	vsel vm11, $0xDE0, v3  }
0x32: {  	v4 =	vsel vm11, $0xDE1, v4;
	v7 =	vsel vm11, $0xDE2, v7;
	v8 =	vsel vm11, $0xDE3, v8  }
0x33: {  	v9 =	vsel vm11, $0xDE4, v9;
	v13 =	vsel vm11, $0xDE5, v13;
	v14 =	vsel vm11, $0xDE6, v14  }
0x34: {  	v15 =	vsel vm11, $0xDE7, v15;
	v19 =	vsel vm11, $0xDE8, v19;
	v20 =	vsel vm11, $0xDE9, v20  }
0x35: {  	v21 =	vsel vm11, $0xDEA, v21;
	v25 =	vsel vm11, $0xDEB, v25;
	v26 =	vsel vm11, $0xDEC, v26  }
0x36: {  	v27 =	vsel vm11, $0xDED, v27;
	v31 =	vsel vm11, $0xDEE, v31;
	v32 =	vsel vm11, $0xDEF, v32  }
0x37: {  	v33 =	vsel vm11, $0xDF0, v33;
	v37 =	vsel vm11, $0xDF1, v37;
	v38 =	vsel vm11, $0xDF2, v38  }
0x38: {  	v39 =	vsel vm11, $0xDF3, v39;
	v42 =	vsel vm11, $0xDF5, v42;
	v43 =	vsel vm11, $0xDF6, v43  }
0x39: {  	v44 =	vsel vm11, $0xDF7, v44;
	v45 =	vsel vm11, $0xDF8, v45;
	v46 =	vsel vm11, $0xDF9, v46  }
0x3a: {  	v47 =	vsel vm11, $0xDFA, v47;
	v48 =	vsel vm11, $0xDFB, v48;
	v49 =	vsel vm11, $0xDFC, v49  }
0x3b: {  	v50 =	vsel vm11, $0xDFD, v50;
	v51 =	vsel vm11, $0xDFE, v51;
	v52 =	vsel vm11, $0xDFF, v52  }
0x3c: {  	v0 =	vsel vm10, $0x200, v0;
	v3 =	vsel vm10, $0xE60, v3;
	v4 =	vsel vm10, $0xE61, v4  }
0x3d: {  	v7 =	vsel vm10, $0xE62, v7;
	v8 =	vsel vm10, $0xE63, v8;
	v9 =	vsel vm10, $0xE64, v9  }
0x3e: {  	v13 =	vsel vm10, $0xE65, v13;
	v14 =	vsel vm10, $0xE66, v14;
	v15 =	vsel vm10, $0xE67, v15  }
0x3f: {  	v19 =	vsel vm10, $0xE68, v19;
	v20 =	vsel vm10, $0xE69, v20;
	v21 =	vsel vm10, $0xE6A, v21  }
0x40: {  	v25 =	vsel vm10, $0xE6B, v25;
	v26 =	vsel vm10, $0xE6C, v26;
	v27 =	vsel vm10, $0xE6D, v27  }
0x41: {  	v31 =	vsel vm10, $0xE6E, v31;
	v32 =	vsel vm10, $0xE6F, v32;
	v33 =	vsel vm10, $0xE70, v33  }
0x42: {  	v37 =	vsel vm10, $0xE71, v37;
	v38 =	vsel vm10, $0xE72, v38;
	v39 =	vsel vm10, $0xE73, v39  }
0x43: {  	v42 =	vsel vm10, $0xE75, v42;
	v43 =	vsel vm10, $0xE76, v43;
	v44 =	vsel vm10, $0xE77, v44  }
0x44: {  	v45 =	vsel vm10, $0xE78, v45;
	v46 =	vsel vm10, $0xE79, v46;
	v47 =	vsel vm10, $0xE7A, v47  }
0x45: {  	v48 =	vsel vm10, $0xE7B, v48;
	v49 =	vsel vm10, $0xE7C, v49;
	v50 =	vsel vm10, $0xE7D, v50  }
0x46: {  	v51 =	vsel vm10, $0xE7E, v51;
	v52 =	vsel vm10, $0xE7F, v52;
	v2 =	vsel vm9, $0x280, v0  }
0x47: {  	v0 =	vmul.u32 $0x80, v1;
	v1 =	vimm.s32 $0x0;
	v3 =	vsel vm9, $0xEE0, v3  }
0x48: {  	v4 =	vsel vm9, $0xEE1, v4;
	v7 =	vsel vm9, $0xEE2, v7;
	v8 =	vsel vm9, $0xEE3, v8  }
0x49: {  	v9 =	vsel vm9, $0xEE4, v9;
	v13 =	vsel vm9, $0xEE5, v13;
	v14 =	vsel vm9, $0xEE6, v14  }
0x4a: {  	v15 =	vsel vm9, $0xEE7, v15;
	v19 =	vsel vm9, $0xEE8, v19;
	v20 =	vsel vm9, $0xEE9, v20  }
0x4b: {  	v21 =	vsel vm9, $0xEEA, v21;
	v25 =	vsel vm9, $0xEEB, v25;
	v26 =	vsel vm9, $0xEEC, v26  }
0x4c: {  	v27 =	vsel vm9, $0xEED, v27;
	v31 =	vsel vm9, $0xEEE, v31;
	v32 =	vsel vm9, $0xEEF, v32  }
0x4d: {  	v33 =	vsel vm9, $0xEF0, v33;
	v37 =	vsel vm9, $0xEF1, v37;
	v38 =	vsel vm9, $0xEF2, v38  }
0x4e: {  	v39 =	vsel vm9, $0xEF3, v39;
	v42 =	vsel vm9, $0xEF5, v42;
	v43 =	vsel vm9, $0xEF6, v43  }
0x4f: {  	v44 =	vsel vm9, $0xEF7, v44;
	v45 =	vsel vm9, $0xEF8, v45;
	v46 =	vsel vm9, $0xEF9, v46  }
0x50: {  	v47 =	vsel vm9, $0xEFA, v47;
	v48 =	vsel vm9, $0xEFB, v48;
	v49 =	vsel vm9, $0xEFC, v49  }
0x51: {  	v50 =	vsel vm9, $0xEFD, v50;
	v51 =	vsel vm9, $0xEFE, v51;
	v52 =	vsel vm9, $0xEFF, v52  }
0x52: {  	v2 =	vsel vm8, $0x300, v2;
	v3 =	vsel vm8, $0xF60, v3;
	v4 =	vsel vm8, $0xF61, v4  }
0x53: {  	v7 =	vsel vm8, $0xF62, v7;
	v8 =	vsel vm8, $0xF63, v8;
	v9 =	vsel vm8, $0xF64, v9  }
0x54: {  	v13 =	vsel vm8, $0xF65, v13;
	v14 =	vsel vm8, $0xF66, v14;
	v15 =	vsel vm8, $0xF67, v15  }
0x55: {  	v19 =	vsel vm8, $0xF68, v19;
	v20 =	vsel vm8, $0xF69, v20;
	v21 =	vsel vm8, $0xF6A, v21  }
0x56: {  	v25 =	vsel vm8, $0xF6B, v25;
	v26 =	vsel vm8, $0xF6C, v26;
	v27 =	vsel vm8, $0xF6D, v27  }
0x57: {  	v31 =	vsel vm8, $0xF6E, v31;
	v32 =	vsel vm8, $0xF6F, v32;
	v33 =	vsel vm8, $0xF70, v33  }
0x58: {  	v37 =	vsel vm8, $0xF71, v37;
	v38 =	vsel vm8, $0xF72, v38;
	v39 =	vsel vm8, $0xF73, v39  }
0x59: {  	v42 =	vsel vm8, $0xF75, v42;
	v43 =	vsel vm8, $0xF76, v43;
	v44 =	vsel vm8, $0xF77, v44  }
0x5a: {  	v45 =	vsel vm8, $0xF78, v45;
	v46 =	vsel vm8, $0xF79, v46;
	v47 =	vsel vm8, $0xF7A, v47  }
0x5b: {  	v48 =	vsel vm8, $0xF7B, v48;
	v49 =	vsel vm8, $0xF7C, v49;
	v50 =	vsel vm8, $0xF7D, v50  }
0x5c: {  	v51 =	vsel vm8, $0xF7E, v51;
	v52 =	vsel vm8, $0xF7F, v52;
	v2 =	vsel vm7, $0x380, v2  }
0x5d: {  	v3 =	vsel vm7, $0xFE0, v3;
	v4 =	vsel vm7, $0xFE1, v4;
	v6 =	vor.u32 $0x1000, v0  }
0x5e: {  	v7 =	vsel vm7, $0xFE2, v7;
	v8 =	vsel vm7, $0xFE3, v8;
	v9 =	vsel vm7, $0xFE4, v9  }
0x5f: {  	v12 =	vor.u32 $0x2800, v0;
	v13 =	vsel vm7, $0xFE5, v13;
	v14 =	vsel vm7, $0xFE6, v14  }
0x60: {  	v15 =	vsel vm7, $0xFE7, v15;
	v18 =	vor.u32 $0x4000, v0;
	v19 =	vsel vm7, $0xFE8, v19  }
0x61: {  	v20 =	vsel vm7, $0xFE9, v20;
	v21 =	vsel vm7, $0xFEA, v21;
	v24 =	vor.u32 $0x5800, v0  }
0x62: {  	v25 =	vsel vm7, $0xFEB, v25;
	v26 =	vsel vm7, $0xFEC, v26;
	v27 =	vsel vm7, $0xFED, v27  }
0x63: {  	v30 =	vor.u32 $0x7000, v0;
	v31 =	vsel vm7, $0xFEE, v31;
	v32 =	vsel vm7, $0xFEF, v32  }
0x64: {  	v33 =	vsel vm7, $0xFF0, v33;
	v36 =	vor.u32 $0x8800, v0;
	v37 =	vsel vm7, $0xFF1, v37  }
0x65: {  	v38 =	vsel vm7, $0xFF2, v38;
	v39 =	vsel vm7, $0xFF3, v39;
	v42 =	vsel vm7, $0xFF5, v42  }
0x66: {  	v43 =	vsel vm7, $0xFF6, v43;
	v44 =	vsel vm7, $0xFF7, v44;
	v45 =	vsel vm7, $0xFF8, v45  }
0x67: {  	v46 =	vsel vm7, $0xFF9, v46;
	v47 =	vsel vm7, $0xFFA, v47;
	v48 =	vsel vm7, $0xFFB, v48  }
0x68: {  	v49 =	vsel vm7, $0xFFC, v49;
	v50 =	vsel vm7, $0xFFD, v50;
	v51 =	vsel vm7, $0xFFE, v51  }
0x69: {  	v52 =	vsel vm7, $0xFFF, v52;
	v2 =	vsel vm0, $0x1000, v2;
	v3 =	vsel vm0, $0x1C60, v3  }
0x6a: {  	v4 =	vsel vm0, $0x1C61, v4;
	v7 =	vsel vm0, $0x1C62, v7;
	v8 =	vsel vm0, $0x1C63, v8  }
0x6b: {  	v9 =	vsel vm0, $0x1C64, v9;
	v13 =	vsel vm0, $0x1C65, v13;
	v14 =	vsel vm0, $0x1C66, v14  }
0x6c: {  	v15 =	vsel vm0, $0x1C67, v15;
	v19 =	vsel vm0, $0x1C68, v19;
	v20 =	vsel vm0, $0x1C69, v20  }
0x6d: {  	v21 =	vsel vm0, $0x1C6A, v21;
	v25 =	vsel vm0, $0x1C6B, v25;
	v26 =	vsel vm0, $0x1C6C, v26  }
0x6e: {  	v27 =	vsel vm0, $0x1C6D, v27;
	v31 =	vsel vm0, $0x1C6E, v31;
	v32 =	vsel vm0, $0x1C6F, v32  }
0x6f: {  	v33 =	vsel vm0, $0x1C70, v33;
	v37 =	vsel vm0, $0x1C71, v37;
	v38 =	vsel vm0, $0x1C72, v38  }
0x70: {  	v39 =	vsel vm0, $0x1C73, v39;
	v42 =	vsel vm0, $0x1C75, v42;
	v43 =	vsel vm0, $0x1C76, v43  }
0x71: {  	v44 =	vsel vm0, $0x1C77, v44;
	v45 =	vsel vm0, $0x1C78, v45;
	v46 =	vsel vm0, $0x1C79, v46  }
0x72: {  	v47 =	vsel vm0, $0x1C7A, v47;
	v48 =	vsel vm0, $0x1C7B, v48;
	v49 =	vsel vm0, $0x1C7C, v49  }
0x73: {  	v50 =	vsel vm0, $0x1C7D, v50;
	v51 =	vsel vm0, $0x1C7E, v51;
	v52 =	vsel vm0, $0x1C7F, v52  }
0x74: {  	v2 =	vsel vm1, $0x1080, v2;
	v3 =	vsel vm1, $0x1CE0, v3;
	v4 =	vsel vm1, $0x1CE1, v4  }
0x75: {  	v7 =	vsel vm1, $0x1CE2, v7;
	v8 =	vsel vm1, $0x1CE3, v8;
	v9 =	vsel vm1, $0x1CE4, v9  }
0x76: {  	v13 =	vsel vm1, $0x1CE5, v13;
	v14 =	vsel vm1, $0x1CE6, v14;
	v15 =	vsel vm1, $0x1CE7, v15  }
0x77: {  	v19 =	vsel vm1, $0x1CE8, v19;
	v20 =	vsel vm1, $0x1CE9, v20;
	v21 =	vsel vm1, $0x1CEA, v21  }
0x78: {  	v25 =	vsel vm1, $0x1CEB, v25;
	v26 =	vsel vm1, $0x1CEC, v26;
	v27 =	vsel vm1, $0x1CED, v27  }
0x79: {  	v31 =	vsel vm1, $0x1CEE, v31;
	v32 =	vsel vm1, $0x1CEF, v32;
	v33 =	vsel vm1, $0x1CF0, v33  }
0x7a: {  	v37 =	vsel vm1, $0x1CF1, v37;
	v38 =	vsel vm1, $0x1CF2, v38;
	v39 =	vsel vm1, $0x1CF3, v39  }
0x7b: {  	v42 =	vsel vm1, $0x1CF5, v42;
	v43 =	vsel vm1, $0x1CF6, v43;
	v44 =	vsel vm1, $0x1CF7, v44  }
0x7c: {  	v45 =	vsel vm1, $0x1CF8, v45;
	v46 =	vsel vm1, $0x1CF9, v46;
	v47 =	vsel vm1, $0x1CFA, v47  }
0x7d: {  	v48 =	vsel vm1, $0x1CFB, v48;
	v49 =	vsel vm1, $0x1CFC, v49;
	v50 =	vsel vm1, $0x1CFD, v50  }
0x7e: {  	v51 =	vsel vm1, $0x1CFE, v51;
	v52 =	vsel vm1, $0x1CFF, v52;
	v2 =	vsel vm2, $0x1100, v2  }
0x7f: {  	v3 =	vsel vm2, $0x1D60, v3;
	v4 =	vsel vm2, $0x1D61, v4;
	v7 =	vsel vm2, $0x1D62, v7  }
0x80: {  	v8 =	vsel vm2, $0x1D63, v8;
	v9 =	vsel vm2, $0x1D64, v9;
	v13 =	vsel vm2, $0x1D65, v13  }
0x81: {  	v14 =	vsel vm2, $0x1D66, v14;
	v15 =	vsel vm2, $0x1D67, v15;
	v19 =	vsel vm2, $0x1D68, v19  }
0x82: {  	v20 =	vsel vm2, $0x1D69, v20;
	v21 =	vsel vm2, $0x1D6A, v21;
	v25 =	vsel vm2, $0x1D6B, v25  }
0x83: {  	v26 =	vsel vm2, $0x1D6C, v26;
	v27 =	vsel vm2, $0x1D6D, v27;
	v31 =	vsel vm2, $0x1D6E, v31  }
0x84: {  	v32 =	vsel vm2, $0x1D6F, v32;
	v33 =	vsel vm2, $0x1D70, v33;
	v37 =	vsel vm2, $0x1D71, v37  }
0x85: {  	v38 =	vsel vm2, $0x1D72, v38;
	v39 =	vsel vm2, $0x1D73, v39;
	v42 =	vsel vm2, $0x1D75, v42  }
0x86: {  	v43 =	vsel vm2, $0x1D76, v43;
	v44 =	vsel vm2, $0x1D77, v44;
	v45 =	vsel vm2, $0x1D78, v45  }
0x87: {  	v46 =	vsel vm2, $0x1D79, v46;
	v47 =	vsel vm2, $0x1D7A, v47;
	v48 =	vsel vm2, $0x1D7B, v48  }
0x88: {  	v49 =	vsel vm2, $0x1D7C, v49;
	v50 =	vsel vm2, $0x1D7D, v50;
	v51 =	vsel vm2, $0x1D7E, v51  }
0x89: {  	v52 =	vsel vm2, $0x1D7F, v52;
	v2 =	vsel vm3, $0x1180, v2;
	v3 =	vsel vm3, $0x1DE0, v3  }
0x8a: {  	v4 =	vsel vm3, $0x1DE1, v4;
	v7 =	vsel vm3, $0x1DE2, v7;
	v8 =	vsel vm3, $0x1DE3, v8  }
0x8b: {  	v9 =	vsel vm3, $0x1DE4, v9;
	v13 =	vsel vm3, $0x1DE5, v13;
	v14 =	vsel vm3, $0x1DE6, v14  }
0x8c: {  	v15 =	vsel vm3, $0x1DE7, v15;
	v19 =	vsel vm3, $0x1DE8, v19;
	v20 =	vsel vm3, $0x1DE9, v20  }
0x8d: {  	v21 =	vsel vm3, $0x1DEA, v21;
	v25 =	vsel vm3, $0x1DEB, v25;
	v26 =	vsel vm3, $0x1DEC, v26  }
0x8e: {  	v27 =	vsel vm3, $0x1DED, v27;
	v31 =	vsel vm3, $0x1DEE, v31;
	v32 =	vsel vm3, $0x1DEF, v32  }
0x8f: {  	v33 =	vsel vm3, $0x1DF0, v33;
	v37 =	vsel vm3, $0x1DF1, v37;
	v38 =	vsel vm3, $0x1DF2, v38  }
0x90: {  	v39 =	vsel vm3, $0x1DF3, v39;
	v42 =	vsel vm3, $0x1DF5, v42;
	v43 =	vsel vm3, $0x1DF6, v43  }
0x91: {  	v44 =	vsel vm3, $0x1DF7, v44;
	v45 =	vsel vm3, $0x1DF8, v45;
	v46 =	vsel vm3, $0x1DF9, v46  }
0x92: {  	v47 =	vsel vm3, $0x1DFA, v47;
	v48 =	vsel vm3, $0x1DFB, v48;
	v49 =	vsel vm3, $0x1DFC, v49  }
0x93: {  	v50 =	vsel vm3, $0x1DFD, v50;
	v51 =	vsel vm3, $0x1DFE, v51;
	v52 =	vsel vm3, $0x1DFF, v52  }
0x94: {  	v2 =	vsel vm4, $0x1200, v2;
	v3 =	vsel vm4, $0x1E60, v3;
	v4 =	vsel vm4, $0x1E61, v4  }
0x95: {  	v7 =	vsel vm4, $0x1E62, v7;
	v10 =	vsel vm4, $0x1E63, v8;
	v8 =	vor.u32 $0x1800, v0  }
0x96: {  	v11 =	vsel vm4, $0x1E64, v9;
	v13 =	vsel vm4, $0x1E65, v13;
	v16 =	vsel vm4, $0x1E66, v14  }
0x97: {  	v14 =	vor.u32 $0x3000, v0;
	v17 =	vsel vm4, $0x1E67, v15;
	v19 =	vsel vm4, $0x1E68, v19  }
0x98: {  	v22 =	vsel vm4, $0x1E69, v20;
	v20 =	vor.u32 $0x4800, v0;
	v23 =	vsel vm4, $0x1E6A, v21  }
0x99: {  	v25 =	vsel vm4, $0x1E6B, v25;
	v28 =	vsel vm4, $0x1E6C, v26;
	v26 =	vor.u32 $0x6000, v0  }
0x9a: {  	v29 =	vsel vm4, $0x1E6D, v27;
	v31 =	vsel vm4, $0x1E6E, v31;
	v34 =	vsel vm4, $0x1E6F, v32  }
0x9b: {  	v32 =	vor.u32 $0x7800, v0;
	v35 =	vsel vm4, $0x1E70, v33;
	v37 =	vsel vm4, $0x1E71, v37  }
0x9c: {  	v38 =	vsel vm4, $0x1E72, v38;
	v39 =	vsel vm4, $0x1E73, v39;
	v42 =	vsel vm4, $0x1E75, v42  }
0x9d: {  	v43 =	vsel vm4, $0x1E76, v43;
	v44 =	vsel vm4, $0x1E77, v44;
	v45 =	vsel vm4, $0x1E78, v45  }
0x9e: {  	v46 =	vsel vm4, $0x1E79, v46;
	v47 =	vsel vm4, $0x1E7A, v47;
	v48 =	vsel vm4, $0x1E7B, v48  }
0x9f: {  	v49 =	vsel vm4, $0x1E7C, v49;
	v50 =	vsel vm4, $0x1E7D, v50;
	v51 =	vsel vm4, $0x1E7E, v51  }
0xa0: {  	v52 =	vsel vm4, $0x1E7F, v52;
	v2 =	vsel vm5, $0x1280, v2;
	v3 =	vsel vm5, $0x1EE0, v3  }
0xa1: {  	v5 =	vsel vm5, $0x1EE1, v4;
	v4 =	vor.u32 $0x800, v0;
	v7 =	vsel vm5, $0x1EE2, v7  }
0xa2: {  	v10 =	vsel vm5, $0x1EE3, v10;
	v11 =	vsel vm5, $0x1EE4, v11;
	v13 =	vsel vm5, $0x1EE5, v13  }
0xa3: {  	v16 =	vsel vm5, $0x1EE6, v16;
	v17 =	vsel vm5, $0x1EE7, v17;
	v19 =	vsel vm5, $0x1EE8, v19  }
0xa4: {  	v22 =	vsel vm5, $0x1EE9, v22;
	v23 =	vsel vm5, $0x1EEA, v23;
	v25 =	vsel vm5, $0x1EEB, v25  }
0xa5: {  	v28 =	vsel vm5, $0x1EEC, v28;
	v29 =	vsel vm5, $0x1EED, v29;
	v31 =	vsel vm5, $0x1EEE, v31  }
0xa6: {  	v34 =	vsel vm5, $0x1EEF, v34;
	v35 =	vsel vm5, $0x1EF0, v35;
	v37 =	vsel vm5, $0x1EF1, v37  }
0xa7: {  	v40 =	vsel vm5, $0x1EF2, v38;
	v41 =	vsel vm5, $0x1EF3, v39;
	v38 =	vor.u32 $0x9000, v0  }
0xa8: {  	v42 =	vsel vm5, $0x1EF5, v42;
	v43 =	vsel vm5, $0x1EF6, v43;
	v44 =	vsel vm5, $0x1EF7, v44  }
0xa9: {  	v45 =	vsel vm5, $0x1EF8, v45;
	v46 =	vsel vm5, $0x1EF9, v46;
	v47 =	vsel vm5, $0x1EFA, v47  }
0xaa: {  	v48 =	vsel vm5, $0x1EFB, v48;
	v49 =	vsel vm5, $0x1EFC, v49;
	v50 =	vsel vm5, $0x1EFD, v50  }
0xab: {  	v51 =	vsel vm5, $0x1EFE, v51;
	v52 =	vsel vm5, $0x1EFF, v52;
	v2 =	vsel vm6, $0x1300, v2  }
0xac: {  	v3 =	vsel vm6, $0x1F60, v3;
	v5 =	vsel vm6, $0x1F61, v5;
	v7 =	vsel vm6, $0x1F62, v7  }
0xad: {  	s1 =	rddreg [dreg:$0x0];
	v9 =	vsel vm6, $0x1F63, v10;
	v10 =	vor.u32 $0x2000, v0;
	v11 =	vsel vm6, $0x1F64, v11  }
0xae: {  	s0 =	rddreg [dreg:$0x1];
	v39 =	vsel vm6, $0x1F72, v40;
	v40 =	vsel vm6, $0x1F73, v41;
	v41 =	vsel vm14, $0xC74, v63  }
0xaf: {  	s2 =	rddreg [dreg:$0x2];
	v13 =	vsel vm6, $0x1F65, v13;
	v15 =	vsel vm6, $0x1F66, v16;
	v41 =	vsel vm13, $0xCF4, v41  }
0xb0: {  	s3 =	srdreg.scid;
	s4 =	stileid.u32;
	v16 =	vor.u32 $0x3800, v0;
	v17 =	vsel vm6, $0x1F67, v17;
	v41 =	vsel vm12, $0xD74, v41  }
0xb1: {  	s5 =	simm.s32 $0x0;
	s8 =	simm.s32 $0x2;
	s9 =	simm.s32 $0x7A1400;
	v19 =	vsel vm6, $0x1F68, v19;
	v21 =	vsel vm6, $0x1F69, v22;
	v41 =	vsel vm11, $0xDF4, v41  }
0xb2: {  	s10 =	simm.s32 $0x400;
	s11 =	simm.s32 $0x18200;
	s12 =	simm.s32 $0x200;
	v22 =	vor.u32 $0x5000, v0;
	v23 =	vsel vm6, $0x1F6A, v23;
	v41 =	vsel vm10, $0xE74, v41  }
0xb3: {  	s14 =	simm.s32 $0xBA00;
	s15 =	simm.s32 $0xC200;
	s16 =	simm.s32 $0xCA00;
	v25 =	vsel vm6, $0x1F6B, v25;
	v27 =	vsel vm6, $0x1F6C, v28;
	v41 =	vsel vm9, $0xEF4, v41  }
0xb4: {  	s17 =	simm.s32 $0xD200;
	s18 =	simm.s32 $0xDA00;
	s19 =	simm.s32 $0xE200;
	v28 =	vor.u32 $0x6800, v0;
	v29 =	vsel vm6, $0x1F6D, v29;
	v41 =	vsel vm8, $0xF74, v41  }
0xb5: {  	s20 =	simm.s32 $0xEA00;
	s21 =	simm.s32 $0xF200;
	s22 =	simm.s32 $0xFA00;
	v31 =	vsel vm6, $0x1F6E, v31;
	v33 =	vsel vm6, $0x1F6F, v34;
	v41 =	vsel vm7, $0xFF4, v41  }
0xb6: {  	s23 =	simm.s32 $0x1;
	s24 =	simm.s32 $0x18A00;
	s25 =	simm.s32 $0x1000;
	v34 =	vor.u32 $0x8000, v0;
	v35 =	vsel vm6, $0x1F70, v35;
	v41 =	vsel vm0, $0x1C74, v41  }
0xb7: {  	s26 =	simm.s32 $0x20000;
	s28 =	simm.s32 $0x0;
	s3 =	sand.u32 $0x1, s3;
	v37 =	vsel vm6, $0x1F71, v37;
	v42 =	vsel vm6, $0x1F75, v42;
	v41 =	vsel vm1, $0x1CF4, v41  }
0xb8: {  	s6 =	sshll.u32 s4, $0xA;
	s30 =	sshll.u32 s3, $0x9;
	s3 =	ssub.s32 $0x2, s3;
	v43 =	vsel vm6, $0x1F76, v43;
	v44 =	vsel vm6, $0x1F77, v44;
	v41 =	vsel vm2, $0x1D74, v41  }
0xb9: {  	[smem:$0x7FF] =	sst s5;
	s31 =	sor.u32 s30, s6;
	s7 =	sshrl.u32 s3, $0x1;
	v45 =	vsel vm6, $0x1F78, v45;
	v46 =	vsel vm6, $0x1F79, v46;
	v41 =	vsel vm3, $0x1DF4, v41  }
0xba: {  	s2 =	sadd.s32 s2, s30;
	s5 =	sshrl.u32 s31, $0x3;
	s3 =	ssub.s32 s3, s7;
	v47 =	vsel vm6, $0x1F7A, v47;
	v48 =	vsel vm6, $0x1F7B, v48;
	v41 =	vsel vm4, $0x1E74, v41  }
0xbb: {  	s6 =	sadd.s32 s6, s2;
	s1 =	sadd.s32 s5, s1;
	s5 =	sadd.s32 $0xF4200, s0;
	v49 =	vsel vm6, $0x1F7C, v49;
	v50 =	vsel vm6, $0x1F7D, v50;
	[tilespmem:$0x1FFF0] =	vst v3;
	v41 =	vsel vm5, $0x1EF4, v41  }
0xbc: {  	s7 =	smax.u32 s3, $0x1;
	s4 =	sadd.s32 $0x400, s1;
	v51 =	vsel vm6, $0x1F7E, v51;
	v52 =	vsel vm6, $0x1F7F, v52;
	_ =	strace $0x80000047;
	v41 =	vsel vm6, $0x1F74, v41  }
.LBB2_1:
0xbd: {  	s1 =	simm.s32 $0x0  }
0xbe: {  	[tilespmem:s1], [sflag:$0x2] =	stream.linear.gather [hbm4b:s4+s1], $0x200, $0x38;
	[tilespmem:$0x1AA00] =	vst v63  }
0xbf: {  	_ =	swait.ge [sflag:s8], $0x200  }
0xc0: {  	[sflag:s8] =	ssyncset.done $0x0  }
0xc1: {  	[sflag:s8] =	ssyncadd.s32 $0xFFFFFE00  }
0xc2: {  	[tilespmem:s11], [sflag:$0x2] =	stream.strided.gather [hbm4b:s5+s10], $0x800, s9, s10, $0x38;
	[tilespmem:$0x1AA00] =	vst v63  }
0xc3: {  	_ =	swait.ge [sflag:s8], $0x800  }
0xc4: {  	[sflag:s8] =	ssyncset.done $0x0  }
0xc5: {  	[sflag:s8] =	ssyncadd.s32 $0xFFFFF800  }
0xc6: {  	v54 =	vld [tilespmem:$0x0];
	_ =	sdelay $0x4  }
0xc7: {  	(v2sf) =	vpush v54, $0x0;
	_ =	sdelay $0x3  }
0xc8: {  	(v2sf) =	vpush v54, $0x1;
	_ =	sdelay $0x4  }
0xc9: {  	(v2sf) =	vpush v54, $0x2;
	_ =	sdelay $0x5  }
0xca: {  	s13 =	spop (v2sf)  }
0xcb: {  	(v2sf) =	vpush v54, $0x3;
	s1 =	sand.u32 $0xFFFFFF80, s13  }
0xcc: {  	p0 =	slt.s32 s1, $0xF4180  }
0xcd: {  	s1 =	simm.s32 @!p0 $0xF4180  }
0xce: {  	s2 =	spop (v2sf);
	s1 =	sadd.s32 s0, s1  }
0xcf: {  	(v2sf) =	vpush v54, $0x4;
	[tilespmem:s12], [sflag:$0x1] =	stream.strided.gather [hbm4b:s1+s10], $0x800, s9, s10, $0x38;
	[tilespmem:$0x1AA00] =	vst v63  }
0xd0: {  	s1 =	sand.u32 $0xFFFFFF80, s2  }
0xd1: {  	p0 =	slt.s32 s1, $0xF4180  }
0xd2: {  	s1 =	simm.s32 @!p0 $0xF4180  }
0xd3: {  	s3 =	spop (v2sf);
	s2 =	simm.s32 $0xA00;
	s1 =	sadd.s32 s0, s1  }
0xd4: {  	(v2sf) =	vpush v54, $0x5;
	[tilespmem:s2], [sflag:$0x1] =	stream.strided.gather [hbm4b:s1+s10], $0x800, s9, s10, $0x38;
	[tilespmem:$0x1AA00] =	vst v63  }
0xd5: {  	s1 =	sand.u32 $0xFFFFFF80, s3  }
0xd6: {  	p0 =	slt.s32 s1, $0xF4180  }
0xd7: {  	s1 =	simm.s32 @!p0 $0xF4180  }
0xd8: {  	s13 =	simm.s32 $0x1200;
	s1 =	sadd.s32 s0, s1  }
0xd9: {  	[tilespmem:s13], [sflag:$0x1] =	stream.strided.gather [hbm4b:s1+s10], $0x800, s9, s10, $0x38;
	[tilespmem:$0x1AA00] =	vst v63  }
0xda: {  	s3 =	spop (v2sf)  }
0xdb: {  	(v2sf) =	vpush v54, $0x6;
	s1 =	sand.u32 $0xFFFFFF80, s3  }
0xdc: {  	p0 =	slt.s32 s1, $0xF4180  }
0xdd: {  	s1 =	simm.s32 @!p0 $0xF4180  }
0xde: {  	s13 =	simm.s32 $0x1A00;
	s3 =	spop (v2sf);
	s1 =	sadd.s32 s0, s1  }
0xdf: {  	(v2sf) =	vpush v54, $0x7;
	[tilespmem:s13], [sflag:$0x1] =	stream.strided.gather [hbm4b:s1+s10], $0x800, s9, s10, $0x38;
	[tilespmem:$0x1AA00] =	vst v63  }
0xe0: {  	s1 =	sand.u32 $0xFFFFFF80, s3  }
0xe1: {  	p0 =	slt.s32 s1, $0xF4180  }
0xe2: {  	s1 =	simm.s32 @!p0 $0xF4180  }
0xe3: {  	s13 =	simm.s32 $0x2200;
	s3 =	spop (v2sf);
	s1 =	sadd.s32 s0, s1  }
0xe4: {  	(v2sf) =	vpush v54, $0x8;
	[tilespmem:s13], [sflag:$0x1] =	stream.strided.gather [hbm4b:s1+s10], $0x800, s9, s10, $0x38;
	[tilespmem:$0x1AA00] =	vst v63  }
0xe5: {  	s1 =	sand.u32 $0xFFFFFF80, s3  }
0xe6: {  	p0 =	slt.s32 s1, $0xF4180  }
0xe7: {  	s1 =	simm.s32 @!p0 $0xF4180  }
0xe8: {  	s13 =	simm.s32 $0x2A00;
	s1 =	sadd.s32 s0, s1  }
0xe9: {  	[tilespmem:s13], [sflag:$0x1] =	stream.strided.gather [hbm4b:s1+s10], $0x800, s9, s10, $0x38;
	[tilespmem:$0x1AA00] =	vst v63  }
0xea: {  	s3 =	spop (v2sf)  }
0xeb: {  	(v2sf) =	vpush v54, $0x9;
	s1 =	sand.u32 $0xFFFFFF80, s3  }
0xec: {  	p0 =	slt.s32 s1, $0xF4180  }
0xed: {  	s1 =	simm.s32 @!p0 $0xF4180  }
0xee: {  	s13 =	simm.s32 $0x3200;
	s3 =	spop (v2sf);
	s1 =	sadd.s32 s0, s1  }
0xef: {  	(v2sf) =	vpush v54, $0xA;
	[tilespmem:s13], [sflag:$0x1] =	stream.strided.gather [hbm4b:s1+s10], $0x800, s9, s10, $0x38;
	[tilespmem:$0x1AA00] =	vst v63  }
0xf0: {  	s1 =	sand.u32 $0xFFFFFF80, s3  }
0xf1: {  	p0 =	slt.s32 s1, $0xF4180  }
0xf2: {  	s1 =	simm.s32 @!p0 $0xF4180  }
0xf3: {  	s13 =	simm.s32 $0x3A00;
	s3 =	spop (v2sf);
	s1 =	sadd.s32 s0, s1  }
0xf4: {  	(v2sf) =	vpush v54, $0xB;
	[tilespmem:s13], [sflag:$0x1] =	stream.strided.gather [hbm4b:s1+s10], $0x800, s9, s10, $0x38;
	[tilespmem:$0x1AA00] =	vst v63  }
0xf5: {  	s1 =	sand.u32 $0xFFFFFF80, s3  }
0xf6: {  	p0 =	slt.s32 s1, $0xF4180  }
0xf7: {  	s1 =	simm.s32 @!p0 $0xF4180  }
0xf8: {  	s13 =	simm.s32 $0x4200;
	s1 =	sadd.s32 s0, s1  }
0xf9: {  	[tilespmem:s13], [sflag:$0x1] =	stream.strided.gather [hbm4b:s1+s10], $0x800, s9, s10, $0x38;
	[tilespmem:$0x1AA00] =	vst v63  }
0xfa: {  	s3 =	spop (v2sf)  }
0xfb: {  	(v2sf) =	vpush v54, $0xC;
	s1 =	sand.u32 $0xFFFFFF80, s3  }
0xfc: {  	p0 =	slt.s32 s1, $0xF4180  }
0xfd: {  	s1 =	simm.s32 @!p0 $0xF4180  }
0xfe: {  	s13 =	simm.s32 $0x4A00;
	s3 =	spop (v2sf);
	s1 =	sadd.s32 s0, s1  }
0xff: {  	(v2sf) =	vpush v54, $0xD;
	[tilespmem:s13], [sflag:$0x1] =	stream.strided.gather [hbm4b:s1+s10], $0x800, s9, s10, $0x38;
	[tilespmem:$0x1AA00] =	vst v63  }
0x100: {  	s1 =	sand.u32 $0xFFFFFF80, s3  }
0x101: {  	p0 =	slt.s32 s1, $0xF4180  }
0x102: {  	s1 =	simm.s32 @!p0 $0xF4180  }
0x103: {  	s13 =	simm.s32 $0x5200;
	s3 =	spop (v2sf);
	s1 =	sadd.s32 s0, s1  }
0x104: {  	(v2sf) =	vpush v54, $0xE;
	[tilespmem:s13], [sflag:$0x1] =	stream.strided.gather [hbm4b:s1+s10], $0x800, s9, s10, $0x38;
	[tilespmem:$0x1AA00] =	vst v63  }
0x105: {  	s1 =	sand.u32 $0xFFFFFF80, s3  }
0x106: {  	p0 =	slt.s32 s1, $0xF4180  }
0x107: {  	s1 =	simm.s32 @!p0 $0xF4180  }
0x108: {  	s13 =	simm.s32 $0x5A00;
	s1 =	sadd.s32 s0, s1  }
0x109: {  	[tilespmem:s13], [sflag:$0x1] =	stream.strided.gather [hbm4b:s1+s10], $0x800, s9, s10, $0x38;
	[tilespmem:$0x1AA00] =	vst v63  }
0x10a: {  	s3 =	spop (v2sf)  }
0x10b: {  	(v2sf) =	vpush v54, $0xF;
	s1 =	sand.u32 $0xFFFFFF80, s3  }
0x10c: {  	p0 =	slt.s32 s1, $0xF4180  }
0x10d: {  	s1 =	simm.s32 @!p0 $0xF4180  }
0x10e: {  	s13 =	simm.s32 $0x6200;
	s3 =	spop (v2sf);
	s1 =	sadd.s32 s0, s1  }
0x10f: {  	[tilespmem:s13], [sflag:$0x1] =	stream.strided.gather [hbm4b:s1+s10], $0x800, s9, s10, $0x38;
	[tilespmem:$0x1AA00] =	vst v63  }
0x110: {  	s1 =	sand.u32 $0xFFFFFF80, s3  }
0x111: {  	p0 =	slt.s32 s1, $0xF4180  }
0x112: {  	s1 =	simm.s32 @!p0 $0xF4180  }
0x113: {  	s13 =	simm.s32 $0x6A00;
	s3 =	spop (v2sf);
	s1 =	sadd.s32 s0, s1  }
0x114: {  	[tilespmem:s13], [sflag:$0x1] =	stream.strided.gather [hbm4b:s1+s10], $0x800, s9, s10, $0x38;
	[tilespmem:$0x1AA00] =	vst v63  }
0x115: {  	s1 =	sand.u32 $0xFFFFFF80, s3  }
0x116: {  	p0 =	slt.s32 s1, $0xF4180  }
0x117: {  	s1 =	simm.s32 @!p0 $0xF4180  }
0x118: {  	s13 =	simm.s32 $0x7200;
	s1 =	sadd.s32 s0, s1  }
0x119: {  	[tilespmem:s13], [sflag:$0x1] =	stream.strided.gather [hbm4b:s1+s10], $0x800, s9, s10, $0x38;
	[tilespmem:$0x1AA00] =	vst v63  }
0x11a: {  	s3 =	spop (v2sf)  }
0x11b: {  	s1 =	sand.u32 $0xFFFFFF80, s3  }
0x11c: {  	p0 =	slt.s32 s1, $0xF4180  }
0x11d: {  	s1 =	simm.s32 @!p0 $0xF4180  }
0x11e: {  	s13 =	simm.s32 $0x7A00;
	s1 =	sadd.s32 s0, s1  }
0x11f: {  	[tilespmem:s13], [sflag:$0x1] =	stream.strided.gather [hbm4b:s1+s10], $0x800, s9, s10, $0x38;
	[tilespmem:$0x1AA00] =	vst v63  }
0x120: {  	v53 =	vld [tilespmem:$0x10];
	_ =	sdelay $0x4  }
0x121: {  	(v2sf) =	vpush v53, $0x0;
	_ =	sdelay $0x3  }
0x122: {  	(v2sf) =	vpush v53, $0x1;
	_ =	sdelay $0x4  }
0x123: {  	(v2sf) =	vpush v53, $0x2;
	_ =	sdelay $0x5  }
0x124: {  	s3 =	spop (v2sf)  }
0x125: {  	(v2sf) =	vpush v53, $0x3;
	s1 =	sand.u32 $0xFFFFFF80, s3  }
0x126: {  	p0 =	slt.s32 s1, $0xF4180  }
0x127: {  	s1 =	simm.s32 @!p0 $0xF4180  }
0x128: {  	s13 =	simm.s32 $0x8200;
	s3 =	spop (v2sf);
	s1 =	sadd.s32 s0, s1  }
0x129: {  	(v2sf) =	vpush v53, $0x4;
	[tilespmem:s13], [sflag:$0x1] =	stream.strided.gather [hbm4b:s1+s10], $0x800, s9, s10, $0x38;
	[tilespmem:$0x1AA00] =	vst v63  }
0x12a: {  	s1 =	sand.u32 $0xFFFFFF80, s3  }
0x12b: {  	p0 =	slt.s32 s1, $0xF4180  }
0x12c: {  	s1 =	simm.s32 @!p0 $0xF4180  }
0x12d: {  	s13 =	simm.s32 $0x8A00;
	s3 =	spop (v2sf);
	s1 =	sadd.s32 s0, s1  }
0x12e: {  	(v2sf) =	vpush v53, $0x5;
	[tilespmem:s13], [sflag:$0x1] =	stream.strided.gather [hbm4b:s1+s10], $0x800, s9, s10, $0x38;
	[tilespmem:$0x1AA00] =	vst v63  }
0x12f: {  	s1 =	sand.u32 $0xFFFFFF80, s3  }
0x130: {  	p0 =	slt.s32 s1, $0xF4180  }
0x131: {  	s1 =	simm.s32 @!p0 $0xF4180  }
0x132: {  	s13 =	simm.s32 $0x9200;
	s1 =	sadd.s32 s0, s1  }
0x133: {  	[tilespmem:s13], [sflag:$0x1] =	stream.strided.gather [hbm4b:s1+s10], $0x800, s9, s10, $0x38;
	[tilespmem:$0x1AA00] =	vst v63  }
0x134: {  	s3 =	spop (v2sf)  }
0x135: {  	(v2sf) =	vpush v53, $0x6;
	s1 =	sand.u32 $0xFFFFFF80, s3  }
0x136: {  	p0 =	slt.s32 s1, $0xF4180  }
0x137: {  	s1 =	simm.s32 @!p0 $0xF4180  }
0x138: {  	s13 =	simm.s32 $0x9A00;
	s3 =	spop (v2sf);
	s1 =	sadd.s32 s0, s1  }
0x139: {  	(v2sf) =	vpush v53, $0x7;
	[tilespmem:s13], [sflag:$0x1] =	stream.strided.gather [hbm4b:s1+s10], $0x800, s9, s10, $0x38;
	[tilespmem:$0x1AA00] =	vst v63  }
0x13a: {  	s1 =	sand.u32 $0xFFFFFF80, s3  }
0x13b: {  	p0 =	slt.s32 s1, $0xF4180  }
0x13c: {  	s1 =	simm.s32 @!p0 $0xF4180  }
0x13d: {  	s13 =	simm.s32 $0xA200;
	s3 =	spop (v2sf);
	s1 =	sadd.s32 s0, s1  }
0x13e: {  	(v2sf) =	vpush v53, $0x8;
	[tilespmem:s13], [sflag:$0x1] =	stream.strided.gather [hbm4b:s1+s10], $0x800, s9, s10, $0x38;
	[tilespmem:$0x1AA00] =	vst v63  }
0x13f: {  	s1 =	sand.u32 $0xFFFFFF80, s3  }
0x140: {  	p0 =	slt.s32 s1, $0xF4180  }
0x141: {  	s1 =	simm.s32 @!p0 $0xF4180  }
0x142: {  	s13 =	simm.s32 $0xAA00;
	s1 =	sadd.s32 s0, s1  }
0x143: {  	[tilespmem:s13], [sflag:$0x1] =	stream.strided.gather [hbm4b:s1+s10], $0x800, s9, s10, $0x38;
	[tilespmem:$0x1AA00] =	vst v63  }
0x144: {  	s2 =	spop (v2sf)  }
0x145: {  	(v2sf) =	vpush v53, $0x9;
	s1 =	sand.u32 $0xFFFFFF80, s2  }
0x146: {  	p0 =	slt.s32 s1, $0xF4180  }
0x147: {  	s1 =	simm.s32 @!p0 $0xF4180  }
0x148: {  	s3 =	simm.s32 $0xB200;
	s13 =	spop (v2sf);
	s1 =	sadd.s32 s0, s1  }
0x149: {  	(v2sf) =	vpush v53, $0xA;
	[tilespmem:s3], [sflag:$0x1] =	stream.strided.gather [hbm4b:s1+s10], $0x800, s9, s10, $0x38;
	[tilespmem:$0x1AA00] =	vst v63  }
0x14a: {  	s1 =	sand.u32 $0xFFFFFF80, s13  }
0x14b: {  	p0 =	slt.s32 s1, $0xF4180  }
0x14c: {  	s1 =	simm.s32 @!p0 $0xF4180  }
0x14d: {  	s2 =	spop (v2sf);
	s1 =	sadd.s32 s0, s1  }
0x14e: {  	(v2sf) =	vpush v53, $0xB;
	[tilespmem:s14], [sflag:$0x1] =	stream.strided.gather [hbm4b:s1+s10], $0x800, s9, s10, $0x38;
	[tilespmem:$0x1AA00] =	vst v63  }
0x14f: {  	s1 =	sand.u32 $0xFFFFFF80, s2  }
0x150: {  	p0 =	slt.s32 s1, $0xF4180  }
0x151: {  	s1 =	simm.s32 @!p0 $0xF4180  }
0x152: {  	s1 =	sadd.s32 s0, s1  }
0x153: {  	[tilespmem:s15], [sflag:$0x1] =	stream.strided.gather [hbm4b:s1+s10], $0x800, s9, s10, $0x38;
	[tilespmem:$0x1AA00] =	vst v63  }
0x154: {  	s3 =	spop (v2sf)  }
0x155: {  	(v2sf) =	vpush v53, $0xC;
	s1 =	sand.u32 $0xFFFFFF80, s3  }
0x156: {  	p0 =	slt.s32 s1, $0xF4180  }
0x157: {  	s1 =	simm.s32 @!p0 $0xF4180  }
0x158: {  	s13 =	spop (v2sf);
	s1 =	sadd.s32 s0, s1  }
0x159: {  	(v2sf) =	vpush v53, $0xD;
	[tilespmem:s16], [sflag:$0x1] =	stream.strided.gather [hbm4b:s1+s10], $0x800, s9, s10, $0x38;
	[tilespmem:$0x1AA00] =	vst v63  }
0x15a: {  	s1 =	sand.u32 $0xFFFFFF80, s13  }
0x15b: {  	p0 =	slt.s32 s1, $0xF4180  }
0x15c: {  	s1 =	simm.s32 @!p0 $0xF4180  }
0x15d: {  	s2 =	spop (v2sf);
	s1 =	sadd.s32 s0, s1  }
0x15e: {  	(v2sf) =	vpush v53, $0xE;
	[tilespmem:s17], [sflag:$0x1] =	stream.strided.gather [hbm4b:s1+s10], $0x800, s9, s10, $0x38;
	[tilespmem:$0x1AA00] =	vst v63  }
0x15f: {  	s1 =	sand.u32 $0xFFFFFF80, s2  }
0x160: {  	p0 =	slt.s32 s1, $0xF4180  }
0x161: {  	s1 =	simm.s32 @!p0 $0xF4180  }
0x162: {  	s1 =	sadd.s32 s0, s1  }
0x163: {  	[tilespmem:s18], [sflag:$0x1] =	stream.strided.gather [hbm4b:s1+s10], $0x800, s9, s10, $0x38;
	[tilespmem:$0x1AA00] =	vst v63  }
0x164: {  	s3 =	spop (v2sf)  }
0x165: {  	(v2sf) =	vpush v53, $0xF;
	s1 =	sand.u32 $0xFFFFFF80, s3  }
0x166: {  	p0 =	slt.s32 s1, $0xF4180  }
0x167: {  	s1 =	simm.s32 @!p0 $0xF4180  }
0x168: {  	s29 =	spop (v2sf);
	s1 =	sadd.s32 s0, s1  }
0x169: {  	[tilespmem:s19], [sflag:$0x1] =	stream.strided.gather [hbm4b:s1+s10], $0x800, s9, s10, $0x38;
	[tilespmem:$0x1AA00] =	vst v63  }
0x16a: {  	s1 =	sand.u32 $0xFFFFFF80, s29  }
0x16b: {  	p0 =	slt.s32 s1, $0xF4180  }
0x16c: {  	s1 =	simm.s32 @!p0 $0xF4180  }
0x16d: {  	s29 =	spop (v2sf);
	s1 =	sadd.s32 s0, s1  }
0x16e: {  	[tilespmem:s20], [sflag:$0x1] =	stream.strided.gather [hbm4b:s1+s10], $0x800, s9, s10, $0x38;
	[tilespmem:$0x1AA00] =	vst v63  }
0x16f: {  	s1 =	sand.u32 $0xFFFFFF80, s29  }
0x170: {  	p0 =	slt.s32 s1, $0xF4180  }
0x171: {  	s1 =	simm.s32 @!p0 $0xF4180  }
0x172: {  	s1 =	sadd.s32 s0, s1  }
0x173: {  	[tilespmem:s21], [sflag:$0x1] =	stream.strided.gather [hbm4b:s1+s10], $0x800, s9, s10, $0x38;
	[tilespmem:$0x1AA00] =	vst v63  }
0x174: {  	s13 =	spop (v2sf)  }
0x175: {  	s1 =	sand.u32 $0xFFFFFF80, s13  }
0x176: {  	p0 =	slt.s32 s1, $0xF4180  }
0x177: {  	s30 =	simm.s32 $0x0;
	s1 =	simm.s32 @!p0 $0xF4180  }
0x178: {  	s31 =	simm.s32 $0x0;
	s29 =	simm.s32 $0x80;
	s1 =	sadd.s32 s0, s1  }
0x179: {  	[tilespmem:s22], [sflag:$0x1] =	stream.strided.gather [hbm4b:s1+s10], $0x800, s9, s10, $0x38;
	[tilespmem:$0x1AA00] =	vst v63  }
.LBB2_2:
0x17a: {  	s1 =	sadd.s32 $0x20, s31;
	s2 =	sand.u32 $0x600, s29  }
0x17b: {  	s1 =	sand.u32 $0x70, s1;
	s2 =	sshrl.u32 s2, $0x2  }
0x17c: {  	s1 =	sor.u32 s1, s2  }
0x17d: {  	v57 =	vmov v54;
	v54 =	vmov v53;
	v53 =	vld [tilespmem:s1+$0x0];
	_ =	sdelay $0x4  }
0x17e: {  	(v2sf) =	vpush v53, $0x0;
	_ =	sdelay $0x3  }
0x17f: {  	(v2sf) =	vpush v53, $0x1;
	_ =	sdelay $0x4  }
0x180: {  	s3 =	sadd.s32 $0x2, s30;
	(v2sf) =	vpush v53, $0x2  }
0x181: {  	s13 =	smul.u32 $0xAB, s3;
	_ =	sdelay $0x1  }
0x182: {  	s2 =	sshrl.u32 s13, $0x9  }
0x183: {  	s2 =	sand.u32 $0x7F, s2  }
0x184: {  	s2 =	smul.u32 $0x3, s2  }
0x185: {  	s13 =	spop (v2sf)  }
0x186: {  	s1 =	ssub.s32 s3, s2;
	(v2sf) =	vpush v53, $0x3;
	s2 =	sand.u32 $0xFFFFFF80, s13  }
0x187: {  	s1 =	sand.u32 $0xFF, s1;
	p0 =	slt.s32 s2, $0xF4180  }
0x188: {  	s1 =	sshll.u32 s1, $0xF;
	s2 =	simm.s32 @!p0 $0xF4180  }
0x189: {  	s3 =	sor.u32 $0x200, s1;
	s13 =	spop (v2sf);
	s2 =	sadd.s32 s0, s2  }
0x18a: {  	(v2sf) =	vpush v53, $0x4;
	[tilespmem:s3], [sflag:$0x1] =	stream.strided.gather [hbm4b:s2+s10], $0x800, s9, s10, $0x38;
	[tilespmem:$0x1AA00] =	vst v63  }
0x18b: {  	s2 =	sand.u32 $0xFFFFFF80, s13  }
0x18c: {  	p0 =	slt.s32 s2, $0xF4180  }
0x18d: {  	s2 =	simm.s32 @!p0 $0xF4180  }
0x18e: {  	s3 =	sor.u32 $0xA00, s1;
	s13 =	spop (v2sf);
	s2 =	sadd.s32 s0, s2  }
0x18f: {  	(v2sf) =	vpush v53, $0x5;
	[tilespmem:s3], [sflag:$0x1] =	stream.strided.gather [hbm4b:s2+s10], $0x800, s9, s10, $0x38;
	[tilespmem:$0x1AA00] =	vst v63  }
0x190: {  	s2 =	sand.u32 $0xFFFFFF80, s13  }
0x191: {  	p0 =	slt.s32 s2, $0xF4180  }
0x192: {  	s2 =	simm.s32 @!p0 $0xF4180  }
0x193: {  	s3 =	sor.u32 $0x1200, s1;
	s2 =	sadd.s32 s0, s2  }
0x194: {  	[tilespmem:s3], [sflag:$0x1] =	stream.strided.gather [hbm4b:s2+s10], $0x800, s9, s10, $0x38;
	[tilespmem:$0x1AA00] =	vst v63  }
0x195: {  	s13 =	spop (v2sf)  }
0x196: {  	(v2sf) =	vpush v53, $0x6;
	s2 =	sand.u32 $0xFFFFFF80, s13  }
0x197: {  	p0 =	slt.s32 s2, $0xF4180  }
0x198: {  	s2 =	simm.s32 @!p0 $0xF4180  }
0x199: {  	s3 =	sor.u32 $0x1A00, s1;
	s13 =	spop (v2sf);
	s2 =	sadd.s32 s0, s2  }
0x19a: {  	(v2sf) =	vpush v53, $0x7;
	[tilespmem:s3], [sflag:$0x1] =	stream.strided.gather [hbm4b:s2+s10], $0x800, s9, s10, $0x38;
	[tilespmem:$0x1AA00] =	vst v63  }
0x19b: {  	s2 =	sand.u32 $0xFFFFFF80, s13  }
0x19c: {  	p0 =	slt.s32 s2, $0xF4180  }
0x19d: {  	s2 =	simm.s32 @!p0 $0xF4180  }
0x19e: {  	s3 =	sor.u32 $0x2200, s1;
	s13 =	spop (v2sf);
	s2 =	sadd.s32 s0, s2  }
0x19f: {  	(v2sf) =	vpush v53, $0x8;
	[tilespmem:s3], [sflag:$0x1] =	stream.strided.gather [hbm4b:s2+s10], $0x800, s9, s10, $0x38;
	[tilespmem:$0x1AA00] =	vst v63  }
0x1a0: {  	s2 =	sand.u32 $0xFFFFFF80, s13  }
0x1a1: {  	p0 =	slt.s32 s2, $0xF4180  }
0x1a2: {  	s2 =	simm.s32 @!p0 $0xF4180  }
0x1a3: {  	s3 =	sor.u32 $0x2A00, s1;
	s2 =	sadd.s32 s0, s2  }
0x1a4: {  	[tilespmem:s3], [sflag:$0x1] =	stream.strided.gather [hbm4b:s2+s10], $0x800, s9, s10, $0x38;
	[tilespmem:$0x1AA00] =	vst v63  }
0x1a5: {  	s13 =	spop (v2sf)  }
0x1a6: {  	(v2sf) =	vpush v53, $0x9;
	s2 =	sand.u32 $0xFFFFFF80, s13  }
0x1a7: {  	p0 =	slt.s32 s2, $0xF4180  }
0x1a8: {  	s2 =	simm.s32 @!p0 $0xF4180  }
0x1a9: {  	s3 =	sor.u32 $0x3200, s1;
	s13 =	spop (v2sf);
	s2 =	sadd.s32 s0, s2  }
0x1aa: {  	(v2sf) =	vpush v53, $0xA;
	[tilespmem:s3], [sflag:$0x1] =	stream.strided.gather [hbm4b:s2+s10], $0x800, s9, s10, $0x38;
	[tilespmem:$0x1AA00] =	vst v63  }
0x1ab: {  	s2 =	sand.u32 $0xFFFFFF80, s13  }
0x1ac: {  	p0 =	slt.s32 s2, $0xF4180  }
0x1ad: {  	s2 =	simm.s32 @!p0 $0xF4180  }
0x1ae: {  	s3 =	sor.u32 $0x3A00, s1;
	s13 =	spop (v2sf);
	s2 =	sadd.s32 s0, s2  }
0x1af: {  	(v2sf) =	vpush v53, $0xB;
	[tilespmem:s3], [sflag:$0x1] =	stream.strided.gather [hbm4b:s2+s10], $0x800, s9, s10, $0x38;
	[tilespmem:$0x1AA00] =	vst v63  }
0x1b0: {  	s2 =	sand.u32 $0xFFFFFF80, s13  }
0x1b1: {  	p0 =	slt.s32 s2, $0xF4180  }
0x1b2: {  	s2 =	simm.s32 @!p0 $0xF4180  }
0x1b3: {  	s3 =	sor.u32 $0x4200, s1;
	s2 =	sadd.s32 s0, s2  }
0x1b4: {  	[tilespmem:s3], [sflag:$0x1] =	stream.strided.gather [hbm4b:s2+s10], $0x800, s9, s10, $0x38;
	[tilespmem:$0x1AA00] =	vst v63  }
0x1b5: {  	s13 =	spop (v2sf)  }
0x1b6: {  	(v2sf) =	vpush v53, $0xC;
	s2 =	sand.u32 $0xFFFFFF80, s13  }
0x1b7: {  	p0 =	slt.s32 s2, $0xF4180  }
0x1b8: {  	s2 =	simm.s32 @!p0 $0xF4180  }
0x1b9: {  	s3 =	sor.u32 $0x4A00, s1;
	s13 =	spop (v2sf);
	s2 =	sadd.s32 s0, s2  }
0x1ba: {  	(v2sf) =	vpush v53, $0xD;
	[tilespmem:s3], [sflag:$0x1] =	stream.strided.gather [hbm4b:s2+s10], $0x800, s9, s10, $0x38;
	[tilespmem:$0x1AA00] =	vst v63  }
0x1bb: {  	s2 =	sand.u32 $0xFFFFFF80, s13  }
0x1bc: {  	p0 =	slt.s32 s2, $0xF4180  }
0x1bd: {  	s2 =	simm.s32 @!p0 $0xF4180  }
0x1be: {  	s3 =	sor.u32 $0x5200, s1;
	s13 =	spop (v2sf);
	s2 =	sadd.s32 s0, s2  }
0x1bf: {  	(v2sf) =	vpush v53, $0xE;
	[tilespmem:s3], [sflag:$0x1] =	stream.strided.gather [hbm4b:s2+s10], $0x800, s9, s10, $0x38;
	[tilespmem:$0x1AA00] =	vst v63  }
0x1c0: {  	s2 =	sand.u32 $0xFFFFFF80, s13  }
0x1c1: {  	p0 =	slt.s32 s2, $0xF4180  }
0x1c2: {  	s2 =	simm.s32 @!p0 $0xF4180  }
0x1c3: {  	s3 =	sor.u32 $0x5A00, s1;
	s2 =	sadd.s32 s0, s2  }
0x1c4: {  	[tilespmem:s3], [sflag:$0x1] =	stream.strided.gather [hbm4b:s2+s10], $0x800, s9, s10, $0x38;
	[tilespmem:$0x1AA00] =	vst v63  }
0x1c5: {  	s3 =	spop (v2sf)  }
0x1c6: {  	(v2sf) =	vpush v53, $0xF;
	s2 =	sand.u32 $0xFFFFFF80, s3  }
0x1c7: {  	p0 =	slt.s32 s2, $0xF4180  }
0x1c8: {  	s2 =	simm.s32 @!p0 $0xF4180  }
0x1c9: {  	s13 =	spop (v2sf);
	s3 =	sor.u32 $0x6200, s1;
	s2 =	sadd.s32 s0, s2  }
0x1ca: {  	[tilespmem:s3], [sflag:$0x1] =	stream.strided.gather [hbm4b:s2+s10], $0x800, s9, s10, $0x38;
	[tilespmem:$0x1AA00] =	vst v63  }
0x1cb: {  	s2 =	sand.u32 $0xFFFFFF80, s13  }
0x1cc: {  	p0 =	slt.s32 s2, $0xF4180  }
0x1cd: {  	s2 =	simm.s32 @!p0 $0xF4180  }
0x1ce: {  	s3 =	spop (v2sf);
	s13 =	sor.u32 $0x6A00, s1;
	s2 =	sadd.s32 s0, s2  }
0x1cf: {  	[tilespmem:s13], [sflag:$0x1] =	stream.strided.gather [hbm4b:s2+s10], $0x800, s9, s10, $0x38;
	[tilespmem:$0x1AA00] =	vst v63  }
0x1d0: {  	s2 =	sand.u32 $0xFFFFFF80, s3  }
0x1d1: {  	p0 =	slt.s32 s2, $0xF4180  }
0x1d2: {  	s2 =	simm.s32 @!p0 $0xF4180  }
0x1d3: {  	s13 =	sor.u32 $0x7200, s1;
	s2 =	sadd.s32 s0, s2  }
0x1d4: {  	[tilespmem:s13], [sflag:$0x1] =	stream.strided.gather [hbm4b:s2+s10], $0x800, s9, s10, $0x38;
	[tilespmem:$0x1AA00] =	vst v63  }
0x1d5: {  	s13 =	spop (v2sf)  }
0x1d6: {  	s2 =	sand.u32 $0xFFFFFF80, s13  }
0x1d7: {  	p0 =	slt.s32 s2, $0xF4180  }
0x1d8: {  	s2 =	simm.s32 @!p0 $0xF4180  }
0x1d9: {  	s1 =	sor.u32 $0x7A00, s1;
	s2 =	sadd.s32 s0, s2  }
0x1da: {  	[tilespmem:s1], [sflag:$0x1] =	stream.strided.gather [hbm4b:s2+s10], $0x800, s9, s10, $0x38;
	[tilespmem:$0x1AA00] =	vst v63  }
0x1db: {  	_ =	swait.ge [sflag:s23], $0x800  }
0x1dc: {  	[sflag:s23] =	ssyncset.done $0x0  }
0x1dd: {  	[sflag:s23] =	ssyncadd.s32 $0xFFFFF800  }
0x1de: {  	_ =	swait.ge [sflag:s23], $0x800  }
0x1df: {  	[sflag:s23] =	ssyncset.done $0x0  }
0x1e0: {  	[sflag:s23] =	ssyncadd.s32 $0xFFFFF800  }
0x1e1: {  	_ =	swait.ge [sflag:s23], $0x800  }
0x1e2: {  	[sflag:s23] =	ssyncset.done $0x0  }
0x1e3: {  	[sflag:s23] =	ssyncadd.s32 $0xFFFFF800  }
0x1e4: {  	_ =	swait.ge [sflag:s23], $0x800  }
0x1e5: {  	[sflag:s23] =	ssyncset.done $0x0  }
0x1e6: {  	[sflag:s23] =	ssyncadd.s32 $0xFFFFF800  }
0x1e7: {  	_ =	swait.ge [sflag:s23], $0x800  }
0x1e8: {  	[sflag:s23] =	ssyncset.done $0x0  }
0x1e9: {  	[sflag:s23] =	ssyncadd.s32 $0xFFFFF800  }
0x1ea: {  	_ =	swait.ge [sflag:s23], $0x800  }
0x1eb: {  	[sflag:s23] =	ssyncset.done $0x0  }
0x1ec: {  	[sflag:s23] =	ssyncadd.s32 $0xFFFFF800  }
0x1ed: {  	_ =	swait.ge [sflag:s23], $0x800  }
0x1ee: {  	[sflag:s23] =	ssyncset.done $0x0  }
0x1ef: {  	[sflag:s23] =	ssyncadd.s32 $0xFFFFF800  }
0x1f0: {  	_ =	swait.ge [sflag:s23], $0x800  }
0x1f1: {  	[sflag:s23] =	ssyncset.done $0x0  }
0x1f2: {  	[sflag:s23] =	ssyncadd.s32 $0xFFFFF800  }
0x1f3: {  	_ =	swait.ge [sflag:s23], $0x800  }
0x1f4: {  	[sflag:s23] =	ssyncset.done $0x0  }
0x1f5: {  	[sflag:s23] =	ssyncadd.s32 $0xFFFFF800  }
0x1f6: {  	s3 =	smul.u32 $0x56, s30;
	_ =	swait.ge [sflag:s23], $0x800  }
0x1f7: {  	[sflag:s23] =	ssyncset.done $0x0  }
0x1f8: {  	s13 =	sshrl.u32 s3, $0xF;
	[sflag:s23] =	ssyncadd.s32 $0xFFFFF800  }
0x1f9: {  	s1 =	sshrl.u32 s3, $0x8;
	s2 =	sand.u32 $0x1, s13;
	_ =	swait.ge [sflag:s23], $0x800  }
0x1fa: {  	s1 =	sadd.s32 s2, s1;
	[sflag:s23] =	ssyncset.done $0x0  }
0x1fb: {  	s1 =	smul.u32 $0x3, s1;
	[sflag:s23] =	ssyncadd.s32 $0xFFFFF800  }
0x1fc: {  	_ =	swait.ge [sflag:s23], $0x800  }
0x1fd: {  	s1 =	ssub.s32 s30, s1;
	[sflag:s23] =	ssyncset.done $0x0  }
0x1fe: {  	s1 =	sshll.u32 s1, $0x18;
	[sflag:s23] =	ssyncadd.s32 $0xFFFFF800  }
0x1ff: {  	s3 =	sshra.s32 s1, $0x18;
	_ =	swait.ge [sflag:s23], $0x800  }
0x200: {  	s1 =	sshll.u32 s3, $0x8;
	[sflag:s23] =	ssyncset.done $0x0  }
0x201: {  	v55 =	vadd.s32 $0xFFF0BE00, v57;
	p0 =	slt.s32 s3, $0x0;
	s2 =	sadd.s32 $0x300, s1;
	[sflag:s23] =	ssyncadd.s32 $0xFFFFF800  }
0x202: {  	vm0 =	vgt.s32 v55, $0x0;
	s1 =	smov.u32 @p0 s2;
	_ =	swait.ge [sflag:s23], $0x800  }
0x203: {  	v56 =	vand.u32 $0x7F, v57;
	v55 =	vnsel vm0, $0x0, v55;
	v58 =	vmov s1;
	[sflag:s23] =	ssyncset.done $0x0  }
0x204: {  	v59 =	vbroadcast v56, $0x0;
	v55 =	vmin.u32 v55, $0x3F;
	v58 =	vshll.u32 v58, $0x7;
	[sflag:s23] =	ssyncadd.s32 $0xFFFFF800  }
0x205: {  	v60 =	vbroadcast v55, $0x0;
	v58 =	vor.u32 v0, v58;
	_ =	swait.ge [sflag:s23], $0x800  }
0x206: {  	v58 =	vor.u32 v59, v58;
	[sflag:s23] =	ssyncset.done $0x0  }
0x207: {  	v59 =	vor.u32 v0, v60;
	[sflag:s23] =	ssyncadd.s32 $0xFFFFF800  }
0x208: {  	_ =	swait.ge [sflag:s23], $0x800  }
0x209: {  	v62 =	vbroadcast v56, $0x1;
	vm0 =	vgt.s32 v57, $0xF41FF;
	s2 =	sor.u32 $0x10, s1;
	v60 =	vmov s31;
	[sflag:s23] =	ssyncset.done $0x0  }
0x20a: {  	v63 =	vmov s2;
	v61 =	vand.u32 $0x70, v60;
	v60 =	vshll.u32 v60, $0x3;
	[sflag:s23] =	ssyncadd.s32 $0xFFFFF800  }
0x20b: {  	vm1 =	vmneg vm0;
	v63 =	vshll.u32 v63, $0x7;
	v60 =	vand.u32 $0xFFFFFC00, v60;
	v58 =	vld.idx.msk [tilespmem:v58+s12+$0x0], $0xffff  }
0x20c: {  	v57 =	vsel vm1, $0x1, v1;
	v62 =	vor.u32 v62, v63;
	v60 =	vor.u32 v61, v60;
	v59 =	vld.idx.msk [tilespmem:v59+s11+$0x0], $0xffff  }
0x20d: {  	v63 =	vbroadcast v55, $0x1;
	v61 =	vbroadcast v57, $0x0;
	v60 =	vadd.s32 v2, v60  }
0x20e: {  	v62 =	vor.u32 v0, v62  }
0x20f: {  	v63 =	vor.u32 v0, v63;
	v61 =	vand.u32 $0x1, v61  }
0x210: {  	s13 =	sadd.s32 $0x1, s31;
	vm13 =	veq.s32 v61, $0x1  }
0x211: {  	v61 =	vmov s13;
	v58 =	vsel vm13, v58, v59  }
0x212: {  	s3 =	sor.u32 $0x20, s1;
	v59 =	vshll.u32 v61, $0x3;
	[tilespmem:v60+s24+$0x0] =	vst.idx.msk $0xffff, v58;
	v58 =	vand.u32 $0x71, v61  }
0x213: {  	v59 =	vand.u32 $0xFFFFFC00, v59;
	v61 =	vbroadcast v56, $0x2;
	v60 =	vld.idx.msk [tilespmem:v62+s12+$0x0], $0xffff;
	v62 =	vmov s3  }
0x214: {  	v63 =	vld.idx.msk [tilespmem:v63+s11+$0x0], $0xffff;
	v58 =	vor.u32 v58, v59;
	v59 =	vbroadcast v57, $0x1;
	v62 =	vshll.u32 v62, $0x7  }
0x215: {  	v58 =	vadd.s32 v2, v58;
	v61 =	vor.u32 v61, v62;
	v62 =	vbroadcast v55, $0x2  }
0x216: {  	v61 =	vor.u32 v0, v61  }
0x217: {  	v59 =	vand.u32 $0x1, v59;
	v62 =	vor.u32 v0, v62  }
0x218: {  	s13 =	sadd.s32 $0x2, s31;
	vm14 =	veq.s32 v59, $0x1  }
0x219: {  	s3 =	sor.u32 $0x30, s1;
	v59 =	vsel vm14, v60, v63;
	v60 =	vmov s13  }
0x21a: {  	v63 =	vmov s3;
	[tilespmem:v58+s24+$0x0] =	vst.idx.msk $0xffff, v59;
	v59 =	vshll.u32 v60, $0x3  }
0x21b: {  	v58 =	vand.u32 $0x72, v60;
	v59 =	vand.u32 $0xFFFFFC00, v59;
	v60 =	vld.idx.msk [tilespmem:v61+s12+$0x0], $0xffff;
	v61 =	vbroadcast v56, $0x3  }
0x21c: {  	v63 =	vshll.u32 v63, $0x7;
	v58 =	vor.u32 v58, v59;
	v59 =	vbroadcast v57, $0x2;
	v62 =	vld.idx.msk [tilespmem:v62+s11+$0x0], $0xffff  }
0x21d: {  	v58 =	vadd.s32 v2, v58;
	v61 =	vor.u32 v61, v63;
	v63 =	vbroadcast v55, $0x3  }
0x21e: {  	v61 =	vor.u32 v0, v61  }
0x21f: {  	v59 =	vand.u32 $0x1, v59;
	v63 =	vor.u32 v0, v63  }
0x220: {  	s13 =	sadd.s32 $0x3, s31;
	vm15 =	veq.s32 v59, $0x1  }
0x221: {  	s3 =	sor.u32 $0x40, s1;
	v59 =	vsel vm15, v60, v62;
	v60 =	vmov s13  }
0x222: {  	v62 =	vmov s3;
	[tilespmem:v58+s24+$0x0] =	vst.idx.msk $0xffff, v59;
	v59 =	vshll.u32 v60, $0x3  }
0x223: {  	v58 =	vand.u32 $0x73, v60;
	v60 =	vld.idx.msk [tilespmem:v61+s12+$0x0], $0xffff;
	v59 =	vand.u32 $0xFFFFFC00, v59;
	v61 =	vbroadcast v56, $0x4  }
0x224: {  	v62 =	vshll.u32 v62, $0x7;
	v63 =	vld.idx.msk [tilespmem:v63+s11+$0x0], $0xffff;
	v58 =	vor.u32 v58, v59;
	v59 =	vbroadcast v57, $0x3  }
0x225: {  	v58 =	vadd.s32 v2, v58;
	v61 =	vor.u32 v61, v62;
	v62 =	vbroadcast v55, $0x4  }
0x226: {  	v61 =	vor.u32 v0, v61  }
0x227: {  	v59 =	vand.u32 $0x1, v59;
	v62 =	vor.u32 v0, v62  }
0x228: {  	s13 =	sadd.s32 $0x4, s31;
	vm4 =	veq.s32 v59, $0x1  }
0x229: {  	s3 =	sor.u32 $0x50, s1;
	v59 =	vsel vm4, v60, v63;
	v60 =	vmov s13  }
0x22a: {  	v63 =	vmov s3;
	[tilespmem:v58+s24+$0x0] =	vst.idx.msk $0xffff, v59;
	v59 =	vshll.u32 v60, $0x3  }
0x22b: {  	v58 =	vand.u32 $0x74, v60;
	v60 =	vld.idx.msk [tilespmem:v61+s12+$0x0], $0xffff;
	v59 =	vand.u32 $0xFFFFFC00, v59;
	v61 =	vbroadcast v56, $0x5  }
0x22c: {  	v63 =	vshll.u32 v63, $0x7;
	v62 =	vld.idx.msk [tilespmem:v62+s11+$0x0], $0xffff;
	v58 =	vor.u32 v58, v59;
	v59 =	vbroadcast v57, $0x4  }
0x22d: {  	v58 =	vadd.s32 v2, v58;
	v61 =	vor.u32 v61, v63;
	v63 =	vbroadcast v55, $0x5  }
0x22e: {  	v61 =	vor.u32 v0, v61  }
0x22f: {  	v59 =	vand.u32 $0x1, v59;
	v63 =	vor.u32 v0, v63  }
0x230: {  	s13 =	sadd.s32 $0x5, s31;
	vm5 =	veq.s32 v59, $0x1  }
0x231: {  	s3 =	sor.u32 $0x60, s1;
	v59 =	vsel vm5, v60, v62;
	v60 =	vmov s13  }
0x232: {  	v62 =	vmov s3;
	[tilespmem:v58+s24+$0x0] =	vst.idx.msk $0xffff, v59;
	v59 =	vshll.u32 v60, $0x3  }
0x233: {  	v58 =	vand.u32 $0x75, v60;
	v60 =	vld.idx.msk [tilespmem:v61+s12+$0x0], $0xffff;
	v59 =	vand.u32 $0xFFFFFC00, v59;
	v61 =	vbroadcast v56, $0x6  }
0x234: {  	v62 =	vshll.u32 v62, $0x7;
	v63 =	vld.idx.msk [tilespmem:v63+s11+$0x0], $0xffff;
	v58 =	vor.u32 v58, v59;
	v59 =	vbroadcast v57, $0x5  }
0x235: {  	v58 =	vadd.s32 v2, v58;
	v61 =	vor.u32 v61, v62;
	v62 =	vbroadcast v55, $0x6  }
0x236: {  	v61 =	vor.u32 v0, v61  }
0x237: {  	v59 =	vand.u32 $0x1, v59;
	v62 =	vor.u32 v0, v62  }
0x238: {  	s13 =	sadd.s32 $0x6, s31;
	vm6 =	veq.s32 v59, $0x1  }
0x239: {  	s3 =	sor.u32 $0x70, s1;
	v59 =	vsel vm6, v60, v63;
	v60 =	vmov s13  }
0x23a: {  	v63 =	vmov s3;
	[tilespmem:v58+s24+$0x0] =	vst.idx.msk $0xffff, v59;
	v59 =	vshll.u32 v60, $0x3  }
0x23b: {  	v58 =	vand.u32 $0x76, v60;
	v60 =	vld.idx.msk [tilespmem:v61+s12+$0x0], $0xffff;
	v59 =	vand.u32 $0xFFFFFC00, v59;
	v61 =	vbroadcast v56, $0x7  }
0x23c: {  	v63 =	vshll.u32 v63, $0x7;
	v62 =	vld.idx.msk [tilespmem:v62+s11+$0x0], $0xffff;
	v58 =	vor.u32 v58, v59;
	v59 =	vbroadcast v57, $0x6  }
0x23d: {  	v58 =	vadd.s32 v2, v58;
	v61 =	vor.u32 v61, v63;
	v63 =	vbroadcast v55, $0x7  }
0x23e: {  	v61 =	vor.u32 v0, v61  }
0x23f: {  	v59 =	vand.u32 $0x1, v59;
	v63 =	vor.u32 v0, v63  }
0x240: {  	s13 =	sadd.s32 $0x7, s31;
	vm7 =	veq.s32 v59, $0x1  }
0x241: {  	s3 =	sor.u32 $0x80, s1;
	v59 =	vsel vm7, v60, v62;
	v60 =	vmov s13  }
0x242: {  	v62 =	vmov s3;
	[tilespmem:v58+s24+$0x0] =	vst.idx.msk $0xffff, v59;
	v59 =	vshll.u32 v60, $0x3  }
0x243: {  	v58 =	vand.u32 $0x77, v60;
	v60 =	vld.idx.msk [tilespmem:v61+s12+$0x0], $0xffff;
	v59 =	vand.u32 $0xFFFFFC00, v59;
	v61 =	vbroadcast v56, $0x8  }
0x244: {  	v62 =	vshll.u32 v62, $0x7;
	v63 =	vld.idx.msk [tilespmem:v63+s11+$0x0], $0xffff;
	v58 =	vor.u32 v58, v59;
	v59 =	vbroadcast v57, $0x7  }
0x245: {  	v58 =	vadd.s32 v2, v58;
	v61 =	vor.u32 v61, v62;
	v62 =	vbroadcast v55, $0x8  }
0x246: {  	v61 =	vor.u32 v0, v61  }
0x247: {  	v59 =	vand.u32 $0x1, v59;
	v62 =	vor.u32 v0, v62  }
0x248: {  	s13 =	sadd.s32 $0x8, s31;
	vm8 =	veq.s32 v59, $0x1  }
0x249: {  	s3 =	sor.u32 $0x90, s1;
	v59 =	vsel vm8, v60, v63;
	v60 =	vmov s13  }
0x24a: {  	v63 =	vmov s3;
	[tilespmem:v58+s24+$0x0] =	vst.idx.msk $0xffff, v59;
	v59 =	vshll.u32 v60, $0x3  }
0x24b: {  	v58 =	vand.u32 $0x78, v60;
	v60 =	vld.idx.msk [tilespmem:v61+s12+$0x0], $0xffff;
	v59 =	vand.u32 $0xFFFFFC00, v59;
	v61 =	vbroadcast v56, $0x9  }
0x24c: {  	v63 =	vshll.u32 v63, $0x7;
	v62 =	vld.idx.msk [tilespmem:v62+s11+$0x0], $0xffff;
	v58 =	vor.u32 v58, v59;
	v59 =	vbroadcast v57, $0x8  }
0x24d: {  	v58 =	vadd.s32 v2, v58;
	v61 =	vor.u32 v61, v63;
	v63 =	vbroadcast v55, $0x9  }
0x24e: {  	v61 =	vor.u32 v0, v61  }
0x24f: {  	v59 =	vand.u32 $0x1, v59;
	v63 =	vor.u32 v0, v63  }
0x250: {  	s13 =	sadd.s32 $0x9, s31;
	vm9 =	veq.s32 v59, $0x1  }
0x251: {  	s3 =	sor.u32 $0xA0, s1;
	v59 =	vsel vm9, v60, v62;
	v60 =	vmov s13  }
0x252: {  	v62 =	vmov s3;
	[tilespmem:v58+s24+$0x0] =	vst.idx.msk $0xffff, v59;
	v59 =	vshll.u32 v60, $0x3  }
0x253: {  	v58 =	vand.u32 $0x79, v60;
	v60 =	vld.idx.msk [tilespmem:v61+s12+$0x0], $0xffff;
	v59 =	vand.u32 $0xFFFFFC00, v59;
	v61 =	vbroadcast v56, $0xA  }
0x254: {  	v62 =	vshll.u32 v62, $0x7;
	v63 =	vld.idx.msk [tilespmem:v63+s11+$0x0], $0xffff;
	v58 =	vor.u32 v58, v59;
	v59 =	vbroadcast v57, $0x9  }
0x255: {  	v58 =	vadd.s32 v2, v58;
	v61 =	vor.u32 v61, v62;
	v62 =	vbroadcast v55, $0xA  }
0x256: {  	v61 =	vor.u32 v0, v61  }
0x257: {  	v59 =	vand.u32 $0x1, v59;
	v62 =	vor.u32 v0, v62  }
0x258: {  	s13 =	sadd.s32 $0xA, s31;
	vm10 =	veq.s32 v59, $0x1  }
0x259: {  	s3 =	sor.u32 $0xB0, s1;
	v59 =	vsel vm10, v60, v63;
	v60 =	vmov s13  }
0x25a: {  	v63 =	vmov s3;
	[tilespmem:v58+s24+$0x0] =	vst.idx.msk $0xffff, v59;
	v59 =	vshll.u32 v60, $0x3  }
0x25b: {  	v58 =	vand.u32 $0x7A, v60;
	v60 =	vld.idx.msk [tilespmem:v61+s12+$0x0], $0xffff;
	v59 =	vand.u32 $0xFFFFFC00, v59;
	v61 =	vbroadcast v56, $0xB  }
0x25c: {  	v63 =	vshll.u32 v63, $0x7;
	v62 =	vld.idx.msk [tilespmem:v62+s11+$0x0], $0xffff;
	v58 =	vor.u32 v58, v59;
	v59 =	vbroadcast v57, $0xA  }
0x25d: {  	v58 =	vadd.s32 v2, v58;
	v61 =	vor.u32 v61, v63;
	v63 =	vbroadcast v55, $0xB  }
0x25e: {  	v61 =	vor.u32 v0, v61  }
0x25f: {  	v59 =	vand.u32 $0x1, v59;
	v63 =	vor.u32 v0, v63  }
0x260: {  	s13 =	sadd.s32 $0xB, s31;
	vm11 =	veq.s32 v59, $0x1  }
0x261: {  	s3 =	sor.u32 $0xC0, s1;
	v59 =	vsel vm11, v60, v62;
	v60 =	vmov s13  }
0x262: {  	v62 =	vmov s3;
	[tilespmem:v58+s24+$0x0] =	vst.idx.msk $0xffff, v59;
	v59 =	vshll.u32 v60, $0x3  }
0x263: {  	v58 =	vand.u32 $0x7B, v60;
	v60 =	vld.idx.msk [tilespmem:v61+s12+$0x0], $0xffff;
	v59 =	vand.u32 $0xFFFFFC00, v59;
	v61 =	vbroadcast v56, $0xC  }
0x264: {  	v62 =	vshll.u32 v62, $0x7;
	v63 =	vld.idx.msk [tilespmem:v63+s11+$0x0], $0xffff;
	v58 =	vor.u32 v58, v59;
	v59 =	vbroadcast v57, $0xB  }
0x265: {  	v58 =	vadd.s32 v2, v58;
	v61 =	vor.u32 v61, v62;
	v62 =	vbroadcast v55, $0xC  }
0x266: {  	v61 =	vor.u32 v0, v61  }
0x267: {  	v59 =	vand.u32 $0x1, v59;
	v62 =	vor.u32 v0, v62  }
0x268: {  	s13 =	sadd.s32 $0xC, s31;
	vm12 =	veq.s32 v59, $0x1  }
0x269: {  	s3 =	sor.u32 $0xD0, s1;
	v59 =	vsel vm12, v60, v63;
	v60 =	vmov s13  }
0x26a: {  	v63 =	vmov s3;
	[tilespmem:v58+s24+$0x0] =	vst.idx.msk $0xffff, v59;
	v59 =	vshll.u32 v60, $0x3  }
0x26b: {  	v58 =	vand.u32 $0x7C, v60;
	v60 =	vld.idx.msk [tilespmem:v61+s12+$0x0], $0xffff;
	v59 =	vand.u32 $0xFFFFFC00, v59;
	v61 =	vbroadcast v56, $0xD  }
0x26c: {  	v63 =	vshll.u32 v63, $0x7;
	v62 =	vld.idx.msk [tilespmem:v62+s11+$0x0], $0xffff;
	v58 =	vor.u32 v58, v59;
	v59 =	vbroadcast v57, $0xC  }
0x26d: {  	v58 =	vadd.s32 v2, v58;
	v61 =	vor.u32 v61, v63;
	v63 =	vbroadcast v55, $0xD  }
0x26e: {  	v61 =	vor.u32 v0, v61  }
0x26f: {  	v59 =	vand.u32 $0x1, v59;
	v63 =	vor.u32 v0, v63  }
0x270: {  	s13 =	sadd.s32 $0xD, s31;
	vm13 =	veq.s32 v59, $0x1  }
0x271: {  	s3 =	sor.u32 $0xE0, s1;
	v59 =	vsel vm13, v60, v62;
	v60 =	vmov s13  }
0x272: {  	v62 =	vmov s3;
	[tilespmem:v58+s24+$0x0] =	vst.idx.msk $0xffff, v59;
	v59 =	vshll.u32 v60, $0x3  }
0x273: {  	v58 =	vand.u32 $0x7D, v60;
	v60 =	vld.idx.msk [tilespmem:v61+s12+$0x0], $0xffff;
	v59 =	vand.u32 $0xFFFFFC00, v59;
	v61 =	vbroadcast v56, $0xE  }
0x274: {  	v62 =	vshll.u32 v62, $0x7;
	v63 =	vld.idx.msk [tilespmem:v63+s11+$0x0], $0xffff;
	v58 =	vor.u32 v58, v59;
	v59 =	vbroadcast v57, $0xD  }
0x275: {  	v58 =	vadd.s32 v2, v58;
	v61 =	vor.u32 v61, v62;
	v62 =	vbroadcast v55, $0xE  }
0x276: {  	v61 =	vor.u32 v0, v61  }
0x277: {  	v3 =	vsel vm0, $0x1, v1;
	v59 =	vand.u32 $0x1, v59;
	v62 =	vor.u32 v0, v62  }
0x278: {  	(v2sf) =	vpush v3, $0xF;
	s13 =	sadd.s32 $0xE, s31;
	vm14 =	veq.s32 v59, $0x1  }
0x279: {  	v59 =	vmov s13;
	v3 =	vsel vm14, v60, v63  }
0x27a: {  	s1 =	sor.u32 $0xF0, s1;
	v56 =	vbroadcast v56, $0xF;
	[tilespmem:v58+s24+$0x0] =	vst.idx.msk $0xffff, v3;
	v3 =	vshll.u32 v59, $0x3  }
0x27b: {  	v58 =	vmov s1;
	v59 =	vand.u32 $0x7E, v59;
	v60 =	vld.idx.msk [tilespmem:v61+s12+$0x0], $0xffff;
	v3 =	vand.u32 $0xFFFFFC00, v3  }
0x27c: {  	v57 =	vbroadcast v57, $0xE;
	v58 =	vshll.u32 v58, $0x7;
	v3 =	vor.u32 v59, v3;
	v61 =	vld.idx.msk [tilespmem:v62+s11+$0x0], $0xffff  }
0x27d: {  	v55 =	vbroadcast v55, $0xF;
	v56 =	vor.u32 v56, v58;
	v3 =	vadd.s32 v2, v3  }
0x27e: {  	v56 =	vor.u32 v0, v56  }
0x27f: {  	v57 =	vand.u32 $0x1, v57;
	v55 =	vor.u32 v0, v55  }
0x280: {  	s3 =	sadd.s32 $0xF, s31;
	vm15 =	veq.s32 v57, $0x1  }
0x281: {  	v62 =	vmov s3;
	v57 =	vsel vm15, v60, v61  }
0x282: {  	[tilespmem:v3+s24+$0x0] =	vst.idx.msk $0xffff, v57;
	v3 =	vshll.u32 v62, $0x3  }
0x283: {  	v63 =	vand.u32 $0x7F, v62;
	v56 =	vld.idx.msk [tilespmem:v56+s12+$0x0], $0xffff;
	v3 =	vand.u32 $0xFFFFFC00, v3  }
0x284: {  	v55 =	vld.idx.msk [tilespmem:v55+s11+$0x0], $0xffff;
	v3 =	vor.u32 v63, v3  }
0x285: {  	p0 =	sne.s32 s31, $0x1D0;
	v3 =	vadd.s32 v2, v3  }
.Ltmp0:
0x286: {  	_ = 	snop;
	(pc) =	sbr.rel @p0 .LBB2_2-.Ltmp0, $4  }
0x287: {  	s13 =	spop (v2sf)  }
0x288: {  	p6 =	sne.s32 s13, $0x0  }
0x289: {  	v55 =	vpsel p6, v55, v56  }
0x28a: {  	s29 =	sadd.s32 $0x40, s29;
	s30 =	sadd.s32 $0x1, s30;
	s31 =	sadd.s32 $0x10, s31;
	[tilespmem:v3+s24+$0x0] =	vst.idx.msk $0xffff, v55  }
0x28b: {  	_ =	swait.ge [sflag:s23], $0x800  }
0x28c: {  	[sflag:s23] =	ssyncset.done $0x0  }
0x28d: {  	[sflag:s23] =	ssyncadd.s32 $0xFFFFF800  }
0x28e: {  	_ =	swait.ge [sflag:s23], $0x800  }
0x28f: {  	[sflag:s23] =	ssyncset.done $0x0  }
0x290: {  	[sflag:s23] =	ssyncadd.s32 $0xFFFFF800  }
0x291: {  	_ =	swait.ge [sflag:s23], $0x800  }
0x292: {  	[sflag:s23] =	ssyncset.done $0x0  }
0x293: {  	[sflag:s23] =	ssyncadd.s32 $0xFFFFF800  }
0x294: {  	_ =	swait.ge [sflag:s23], $0x800  }
0x295: {  	[sflag:s23] =	ssyncset.done $0x0  }
0x296: {  	[sflag:s23] =	ssyncadd.s32 $0xFFFFF800  }
0x297: {  	_ =	swait.ge [sflag:s23], $0x800  }
0x298: {  	[sflag:s23] =	ssyncset.done $0x0  }
0x299: {  	[sflag:s23] =	ssyncadd.s32 $0xFFFFF800  }
0x29a: {  	_ =	swait.ge [sflag:s23], $0x800  }
0x29b: {  	[sflag:s23] =	ssyncset.done $0x0  }
0x29c: {  	[sflag:s23] =	ssyncadd.s32 $0xFFFFF800  }
0x29d: {  	_ =	swait.ge [sflag:s23], $0x800  }
0x29e: {  	[sflag:s23] =	ssyncset.done $0x0  }
0x29f: {  	[sflag:s23] =	ssyncadd.s32 $0xFFFFF800  }
0x2a0: {  	_ =	swait.ge [sflag:s23], $0x800  }
0x2a1: {  	[sflag:s23] =	ssyncset.done $0x0  }
0x2a2: {  	[sflag:s23] =	ssyncadd.s32 $0xFFFFF800  }
0x2a3: {  	_ =	swait.ge [sflag:s23], $0x800  }
0x2a4: {  	[sflag:s23] =	ssyncset.done $0x0  }
0x2a5: {  	[sflag:s23] =	ssyncadd.s32 $0xFFFFF800  }
0x2a6: {  	_ =	swait.ge [sflag:s23], $0x800  }
0x2a7: {  	[sflag:s23] =	ssyncset.done $0x0  }
0x2a8: {  	[sflag:s23] =	ssyncadd.s32 $0xFFFFF800  }
0x2a9: {  	_ =	swait.ge [sflag:s23], $0x800  }
0x2aa: {  	[sflag:s23] =	ssyncset.done $0x0  }
0x2ab: {  	[sflag:s23] =	ssyncadd.s32 $0xFFFFF800  }
0x2ac: {  	_ =	swait.ge [sflag:s23], $0x800  }
0x2ad: {  	[sflag:s23] =	ssyncset.done $0x0  }
0x2ae: {  	[sflag:s23] =	ssyncadd.s32 $0xFFFFF800  }
0x2af: {  	_ =	swait.ge [sflag:s23], $0x800  }
0x2b0: {  	[sflag:s23] =	ssyncset.done $0x0  }
0x2b1: {  	v3 =	vadd.s32 $0xFFF0BE00, v54;
	[sflag:s23] =	ssyncadd.s32 $0xFFFFF800  }
0x2b2: {  	vm0 =	vgt.s32 v3, $0x0;
	_ =	swait.ge [sflag:s23], $0x800  }
0x2b3: {  	v55 =	vand.u32 $0x7F, v54;
	v3 =	vnsel vm0, $0x0, v3;
	[sflag:s23] =	ssyncset.done $0x0  }
0x2b4: {  	v56 =	vmin.u32 v3, $0x3F;
	v3 =	vbroadcast v55, $0x0;
	[sflag:s23] =	ssyncadd.s32 $0xFFFFF800  }
0x2b5: {  	v57 =	vbroadcast v56, $0x0;
	_ =	swait.ge [sflag:s23], $0x800  }
0x2b6: {  	v3 =	vor.u32 v0, v3;
	[sflag:s23] =	ssyncset.done $0x0  }
0x2b7: {  	v57 =	vor.u32 v0, v57;
	[sflag:s23] =	ssyncadd.s32 $0xFFFFF800  }
0x2b8: {  	_ =	swait.ge [sflag:s23], $0x800  }
0x2b9: {  	[sflag:s23] =	ssyncset.done $0x0  }
0x2ba: {  	vm0 =	vgt.s32 v54, $0xF41FF;
	v63 =	vld [tilespmem:$0x1FFF0];
	[sflag:s23] =	ssyncadd.s32 $0xFFFFF800  }
0x2bb: {  	vm1 =	vmneg vm0;
	v3 =	vld.idx.msk [tilespmem:v3+s12+$0x0], $0xffff  }
0x2bc: {  	v58 =	vbroadcast v55, $0x1;
	v54 =	vsel vm1, $0x1, v1;
	v57 =	vld.idx.msk [tilespmem:v57+s11+$0x0], $0xffff  }
0x2bd: {  	v60 =	vbroadcast v56, $0x1;
	v59 =	vbroadcast v54, $0x0  }
0x2be: {  	v58 =	vor.u32 v4, v58  }
0x2bf: {  	v60 =	vor.u32 v0, v60;
	v59 =	vand.u32 $0x1, v59  }
0x2c0: {  	vm8 =	veq.s32 v59, $0x1  }
0x2c1: {  	v3 =	vsel vm8, v3, v57  }
0x2c2: {  	[tilespmem:v63+s24+$0x0] =	vst.idx.msk $0xffff, v3  }
0x2c3: {  	v3 =	vld.idx.msk [tilespmem:v58+s12+$0x0], $0xffff  }
0x2c4: {  	v57 =	vld.idx.msk [tilespmem:v60+s11+$0x0], $0xffff;
	v58 =	vbroadcast v55, $0x2  }
0x2c5: {  	v59 =	vbroadcast v54, $0x1;
	v60 =	vbroadcast v56, $0x2  }
0x2c6: {  	v58 =	vor.u32 v6, v58  }
0x2c7: {  	v59 =	vand.u32 $0x1, v59;
	v60 =	vor.u32 v0, v60  }
0x2c8: {  	vm9 =	veq.s32 v59, $0x1  }
0x2c9: {  	v3 =	vsel vm9, v3, v57  }
0x2ca: {  	[tilespmem:v5+s24+$0x0] =	vst.idx.msk $0xffff, v3  }
0x2cb: {  	v3 =	vld.idx.msk [tilespmem:v58+s12+$0x0], $0xffff  }
0x2cc: {  	v57 =	vld.idx.msk [tilespmem:v60+s11+$0x0], $0xffff;
	v58 =	vbroadcast v55, $0x3  }
0x2cd: {  	v59 =	vbroadcast v54, $0x2;
	v60 =	vbroadcast v56, $0x3  }
0x2ce: {  	v58 =	vor.u32 v8, v58  }
0x2cf: {  	v59 =	vand.u32 $0x1, v59;
	v60 =	vor.u32 v0, v60  }
0x2d0: {  	vm10 =	veq.s32 v59, $0x1  }
0x2d1: {  	v3 =	vsel vm10, v3, v57  }
0x2d2: {  	[tilespmem:v7+s24+$0x0] =	vst.idx.msk $0xffff, v3  }
0x2d3: {  	v3 =	vld.idx.msk [tilespmem:v58+s12+$0x0], $0xffff  }
0x2d4: {  	v57 =	vld.idx.msk [tilespmem:v60+s11+$0x0], $0xffff;
	v58 =	vbroadcast v55, $0x4  }
0x2d5: {  	v59 =	vbroadcast v54, $0x3;
	v60 =	vbroadcast v56, $0x4  }
0x2d6: {  	v58 =	vor.u32 v10, v58  }
0x2d7: {  	v59 =	vand.u32 $0x1, v59;
	v60 =	vor.u32 v0, v60  }
0x2d8: {  	vm11 =	veq.s32 v59, $0x1  }
0x2d9: {  	v3 =	vsel vm11, v3, v57  }
0x2da: {  	[tilespmem:v9+s24+$0x0] =	vst.idx.msk $0xffff, v3  }
0x2db: {  	v3 =	vld.idx.msk [tilespmem:v58+s12+$0x0], $0xffff  }
0x2dc: {  	v57 =	vld.idx.msk [tilespmem:v60+s11+$0x0], $0xffff;
	v58 =	vbroadcast v55, $0x5  }
0x2dd: {  	v59 =	vbroadcast v54, $0x4;
	v60 =	vbroadcast v56, $0x5  }
0x2de: {  	v58 =	vor.u32 v12, v58  }
0x2df: {  	v59 =	vand.u32 $0x1, v59;
	v60 =	vor.u32 v0, v60  }
0x2e0: {  	vm12 =	veq.s32 v59, $0x1  }
0x2e1: {  	v3 =	vsel vm12, v3, v57  }
0x2e2: {  	[tilespmem:v11+s24+$0x0] =	vst.idx.msk $0xffff, v3  }
0x2e3: {  	v3 =	vld.idx.msk [tilespmem:v58+s12+$0x0], $0xffff  }
0x2e4: {  	v57 =	vld.idx.msk [tilespmem:v60+s11+$0x0], $0xffff;
	v58 =	vbroadcast v55, $0x6  }
0x2e5: {  	v59 =	vbroadcast v54, $0x5;
	v60 =	vbroadcast v56, $0x6  }
0x2e6: {  	v58 =	vor.u32 v14, v58  }
0x2e7: {  	v59 =	vand.u32 $0x1, v59;
	v60 =	vor.u32 v0, v60  }
0x2e8: {  	vm13 =	veq.s32 v59, $0x1  }
0x2e9: {  	v3 =	vsel vm13, v3, v57  }
0x2ea: {  	[tilespmem:v13+s24+$0x0] =	vst.idx.msk $0xffff, v3  }
0x2eb: {  	v3 =	vld.idx.msk [tilespmem:v58+s12+$0x0], $0xffff  }
0x2ec: {  	v57 =	vld.idx.msk [tilespmem:v60+s11+$0x0], $0xffff;
	v58 =	vbroadcast v55, $0x7  }
0x2ed: {  	v59 =	vbroadcast v54, $0x6;
	v60 =	vbroadcast v56, $0x7  }
0x2ee: {  	v58 =	vor.u32 v16, v58  }
0x2ef: {  	v59 =	vand.u32 $0x1, v59;
	v60 =	vor.u32 v0, v60  }
0x2f0: {  	vm14 =	veq.s32 v59, $0x1  }
0x2f1: {  	v3 =	vsel vm14, v3, v57  }
0x2f2: {  	[tilespmem:v15+s24+$0x0] =	vst.idx.msk $0xffff, v3  }
0x2f3: {  	v3 =	vld.idx.msk [tilespmem:v58+s12+$0x0], $0xffff  }
0x2f4: {  	v57 =	vld.idx.msk [tilespmem:v60+s11+$0x0], $0xffff;
	v58 =	vbroadcast v55, $0x8  }
0x2f5: {  	v59 =	vbroadcast v54, $0x7;
	v60 =	vbroadcast v56, $0x8  }
0x2f6: {  	v58 =	vor.u32 v18, v58  }
0x2f7: {  	v59 =	vand.u32 $0x1, v59;
	v60 =	vor.u32 v0, v60  }
0x2f8: {  	vm15 =	veq.s32 v59, $0x1  }
0x2f9: {  	v3 =	vsel vm15, v3, v57  }
0x2fa: {  	[tilespmem:v17+s24+$0x0] =	vst.idx.msk $0xffff, v3  }
0x2fb: {  	v3 =	vld.idx.msk [tilespmem:v58+s12+$0x0], $0xffff  }
0x2fc: {  	v57 =	vld.idx.msk [tilespmem:v60+s11+$0x0], $0xffff;
	v58 =	vbroadcast v55, $0x9  }
0x2fd: {  	v59 =	vbroadcast v54, $0x8;
	v60 =	vbroadcast v56, $0x9  }
0x2fe: {  	v58 =	vor.u32 v20, v58  }
0x2ff: {  	v59 =	vand.u32 $0x1, v59;
	v60 =	vor.u32 v0, v60  }
0x300: {  	vm4 =	veq.s32 v59, $0x1  }
0x301: {  	v3 =	vsel vm4, v3, v57  }
0x302: {  	[tilespmem:v19+s24+$0x0] =	vst.idx.msk $0xffff, v3  }
0x303: {  	v3 =	vld.idx.msk [tilespmem:v58+s12+$0x0], $0xffff  }
0x304: {  	v57 =	vld.idx.msk [tilespmem:v60+s11+$0x0], $0xffff;
	v58 =	vbroadcast v55, $0xA  }
0x305: {  	v59 =	vbroadcast v54, $0x9;
	v60 =	vbroadcast v56, $0xA  }
0x306: {  	v58 =	vor.u32 v22, v58  }
0x307: {  	v59 =	vand.u32 $0x1, v59;
	v60 =	vor.u32 v0, v60  }
0x308: {  	vm5 =	veq.s32 v59, $0x1  }
0x309: {  	v3 =	vsel vm5, v3, v57  }
0x30a: {  	[tilespmem:v21+s24+$0x0] =	vst.idx.msk $0xffff, v3  }
0x30b: {  	v3 =	vld.idx.msk [tilespmem:v58+s12+$0x0], $0xffff  }
0x30c: {  	v57 =	vld.idx.msk [tilespmem:v60+s11+$0x0], $0xffff;
	v58 =	vbroadcast v55, $0xB  }
0x30d: {  	v59 =	vbroadcast v54, $0xA;
	v60 =	vbroadcast v56, $0xB  }
0x30e: {  	v58 =	vor.u32 v24, v58  }
0x30f: {  	v59 =	vand.u32 $0x1, v59;
	v60 =	vor.u32 v0, v60  }
0x310: {  	vm6 =	veq.s32 v59, $0x1  }
0x311: {  	v3 =	vsel vm6, v3, v57  }
0x312: {  	[tilespmem:v23+s24+$0x0] =	vst.idx.msk $0xffff, v3  }
0x313: {  	v3 =	vld.idx.msk [tilespmem:v58+s12+$0x0], $0xffff  }
0x314: {  	v57 =	vld.idx.msk [tilespmem:v60+s11+$0x0], $0xffff;
	v58 =	vbroadcast v55, $0xC  }
0x315: {  	v59 =	vbroadcast v54, $0xB;
	v60 =	vbroadcast v56, $0xC  }
0x316: {  	v58 =	vor.u32 v26, v58  }
0x317: {  	v59 =	vand.u32 $0x1, v59;
	v60 =	vor.u32 v0, v60  }
0x318: {  	vm7 =	veq.s32 v59, $0x1  }
0x319: {  	v3 =	vsel vm7, v3, v57  }
0x31a: {  	[tilespmem:v25+s24+$0x0] =	vst.idx.msk $0xffff, v3  }
0x31b: {  	v3 =	vld.idx.msk [tilespmem:v58+s12+$0x0], $0xffff  }
0x31c: {  	v57 =	vld.idx.msk [tilespmem:v60+s11+$0x0], $0xffff;
	v58 =	vbroadcast v55, $0xD  }
0x31d: {  	v59 =	vbroadcast v54, $0xC;
	v60 =	vbroadcast v56, $0xD  }
0x31e: {  	v58 =	vor.u32 v28, v58  }
0x31f: {  	v59 =	vand.u32 $0x1, v59;
	v60 =	vor.u32 v0, v60  }
0x320: {  	vm8 =	veq.s32 v59, $0x1  }
0x321: {  	v3 =	vsel vm8, v3, v57  }
0x322: {  	[tilespmem:v27+s24+$0x0] =	vst.idx.msk $0xffff, v3  }
0x323: {  	v3 =	vld.idx.msk [tilespmem:v58+s12+$0x0], $0xffff  }
0x324: {  	v57 =	vld.idx.msk [tilespmem:v60+s11+$0x0], $0xffff;
	v58 =	vbroadcast v55, $0xE  }
0x325: {  	v59 =	vbroadcast v54, $0xD;
	v60 =	vbroadcast v56, $0xE  }
0x326: {  	v58 =	vor.u32 v30, v58  }
0x327: {  	v61 =	vsel vm0, $0x1, v1;
	v59 =	vand.u32 $0x1, v59;
	v60 =	vor.u32 v0, v60  }
0x328: {  	(v2sf) =	vpush v61, $0xF;
	vm9 =	veq.s32 v59, $0x1  }
0x329: {  	v3 =	vsel vm9, v3, v57  }
0x32a: {  	[tilespmem:v29+s24+$0x0] =	vst.idx.msk $0xffff, v3  }
0x32b: {  	v3 =	vld.idx.msk [tilespmem:v58+s12+$0x0], $0xffff  }
0x32c: {  	v55 =	vbroadcast v55, $0xF;
	v60 =	vld.idx.msk [tilespmem:v60+s11+$0x0], $0xffff  }
0x32d: {  	v54 =	vbroadcast v54, $0xE;
	v56 =	vbroadcast v56, $0xF  }
0x32e: {  	v55 =	vor.u32 v32, v55  }
0x32f: {  	v54 =	vand.u32 $0x1, v54;
	v56 =	vor.u32 v0, v56  }
0x330: {  	vm10 =	veq.s32 v54, $0x1  }
0x331: {  	v3 =	vsel vm10, v3, v60  }
0x332: {  	[tilespmem:v31+s24+$0x0] =	vst.idx.msk $0xffff, v3  }
0x333: {  	v3 =	vld.idx.msk [tilespmem:v55+s12+$0x0], $0xffff  }
0x334: {  	v61 =	vld.idx.msk [tilespmem:v56+s11+$0x0], $0xffff;
	_ =	sdelay $0x2  }
0x335: {  	s1 =	spop (v2sf)  }
0x336: {  	p0 =	sne.s32 s1, $0x0  }
0x337: {  	v3 =	vpsel p0, v61, v3  }
0x338: {  	[tilespmem:v33+s24+$0x0] =	vst.idx.msk $0xffff, v3  }
0x339: {  	_ =	swait.ge [sflag:s23], $0x800  }
0x33a: {  	[sflag:s23] =	ssyncset.done $0x0  }
0x33b: {  	[sflag:s23] =	ssyncadd.s32 $0xFFFFF800  }
0x33c: {  	_ =	swait.ge [sflag:s23], $0x800  }
0x33d: {  	[sflag:s23] =	ssyncset.done $0x0  }
0x33e: {  	[sflag:s23] =	ssyncadd.s32 $0xFFFFF800  }
0x33f: {  	_ =	swait.ge [sflag:s23], $0x800  }
0x340: {  	[sflag:s23] =	ssyncset.done $0x0  }
0x341: {  	[sflag:s23] =	ssyncadd.s32 $0xFFFFF800  }
0x342: {  	_ =	swait.ge [sflag:s23], $0x800  }
0x343: {  	[sflag:s23] =	ssyncset.done $0x0  }
0x344: {  	[sflag:s23] =	ssyncadd.s32 $0xFFFFF800  }
0x345: {  	_ =	swait.ge [sflag:s23], $0x800  }
0x346: {  	[sflag:s23] =	ssyncset.done $0x0  }
0x347: {  	[sflag:s23] =	ssyncadd.s32 $0xFFFFF800  }
0x348: {  	_ =	swait.ge [sflag:s23], $0x800  }
0x349: {  	[sflag:s23] =	ssyncset.done $0x0  }
0x34a: {  	[sflag:s23] =	ssyncadd.s32 $0xFFFFF800  }
0x34b: {  	_ =	swait.ge [sflag:s23], $0x800  }
0x34c: {  	[sflag:s23] =	ssyncset.done $0x0  }
0x34d: {  	[sflag:s23] =	ssyncadd.s32 $0xFFFFF800  }
0x34e: {  	_ =	swait.ge [sflag:s23], $0x800  }
0x34f: {  	[sflag:s23] =	ssyncset.done $0x0  }
0x350: {  	[sflag:s23] =	ssyncadd.s32 $0xFFFFF800  }
0x351: {  	_ =	swait.ge [sflag:s23], $0x800  }
0x352: {  	[sflag:s23] =	ssyncset.done $0x0  }
0x353: {  	[sflag:s23] =	ssyncadd.s32 $0xFFFFF800  }
0x354: {  	_ =	swait.ge [sflag:s23], $0x800  }
0x355: {  	[sflag:s23] =	ssyncset.done $0x0  }
0x356: {  	[sflag:s23] =	ssyncadd.s32 $0xFFFFF800  }
0x357: {  	_ =	swait.ge [sflag:s23], $0x800  }
0x358: {  	[sflag:s23] =	ssyncset.done $0x0  }
0x359: {  	[sflag:s23] =	ssyncadd.s32 $0xFFFFF800  }
0x35a: {  	_ =	swait.ge [sflag:s23], $0x800  }
0x35b: {  	[sflag:s23] =	ssyncset.done $0x0  }
0x35c: {  	[sflag:s23] =	ssyncadd.s32 $0xFFFFF800  }
0x35d: {  	_ =	swait.ge [sflag:s23], $0x800  }
0x35e: {  	[sflag:s23] =	ssyncset.done $0x0  }
0x35f: {  	v3 =	vadd.s32 $0xFFF0BE00, v53;
	[sflag:s23] =	ssyncadd.s32 $0xFFFFF800  }
0x360: {  	vm11 =	vgt.s32 v3, $0x0;
	_ =	swait.ge [sflag:s23], $0x800  }
0x361: {  	v54 =	vand.u32 $0x7F, v53;
	v3 =	vnsel vm11, $0x0, v3;
	[sflag:s23] =	ssyncset.done $0x0  }
0x362: {  	v55 =	vmin.u32 v3, $0x3F;
	v3 =	vbroadcast v54, $0x0;
	[sflag:s23] =	ssyncadd.s32 $0xFFFFF800  }
0x363: {  	v62 =	vbroadcast v55, $0x0;
	_ =	swait.ge [sflag:s23], $0x800  }
0x364: {  	v3 =	vor.u32 v34, v3;
	[sflag:s23] =	ssyncset.done $0x0  }
0x365: {  	v56 =	vor.u32 v0, v62;
	[sflag:s23] =	ssyncadd.s32 $0xFFFFF800  }
0x366: {  	_ =	swait.ge [sflag:s23], $0x800  }
0x367: {  	[sflag:s23] =	ssyncset.done $0x0  }
0x368: {  	vm0 =	vgt.s32 v53, $0xF41FF;
	[sflag:s23] =	ssyncadd.s32 $0xFFFFF800  }
0x369: {  	vm12 =	vmneg vm0;
	v3 =	vld.idx.msk [tilespmem:v3+s12+$0x0], $0xffff  }
0x36a: {  	v63 =	vbroadcast v54, $0x1;
	v53 =	vsel vm12, $0x1, v1;
	v56 =	vld.idx.msk [tilespmem:v56+s11+$0x0], $0xffff  }
0x36b: {  	v60 =	vbroadcast v53, $0x0;
	v61 =	vbroadcast v55, $0x1  }
0x36c: {  	v57 =	vor.u32 v36, v63  }
0x36d: {  	v58 =	vand.u32 $0x1, v60;
	v59 =	vor.u32 v0, v61  }
0x36e: {  	vm13 =	veq.s32 v58, $0x1  }
0x36f: {  	v3 =	vsel vm13, v3, v56  }
0x370: {  	[tilespmem:v35+s24+$0x0] =	vst.idx.msk $0xffff, v3  }
0x371: {  	v3 =	vld.idx.msk [tilespmem:v57+s12+$0x0], $0xffff  }
0x372: {  	v63 =	vbroadcast v54, $0x2;
	v62 =	vld.idx.msk [tilespmem:v59+s11+$0x0], $0xffff  }
0x373: {  	v60 =	vbroadcast v53, $0x1;
	v61 =	vbroadcast v55, $0x2  }
0x374: {  	v57 =	vor.u32 v38, v63  }
0x375: {  	v58 =	vand.u32 $0x1, v60;
	v59 =	vor.u32 v0, v61  }
0x376: {  	vm14 =	veq.s32 v58, $0x1  }
0x377: {  	v3 =	vsel vm14, v3, v62  }
0x378: {  	[tilespmem:v37+s24+$0x0] =	vst.idx.msk $0xffff, v3  }
0x379: {  	v3 =	vld.idx.msk [tilespmem:v57+s12+$0x0], $0xffff  }
0x37a: {  	v56 =	vld.idx.msk [tilespmem:v59+s11+$0x0], $0xffff;
	v57 =	vbroadcast v54, $0x3  }
0x37b: {  	v60 =	vbroadcast v55, $0x3;
	v58 =	vbroadcast v53, $0x2;
	v59 =	vor.u32 $0x9800, v0  }
0x37c: {  	v57 =	vor.u32 v59, v57  }
0x37d: {  	v58 =	vand.u32 $0x1, v58;
	v62 =	vor.u32 v0, v60  }
0x37e: {  	vm15 =	veq.s32 v58, $0x1  }
0x37f: {  	v3 =	vsel vm15, v3, v56  }
0x380: {  	[tilespmem:v39+s24+$0x0] =	vst.idx.msk $0xffff, v3  }
0x381: {  	v3 =	vld.idx.msk [tilespmem:v57+s12+$0x0], $0xffff  }
0x382: {  	v56 =	vld.idx.msk [tilespmem:v62+s11+$0x0], $0xffff;
	v57 =	vbroadcast v54, $0x4  }
0x383: {  	v58 =	vbroadcast v53, $0x3;
	v60 =	vbroadcast v55, $0x4;
	v59 =	vor.u32 $0xA000, v0  }
0x384: {  	v57 =	vor.u32 v59, v57  }
0x385: {  	v58 =	vand.u32 $0x1, v58;
	v63 =	vor.u32 v0, v60  }
0x386: {  	vm4 =	veq.s32 v58, $0x1  }
0x387: {  	v3 =	vsel vm4, v3, v56  }
0x388: {  	[tilespmem:v40+s24+$0x0] =	vst.idx.msk $0xffff, v3  }
0x389: {  	v3 =	vld.idx.msk [tilespmem:v57+s12+$0x0], $0xffff  }
0x38a: {  	v56 =	vld.idx.msk [tilespmem:v63+s11+$0x0], $0xffff;
	v57 =	vbroadcast v54, $0x5  }
0x38b: {  	v58 =	vbroadcast v53, $0x4;
	v60 =	vbroadcast v55, $0x5;
	v59 =	vor.u32 $0xA800, v0  }
0x38c: {  	v57 =	vor.u32 v59, v57  }
0x38d: {  	v58 =	vand.u32 $0x1, v58;
	v60 =	vor.u32 v0, v60  }
0x38e: {  	vm5 =	veq.s32 v58, $0x1  }
0x38f: {  	v3 =	vsel vm5, v3, v56  }
0x390: {  	[tilespmem:v41+s24+$0x0] =	vst.idx.msk $0xffff, v3  }
0x391: {  	v3 =	vld.idx.msk [tilespmem:v57+s12+$0x0], $0xffff  }
0x392: {  	v56 =	vld.idx.msk [tilespmem:v60+s11+$0x0], $0xffff;
	v57 =	vbroadcast v54, $0x6  }
0x393: {  	v58 =	vbroadcast v53, $0x5;
	v59 =	vor.u32 $0xB000, v0;
	v60 =	vbroadcast v55, $0x6  }
0x394: {  	v57 =	vor.u32 v59, v57  }
0x395: {  	v58 =	vand.u32 $0x1, v58;
	v61 =	vor.u32 v0, v60  }
0x396: {  	vm6 =	veq.s32 v58, $0x1  }
0x397: {  	v3 =	vsel vm6, v3, v56  }
0x398: {  	[tilespmem:v42+s24+$0x0] =	vst.idx.msk $0xffff, v3  }
0x399: {  	v3 =	vld.idx.msk [tilespmem:v57+s12+$0x0], $0xffff  }
0x39a: {  	v56 =	vld.idx.msk [tilespmem:v61+s11+$0x0], $0xffff;
	v57 =	vbroadcast v54, $0x7  }
0x39b: {  	v58 =	vbroadcast v53, $0x6;
	v59 =	vor.u32 $0xB800, v0;
	v60 =	vbroadcast v55, $0x7  }
0x39c: {  	v57 =	vor.u32 v59, v57  }
0x39d: {  	v58 =	vand.u32 $0x1, v58;
	v62 =	vor.u32 v0, v60  }
0x39e: {  	vm7 =	veq.s32 v58, $0x1  }
0x39f: {  	v3 =	vsel vm7, v3, v56  }
0x3a0: {  	[tilespmem:v43+s24+$0x0] =	vst.idx.msk $0xffff, v3  }
0x3a1: {  	v3 =	vld.idx.msk [tilespmem:v57+s12+$0x0], $0xffff  }
0x3a2: {  	v56 =	vld.idx.msk [tilespmem:v62+s11+$0x0], $0xffff;
	v57 =	vbroadcast v54, $0x8  }
0x3a3: {  	v58 =	vbroadcast v53, $0x7;
	v60 =	vbroadcast v55, $0x8;
	v59 =	vor.u32 $0xC000, v0  }
0x3a4: {  	v57 =	vor.u32 v59, v57  }
0x3a5: {  	v58 =	vand.u32 $0x1, v58;
	v63 =	vor.u32 v0, v60  }
0x3a6: {  	vm8 =	veq.s32 v58, $0x1  }
0x3a7: {  	v3 =	vsel vm8, v3, v56  }
0x3a8: {  	[tilespmem:v44+s24+$0x0] =	vst.idx.msk $0xffff, v3  }
0x3a9: {  	v3 =	vld.idx.msk [tilespmem:v57+s12+$0x0], $0xffff  }
0x3aa: {  	v56 =	vld.idx.msk [tilespmem:v63+s11+$0x0], $0xffff;
	v57 =	vbroadcast v54, $0x9  }
0x3ab: {  	v58 =	vbroadcast v53, $0x8;
	v60 =	vbroadcast v55, $0x9;
	v59 =	vor.u32 $0xC800, v0  }
0x3ac: {  	v57 =	vor.u32 v59, v57  }
0x3ad: {  	v58 =	vand.u32 $0x1, v58;
	v60 =	vor.u32 v0, v60  }
0x3ae: {  	vm9 =	veq.s32 v58, $0x1  }
0x3af: {  	v3 =	vsel vm9, v3, v56  }
0x3b0: {  	[tilespmem:v45+s24+$0x0] =	vst.idx.msk $0xffff, v3  }
0x3b1: {  	v3 =	vld.idx.msk [tilespmem:v57+s12+$0x0], $0xffff  }
0x3b2: {  	v56 =	vld.idx.msk [tilespmem:v60+s11+$0x0], $0xffff;
	v57 =	vbroadcast v54, $0xA  }
0x3b3: {  	v58 =	vbroadcast v53, $0x9;
	v59 =	vor.u32 $0xD000, v0;
	v60 =	vbroadcast v55, $0xA  }
0x3b4: {  	v57 =	vor.u32 v59, v57  }
0x3b5: {  	v58 =	vand.u32 $0x1, v58;
	v61 =	vor.u32 v0, v60  }
0x3b6: {  	vm10 =	veq.s32 v58, $0x1  }
0x3b7: {  	v3 =	vsel vm10, v3, v56  }
0x3b8: {  	[tilespmem:v46+s24+$0x0] =	vst.idx.msk $0xffff, v3  }
0x3b9: {  	v3 =	vld.idx.msk [tilespmem:v57+s12+$0x0], $0xffff  }
0x3ba: {  	v56 =	vld.idx.msk [tilespmem:v61+s11+$0x0], $0xffff;
	v57 =	vbroadcast v54, $0xB  }
0x3bb: {  	v58 =	vbroadcast v53, $0xA;
	v59 =	vor.u32 $0xD800, v0;
	v60 =	vbroadcast v55, $0xB  }
0x3bc: {  	v57 =	vor.u32 v59, v57  }
0x3bd: {  	v58 =	vand.u32 $0x1, v58;
	v62 =	vor.u32 v0, v60  }
0x3be: {  	vm11 =	veq.s32 v58, $0x1  }
0x3bf: {  	v3 =	vsel vm11, v3, v56  }
0x3c0: {  	[tilespmem:v47+s24+$0x0] =	vst.idx.msk $0xffff, v3  }
0x3c1: {  	v3 =	vld.idx.msk [tilespmem:v57+s12+$0x0], $0xffff  }
0x3c2: {  	v56 =	vld.idx.msk [tilespmem:v62+s11+$0x0], $0xffff;
	v57 =	vbroadcast v54, $0xC  }
0x3c3: {  	v58 =	vbroadcast v53, $0xB;
	v60 =	vbroadcast v55, $0xC;
	v59 =	vor.u32 $0xE000, v0  }
0x3c4: {  	v57 =	vor.u32 v59, v57  }
0x3c5: {  	v58 =	vand.u32 $0x1, v58;
	v63 =	vor.u32 v0, v60  }
0x3c6: {  	vm12 =	veq.s32 v58, $0x1  }
0x3c7: {  	v3 =	vsel vm12, v3, v56  }
0x3c8: {  	[tilespmem:v48+s24+$0x0] =	vst.idx.msk $0xffff, v3  }
0x3c9: {  	v3 =	vld.idx.msk [tilespmem:v57+s12+$0x0], $0xffff  }
0x3ca: {  	v56 =	vld.idx.msk [tilespmem:v63+s11+$0x0], $0xffff;
	v57 =	vbroadcast v54, $0xD  }
0x3cb: {  	v58 =	vbroadcast v53, $0xC;
	v60 =	vbroadcast v55, $0xD;
	v59 =	vor.u32 $0xE800, v0  }
0x3cc: {  	v57 =	vor.u32 v59, v57  }
0x3cd: {  	v58 =	vand.u32 $0x1, v58;
	v60 =	vor.u32 v0, v60  }
0x3ce: {  	vm13 =	veq.s32 v58, $0x1  }
0x3cf: {  	v3 =	vsel vm13, v3, v56  }
0x3d0: {  	[tilespmem:v49+s24+$0x0] =	vst.idx.msk $0xffff, v3  }
0x3d1: {  	v3 =	vld.idx.msk [tilespmem:v57+s12+$0x0], $0xffff  }
0x3d2: {  	v56 =	vld.idx.msk [tilespmem:v60+s11+$0x0], $0xffff;
	v57 =	vbroadcast v54, $0xE  }
0x3d3: {  	v58 =	vbroadcast v53, $0xD;
	v59 =	vor.u32 $0xF000, v0;
	v60 =	vbroadcast v55, $0xE  }
0x3d4: {  	v57 =	vor.u32 v59, v57  }
0x3d5: {  	v58 =	vand.u32 $0x1, v58;
	v59 =	vor.u32 v0, v60;
	v60 =	vsel vm0, $0x1, v1  }
0x3d6: {  	vm14 =	veq.s32 v58, $0x1;
	(v2sf) =	vpush v60, $0xF  }
0x3d7: {  	v3 =	vsel vm14, v3, v56  }
0x3d8: {  	[tilespmem:v50+s24+$0x0] =	vst.idx.msk $0xffff, v3  }
0x3d9: {  	v3 =	vld.idx.msk [tilespmem:v57+s12+$0x0], $0xffff  }
0x3da: {  	v54 =	vbroadcast v54, $0xF;
	v61 =	vld.idx.msk [tilespmem:v59+s11+$0x0], $0xffff  }
0x3db: {  	v53 =	vbroadcast v53, $0xE;
	v62 =	vor.u32 $0xF800, v0;
	v55 =	vbroadcast v55, $0xF  }
0x3dc: {  	v54 =	vor.u32 v62, v54  }
0x3dd: {  	v53 =	vand.u32 $0x1, v53;
	v55 =	vor.u32 v0, v55  }
0x3de: {  	vm15 =	veq.s32 v53, $0x1  }
0x3df: {  	v3 =	vsel vm15, v3, v61  }
0x3e0: {  	[tilespmem:v51+s24+$0x0] =	vst.idx.msk $0xffff, v3  }
0x3e1: {  	v3 =	vld.idx.msk [tilespmem:v54+s12+$0x0], $0xffff  }
0x3e2: {  	v63 =	vld.idx.msk [tilespmem:v55+s11+$0x0], $0xffff;
	_ =	sdelay $0x2  }
0x3e3: {  	s31 =	spop (v2sf)  }
0x3e4: {  	s28 =	sadd.s32 $0x1, s28;
	p6 =	sne.s32 s31, $0x0  }
0x3e5: {  	p0 =	sne.s32 s28, s7;
	v3 =	vpsel p6, v63, v3  }
.Ltmp1:
0x3e6: {  	[tilespmem:v52+s24+$0x0] =	vst.idx.msk $0xffff, v3;
	(pc) =	sbr.rel @p0 .LBB2_1-.Ltmp1, $4  }
0x3e7: {  	[hbm4b:s6+s25] =	stream.strided.scatter [tilespmem:s24], [sflag:$0x2], $0x2000, s26, s25, $0x38;
	[tilespmem:$0x1AA00] =	vst v63  }
0x3e8: {  	_ =	swait.ge [sflag:s8], $0x2000  }
0x3e9: {  	[sflag:s8] =	ssyncset.done $0x0  }
0x3ea: {  	[sflag:s8] =	ssyncadd.s32 $0xFFFFE000  }
0x3eb: {  	_ =	sfence.sel $0x180000  }
0x3ec: {  	[bflag:$0x0] =	sbarrier.arrive $0xFFFF  }
0x3ed: {  	_ =	strace $0x90000047  }
0x3ee: {  	s0 =	stileid.u32;
	[bflag:$0x2] =	sbarrier.arrive $0xFFFF  }
0x3ef: {  	p0 =	sne.s32 s0, $0x0;
	s0 =	rddreg [dreg:$0x3]  }
0x3f0: {  	s0 =	sadd.s32 @!p0 $0x100000, s0  }
0x3f1: {  	[sflag:s0] =	ssyncadd.tile.s32 @!p0 $0x1;
	_ =	shalt  }
.Lfunc_end2:
_tile_overlayer_lowered:
.L_overlay_start_2:
0x3f2: {  	(tag) =	ssettag $0x2  }
0x3f3: {  	s0 =	rddreg [dreg:$0x0];
	s2 =	stileid.u32  }
0x3f4: {  	s1 =	rddreg [dreg:$0x1];
	p0 =	sne.s32 s2, $0x0  }
0x3f5: {  	s3 =	rddreg [dreg:$0x2];
	[bflag:$0x3] =	sbarrier.arrive $0xFFFF;
	s2 =	simm.s32 @!p0 $0x1C02  }
0x3f6: {  	[timem:s3], [sflag:s2] =	dma.local @!p0 [hbm:s0], s1  }
0x3f7: {  	s0 =	simm.s32 @!p0 $0x2  }
0x3f8: {  	_ =	swait.ge @!p0 [sflag:s0], s1  }
0x3f9: {  	s1 =	ssub.s32 @!p0 $0x0, s1;
	[sflag:s0] =	ssyncset.done @!p0 $0x0  }
0x3fa: {  	[sflag:s0] =	ssyncadd.s32 @!p0 s1  }
0x3fb: {  	[bflag:$0x3] =	sbarrier.arrive $0xFFFF  }
0x3fc: {  	_ =	shalt  }

</sc_bundles>
